<compile_context>
chip_gen: v7x
topology: tpu7x:2x2x1
jax: 0.10.2.dev20260603
libtpu: 0.0.44.dev20260713+nightly
codegen_flags: <defaults>
</compile_context>

<pallas_src>
import jax
import jax.numpy as jnp
from jax import lax
from jax.experimental import pallas as pl
from jax.experimental.pallas import tpu as pltpu
from jax.experimental.pallas import tpu_sc as plsc

G = 4096
FP = 64
D = 256
L = 16
NW = 32
GPW = G // NW
CD = D // L
GC = 2
NCH = GPW // GC


def _grouper_sc(table_hbm, idx_hbm, m_hbm, out_hbm, idx_a, m_a, rows0,
                rows1, out_a, sem0, sem1):
    wid = lax.axis_index("s") * 2 + lax.axis_index("c")
    g0 = wid * GPW

    pltpu.sync_copy(idx_hbm.at[pl.ds(g0 * FP, GPW * FP)], idx_a)
    pltpu.sync_copy(m_hbm.at[pl.ds(g0 * L, GPW * L)], m_a)

    rows = (rows0, rows1)
    sems = (sem0, sem1)

    H = FP // 2

    def start(ch, b):
        for j in range(GC):
            t = ch * GC + j
            mt = m_a[pl.ds(t * L, L)][0]
            pltpu.async_copy(
                table_hbm.at[idx_a.at[pl.ds(t * FP, H)]],
                rows[b].at[pl.ds(j * FP, H), :], sems[b])

            @pl.when(mt > H)
            def _(j=j, t=t):
                pltpu.async_copy(
                    table_hbm.at[idx_a.at[pl.ds(t * FP + H, H)]],
                    rows[b].at[pl.ds(j * FP + H, H), :], sems[b])

    def wait(ch, b):
        for j in range(GC):
            t = ch * GC + j
            mt = m_a[pl.ds(t * L, L)][0]
            pltpu.make_async_copy(
                table_hbm.at[idx_a.at[pl.ds(0, H)]],
                rows[b].at[pl.ds(j * FP, H), :], sems[b]).wait()

            @pl.when(mt > H)
            def _(j=j):
                pltpu.make_async_copy(
                    table_hbm.at[idx_a.at[pl.ds(0, H)]],
                    rows[b].at[pl.ds(j * FP + H, H), :], sems[b]).wait()

    def reduce_chunk(ch, b):
        rows_b = rows[b]
        for j in range(GC):
            t = ch * GC + j
            mt = m_a[pl.ds(t * L, L)][0]

            def fbody(f, a, j=j):
                a = list(a)
                for c in range(CD):
                    a[c] = a[c] + rows_b[j * FP + f, pl.ds(c * L, L)]
                return tuple(a)

            def fbody2(k, a, j=j):
                a = list(a)
                f = 1 + 2 * k
                for c in range(CD):
                    a[c] = a[c] + rows_b[j * FP + f, pl.ds(c * L, L)]
                for c in range(CD):
                    a[c] = a[c] + rows_b[j * FP + f + 1, pl.ds(c * L, L)]
                return tuple(a)

            acc = tuple(rows_b[j * FP, pl.ds(c * L, L)] for c in range(CD))
            n2 = (mt - 1) // 2
            acc = lax.fori_loop(0, n2, fbody2, acc)
            acc = lax.fori_loop(1 + 2 * n2, mt, fbody, acc)
            for c in range(CD):
                out_a[pl.ds(t * D + c * L, L)] = acc[c]

    start(0, 0)

    def body(cc, carry):
        c0 = cc * 2
        start(c0 + 1, 1)
        wait(c0, 0)
        reduce_chunk(c0, 0)

        @pl.when(c0 + 2 < NCH)
        def _():
            start(c0 + 2, 0)

        wait(c0 + 1, 1)
        reduce_chunk(c0 + 1, 1)
        return carry

    lax.fori_loop(0, NCH // 2, body, 0)
    pltpu.sync_copy(out_a, out_hbm.at[pl.ds(g0 * D, GPW * D)])


def kernel(in_features, W, grp_edge_feat, edge_to_node, grp_edge_idx_plus,
           grp_num_feat, grp_feat_idx_plus):
    ratio = 1.0 / grp_num_feat.astype(jnp.float32)
    csum = jnp.cumsum(
        jnp.broadcast_to(ratio[:, None], (G, FP)), axis=1)
    hard = csum <= 1.0
    m = jnp.sum(hard, axis=1).astype(jnp.int32)
    m_rep = jnp.repeat(m, L)

    idx_flat = grp_feat_idx_plus.reshape(-1).astype(jnp.int32)

    mesh = plsc.VectorSubcoreMesh(core_axis_name="c", subcore_axis_name="s")
    run = pl.kernel(
        _grouper_sc,
        out_type=jax.ShapeDtypeStruct((G * D,), jnp.float32),
        mesh=mesh,
        scratch_types=[
            pltpu.VMEM((GPW * FP,), jnp.int32),
            pltpu.VMEM((GPW * L,), jnp.int32),
            pltpu.VMEM((GC * FP, D), jnp.float32),
            pltpu.VMEM((GC * FP, D), jnp.float32),
            pltpu.VMEM((GPW * D,), jnp.float32),
            pltpu.SemaphoreType.DMA,
            pltpu.SemaphoreType.DMA,
        ],
    )
    return run(in_features, idx_flat, m_rep).reshape(G, D)

# --- scband reference (transcript-rebuilt; emitter-appended) ---
"""Pipeline reference for scband-grouper-24764781429017 (READ-ONLY COPY).

The authoritative reference and input builder live on the scoring server;
editing this copy changes nothing except your own understanding.
"""

import jax, jax.numpy as jnp
import numpy as np

FEAT_DIM = 256
PROJ_DIM = 128
THR = 0.8
NUM_FEAT = 16384
NUM_EDGES = 65536
NUM_GROUPS = 4096
MAX_EDGES_PLUS = 32
MAX_FEAT_PLUS = 64


def setup_inputs(seed: int = 0) -> dict:
    key = jax.random.key(seed)
    ks = jax.random.split(key, 8)
    in_features = jax.random.normal(ks[0], (NUM_FEAT, FEAT_DIM), dtype=jnp.float32)
    W = jax.random.normal(ks[1], (FEAT_DIM, PROJ_DIM), dtype=jnp.float32) * (1.0 / np.sqrt(FEAT_DIM))
    grp_edge_feat = jax.random.uniform(ks[2], (NUM_GROUPS, MAX_EDGES_PLUS, MAX_FEAT_PLUS), dtype=jnp.float32)
    edge_to_node = jax.random.randint(ks[3], (NUM_EDGES, 2), 0, NUM_FEAT, dtype=jnp.int32)
    grp_edge_idx_plus = jax.random.randint(ks[4], (NUM_GROUPS, MAX_EDGES_PLUS), 0, NUM_EDGES + 1, dtype=jnp.int32)
    grp_num_feat = jax.random.randint(ks[5], (NUM_GROUPS,), 1, MAX_FEAT_PLUS, dtype=jnp.int32)
    grp_feat_idx_plus = jax.random.randint(ks[6], (NUM_GROUPS, MAX_FEAT_PLUS), 0, NUM_FEAT, dtype=jnp.int32)
    return {
        "in_features": in_features,
        "W": W,
        "grp_edge_feat": grp_edge_feat,
        "edge_to_node": edge_to_node,
        "grp_edge_idx_plus": grp_edge_idx_plus,
        "grp_num_feat": grp_num_feat,
        "grp_feat_idx_plus": grp_feat_idx_plus,
    }


def reference(in_features, W, grp_edge_feat, edge_to_node, grp_edge_idx_plus, grp_num_feat, grp_feat_idx_plus):
    # Projection (nn.Linear, no bias) + F.normalize(dim=1)
    proj_features = in_features @ W
    norms = jnp.maximum(jnp.linalg.norm(proj_features, axis=1, keepdims=True), 1e-12)
    norm_features = proj_features / norms
    # Pair comparison: gather both endpoints of each edge
    pair = norm_features[edge_to_node]  # [E, 2, P]
    similarities = jnp.einsum('ep,ep->e', pair[:, 0, :], pair[:, 1, :])  # bmm([E,1,P],[E,P,1]).squeeze()
    # Edge logits with sentinel slot at index NUM_EDGES
    edge_logits = jnp.full((NUM_EDGES + 1,), jnp.finfo(jnp.float32).min, dtype=jnp.float32)
    edge_logits = edge_logits.at[:-1].set(jax.nn.sigmoid(similarities - THR))
    # Soft grouping weights
    grp_edge_logits = edge_logits[grp_edge_idx_plus]  # [G, Ep]
    grp_edge_weights = jax.nn.softmax(grp_edge_logits, axis=-1)
    grp_soft_feat_weights = 0.5 * jnp.einsum('ge,gef->gf', grp_edge_weights, grp_edge_feat)  # [G, Fp]
    # Hard weight gate (straight-through: identity gradient w.r.t. soft weights)
    ratio = 1.0 / grp_num_feat.astype(jnp.float32)  # [G]
    csum = jnp.cumsum(jnp.broadcast_to(ratio[:, None], grp_soft_feat_weights.shape), axis=1)
    hard = (csum <= 1.0).astype(jnp.float32)
    grp_hard_feat_weights = grp_soft_feat_weights + jax.lax.stop_gradient(hard - grp_soft_feat_weights)
    # Group means
    grp_feat = in_features[grp_feat_idx_plus]  # [G, Fp, D]
    out_features = jnp.einsum('gf,gfd->gd', grp_hard_feat_weights, grp_feat)
    return out_features

if __name__ == "__main__":
    import jax
    _d = setup_inputs()
    print(jax.jit(kernel)(*tuple(_d.values())))

</pallas_src>

<mosaic_0001>
#map = affine_map<(d0, d1) -> (0, 0)>
#map1 = affine_map<(d0, d1) -> (0)>
module attributes {stable_mosaic.version = 14 : i64} {
  func.func @_grouper_sc(%arg0: i32, %arg1: i32, %arg2: memref<16384x256xf32, #tpu.memory_space<hbm>>, %arg3: memref<262144xi32, #tpu.memory_space<hbm>>, %arg4: memref<65536xi32, #tpu.memory_space<hbm>>, %arg5: memref<1048576xf32, #tpu.memory_space<hbm>>, %arg6: memref<8192xi32, #tpu.memory_space<vmem>>, %arg7: memref<2048xi32, #tpu.memory_space<vmem>>, %arg8: memref<128x256xf32, #tpu.memory_space<vmem>>, %arg9: memref<128x256xf32, #tpu.memory_space<vmem>>, %arg10: memref<32768xf32, #tpu.memory_space<vmem>>, %arg11: memref<!tpu.dma_semaphore, #tpu.memory_space<semaphore_mem>>, %arg12: memref<!tpu.dma_semaphore, #tpu.memory_space<semaphore_mem>>) attributes {dimension_semantics = [#tpu.dimension_semantics<core_parallel>, #tpu.dimension_semantics<subcore_parallel>], iteration_bounds = array<i64: 2, 16>, scalar_prefetch = 0 : i64, scratch_operands = 7 : i64, tpu.core_type = #tpu.core_type<sc_vector_subcore>, window_params = [{transform_indices = #map}, {transform_indices = #map1}, {transform_indices = #map1}, {transform_indices = #map1}]} {
    %mul3A = arith.constant 2 : i32
    %mul3A_0 = arith.muli %arg1, %mul3A : i32
    %add3A = arith.addi %mul3A_0, %arg0 : i32
    %mul3A_1 = arith.constant 128 : i32
    %mul3A_2 = arith.muli %add3A, %mul3A_1 : i32
    %mul3A_3 = arith.constant 64 : i32
    %mul3A_4 = arith.muli %mul3A_2, %mul3A_3 : i32
    "tpu.region"() ({
      %run_scoped3A = tpu.sem_alloc : memref<!tpu.dma_semaphore, #tpu.memory_space<semaphore_mem>>
      %dma_start3A_43 = tpu.memref_slice %arg3[%mul3A_4] : memref<262144xi32, #tpu.memory_space<hbm>> -> memref<8192xi32, #tpu.memory_space<hbm>>
      %dma_start3A_44 = tpu.memref_slice %arg3[%mul3A_4] : memref<262144xi32, #tpu.memory_space<hbm>> -> memref<8192xi32, #tpu.memory_space<hbm>>
      tpu.enqueue_dma source(%dma_start3A_44 : memref<8192xi32, #tpu.memory_space<hbm>>) target(%arg6 : memref<8192xi32, #tpu.memory_space<vmem>>) target_semaphore(%run_scoped3A : memref<!tpu.dma_semaphore, #tpu.memory_space<semaphore_mem>>)
      %dma_wait3A = tpu.memref_slice %arg3[%mul3A_4] : memref<262144xi32, #tpu.memory_space<hbm>> -> memref<8192xi32, #tpu.memory_space<hbm>>
      %dma_wait3A_45 = tpu.memref_slice %arg3[%mul3A_4] : memref<262144xi32, #tpu.memory_space<hbm>> -> memref<8192xi32, #tpu.memory_space<hbm>>
      tpu.wait_dma2 semaphore(%run_scoped3A : memref<!tpu.dma_semaphore, #tpu.memory_space<semaphore_mem>>) src(%dma_wait3A_45 : memref<8192xi32, #tpu.memory_space<hbm>>) dst(%arg6 : memref<8192xi32, #tpu.memory_space<vmem>>)
      tpu.yield
    }) : () -> ()
    %mul3A_5 = arith.constant 16 : i32
    %mul3A_6 = arith.muli %mul3A_2, %mul3A_5 : i32
    "tpu.region"() ({
      %run_scoped3A = tpu.sem_alloc : memref<!tpu.dma_semaphore, #tpu.memory_space<semaphore_mem>>
      %dma_start3A_43 = tpu.memref_slice %arg4[%mul3A_6] : memref<65536xi32, #tpu.memory_space<hbm>> -> memref<2048xi32, #tpu.memory_space<hbm>>
      %dma_start3A_44 = tpu.memref_slice %arg4[%mul3A_6] : memref<65536xi32, #tpu.memory_space<hbm>> -> memref<2048xi32, #tpu.memory_space<hbm>>
      tpu.enqueue_dma source(%dma_start3A_44 : memref<2048xi32, #tpu.memory_space<hbm>>) target(%arg7 : memref<2048xi32, #tpu.memory_space<vmem>>) target_semaphore(%run_scoped3A : memref<!tpu.dma_semaphore, #tpu.memory_space<semaphore_mem>>)
      %dma_wait3A = tpu.memref_slice %arg4[%mul3A_6] : memref<65536xi32, #tpu.memory_space<hbm>> -> memref<2048xi32, #tpu.memory_space<hbm>>
      %dma_wait3A_45 = tpu.memref_slice %arg4[%mul3A_6] : memref<65536xi32, #tpu.memory_space<hbm>> -> memref<2048xi32, #tpu.memory_space<hbm>>
      tpu.wait_dma2 semaphore(%run_scoped3A : memref<!tpu.dma_semaphore, #tpu.memory_space<semaphore_mem>>) src(%dma_wait3A_45 : memref<2048xi32, #tpu.memory_space<hbm>>) dst(%arg7 : memref<2048xi32, #tpu.memory_space<vmem>>)
      tpu.yield
    }) : () -> ()
    %get3A = arith.constant 0 : index
    %get3A_7 = tpu.vector_load %arg7[%get3A] {strides = array<i32>} : memref<2048xi32, #tpu.memory_space<vmem>>, vector<16xi32>,
    %get3A_8 = vector.shape_cast %get3A_7 : vector<16xi32> to vector<16xi32>
    %slice3A = vector.extract_strided_slice %get3A_8 {offsets = [0], sizes = [1], strides = [1]} : vector<16xi32> to vector<1xi32>
    %squeeze3A = vector.extract %slice3A[0] : i32 from vector<1xi32>
    %dma_start3A = arith.constant 0 : i32
    %dma_start3A_9 = arith.constant 0 : i32
    %dma_start3A_10 = tpu.memref_slice %arg8[%dma_start3A, %dma_start3A_9] : memref<128x256xf32, #tpu.memory_space<vmem>> -> memref<32x256xf32, #tpu.memory_space<vmem>>
    %dma_start3A_11 = arith.constant 0 : i32
    %dma_start3A_12 = tpu.memref_slice %arg6[%dma_start3A_11] : memref<8192xi32, #tpu.memory_space<vmem>> -> memref<32xi32, #tpu.memory_space<vmem>>
    %dma_start3A_13 = arith.constant 0 : i32
    %dma_start3A_14 = arith.constant 0 : i32
    %dma_start3A_15 = tpu.memref_slice %arg2[%dma_start3A_13, %dma_start3A_14] : memref<16384x256xf32, #tpu.memory_space<hbm>> -> memref<16384x256xf32, #tpu.memory_space<hbm>>
    tpu.enqueue_indirect_dma source(%dma_start3A_15 : memref<16384x256xf32, #tpu.memory_space<hbm>>) target(%dma_start3A_10 : memref<32x256xf32, #tpu.memory_space<vmem>>) offsets(%dma_start3A_12 : memref<32xi32, #tpu.memory_space<vmem>>) semaphore(%arg11 : memref<!tpu.dma_semaphore, #tpu.memory_space<semaphore_mem>>)
    %gt3A = arith.constant 32 : i32
    %gt3A_16 = arith.cmpi sgt, %squeeze3A, %gt3A : i32
    %convert_element_type3A = arith.extui %gt3A_16 : i1 to i32
    %cond3A = arith.constant 0 : i32
    %cond3A_17 = arith.cmpi ne, %convert_element_type3A, %cond3A : i32
    scf.if %cond3A_17 {
      %dma_start3A_43 = arith.constant 32 : i32
      %dma_start3A_44 = arith.constant 0 : i32
      %dma_start3A_45 = tpu.memref_slice %arg8[%dma_start3A_43, %dma_start3A_44] : memref<128x256xf32, #tpu.memory_space<vmem>> -> memref<32x256xf32, #tpu.memory_space<vmem>>
      %dma_start3A_46 = arith.constant 32 : i32
      %dma_start3A_47 = tpu.memref_slice %arg6[%dma_start3A_46] : memref<8192xi32, #tpu.memory_space<vmem>> -> memref<32xi32, #tpu.memory_space<vmem>>
      %dma_start3A_48 = arith.constant 0 : i32
      %dma_start3A_49 = arith.constant 0 : i32
      %dma_start3A_50 = tpu.memref_slice %arg2[%dma_start3A_48, %dma_start3A_49] : memref<16384x256xf32, #tpu.memory_space<hbm>> -> memref<16384x256xf32, #tpu.memory_space<hbm>>
      tpu.enqueue_indirect_dma source(%dma_start3A_50 : memref<16384x256xf32, #tpu.memory_space<hbm>>) target(%dma_start3A_45 : memref<32x256xf32, #tpu.memory_space<vmem>>) offsets(%dma_start3A_47 : memref<32xi32, #tpu.memory_space<vmem>>) semaphore(%arg11 : memref<!tpu.dma_semaphore, #tpu.memory_space<semaphore_mem>>)
    } else {
    }
    %get3A_18 = arith.constant 16 : index
    %get3A_19 = tpu.vector_load %arg7[%get3A_18] {strides = array<i32>} : memref<2048xi32, #tpu.memory_space<vmem>>, vector<16xi32>,
    %get3A_20 = vector.shape_cast %get3A_19 : vector<16xi32> to vector<16xi32>
    %slice3A_21 = vector.extract_strided_slice %get3A_20 {offsets = [0], sizes = [1], strides = [1]} : vector<16xi32> to vector<1xi32>
    %squeeze3A_22 = vector.extract %slice3A_21[0] : i32 from vector<1xi32>
    %dma_start3A_23 = arith.constant 64 : i32
    %dma_start3A_24 = arith.constant 0 : i32
    %dma_start3A_25 = tpu.memref_slice %arg8[%dma_start3A_23, %dma_start3A_24] : memref<128x256xf32, #tpu.memory_space<vmem>> -> memref<32x256xf32, #tpu.memory_space<vmem>>
    %dma_start3A_26 = arith.constant 64 : i32
    %dma_start3A_27 = tpu.memref_slice %arg6[%dma_start3A_26] : memref<8192xi32, #tpu.memory_space<vmem>> -> memref<32xi32, #tpu.memory_space<vmem>>
    %dma_start3A_28 = arith.constant 0 : i32
    %dma_start3A_29 = arith.constant 0 : i32
    %dma_start3A_30 = tpu.memref_slice %arg2[%dma_start3A_28, %dma_start3A_29] : memref<16384x256xf32, #tpu.memory_space<hbm>> -> memref<16384x256xf32, #tpu.memory_space<hbm>>
    tpu.enqueue_indirect_dma source(%dma_start3A_30 : memref<16384x256xf32, #tpu.memory_space<hbm>>) target(%dma_start3A_25 : memref<32x256xf32, #tpu.memory_space<vmem>>) offsets(%dma_start3A_27 : memref<32xi32, #tpu.memory_space<vmem>>) semaphore(%arg11 : memref<!tpu.dma_semaphore, #tpu.memory_space<semaphore_mem>>)
    %gt3A_31 = arith.constant 32 : i32
    %gt3A_32 = arith.cmpi sgt, %squeeze3A_22, %gt3A_31 : i32
    %convert_element_type3A_33 = arith.extui %gt3A_32 : i1 to i32
    %cond3A_34 = arith.constant 0 : i32
    %cond3A_35 = arith.cmpi ne, %convert_element_type3A_33, %cond3A_34 : i32
    scf.if %cond3A_35 {
      %dma_start3A_43 = arith.constant 96 : i32
      %dma_start3A_44 = arith.constant 0 : i32
      %dma_start3A_45 = tpu.memref_slice %arg8[%dma_start3A_43, %dma_start3A_44] : memref<128x256xf32, #tpu.memory_space<vmem>> -> memref<32x256xf32, #tpu.memory_space<vmem>>
      %dma_start3A_46 = arith.constant 96 : i32
      %dma_start3A_47 = tpu.memref_slice %arg6[%dma_start3A_46] : memref<8192xi32, #tpu.memory_space<vmem>> -> memref<32xi32, #tpu.memory_space<vmem>>
      %dma_start3A_48 = arith.constant 0 : i32
      %dma_start3A_49 = arith.constant 0 : i32
      %dma_start3A_50 = tpu.memref_slice %arg2[%dma_start3A_48, %dma_start3A_49] : memref<16384x256xf32, #tpu.memory_space<hbm>> -> memref<16384x256xf32, #tpu.memory_space<hbm>>
      tpu.enqueue_indirect_dma source(%dma_start3A_50 : memref<16384x256xf32, #tpu.memory_space<hbm>>) target(%dma_start3A_45 : memref<32x256xf32, #tpu.memory_space<vmem>>) offsets(%dma_start3A_47 : memref<32xi32, #tpu.memory_space<vmem>>) semaphore(%arg11 : memref<!tpu.dma_semaphore, #tpu.memory_space<semaphore_mem>>)
    } else {
    }
    %scan3A = arith.constant 0 : i32
    %scan3A_36 = arith.constant 0 : i32
    %scan3A_37 = arith.constant 32 : i32
    %scan3A_38 = arith.addi %scan3A_36, %scan3A_37 : i32
    %scan3A_39 = arith.constant 1 : i32
    scf.for %scan3A_43 = %scan3A_36 to %scan3A_38 step %scan3A_39  : i32 {
      %mul3A_44 = arith.constant 2 : i32
      %mul3A_45 = arith.muli %scan3A_43, %mul3A_44 : i32
      %add3A_46 = arith.constant 1 : i32
      %add3A_47 = arith.addi %mul3A_45, %add3A_46 : i32
      %mul3A_48 = arith.constant 2 : i32
      %mul3A_49 = arith.muli %add3A_47, %mul3A_48 : i32
      %add3A_50 = arith.constant 0 : i32
      %add3A_51 = arith.addi %mul3A_49, %add3A_50 : i32
      %mul3A_52 = arith.constant 16 : i32
      %mul3A_53 = arith.muli %add3A_51, %mul3A_52 : i32
      %get3A_54 = arith.index_cast %mul3A_53 : i32 to index
      %get3A_55 = tpu.vector_load %arg7[%get3A_54] {strides = array<i32>} : memref<2048xi32, #tpu.memory_space<vmem>>, vector<16xi32>,
      %get3A_56 = vector.shape_cast %get3A_55 : vector<16xi32> to vector<16xi32>
      %slice3A_57 = vector.extract_strided_slice %get3A_56 {offsets = [0], sizes = [1], strides = [1]} : vector<16xi32> to vector<1xi32>
      %squeeze3A_58 = vector.extract %slice3A_57[0] : i32 from vector<1xi32>
      %mul3A_59 = arith.constant 64 : i32
      %mul3A_60 = arith.muli %add3A_51, %mul3A_59 : i32
      %dma_start3A_61 = arith.constant 0 : i32
      %dma_start3A_62 = arith.constant 0 : i32
      %dma_start3A_63 = tpu.memref_slice %arg9[%dma_start3A_61, %dma_start3A_62] : memref<128x256xf32, #tpu.memory_space<vmem>> -> memref<32x256xf32, #tpu.memory_space<vmem>>
      %dma_start3A_64 = tpu.memref_slice %arg6[%mul3A_60] : memref<8192xi32, #tpu.memory_space<vmem>> -> memref<32xi32, #tpu.memory_space<vmem>>
      %dma_start3A_65 = arith.constant 0 : i32
      %dma_start3A_66 = arith.constant 0 : i32
      %dma_start3A_67 = tpu.memref_slice %arg2[%dma_start3A_65, %dma_start3A_66] : memref<16384x256xf32, #tpu.memory_space<hbm>> -> memref<16384x256xf32, #tpu.memory_space<hbm>>
      tpu.enqueue_indirect_dma source(%dma_start3A_67 : memref<16384x256xf32, #tpu.memory_space<hbm>>) target(%dma_start3A_63 : memref<32x256xf32, #tpu.memory_space<vmem>>) offsets(%dma_start3A_64 : memref<32xi32, #tpu.memory_space<vmem>>) semaphore(%arg12 : memref<!tpu.dma_semaphore, #tpu.memory_space<semaphore_mem>>)
      %gt3A_68 = arith.constant 32 : i32
      %gt3A_69 = arith.cmpi sgt, %squeeze3A_58, %gt3A_68 : i32
      %convert_element_type3A_70 = arith.extui %gt3A_69 : i1 to i32
      %cond3A_71 = arith.constant 0 : i32
      %cond3A_72 = arith.cmpi ne, %convert_element_type3A_70, %cond3A_71 : i32
      scf.if %cond3A_72 {
        %mul3A_1273 = arith.constant 64 : i32
        %mul3A_1274 = arith.muli %add3A_51, %mul3A_1273 : i32
        %add3A_1275 = arith.constant 32 : i32
        %add3A_1276 = arith.addi %mul3A_1274, %add3A_1275 : i32
        %dma_start3A_1277 = arith.constant 32 : i32
        %dma_start3A_1278 = arith.constant 0 : i32
        %dma_start3A_1279 = tpu.memref_slice %arg9[%dma_start3A_1277, %dma_start3A_1278] : memref<128x256xf32, #tpu.memory_space<vmem>> -> memref<32x256xf32, #tpu.memory_space<vmem>>
        %dma_start3A_1280 = tpu.memref_slice %arg6[%add3A_1276] : memref<8192xi32, #tpu.memory_space<vmem>> -> memref<32xi32, #tpu.memory_space<vmem>>
        %dma_start3A_1281 = arith.constant 0 : i32
        %dma_start3A_1282 = arith.constant 0 : i32
        %dma_start3A_1283 = tpu.memref_slice %arg2[%dma_start3A_1281, %dma_start3A_1282] : memref<16384x256xf32, #tpu.memory_space<hbm>> -> memref<16384x256xf32, #tpu.memory_space<hbm>>
        tpu.enqueue_indirect_dma source(%dma_start3A_1283 : memref<16384x256xf32, #tpu.memory_space<hbm>>) target(%dma_start3A_1279 : memref<32x256xf32, #tpu.memory_space<vmem>>) offsets(%dma_start3A_1280 : memref<32xi32, #tpu.memory_space<vmem>>) semaphore(%arg12 : memref<!tpu.dma_semaphore, #tpu.memory_space<semaphore_mem>>)
      } else {
      }
      %mul3A_73 = arith.constant 2 : i32
      %mul3A_74 = arith.muli %add3A_47, %mul3A_73 : i32
      %add3A_75 = arith.constant 1 : i32
      %add3A_76 = arith.addi %mul3A_74, %add3A_75 : i32
      %mul3A_77 = arith.constant 16 : i32
      %mul3A_78 = arith.muli %add3A_76, %mul3A_77 : i32
      %get3A_79 = arith.index_cast %mul3A_78 : i32 to index
      %get3A_80 = tpu.vector_load %arg7[%get3A_79] {strides = array<i32>} : memref<2048xi32, #tpu.memory_space<vmem>>, vector<16xi32>,
      %get3A_81 = vector.shape_cast %get3A_80 : vector<16xi32> to vector<16xi32>
      %slice3A_82 = vector.extract_strided_slice %get3A_81 {offsets = [0], sizes = [1], strides = [1]} : vector<16xi32> to vector<1xi32>
      %squeeze3A_83 = vector.extract %slice3A_82[0] : i32 from vector<1xi32>
      %mul3A_84 = arith.constant 64 : i32
      %mul3A_85 = arith.muli %add3A_76, %mul3A_84 : i32
      %dma_start3A_86 = arith.constant 64 : i32
      %dma_start3A_87 = arith.constant 0 : i32
      %dma_start3A_88 = tpu.memref_slice %arg9[%dma_start3A_86, %dma_start3A_87] : memref<128x256xf32, #tpu.memory_space<vmem>> -> memref<32x256xf32, #tpu.memory_space<vmem>>
      %dma_start3A_89 = tpu.memref_slice %arg6[%mul3A_85] : memref<8192xi32, #tpu.memory_space<vmem>> -> memref<32xi32, #tpu.memory_space<vmem>>
      %dma_start3A_90 = arith.constant 0 : i32
      %dma_start3A_91 = arith.constant 0 : i32
      %dma_start3A_92 = tpu.memref_slice %arg2[%dma_start3A_90, %dma_start3A_91] : memref<16384x256xf32, #tpu.memory_space<hbm>> -> memref<16384x256xf32, #tpu.memory_space<hbm>>
      tpu.enqueue_indirect_dma source(%dma_start3A_92 : memref<16384x256xf32, #tpu.memory_space<hbm>>) target(%dma_start3A_88 : memref<32x256xf32, #tpu.memory_space<vmem>>) offsets(%dma_start3A_89 : memref<32xi32, #tpu.memory_space<vmem>>) semaphore(%arg12 : memref<!tpu.dma_semaphore, #tpu.memory_space<semaphore_mem>>)
      %gt3A_93 = arith.constant 32 : i32
      %gt3A_94 = arith.cmpi sgt, %squeeze3A_83, %gt3A_93 : i32
      %convert_element_type3A_95 = arith.extui %gt3A_94 : i1 to i32
      %cond3A_96 = arith.constant 0 : i32
      %cond3A_97 = arith.cmpi ne, %convert_element_type3A_95, %cond3A_96 : i32
      scf.if %cond3A_97 {
        %mul3A_1273 = arith.constant 64 : i32
        %mul3A_1274 = arith.muli %add3A_76, %mul3A_1273 : i32
        %add3A_1275 = arith.constant 32 : i32
        %add3A_1276 = arith.addi %mul3A_1274, %add3A_1275 : i32
        %dma_start3A_1277 = arith.constant 96 : i32
        %dma_start3A_1278 = arith.constant 0 : i32
        %dma_start3A_1279 = tpu.memref_slice %arg9[%dma_start3A_1277, %dma_start3A_1278] : memref<128x256xf32, #tpu.memory_space<vmem>> -> memref<32x256xf32, #tpu.memory_space<vmem>>
        %dma_start3A_1280 = tpu.memref_slice %arg6[%add3A_1276] : memref<8192xi32, #tpu.memory_space<vmem>> -> memref<32xi32, #tpu.memory_space<vmem>>
        %dma_start3A_1281 = arith.constant 0 : i32
        %dma_start3A_1282 = arith.constant 0 : i32
        %dma_start3A_1283 = tpu.memref_slice %arg2[%dma_start3A_1281, %dma_start3A_1282] : memref<16384x256xf32, #tpu.memory_space<hbm>> -> memref<16384x256xf32, #tpu.memory_space<hbm>>
        tpu.enqueue_indirect_dma source(%dma_start3A_1283 : memref<16384x256xf32, #tpu.memory_space<hbm>>) target(%dma_start3A_1279 : memref<32x256xf32, #tpu.memory_space<vmem>>) offsets(%dma_start3A_1280 : memref<32xi32, #tpu.memory_space<vmem>>) semaphore(%arg12 : memref<!tpu.dma_semaphore, #tpu.memory_space<semaphore_mem>>)
      } else {
      }
      %mul3A_98 = arith.constant 2 : i32
      %mul3A_99 = arith.muli %mul3A_45, %mul3A_98 : i32
      %add3A_100 = arith.constant 0 : i32
      %add3A_101 = arith.addi %mul3A_99, %add3A_100 : i32
      %mul3A_102 = arith.constant 16 : i32
      %mul3A_103 = arith.muli %add3A_101, %mul3A_102 : i32
      %get3A_104 = arith.index_cast %mul3A_103 : i32 to index
      %get3A_105 = tpu.vector_load %arg7[%get3A_104] {strides = array<i32>} : memref<2048xi32, #tpu.memory_space<vmem>>, vector<16xi32>,
      %get3A_106 = vector.shape_cast %get3A_105 : vector<16xi32> to vector<16xi32>
      %slice3A_107 = vector.extract_strided_slice %get3A_106 {offsets = [0], sizes = [1], strides = [1]} : vector<16xi32> to vector<1xi32>
      %squeeze3A_108 = vector.extract %slice3A_107[0] : i32 from vector<1xi32>
      %dma_wait3A = arith.constant 0 : i32
      %dma_wait3A_109 = arith.constant 0 : i32
      %dma_wait3A_110 = tpu.memref_slice %arg8[%dma_wait3A, %dma_wait3A_109] : memref<128x256xf32, #tpu.memory_space<vmem>> -> memref<32x256xf32, #tpu.memory_space<vmem>>
      %dma_wait3A_111 = arith.constant 0 : i32
      %dma_wait3A_112 = tpu.memref_slice %arg6[%dma_wait3A_111] : memref<8192xi32, #tpu.memory_space<vmem>> -> memref<32xi32, #tpu.memory_space<vmem>>
      %dma_wait3A_113 = arith.constant 0 : i32
      %dma_wait3A_114 = arith.constant 0 : i32
      %dma_wait3A_115 = tpu.memref_slice %arg2[%dma_wait3A_113, %dma_wait3A_114] : memref<16384x256xf32, #tpu.memory_space<hbm>> -> memref<16384x256xf32, #tpu.memory_space<hbm>>
      tpu.wait_indirect_dma semaphore(%arg11 : memref<!tpu.dma_semaphore, #tpu.memory_space<semaphore_mem>>) src(%dma_wait3A_115 : memref<16384x256xf32, #tpu.memory_space<hbm>>) dst(%dma_wait3A_110 : memref<32x256xf32, #tpu.memory_space<vmem>>)
      %gt3A_116 = arith.constant 32 : i32
      %gt3A_117 = arith.cmpi sgt, %squeeze3A_108, %gt3A_116 : i32
      %convert_element_type3A_118 = arith.extui %gt3A_117 : i1 to i32
      %cond3A_119 = arith.constant 0 : i32
      %cond3A_120 = arith.cmpi ne, %convert_element_type3A_118, %cond3A_119 : i32
      scf.if %cond3A_120 {
        %dma_wait3A_1273 = arith.constant 32 : i32
        %dma_wait3A_1274 = arith.constant 0 : i32
        %dma_wait3A_1275 = tpu.memref_slice %arg8[%dma_wait3A_1273, %dma_wait3A_1274] : memref<128x256xf32, #tpu.memory_space<vmem>> -> memref<32x256xf32, #tpu.memory_space<vmem>>
        %dma_wait3A_1276 = arith.constant 0 : i32
        %dma_wait3A_1277 = tpu.memref_slice %arg6[%dma_wait3A_1276] : memref<8192xi32, #tpu.memory_space<vmem>> -> memref<32xi32, #tpu.memory_space<vmem>>
        %dma_wait3A_1278 = arith.constant 0 : i32
        %dma_wait3A_1279 = arith.constant 0 : i32
        %dma_wait3A_1280 = tpu.memref_slice %arg2[%dma_wait3A_1278, %dma_wait3A_1279] : memref<16384x256xf32, #tpu.memory_space<hbm>> -> memref<16384x256xf32, #tpu.memory_space<hbm>>
        tpu.wait_indirect_dma semaphore(%arg11 : memref<!tpu.dma_semaphore, #tpu.memory_space<semaphore_mem>>) src(%dma_wait3A_1280 : memref<16384x256xf32, #tpu.memory_space<hbm>>) dst(%dma_wait3A_1275 : memref<32x256xf32, #tpu.memory_space<vmem>>)
      } else {
      }
      %mul3A_121 = arith.constant 2 : i32
      %mul3A_122 = arith.muli %mul3A_45, %mul3A_121 : i32
      %add3A_123 = arith.constant 1 : i32
      %add3A_124 = arith.addi %mul3A_122, %add3A_123 : i32
      %mul3A_125 = arith.constant 16 : i32
      %mul3A_126 = arith.muli %add3A_124, %mul3A_125 : i32
      %get3A_127 = arith.index_cast %mul3A_126 : i32 to index
      %get3A_128 = tpu.vector_load %arg7[%get3A_127] {strides = array<i32>} : memref<2048xi32, #tpu.memory_space<vmem>>, vector<16xi32>,
      %get3A_129 = vector.shape_cast %get3A_128 : vector<16xi32> to vector<16xi32>
      %slice3A_130 = vector.extract_strided_slice %get3A_129 {offsets = [0], sizes = [1], strides = [1]} : vector<16xi32> to vector<1xi32>
      %squeeze3A_131 = vector.extract %slice3A_130[0] : i32 from vector<1xi32>
      %dma_wait3A_132 = arith.constant 64 : i32
      %dma_wait3A_133 = arith.constant 0 : i32
      %dma_wait3A_134 = tpu.memref_slice %arg8[%dma_wait3A_132, %dma_wait3A_133] : memref<128x256xf32, #tpu.memory_space<vmem>> -> memref<32x256xf32, #tpu.memory_space<vmem>>
      %dma_wait3A_135 = arith.constant 0 : i32
      %dma_wait3A_136 = tpu.memref_slice %arg6[%dma_wait3A_135] : memref<8192xi32, #tpu.memory_space<vmem>> -> memref<32xi32, #tpu.memory_space<vmem>>
      %dma_wait3A_137 = arith.constant 0 : i32
      %dma_wait3A_138 = arith.constant 0 : i32
      %dma_wait3A_139 = tpu.memref_slice %arg2[%dma_wait3A_137, %dma_wait3A_138] : memref<16384x256xf32, #tpu.memory_space<hbm>> -> memref<16384x256xf32, #tpu.memory_space<hbm>>
      tpu.wait_indirect_dma semaphore(%arg11 : memref<!tpu.dma_semaphore, #tpu.memory_space<semaphore_mem>>) src(%dma_wait3A_139 : memref<16384x256xf32, #tpu.memory_space<hbm>>) dst(%dma_wait3A_134 : memref<32x256xf32, #tpu.memory_space<vmem>>)
      %gt3A_140 = arith.constant 32 : i32
      %gt3A_141 = arith.cmpi sgt, %squeeze3A_131, %gt3A_140 : i32
      %convert_element_type3A_142 = arith.extui %gt3A_141 : i1 to i32
      %cond3A_143 = arith.constant 0 : i32
      %cond3A_144 = arith.cmpi ne, %convert_element_type3A_142, %cond3A_143 : i32
      scf.if %cond3A_144 {
        %dma_wait3A_1273 = arith.constant 96 : i32
        %dma_wait3A_1274 = arith.constant 0 : i32
        %dma_wait3A_1275 = tpu.memref_slice %arg8[%dma_wait3A_1273, %dma_wait3A_1274] : memref<128x256xf32, #tpu.memory_space<vmem>> -> memref<32x256xf32, #tpu.memory_space<vmem>>
        %dma_wait3A_1276 = arith.constant 0 : i32
        %dma_wait3A_1277 = tpu.memref_slice %arg6[%dma_wait3A_1276] : memref<8192xi32, #tpu.memory_space<vmem>> -> memref<32xi32, #tpu.memory_space<vmem>>
        %dma_wait3A_1278 = arith.constant 0 : i32
        %dma_wait3A_1279 = arith.constant 0 : i32
        %dma_wait3A_1280 = tpu.memref_slice %arg2[%dma_wait3A_1278, %dma_wait3A_1279] : memref<16384x256xf32, #tpu.memory_space<hbm>> -> memref<16384x256xf32, #tpu.memory_space<hbm>>
        tpu.wait_indirect_dma semaphore(%arg11 : memref<!tpu.dma_semaphore, #tpu.memory_space<semaphore_mem>>) src(%dma_wait3A_1280 : memref<16384x256xf32, #tpu.memory_space<hbm>>) dst(%dma_wait3A_1275 : memref<32x256xf32, #tpu.memory_space<vmem>>)
      } else {
      }
      %mul3A_145 = arith.constant 2 : i32
      %mul3A_146 = arith.muli %mul3A_45, %mul3A_145 : i32
      %add3A_147 = arith.constant 0 : i32
      %add3A_148 = arith.addi %mul3A_146, %add3A_147 : i32
      %mul3A_149 = arith.constant 16 : i32
      %mul3A_150 = arith.muli %add3A_148, %mul3A_149 : i32
      %get3A_151 = arith.index_cast %mul3A_150 : i32 to index
      %get3A_152 = tpu.vector_load %arg7[%get3A_151] {strides = array<i32>} : memref<2048xi32, #tpu.memory_space<vmem>>, vector<16xi32>,
      %get3A_153 = vector.shape_cast %get3A_152 : vector<16xi32> to vector<16xi32>
      %slice3A_154 = vector.extract_strided_slice %get3A_153 {offsets = [0], sizes = [1], strides = [1]} : vector<16xi32> to vector<1xi32>
      %squeeze3A_155 = vector.extract %slice3A_154[0] : i32 from vector<1xi32>
      %get3A_156 = arith.constant 0 : i32
      %get3A_157 = arith.index_cast %get3A_156 : i32 to index
      %get3A_158 = arith.constant 0 : index
      %get3A_159 = tpu.vector_load %arg8[%get3A_157, %get3A_158] {strides = array<i32>} : memref<128x256xf32, #tpu.memory_space<vmem>>, vector<1x16xf32>,
      %get3A_160 = vector.shape_cast %get3A_159 : vector<1x16xf32> to vector<16xf32>
      %get3A_161 = arith.constant 0 : i32
      %get3A_162 = arith.index_cast %get3A_161 : i32 to index
      %get3A_163 = arith.constant 16 : index
      %get3A_164 = tpu.vector_load %arg8[%get3A_162, %get3A_163] {strides = array<i32>} : memref<128x256xf32, #tpu.memory_space<vmem>>, vector<1x16xf32>,
      %get3A_165 = vector.shape_cast %get3A_164 : vector<1x16xf32> to vector<16xf32>
      %get3A_166 = arith.constant 0 : i32
      %get3A_167 = arith.index_cast %get3A_166 : i32 to index
      %get3A_168 = arith.constant 32 : index
      %get3A_169 = tpu.vector_load %arg8[%get3A_167, %get3A_168] {strides = array<i32>} : memref<128x256xf32, #tpu.memory_space<vmem>>, vector<1x16xf32>,
      %get3A_170 = vector.shape_cast %get3A_169 : vector<1x16xf32> to vector<16xf32>
      %get3A_171 = arith.constant 0 : i32
      %get3A_172 = arith.index_cast %get3A_171 : i32 to index
      %get3A_173 = arith.constant 48 : index
      %get3A_174 = tpu.vector_load %arg8[%get3A_172, %get3A_173] {strides = array<i32>} : memref<128x256xf32, #tpu.memory_space<vmem>>, vector<1x16xf32>,
      %get3A_175 = vector.shape_cast %get3A_174 : vector<1x16xf32> to vector<16xf32>
      %get3A_176 = arith.constant 0 : i32
      %get3A_177 = arith.index_cast %get3A_176 : i32 to index
      %get3A_178 = arith.constant 64 : index
      %get3A_179 = tpu.vector_load %arg8[%get3A_177, %get3A_178] {strides = array<i32>} : memref<128x256xf32, #tpu.memory_space<vmem>>, vector<1x16xf32>,
      %get3A_180 = vector.shape_cast %get3A_179 : vector<1x16xf32> to vector<16xf32>
      %get3A_181 = arith.constant 0 : i32
      %get3A_182 = arith.index_cast %get3A_181 : i32 to index
      %get3A_183 = arith.constant 80 : index
      %get3A_184 = tpu.vector_load %arg8[%get3A_182, %get3A_183] {strides = array<i32>} : memref<128x256xf32, #tpu.memory_space<vmem>>, vector<1x16xf32>,
      %get3A_185 = vector.shape_cast %get3A_184 : vector<1x16xf32> to vector<16xf32>
      %get3A_186 = arith.constant 0 : i32
      %get3A_187 = arith.index_cast %get3A_186 : i32 to index
      %get3A_188 = arith.constant 96 : index
      %get3A_189 = tpu.vector_load %arg8[%get3A_187, %get3A_188] {strides = array<i32>} : memref<128x256xf32, #tpu.memory_space<vmem>>, vector<1x16xf32>,
      %get3A_190 = vector.shape_cast %get3A_189 : vector<1x16xf32> to vector<16xf32>
      %get3A_191 = arith.constant 0 : i32
      %get3A_192 = arith.index_cast %get3A_191 : i32 to index
      %get3A_193 = arith.constant 112 : index
      %get3A_194 = tpu.vector_load %arg8[%get3A_192, %get3A_193] {strides = array<i32>} : memref<128x256xf32, #tpu.memory_space<vmem>>, vector<1x16xf32>,
      %get3A_195 = vector.shape_cast %get3A_194 : vector<1x16xf32> to vector<16xf32>
      %get3A_196 = arith.constant 0 : i32
      %get3A_197 = arith.index_cast %get3A_196 : i32 to index
      %get3A_198 = arith.constant 128 : index
      %get3A_199 = tpu.vector_load %arg8[%get3A_197, %get3A_198] {strides = array<i32>} : memref<128x256xf32, #tpu.memory_space<vmem>>, vector<1x16xf32>,
      %get3A_200 = vector.shape_cast %get3A_199 : vector<1x16xf32> to vector<16xf32>
      %get3A_201 = arith.constant 0 : i32
      %get3A_202 = arith.index_cast %get3A_201 : i32 to index
      %get3A_203 = arith.constant 144 : index
      %get3A_204 = tpu.vector_load %arg8[%get3A_202, %get3A_203] {strides = array<i32>} : memref<128x256xf32, #tpu.memory_space<vmem>>, vector<1x16xf32>,
      %get3A_205 = vector.shape_cast %get3A_204 : vector<1x16xf32> to vector<16xf32>
      %get3A_206 = arith.constant 0 : i32
      %get3A_207 = arith.index_cast %get3A_206 : i32 to index
      %get3A_208 = arith.constant 160 : index
      %get3A_209 = tpu.vector_load %arg8[%get3A_207, %get3A_208] {strides = array<i32>} : memref<128x256xf32, #tpu.memory_space<vmem>>, vector<1x16xf32>,
      %get3A_210 = vector.shape_cast %get3A_209 : vector<1x16xf32> to vector<16xf32>
      %get3A_211 = arith.constant 0 : i32
      %get3A_212 = arith.index_cast %get3A_211 : i32 to index
      %get3A_213 = arith.constant 176 : index
      %get3A_214 = tpu.vector_load %arg8[%get3A_212, %get3A_213] {strides = array<i32>} : memref<128x256xf32, #tpu.memory_space<vmem>>, vector<1x16xf32>,
      %get3A_215 = vector.shape_cast %get3A_214 : vector<1x16xf32> to vector<16xf32>
      %get3A_216 = arith.constant 0 : i32
      %get3A_217 = arith.index_cast %get3A_216 : i32 to index
      %get3A_218 = arith.constant 192 : index
      %get3A_219 = tpu.vector_load %arg8[%get3A_217, %get3A_218] {strides = array<i32>} : memref<128x256xf32, #tpu.memory_space<vmem>>, vector<1x16xf32>,
      %get3A_220 = vector.shape_cast %get3A_219 : vector<1x16xf32> to vector<16xf32>
      %get3A_221 = arith.constant 0 : i32
      %get3A_222 = arith.index_cast %get3A_221 : i32 to index
      %get3A_223 = arith.constant 208 : index
      %get3A_224 = tpu.vector_load %arg8[%get3A_222, %get3A_223] {strides = array<i32>} : memref<128x256xf32, #tpu.memory_space<vmem>>, vector<1x16xf32>,
      %get3A_225 = vector.shape_cast %get3A_224 : vector<1x16xf32> to vector<16xf32>
      %get3A_226 = arith.constant 0 : i32
      %get3A_227 = arith.index_cast %get3A_226 : i32 to index
      %get3A_228 = arith.constant 224 : index
      %get3A_229 = tpu.vector_load %arg8[%get3A_227, %get3A_228] {strides = array<i32>} : memref<128x256xf32, #tpu.memory_space<vmem>>, vector<1x16xf32>,
      %get3A_230 = vector.shape_cast %get3A_229 : vector<1x16xf32> to vector<16xf32>
      %get3A_231 = arith.constant 0 : i32
      %get3A_232 = arith.index_cast %get3A_231 : i32 to index
      %get3A_233 = arith.constant 240 : index
      %get3A_234 = tpu.vector_load %arg8[%get3A_232, %get3A_233] {strides = array<i32>} : memref<128x256xf32, #tpu.memory_space<vmem>>, vector<1x16xf32>,
      %get3A_235 = vector.shape_cast %get3A_234 : vector<1x16xf32> to vector<16xf32>
      %sub3A = arith.constant 1 : i32
      %sub3A_236 = arith.subi %squeeze3A_155, %sub3A : i32
      %jit3A = arith.constant 2 : i32
      %div3A = arith.divsi %sub3A_236, %jit3A : i32
      %sign3A = arith.constant 0 : i32
      %sign3A_237 = arith.cmpi sgt, %sub3A_236, %sign3A : i32
      %sign3A_238 = arith.extui %sign3A_237 : i1 to i32
      %sign3A_239 = arith.constant 0 : i32
      %sign3A_240 = arith.cmpi slt, %sub3A_236, %sign3A_239 : i32
      %sign3A_241 = arith.extui %sign3A_240 : i1 to i32
      %sign3A_242 = arith.subi %sign3A_238, %sign3A_241 : i32
      %sign3A_243 = arith.constant 0 : i32
      %sign3A_244 = arith.cmpi sgt, %jit3A, %sign3A_243 : i32
      %sign3A_245 = arith.extui %sign3A_244 : i1 to i32
      %sign3A_246 = arith.constant 0 : i32
      %sign3A_247 = arith.cmpi slt, %jit3A, %sign3A_246 : i32
      %sign3A_248 = arith.extui %sign3A_247 : i1 to i32
      %sign3A_249 = arith.subi %sign3A_245, %sign3A_248 : i32
      %ne3A = arith.cmpi ne, %sign3A_242, %sign3A_249 : i32
      %rem3A = arith.remsi %sub3A_236, %jit3A : i32
      %ne3A_250 = arith.constant 0 : i32
      %ne3A_251 = arith.cmpi ne, %rem3A, %ne3A_250 : i32
      %and3A = arith.andi %ne3A, %ne3A_251 : i1
      %sub3A_252 = arith.constant 1 : i32
      %sub3A_253 = arith.subi %div3A, %sub3A_252 : i32
      %select_n3A = arith.select %and3A, %sub3A_253, %div3A : i32
      %while3A = arith.constant 0 : i32
      %while3A_254 = arith.subi %select_n3A, %while3A : i32
      %while3A_255 = arith.addi %while3A, %while3A_254 : i32
      %while3A_256 = arith.constant 1 : i32
      %while3A_257 = arith.divsi %while3A_254, %while3A_256 : i32
      %while3A_258 = arith.muli %while3A_257, %while3A_256 : i32
      %while3A_259 = arith.addi %while3A, %while3A_258 : i32
      %while3A_260 = arith.constant 1 : i32
      %while3A_261:16 = scf.for %while3A_1273 = %while3A to %while3A_259 step %while3A_260 iter_args(%while3A_1274 = %get3A_160, %while3A_1275 = %get3A_165, %while3A_1276 = %get3A_170, %while3A_1277 = %get3A_175, %while3A_1278 = %get3A_180, %while3A_1279 = %get3A_185, %while3A_1280 = %get3A_190, %while3A_1281 = %get3A_195, %while3A_1282 = %get3A_200, %while3A_1283 = %get3A_205, %while3A_1284 = %get3A_210, %while3A_1285 = %get3A_215, %while3A_1286 = %get3A_220, %while3A_1287 = %get3A_225, %while3A_1288 = %get3A_230, %while3A_1289 = %get3A_235) -> (vector<16xf32>, vector<16xf32>, vector<16xf32>, vector<16xf32>, vector<16xf32>, vector<16xf32>, vector<16xf32>, vector<16xf32>, vector<16xf32>, vector<16xf32>, vector<16xf32>, vector<16xf32>, vector<16xf32>, vector<16xf32>, vector<16xf32>, vector<16xf32>)  : i32 {
        %mul3A_1290 = arith.constant 2 : i32
        %mul3A_1291 = arith.muli %mul3A_1290, %while3A_1273 : i32
        %add3A_1292 = arith.constant 1 : i32
        %add3A_1293 = arith.addi %add3A_1292, %mul3A_1291 : i32
        %add3A_1294 = arith.constant 0 : i32
        %add3A_1295 = arith.addi %add3A_1294, %add3A_1293 : i32
        %get3A_1296 = arith.index_cast %add3A_1295 : i32 to index
        %get3A_1297 = arith.constant 0 : index
        %get3A_1298 = tpu.vector_load %arg8[%get3A_1296, %get3A_1297] {strides = array<i32>} : memref<128x256xf32, #tpu.memory_space<vmem>>, vector<1x16xf32>,
        %get3A_1299 = vector.shape_cast %get3A_1298 : vector<1x16xf32> to vector<16xf32>
        %add3A_1300 = arith.addf %while3A_1274, %get3A_1299 : vector<16xf32>
        %add3A_1301 = arith.constant 0 : i32
        %add3A_1302 = arith.addi %add3A_1301, %add3A_1293 : i32
        %get3A_1303 = arith.index_cast %add3A_1302 : i32 to index
        %get3A_1304 = arith.constant 16 : index
        %get3A_1305 = tpu.vector_load %arg8[%get3A_1303, %get3A_1304] {strides = array<i32>} : memref<128x256xf32, #tpu.memory_space<vmem>>, vector<1x16xf32>,
        %get3A_1306 = vector.shape_cast %get3A_1305 : vector<1x16xf32> to vector<16xf32>
        %add3A_1307 = arith.addf %while3A_1275, %get3A_1306 : vector<16xf32>
        %add3A_1308 = arith.constant 0 : i32
        %add3A_1309 = arith.addi %add3A_1308, %add3A_1293 : i32
        %get3A_1310 = arith.index_cast %add3A_1309 : i32 to index
        %get3A_1311 = arith.constant 32 : index
        %get3A_1312 = tpu.vector_load %arg8[%get3A_1310, %get3A_1311] {strides = array<i32>} : memref<128x256xf32, #tpu.memory_space<vmem>>, vector<1x16xf32>,
        %get3A_1313 = vector.shape_cast %get3A_1312 : vector<1x16xf32> to vector<16xf32>
        %add3A_1314 = arith.addf %while3A_1276, %get3A_1313 : vector<16xf32>
        %add3A_1315 = arith.constant 0 : i32
        %add3A_1316 = arith.addi %add3A_1315, %add3A_1293 : i32
        %get3A_1317 = arith.index_cast %add3A_1316 : i32 to index
        %get3A_1318 = arith.constant 48 : index
        %get3A_1319 = tpu.vector_load %arg8[%get3A_1317, %get3A_1318] {strides = array<i32>} : memref<128x256xf32, #tpu.memory_space<vmem>>, vector<1x16xf32>,
        %get3A_1320 = vector.shape_cast %get3A_1319 : vector<1x16xf32> to vector<16xf32>
        %add3A_1321 = arith.addf %while3A_1277, %get3A_1320 : vector<16xf32>
        %add3A_1322 = arith.constant 0 : i32
        %add3A_1323 = arith.addi %add3A_1322, %add3A_1293 : i32
        %get3A_1324 = arith.index_cast %add3A_1323 : i32 to index
        %get3A_1325 = arith.constant 64 : index
        %get3A_1326 = tpu.vector_load %arg8[%get3A_1324, %get3A_1325] {strides = array<i32>} : memref<128x256xf32, #tpu.memory_space<vmem>>, vector<1x16xf32>,
        %get3A_1327 = vector.shape_cast %get3A_1326 : vector<1x16xf32> to vector<16xf32>
        %add3A_1328 = arith.addf %while3A_1278, %get3A_1327 : vector<16xf32>
        %add3A_1329 = arith.constant 0 : i32
        %add3A_1330 = arith.addi %add3A_1329, %add3A_1293 : i32
        %get3A_1331 = arith.index_cast %add3A_1330 : i32 to index
        %get3A_1332 = arith.constant 80 : index
        %get3A_1333 = tpu.vector_load %arg8[%get3A_1331, %get3A_1332] {strides = array<i32>} : memref<128x256xf32, #tpu.memory_space<vmem>>, vector<1x16xf32>,
        %get3A_1334 = vector.shape_cast %get3A_1333 : vector<1x16xf32> to vector<16xf32>
        %add3A_1335 = arith.addf %while3A_1279, %get3A_1334 : vector<16xf32>
        %add3A_1336 = arith.constant 0 : i32
        %add3A_1337 = arith.addi %add3A_1336, %add3A_1293 : i32
        %get3A_1338 = arith.index_cast %add3A_1337 : i32 to index
        %get3A_1339 = arith.constant 96 : index
        %get3A_1340 = tpu.vector_load %arg8[%get3A_1338, %get3A_1339] {strides = array<i32>} : memref<128x256xf32, #tpu.memory_space<vmem>>, vector<1x16xf32>,
        %get3A_1341 = vector.shape_cast %get3A_1340 : vector<1x16xf32> to vector<16xf32>
        %add3A_1342 = arith.addf %while3A_1280, %get3A_1341 : vector<16xf32>
        %add3A_1343 = arith.constant 0 : i32
        %add3A_1344 = arith.addi %add3A_1343, %add3A_1293 : i32
        %get3A_1345 = arith.index_cast %add3A_1344 : i32 to index
        %get3A_1346 = arith.constant 112 : index
        %get3A_1347 = tpu.vector_load %arg8[%get3A_1345, %get3A_1346] {strides = array<i32>} : memref<128x256xf32, #tpu.memory_space<vmem>>, vector<1x16xf32>,
        %get3A_1348 = vector.shape_cast %get3A_1347 : vector<1x16xf32> to vector<16xf32>
        %add3A_1349 = arith.addf %while3A_1281, %get3A_1348 : vector<16xf32>
        %add3A_1350 = arith.constant 0 : i32
        %add3A_1351 = arith.addi %add3A_1350, %add3A_1293 : i32
        %get3A_1352 = arith.index_cast %add3A_1351 : i32 to index
        %get3A_1353 = arith.constant 128 : index
        %get3A_1354 = tpu.vector_load %arg8[%get3A_1352, %get3A_1353] {strides = array<i32>} : memref<128x256xf32, #tpu.memory_space<vmem>>, vector<1x16xf32>,
        %get3A_1355 = vector.shape_cast %get3A_1354 : vector<1x16xf32> to vector<16xf32>
        %add3A_1356 = arith.addf %while3A_1282, %get3A_1355 : vector<16xf32>
        %add3A_1357 = arith.constant 0 : i32
        %add3A_1358 = arith.addi %add3A_1357, %add3A_1293 : i32
        %get3A_1359 = arith.index_cast %add3A_1358 : i32 to index
        %get3A_1360 = arith.constant 144 : index
        %get3A_1361 = tpu.vector_load %arg8[%get3A_1359, %get3A_1360] {strides = array<i32>} : memref<128x256xf32, #tpu.memory_space<vmem>>, vector<1x16xf32>,
        %get3A_1362 = vector.shape_cast %get3A_1361 : vector<1x16xf32> to vector<16xf32>
        %add3A_1363 = arith.addf %while3A_1283, %get3A_1362 : vector<16xf32>
        %add3A_1364 = arith.constant 0 : i32
        %add3A_1365 = arith.addi %add3A_1364, %add3A_1293 : i32
        %get3A_1366 = arith.index_cast %add3A_1365 : i32 to index
        %get3A_1367 = arith.constant 160 : index
        %get3A_1368 = tpu.vector_load %arg8[%get3A_1366, %get3A_1367] {strides = array<i32>} : memref<128x256xf32, #tpu.memory_space<vmem>>, vector<1x16xf32>,
        %get3A_1369 = vector.shape_cast %get3A_1368 : vector<1x16xf32> to vector<16xf32>
        %add3A_1370 = arith.addf %while3A_1284, %get3A_1369 : vector<16xf32>
        %add3A_1371 = arith.constant 0 : i32
        %add3A_1372 = arith.addi %add3A_1371, %add3A_1293 : i32
        %get3A_1373 = arith.index_cast %add3A_1372 : i32 to index
        %get3A_1374 = arith.constant 176 : index
        %get3A_1375 = tpu.vector_load %arg8[%get3A_1373, %get3A_1374] {strides = array<i32>} : memref<128x256xf32, #tpu.memory_space<vmem>>, vector<1x16xf32>,
        %get3A_1376 = vector.shape_cast %get3A_1375 : vector<1x16xf32> to vector<16xf32>
        %add3A_1377 = arith.addf %while3A_1285, %get3A_1376 : vector<16xf32>
        %add3A_1378 = arith.constant 0 : i32
        %add3A_1379 = arith.addi %add3A_1378, %add3A_1293 : i32
        %get3A_1380 = arith.index_cast %add3A_1379 : i32 to index
        %get3A_1381 = arith.constant 192 : index
        %get3A_1382 = tpu.vector_load %arg8[%get3A_1380, %get3A_1381] {strides = array<i32>} : memref<128x256xf32, #tpu.memory_space<vmem>>, vector<1x16xf32>,
        %get3A_1383 = vector.shape_cast %get3A_1382 : vector<1x16xf32> to vector<16xf32>
        %add3A_1384 = arith.addf %while3A_1286, %get3A_1383 : vector<16xf32>
        %add3A_1385 = arith.constant 0 : i32
        %add3A_1386 = arith.addi %add3A_1385, %add3A_1293 : i32
        %get3A_1387 = arith.index_cast %add3A_1386 : i32 to index
        %get3A_1388 = arith.constant 208 : index
        %get3A_1389 = tpu.vector_load %arg8[%get3A_1387, %get3A_1388] {strides = array<i32>} : memref<128x256xf32, #tpu.memory_space<vmem>>, vector<1x16xf32>,
        %get3A_1390 = vector.shape_cast %get3A_1389 : vector<1x16xf32> to vector<16xf32>
        %add3A_1391 = arith.addf %while3A_1287, %get3A_1390 : vector<16xf32>
        %add3A_1392 = arith.constant 0 : i32
        %add3A_1393 = arith.addi %add3A_1392, %add3A_1293 : i32
        %get3A_1394 = arith.index_cast %add3A_1393 : i32 to index
        %get3A_1395 = arith.constant 224 : index
        %get3A_1396 = tpu.vector_load %arg8[%get3A_1394, %get3A_1395] {strides = array<i32>} : memref<128x256xf32, #tpu.memory_space<vmem>>, vector<1x16xf32>,
        %get3A_1397 = vector.shape_cast %get3A_1396 : vector<1x16xf32> to vector<16xf32>
        %add3A_1398 = arith.addf %while3A_1288, %get3A_1397 : vector<16xf32>
        %add3A_1399 = arith.constant 0 : i32
        %add3A_1400 = arith.addi %add3A_1399, %add3A_1293 : i32
        %get3A_1401 = arith.index_cast %add3A_1400 : i32 to index
        %get3A_1402 = arith.constant 240 : index
        %get3A_1403 = tpu.vector_load %arg8[%get3A_1401, %get3A_1402] {strides = array<i32>} : memref<128x256xf32, #tpu.memory_space<vmem>>, vector<1x16xf32>,
        %get3A_1404 = vector.shape_cast %get3A_1403 : vector<1x16xf32> to vector<16xf32>
        %add3A_1405 = arith.addf %while3A_1289, %get3A_1404 : vector<16xf32>
        %add3A_1406 = arith.constant 0 : i32
        %add3A_1407 = arith.addi %add3A_1406, %add3A_1293 : i32
        %add3A_1408 = arith.constant 1 : i32
        %add3A_1409 = arith.addi %add3A_1407, %add3A_1408 : i32
        %get3A_1410 = arith.index_cast %add3A_1409 : i32 to index
        %get3A_1411 = arith.constant 0 : index
        %get3A_1412 = tpu.vector_load %arg8[%get3A_1410, %get3A_1411] {strides = array<i32>} : memref<128x256xf32, #tpu.memory_space<vmem>>, vector<1x16xf32>,
        %get3A_1413 = vector.shape_cast %get3A_1412 : vector<1x16xf32> to vector<16xf32>
        %add3A_1414 = arith.addf %add3A_1300, %get3A_1413 : vector<16xf32>
        %add3A_1415 = arith.constant 0 : i32
        %add3A_1416 = arith.addi %add3A_1415, %add3A_1293 : i32
        %add3A_1417 = arith.constant 1 : i32
        %add3A_1418 = arith.addi %add3A_1416, %add3A_1417 : i32
        %get3A_1419 = arith.index_cast %add3A_1418 : i32 to index
        %get3A_1420 = arith.constant 16 : index
        %get3A_1421 = tpu.vector_load %arg8[%get3A_1419, %get3A_1420] {strides = array<i32>} : memref<128x256xf32, #tpu.memory_space<vmem>>, vector<1x16xf32>,
        %get3A_1422 = vector.shape_cast %get3A_1421 : vector<1x16xf32> to vector<16xf32>
        %add3A_1423 = arith.addf %add3A_1307, %get3A_1422 : vector<16xf32>
        %add3A_1424 = arith.constant 0 : i32
        %add3A_1425 = arith.addi %add3A_1424, %add3A_1293 : i32
        %add3A_1426 = arith.constant 1 : i32
        %add3A_1427 = arith.addi %add3A_1425, %add3A_1426 : i32
        %get3A_1428 = arith.index_cast %add3A_1427 : i32 to index
        %get3A_1429 = arith.constant 32 : index
        %get3A_1430 = tpu.vector_load %arg8[%get3A_1428, %get3A_1429] {strides = array<i32>} : memref<128x256xf32, #tpu.memory_space<vmem>>, vector<1x16xf32>,
        %get3A_1431 = vector.shape_cast %get3A_1430 : vector<1x16xf32> to vector<16xf32>
        %add3A_1432 = arith.addf %add3A_1314, %get3A_1431 : vector<16xf32>
        %add3A_1433 = arith.constant 0 : i32
        %add3A_1434 = arith.addi %add3A_1433, %add3A_1293 : i32
        %add3A_1435 = arith.constant 1 : i32
        %add3A_1436 = arith.addi %add3A_1434, %add3A_1435 : i32
        %get3A_1437 = arith.index_cast %add3A_1436 : i32 to index
        %get3A_1438 = arith.constant 48 : index
        %get3A_1439 = tpu.vector_load %arg8[%get3A_1437, %get3A_1438] {strides = array<i32>} : memref<128x256xf32, #tpu.memory_space<vmem>>, vector<1x16xf32>,
        %get3A_1440 = vector.shape_cast %get3A_1439 : vector<1x16xf32> to vector<16xf32>
        %add3A_1441 = arith.addf %add3A_1321, %get3A_1440 : vector<16xf32>
        %add3A_1442 = arith.constant 0 : i32
        %add3A_1443 = arith.addi %add3A_1442, %add3A_1293 : i32
        %add3A_1444 = arith.constant 1 : i32
        %add3A_1445 = arith.addi %add3A_1443, %add3A_1444 : i32
        %get3A_1446 = arith.index_cast %add3A_1445 : i32 to index
        %get3A_1447 = arith.constant 64 : index
        %get3A_1448 = tpu.vector_load %arg8[%get3A_1446, %get3A_1447] {strides = array<i32>} : memref<128x256xf32, #tpu.memory_space<vmem>>, vector<1x16xf32>,
        %get3A_1449 = vector.shape_cast %get3A_1448 : vector<1x16xf32> to vector<16xf32>
        %add3A_1450 = arith.addf %add3A_1328, %get3A_1449 : vector<16xf32>
        %add3A_1451 = arith.constant 0 : i32
        %add3A_1452 = arith.addi %add3A_1451, %add3A_1293 : i32
        %add3A_1453 = arith.constant 1 : i32
        %add3A_1454 = arith.addi %add3A_1452, %add3A_1453 : i32
        %get3A_1455 = arith.index_cast %add3A_1454 : i32 to index
        %get3A_1456 = arith.constant 80 : index
        %get3A_1457 = tpu.vector_load %arg8[%get3A_1455, %get3A_1456] {strides = array<i32>} : memref<128x256xf32, #tpu.memory_space<vmem>>, vector<1x16xf32>,
        %get3A_1458 = vector.shape_cast %get3A_1457 : vector<1x16xf32> to vector<16xf32>
        %add3A_1459 = arith.addf %add3A_1335, %get3A_1458 : vector<16xf32>
        %add3A_1460 = arith.constant 0 : i32
        %add3A_1461 = arith.addi %add3A_1460, %add3A_1293 : i32
        %add3A_1462 = arith.constant 1 : i32
        %add3A_1463 = arith.addi %add3A_1461, %add3A_1462 : i32
        %get3A_1464 = arith.index_cast %add3A_1463 : i32 to index
        %get3A_1465 = arith.constant 96 : index
        %get3A_1466 = tpu.vector_load %arg8[%get3A_1464, %get3A_1465] {strides = array<i32>} : memref<128x256xf32, #tpu.memory_space<vmem>>, vector<1x16xf32>,
        %get3A_1467 = vector.shape_cast %get3A_1466 : vector<1x16xf32> to vector<16xf32>
        %add3A_1468 = arith.addf %add3A_1342, %get3A_1467 : vector<16xf32>
        %add3A_1469 = arith.constant 0 : i32
        %add3A_1470 = arith.addi %add3A_1469, %add3A_1293 : i32
        %add3A_1471 = arith.constant 1 : i32
        %add3A_1472 = arith.addi %add3A_1470, %add3A_1471 : i32
        %get3A_1473 = arith.index_cast %add3A_1472 : i32 to index
        %get3A_1474 = arith.constant 112 : index
        %get3A_1475 = tpu.vector_load %arg8[%get3A_1473, %get3A_1474] {strides = array<i32>} : memref<128x256xf32, #tpu.memory_space<vmem>>, vector<1x16xf32>,
        %get3A_1476 = vector.shape_cast %get3A_1475 : vector<1x16xf32> to vector<16xf32>
        %add3A_1477 = arith.addf %add3A_1349, %get3A_1476 : vector<16xf32>
        %add3A_1478 = arith.constant 0 : i32
        %add3A_1479 = arith.addi %add3A_1478, %add3A_1293 : i32
        %add3A_1480 = arith.constant 1 : i32
        %add3A_1481 = arith.addi %add3A_1479, %add3A_1480 : i32
        %get3A_1482 = arith.index_cast %add3A_1481 : i32 to index
        %get3A_1483 = arith.constant 128 : index
        %get3A_1484 = tpu.vector_load %arg8[%get3A_1482, %get3A_1483] {strides = array<i32>} : memref<128x256xf32, #tpu.memory_space<vmem>>, vector<1x16xf32>,
        %get3A_1485 = vector.shape_cast %get3A_1484 : vector<1x16xf32> to vector<16xf32>
        %add3A_1486 = arith.addf %add3A_1356, %get3A_1485 : vector<16xf32>
        %add3A_1487 = arith.constant 0 : i32
        %add3A_1488 = arith.addi %add3A_1487, %add3A_1293 : i32
        %add3A_1489 = arith.constant 1 : i32
        %add3A_1490 = arith.addi %add3A_1488, %add3A_1489 : i32
        %get3A_1491 = arith.index_cast %add3A_1490 : i32 to index
        %get3A_1492 = arith.constant 144 : index
        %get3A_1493 = tpu.vector_load %arg8[%get3A_1491, %get3A_1492] {strides = array<i32>} : memref<128x256xf32, #tpu.memory_space<vmem>>, vector<1x16xf32>,
        %get3A_1494 = vector.shape_cast %get3A_1493 : vector<1x16xf32> to vector<16xf32>
        %add3A_1495 = arith.addf %add3A_1363, %get3A_1494 : vector<16xf32>
        %add3A_1496 = arith.constant 0 : i32
        %add3A_1497 = arith.addi %add3A_1496, %add3A_1293 : i32
        %add3A_1498 = arith.constant 1 : i32
        %add3A_1499 = arith.addi %add3A_1497, %add3A_1498 : i32
        %get3A_1500 = arith.index_cast %add3A_1499 : i32 to index
        %get3A_1501 = arith.constant 160 : index
        %get3A_1502 = tpu.vector_load %arg8[%get3A_1500, %get3A_1501] {strides = array<i32>} : memref<128x256xf32, #tpu.memory_space<vmem>>, vector<1x16xf32>,
        %get3A_1503 = vector.shape_cast %get3A_1502 : vector<1x16xf32> to vector<16xf32>
        %add3A_1504 = arith.addf %add3A_1370, %get3A_1503 : vector<16xf32>
        %add3A_1505 = arith.constant 0 : i32
        %add3A_1506 = arith.addi %add3A_1505, %add3A_1293 : i32
        %add3A_1507 = arith.constant 1 : i32
        %add3A_1508 = arith.addi %add3A_1506, %add3A_1507 : i32
        %get3A_1509 = arith.index_cast %add3A_1508 : i32 to index
        %get3A_1510 = arith.constant 176 : index
        %get3A_1511 = tpu.vector_load %arg8[%get3A_1509, %get3A_1510] {strides = array<i32>} : memref<128x256xf32, #tpu.memory_space<vmem>>, vector<1x16xf32>,
        %get3A_1512 = vector.shape_cast %get3A_1511 : vector<1x16xf32> to vector<16xf32>
        %add3A_1513 = arith.addf %add3A_1377, %get3A_1512 : vector<16xf32>
        %add3A_1514 = arith.constant 0 : i32
        %add3A_1515 = arith.addi %add3A_1514, %add3A_1293 : i32
        %add3A_1516 = arith.constant 1 : i32
        %add3A_1517 = arith.addi %add3A_1515, %add3A_1516 : i32
        %get3A_1518 = arith.index_cast %add3A_1517 : i32 to index
        %get3A_1519 = arith.constant 192 : index
        %get3A_1520 = tpu.vector_load %arg8[%get3A_1518, %get3A_1519] {strides = array<i32>} : memref<128x256xf32, #tpu.memory_space<vmem>>, vector<1x16xf32>,
        %get3A_1521 = vector.shape_cast %get3A_1520 : vector<1x16xf32> to vector<16xf32>
        %add3A_1522 = arith.addf %add3A_1384, %get3A_1521 : vector<16xf32>
        %add3A_1523 = arith.constant 0 : i32
        %add3A_1524 = arith.addi %add3A_1523, %add3A_1293 : i32
        %add3A_1525 = arith.constant 1 : i32
        %add3A_1526 = arith.addi %add3A_1524, %add3A_1525 : i32
        %get3A_1527 = arith.index_cast %add3A_1526 : i32 to index
        %get3A_1528 = arith.constant 208 : index
        %get3A_1529 = tpu.vector_load %arg8[%get3A_1527, %get3A_1528] {strides = array<i32>} : memref<128x256xf32, #tpu.memory_space<vmem>>, vector<1x16xf32>,
        %get3A_1530 = vector.shape_cast %get3A_1529 : vector<1x16xf32> to vector<16xf32>
        %add3A_1531 = arith.addf %add3A_1391, %get3A_1530 : vector<16xf32>
        %add3A_1532 = arith.constant 0 : i32
        %add3A_1533 = arith.addi %add3A_1532, %add3A_1293 : i32
        %add3A_1534 = arith.constant 1 : i32
        %add3A_1535 = arith.addi %add3A_1533, %add3A_1534 : i32
        %get3A_1536 = arith.index_cast %add3A_1535 : i32 to index
        %get3A_1537 = arith.constant 224 : index
        %get3A_1538 = tpu.vector_load %arg8[%get3A_1536, %get3A_1537] {strides = array<i32>} : memref<128x256xf32, #tpu.memory_space<vmem>>, vector<1x16xf32>,
        %get3A_1539 = vector.shape_cast %get3A_1538 : vector<1x16xf32> to vector<16xf32>
        %add3A_1540 = arith.addf %add3A_1398, %get3A_1539 : vector<16xf32>
        %add3A_1541 = arith.constant 0 : i32
        %add3A_1542 = arith.addi %add3A_1541, %add3A_1293 : i32
        %add3A_1543 = arith.constant 1 : i32
        %add3A_1544 = arith.addi %add3A_1542, %add3A_1543 : i32
        %get3A_1545 = arith.index_cast %add3A_1544 : i32 to index
        %get3A_1546 = arith.constant 240 : index
        %get3A_1547 = tpu.vector_load %arg8[%get3A_1545, %get3A_1546] {strides = array<i32>} : memref<128x256xf32, #tpu.memory_space<vmem>>, vector<1x16xf32>,
        %get3A_1548 = vector.shape_cast %get3A_1547 : vector<1x16xf32> to vector<16xf32>
        %add3A_1549 = arith.addf %add3A_1405, %get3A_1548 : vector<16xf32>
        scf.yield %add3A_1414, %add3A_1423, %add3A_1432, %add3A_1441, %add3A_1450, %add3A_1459, %add3A_1468, %add3A_1477, %add3A_1486, %add3A_1495, %add3A_1504, %add3A_1513, %add3A_1522, %add3A_1531, %add3A_1540, %add3A_1549 : vector<16xf32>, vector<16xf32>, vector<16xf32>, vector<16xf32>, vector<16xf32>, vector<16xf32>, vector<16xf32>, vector<16xf32>, vector<16xf32>, vector<16xf32>, vector<16xf32>, vector<16xf32>, vector<16xf32>, vector<16xf32>, vector<16xf32>, vector<16xf32>
      }
      %while3A_262 = arith.constant 1 : i32
      %while3A_263:16 = scf.for %while3A_1273 = %while3A_259 to %while3A_255 step %while3A_262 iter_args(%while3A_1274 = %while3A_261#0, %while3A_1275 = %while3A_261#1, %while3A_1276 = %while3A_261#2, %while3A_1277 = %while3A_261#3, %while3A_1278 = %while3A_261#4, %while3A_1279 = %while3A_261#5, %while3A_1280 = %while3A_261#6, %while3A_1281 = %while3A_261#7, %while3A_1282 = %while3A_261#8, %while3A_1283 = %while3A_261#9, %while3A_1284 = %while3A_261#10, %while3A_1285 = %while3A_261#11, %while3A_1286 = %while3A_261#12, %while3A_1287 = %while3A_261#13, %while3A_1288 = %while3A_261#14, %while3A_1289 = %while3A_261#15) -> (vector<16xf32>, vector<16xf32>, vector<16xf32>, vector<16xf32>, vector<16xf32>, vector<16xf32>, vector<16xf32>, vector<16xf32>, vector<16xf32>, vector<16xf32>, vector<16xf32>, vector<16xf32>, vector<16xf32>, vector<16xf32>, vector<16xf32>, vector<16xf32>)  : i32 {
        %mul3A_1290 = arith.constant 2 : i32
        %mul3A_1291 = arith.muli %mul3A_1290, %while3A_1273 : i32
        %add3A_1292 = arith.constant 1 : i32
        %add3A_1293 = arith.addi %add3A_1292, %mul3A_1291 : i32
        %add3A_1294 = arith.constant 0 : i32
        %add3A_1295 = arith.addi %add3A_1294, %add3A_1293 : i32
        %get3A_1296 = arith.index_cast %add3A_1295 : i32 to index
        %get3A_1297 = arith.constant 0 : index
        %get3A_1298 = tpu.vector_load %arg8[%get3A_1296, %get3A_1297] {strides = array<i32>} : memref<128x256xf32, #tpu.memory_space<vmem>>, vector<1x16xf32>,
        %get3A_1299 = vector.shape_cast %get3A_1298 : vector<1x16xf32> to vector<16xf32>
        %add3A_1300 = arith.addf %while3A_1274, %get3A_1299 : vector<16xf32>
        %add3A_1301 = arith.constant 0 : i32
        %add3A_1302 = arith.addi %add3A_1301, %add3A_1293 : i32
        %get3A_1303 = arith.index_cast %add3A_1302 : i32 to index
        %get3A_1304 = arith.constant 16 : index
        %get3A_1305 = tpu.vector_load %arg8[%get3A_1303, %get3A_1304] {strides = array<i32>} : memref<128x256xf32, #tpu.memory_space<vmem>>, vector<1x16xf32>,
        %get3A_1306 = vector.shape_cast %get3A_1305 : vector<1x16xf32> to vector<16xf32>
        %add3A_1307 = arith.addf %while3A_1275, %get3A_1306 : vector<16xf32>
        %add3A_1308 = arith.constant 0 : i32
        %add3A_1309 = arith.addi %add3A_1308, %add3A_1293 : i32
        %get3A_1310 = arith.index_cast %add3A_1309 : i32 to index
        %get3A_1311 = arith.constant 32 : index
        %get3A_1312 = tpu.vector_load %arg8[%get3A_1310, %get3A_1311] {strides = array<i32>} : memref<128x256xf32, #tpu.memory_space<vmem>>, vector<1x16xf32>,
        %get3A_1313 = vector.shape_cast %get3A_1312 : vector<1x16xf32> to vector<16xf32>
        %add3A_1314 = arith.addf %while3A_1276, %get3A_1313 : vector<16xf32>
        %add3A_1315 = arith.constant 0 : i32
        %add3A_1316 = arith.addi %add3A_1315, %add3A_1293 : i32
        %get3A_1317 = arith.index_cast %add3A_1316 : i32 to index
        %get3A_1318 = arith.constant 48 : index
        %get3A_1319 = tpu.vector_load %arg8[%get3A_1317, %get3A_1318] {strides = array<i32>} : memref<128x256xf32, #tpu.memory_space<vmem>>, vector<1x16xf32>,
        %get3A_1320 = vector.shape_cast %get3A_1319 : vector<1x16xf32> to vector<16xf32>
        %add3A_1321 = arith.addf %while3A_1277, %get3A_1320 : vector<16xf32>
        %add3A_1322 = arith.constant 0 : i32
        %add3A_1323 = arith.addi %add3A_1322, %add3A_1293 : i32
        %get3A_1324 = arith.index_cast %add3A_1323 : i32 to index
        %get3A_1325 = arith.constant 64 : index
        %get3A_1326 = tpu.vector_load %arg8[%get3A_1324, %get3A_1325] {strides = array<i32>} : memref<128x256xf32, #tpu.memory_space<vmem>>, vector<1x16xf32>,
        %get3A_1327 = vector.shape_cast %get3A_1326 : vector<1x16xf32> to vector<16xf32>
        %add3A_1328 = arith.addf %while3A_1278, %get3A_1327 : vector<16xf32>
        %add3A_1329 = arith.constant 0 : i32
        %add3A_1330 = arith.addi %add3A_1329, %add3A_1293 : i32
        %get3A_1331 = arith.index_cast %add3A_1330 : i32 to index
        %get3A_1332 = arith.constant 80 : index
        %get3A_1333 = tpu.vector_load %arg8[%get3A_1331, %get3A_1332] {strides = array<i32>} : memref<128x256xf32, #tpu.memory_space<vmem>>, vector<1x16xf32>,
        %get3A_1334 = vector.shape_cast %get3A_1333 : vector<1x16xf32> to vector<16xf32>
        %add3A_1335 = arith.addf %while3A_1279, %get3A_1334 : vector<16xf32>
        %add3A_1336 = arith.constant 0 : i32
        %add3A_1337 = arith.addi %add3A_1336, %add3A_1293 : i32
        %get3A_1338 = arith.index_cast %add3A_1337 : i32 to index
        %get3A_1339 = arith.constant 96 : index
        %get3A_1340 = tpu.vector_load %arg8[%get3A_1338, %get3A_1339] {strides = array<i32>} : memref<128x256xf32, #tpu.memory_space<vmem>>, vector<1x16xf32>,
        %get3A_1341 = vector.shape_cast %get3A_1340 : vector<1x16xf32> to vector<16xf32>
        %add3A_1342 = arith.addf %while3A_1280, %get3A_1341 : vector<16xf32>
        %add3A_1343 = arith.constant 0 : i32
        %add3A_1344 = arith.addi %add3A_1343, %add3A_1293 : i32
        %get3A_1345 = arith.index_cast %add3A_1344 : i32 to index
        %get3A_1346 = arith.constant 112 : index
        %get3A_1347 = tpu.vector_load %arg8[%get3A_1345, %get3A_1346] {strides = array<i32>} : memref<128x256xf32, #tpu.memory_space<vmem>>, vector<1x16xf32>,
        %get3A_1348 = vector.shape_cast %get3A_1347 : vector<1x16xf32> to vector<16xf32>
        %add3A_1349 = arith.addf %while3A_1281, %get3A_1348 : vector<16xf32>
        %add3A_1350 = arith.constant 0 : i32
        %add3A_1351 = arith.addi %add3A_1350, %add3A_1293 : i32
        %get3A_1352 = arith.index_cast %add3A_1351 : i32 to index
        %get3A_1353 = arith.constant 128 : index
        %get3A_1354 = tpu.vector_load %arg8[%get3A_1352, %get3A_1353] {strides = array<i32>} : memref<128x256xf32, #tpu.memory_space<vmem>>, vector<1x16xf32>,
        %get3A_1355 = vector.shape_cast %get3A_1354 : vector<1x16xf32> to vector<16xf32>
        %add3A_1356 = arith.addf %while3A_1282, %get3A_1355 : vector<16xf32>
        %add3A_1357 = arith.constant 0 : i32
        %add3A_1358 = arith.addi %add3A_1357, %add3A_1293 : i32
        %get3A_1359 = arith.index_cast %add3A_1358 : i32 to index
        %get3A_1360 = arith.constant 144 : index
        %get3A_1361 = tpu.vector_load %arg8[%get3A_1359, %get3A_1360] {strides = array<i32>} : memref<128x256xf32, #tpu.memory_space<vmem>>, vector<1x16xf32>,
        %get3A_1362 = vector.shape_cast %get3A_1361 : vector<1x16xf32> to vector<16xf32>
        %add3A_1363 = arith.addf %while3A_1283, %get3A_1362 : vector<16xf32>
        %add3A_1364 = arith.constant 0 : i32
        %add3A_1365 = arith.addi %add3A_1364, %add3A_1293 : i32
        %get3A_1366 = arith.index_cast %add3A_1365 : i32 to index
        %get3A_1367 = arith.constant 160 : index
        %get3A_1368 = tpu.vector_load %arg8[%get3A_1366, %get3A_1367] {strides = array<i32>} : memref<128x256xf32, #tpu.memory_space<vmem>>, vector<1x16xf32>,
        %get3A_1369 = vector.shape_cast %get3A_1368 : vector<1x16xf32> to vector<16xf32>
        %add3A_1370 = arith.addf %while3A_1284, %get3A_1369 : vector<16xf32>
        %add3A_1371 = arith.constant 0 : i32
        %add3A_1372 = arith.addi %add3A_1371, %add3A_1293 : i32
        %get3A_1373 = arith.index_cast %add3A_1372 : i32 to index
        %get3A_1374 = arith.constant 176 : index
        %get3A_1375 = tpu.vector_load %arg8[%get3A_1373, %get3A_1374] {strides = array<i32>} : memref<128x256xf32, #tpu.memory_space<vmem>>, vector<1x16xf32>,
        %get3A_1376 = vector.shape_cast %get3A_1375 : vector<1x16xf32> to vector<16xf32>
        %add3A_1377 = arith.addf %while3A_1285, %get3A_1376 : vector<16xf32>
        %add3A_1378 = arith.constant 0 : i32
        %add3A_1379 = arith.addi %add3A_1378, %add3A_1293 : i32
        %get3A_1380 = arith.index_cast %add3A_1379 : i32 to index
        %get3A_1381 = arith.constant 192 : index
        %get3A_1382 = tpu.vector_load %arg8[%get3A_1380, %get3A_1381] {strides = array<i32>} : memref<128x256xf32, #tpu.memory_space<vmem>>, vector<1x16xf32>,
        %get3A_1383 = vector.shape_cast %get3A_1382 : vector<1x16xf32> to vector<16xf32>
        %add3A_1384 = arith.addf %while3A_1286, %get3A_1383 : vector<16xf32>
        %add3A_1385 = arith.constant 0 : i32
        %add3A_1386 = arith.addi %add3A_1385, %add3A_1293 : i32
        %get3A_1387 = arith.index_cast %add3A_1386 : i32 to index
        %get3A_1388 = arith.constant 208 : index
        %get3A_1389 = tpu.vector_load %arg8[%get3A_1387, %get3A_1388] {strides = array<i32>} : memref<128x256xf32, #tpu.memory_space<vmem>>, vector<1x16xf32>,
        %get3A_1390 = vector.shape_cast %get3A_1389 : vector<1x16xf32> to vector<16xf32>
        %add3A_1391 = arith.addf %while3A_1287, %get3A_1390 : vector<16xf32>
        %add3A_1392 = arith.constant 0 : i32
        %add3A_1393 = arith.addi %add3A_1392, %add3A_1293 : i32
        %get3A_1394 = arith.index_cast %add3A_1393 : i32 to index
        %get3A_1395 = arith.constant 224 : index
        %get3A_1396 = tpu.vector_load %arg8[%get3A_1394, %get3A_1395] {strides = array<i32>} : memref<128x256xf32, #tpu.memory_space<vmem>>, vector<1x16xf32>,
        %get3A_1397 = vector.shape_cast %get3A_1396 : vector<1x16xf32> to vector<16xf32>
        %add3A_1398 = arith.addf %while3A_1288, %get3A_1397 : vector<16xf32>
        %add3A_1399 = arith.constant 0 : i32
        %add3A_1400 = arith.addi %add3A_1399, %add3A_1293 : i32
        %get3A_1401 = arith.index_cast %add3A_1400 : i32 to index
        %get3A_1402 = arith.constant 240 : index
        %get3A_1403 = tpu.vector_load %arg8[%get3A_1401, %get3A_1402] {strides = array<i32>} : memref<128x256xf32, #tpu.memory_space<vmem>>, vector<1x16xf32>,
        %get3A_1404 = vector.shape_cast %get3A_1403 : vector<1x16xf32> to vector<16xf32>
        %add3A_1405 = arith.addf %while3A_1289, %get3A_1404 : vector<16xf32>
        %add3A_1406 = arith.constant 0 : i32
        %add3A_1407 = arith.addi %add3A_1406, %add3A_1293 : i32
        %add3A_1408 = arith.constant 1 : i32
        %add3A_1409 = arith.addi %add3A_1407, %add3A_1408 : i32
        %get3A_1410 = arith.index_cast %add3A_1409 : i32 to index
        %get3A_1411 = arith.constant 0 : index
        %get3A_1412 = tpu.vector_load %arg8[%get3A_1410, %get3A_1411] {strides = array<i32>} : memref<128x256xf32, #tpu.memory_space<vmem>>, vector<1x16xf32>,
        %get3A_1413 = vector.shape_cast %get3A_1412 : vector<1x16xf32> to vector<16xf32>
        %add3A_1414 = arith.addf %add3A_1300, %get3A_1413 : vector<16xf32>
        %add3A_1415 = arith.constant 0 : i32
        %add3A_1416 = arith.addi %add3A_1415, %add3A_1293 : i32
        %add3A_1417 = arith.constant 1 : i32
        %add3A_1418 = arith.addi %add3A_1416, %add3A_1417 : i32
        %get3A_1419 = arith.index_cast %add3A_1418 : i32 to index
        %get3A_1420 = arith.constant 16 : index
        %get3A_1421 = tpu.vector_load %arg8[%get3A_1419, %get3A_1420] {strides = array<i32>} : memref<128x256xf32, #tpu.memory_space<vmem>>, vector<1x16xf32>,
        %get3A_1422 = vector.shape_cast %get3A_1421 : vector<1x16xf32> to vector<16xf32>
        %add3A_1423 = arith.addf %add3A_1307, %get3A_1422 : vector<16xf32>
        %add3A_1424 = arith.constant 0 : i32
        %add3A_1425 = arith.addi %add3A_1424, %add3A_1293 : i32
        %add3A_1426 = arith.constant 1 : i32
        %add3A_1427 = arith.addi %add3A_1425, %add3A_1426 : i32
        %get3A_1428 = arith.index_cast %add3A_1427 : i32 to index
        %get3A_1429 = arith.constant 32 : index
        %get3A_1430 = tpu.vector_load %arg8[%get3A_1428, %get3A_1429] {strides = array<i32>} : memref<128x256xf32, #tpu.memory_space<vmem>>, vector<1x16xf32>,
        %get3A_1431 = vector.shape_cast %get3A_1430 : vector<1x16xf32> to vector<16xf32>
        %add3A_1432 = arith.addf %add3A_1314, %get3A_1431 : vector<16xf32>
        %add3A_1433 = arith.constant 0 : i32
        %add3A_1434 = arith.addi %add3A_1433, %add3A_1293 : i32
        %add3A_1435 = arith.constant 1 : i32
        %add3A_1436 = arith.addi %add3A_1434, %add3A_1435 : i32
        %get3A_1437 = arith.index_cast %add3A_1436 : i32 to index
        %get3A_1438 = arith.constant 48 : index
        %get3A_1439 = tpu.vector_load %arg8[%get3A_1437, %get3A_1438] {strides = array<i32>} : memref<128x256xf32, #tpu.memory_space<vmem>>, vector<1x16xf32>,
        %get3A_1440 = vector.shape_cast %get3A_1439 : vector<1x16xf32> to vector<16xf32>
        %add3A_1441 = arith.addf %add3A_1321, %get3A_1440 : vector<16xf32>
        %add3A_1442 = arith.constant 0 : i32
        %add3A_1443 = arith.addi %add3A_1442, %add3A_1293 : i32
        %add3A_1444 = arith.constant 1 : i32
        %add3A_1445 = arith.addi %add3A_1443, %add3A_1444 : i32
        %get3A_1446 = arith.index_cast %add3A_1445 : i32 to index
        %get3A_1447 = arith.constant 64 : index
        %get3A_1448 = tpu.vector_load %arg8[%get3A_1446, %get3A_1447] {strides = array<i32>} : memref<128x256xf32, #tpu.memory_space<vmem>>, vector<1x16xf32>,
        %get3A_1449 = vector.shape_cast %get3A_1448 : vector<1x16xf32> to vector<16xf32>
        %add3A_1450 = arith.addf %add3A_1328, %get3A_1449 : vector<16xf32>
        %add3A_1451 = arith.constant 0 : i32
        %add3A_1452 = arith.addi %add3A_1451, %add3A_1293 : i32
        %add3A_1453 = arith.constant 1 : i32
        %add3A_1454 = arith.addi %add3A_1452, %add3A_1453 : i32
        %get3A_1455 = arith.index_cast %add3A_1454 : i32 to index
        %get3A_1456 = arith.constant 80 : index
        %get3A_1457 = tpu.vector_load %arg8[%get3A_1455, %get3A_1456] {strides = array<i32>} : memref<128x256xf32, #tpu.memory_space<vmem>>, vector<1x16xf32>,
        %get3A_1458 = vector.shape_cast %get3A_1457 : vector<1x16xf32> to vector<16xf32>
        %add3A_1459 = arith.addf %add3A_1335, %get3A_1458 : vector<16xf32>
        %add3A_1460 = arith.constant 0 : i32
        %add3A_1461 = arith.addi %add3A_1460, %add3A_1293 : i32
        %add3A_1462 = arith.constant 1 : i32
        %add3A_1463 = arith.addi %add3A_1461, %add3A_1462 : i32
        %get3A_1464 = arith.index_cast %add3A_1463 : i32 to index
        %get3A_1465 = arith.constant 96 : index
        %get3A_1466 = tpu.vector_load %arg8[%get3A_1464, %get3A_1465] {strides = array<i32>} : memref<128x256xf32, #tpu.memory_space<vmem>>, vector<1x16xf32>,
        %get3A_1467 = vector.shape_cast %get3A_1466 : vector<1x16xf32> to vector<16xf32>
        %add3A_1468 = arith.addf %add3A_1342, %get3A_1467 : vector<16xf32>
        %add3A_1469 = arith.constant 0 : i32
        %add3A_1470 = arith.addi %add3A_1469, %add3A_1293 : i32
        %add3A_1471 = arith.constant 1 : i32
        %add3A_1472 = arith.addi %add3A_1470, %add3A_1471 : i32
        %get3A_1473 = arith.index_cast %add3A_1472 : i32 to index
        %get3A_1474 = arith.constant 112 : index
        %get3A_1475 = tpu.vector_load %arg8[%get3A_1473, %get3A_1474] {strides = array<i32>} : memref<128x256xf32, #tpu.memory_space<vmem>>, vector<1x16xf32>,
        %get3A_1476 = vector.shape_cast %get3A_1475 : vector<1x16xf32> to vector<16xf32>
        %add3A_1477 = arith.addf %add3A_1349, %get3A_1476 : vector<16xf32>
        %add3A_1478 = arith.constant 0 : i32
        %add3A_1479 = arith.addi %add3A_1478, %add3A_1293 : i32
        %add3A_1480 = arith.constant 1 : i32
        %add3A_1481 = arith.addi %add3A_1479, %add3A_1480 : i32
        %get3A_1482 = arith.index_cast %add3A_1481 : i32 to index
        %get3A_1483 = arith.constant 128 : index
        %get3A_1484 = tpu.vector_load %arg8[%get3A_1482, %get3A_1483] {strides = array<i32>} : memref<128x256xf32, #tpu.memory_space<vmem>>, vector<1x16xf32>,
        %get3A_1485 = vector.shape_cast %get3A_1484 : vector<1x16xf32> to vector<16xf32>
        %add3A_1486 = arith.addf %add3A_1356, %get3A_1485 : vector<16xf32>
        %add3A_1487 = arith.constant 0 : i32
        %add3A_1488 = arith.addi %add3A_1487, %add3A_1293 : i32
        %add3A_1489 = arith.constant 1 : i32
        %add3A_1490 = arith.addi %add3A_1488, %add3A_1489 : i32
        %get3A_1491 = arith.index_cast %add3A_1490 : i32 to index
        %get3A_1492 = arith.constant 144 : index
        %get3A_1493 = tpu.vector_load %arg8[%get3A_1491, %get3A_1492] {strides = array<i32>} : memref<128x256xf32, #tpu.memory_space<vmem>>, vector<1x16xf32>,
        %get3A_1494 = vector.shape_cast %get3A_1493 : vector<1x16xf32> to vector<16xf32>
        %add3A_1495 = arith.addf %add3A_1363, %get3A_1494 : vector<16xf32>
        %add3A_1496 = arith.constant 0 : i32
        %add3A_1497 = arith.addi %add3A_1496, %add3A_1293 : i32
        %add3A_1498 = arith.constant 1 : i32
        %add3A_1499 = arith.addi %add3A_1497, %add3A_1498 : i32
        %get3A_1500 = arith.index_cast %add3A_1499 : i32 to index
        %get3A_1501 = arith.constant 160 : index
        %get3A_1502 = tpu.vector_load %arg8[%get3A_1500, %get3A_1501] {strides = array<i32>} : memref<128x256xf32, #tpu.memory_space<vmem>>, vector<1x16xf32>,
        %get3A_1503 = vector.shape_cast %get3A_1502 : vector<1x16xf32> to vector<16xf32>
        %add3A_1504 = arith.addf %add3A_1370, %get3A_1503 : vector<16xf32>
        %add3A_1505 = arith.constant 0 : i32
        %add3A_1506 = arith.addi %add3A_1505, %add3A_1293 : i32
        %add3A_1507 = arith.constant 1 : i32
        %add3A_1508 = arith.addi %add3A_1506, %add3A_1507 : i32
        %get3A_1509 = arith.index_cast %add3A_1508 : i32 to index
        %get3A_1510 = arith.constant 176 : index
        %get3A_1511 = tpu.vector_load %arg8[%get3A_1509, %get3A_1510] {strides = array<i32>} : memref<128x256xf32, #tpu.memory_space<vmem>>, vector<1x16xf32>,
        %get3A_1512 = vector.shape_cast %get3A_1511 : vector<1x16xf32> to vector<16xf32>
        %add3A_1513 = arith.addf %add3A_1377, %get3A_1512 : vector<16xf32>
        %add3A_1514 = arith.constant 0 : i32
        %add3A_1515 = arith.addi %add3A_1514, %add3A_1293 : i32
        %add3A_1516 = arith.constant 1 : i32
        %add3A_1517 = arith.addi %add3A_1515, %add3A_1516 : i32
        %get3A_1518 = arith.index_cast %add3A_1517 : i32 to index
        %get3A_1519 = arith.constant 192 : index
        %get3A_1520 = tpu.vector_load %arg8[%get3A_1518, %get3A_1519] {strides = array<i32>} : memref<128x256xf32, #tpu.memory_space<vmem>>, vector<1x16xf32>,
        %get3A_1521 = vector.shape_cast %get3A_1520 : vector<1x16xf32> to vector<16xf32>
        %add3A_1522 = arith.addf %add3A_1384, %get3A_1521 : vector<16xf32>
        %add3A_1523 = arith.constant 0 : i32
        %add3A_1524 = arith.addi %add3A_1523, %add3A_1293 : i32
        %add3A_1525 = arith.constant 1 : i32
        %add3A_1526 = arith.addi %add3A_1524, %add3A_1525 : i32
        %get3A_1527 = arith.index_cast %add3A_1526 : i32 to index
        %get3A_1528 = arith.constant 208 : index
        %get3A_1529 = tpu.vector_load %arg8[%get3A_1527, %get3A_1528] {strides = array<i32>} : memref<128x256xf32, #tpu.memory_space<vmem>>, vector<1x16xf32>,
        %get3A_1530 = vector.shape_cast %get3A_1529 : vector<1x16xf32> to vector<16xf32>
        %add3A_1531 = arith.addf %add3A_1391, %get3A_1530 : vector<16xf32>
        %add3A_1532 = arith.constant 0 : i32
        %add3A_1533 = arith.addi %add3A_1532, %add3A_1293 : i32
        %add3A_1534 = arith.constant 1 : i32
        %add3A_1535 = arith.addi %add3A_1533, %add3A_1534 : i32
        %get3A_1536 = arith.index_cast %add3A_1535 : i32 to index
        %get3A_1537 = arith.constant 224 : index
        %get3A_1538 = tpu.vector_load %arg8[%get3A_1536, %get3A_1537] {strides = array<i32>} : memref<128x256xf32, #tpu.memory_space<vmem>>, vector<1x16xf32>,
        %get3A_1539 = vector.shape_cast %get3A_1538 : vector<1x16xf32> to vector<16xf32>
        %add3A_1540 = arith.addf %add3A_1398, %get3A_1539 : vector<16xf32>
        %add3A_1541 = arith.constant 0 : i32
        %add3A_1542 = arith.addi %add3A_1541, %add3A_1293 : i32
        %add3A_1543 = arith.constant 1 : i32
        %add3A_1544 = arith.addi %add3A_1542, %add3A_1543 : i32
        %get3A_1545 = arith.index_cast %add3A_1544 : i32 to index
        %get3A_1546 = arith.constant 240 : index
        %get3A_1547 = tpu.vector_load %arg8[%get3A_1545, %get3A_1546] {strides = array<i32>} : memref<128x256xf32, #tpu.memory_space<vmem>>, vector<1x16xf32>,
        %get3A_1548 = vector.shape_cast %get3A_1547 : vector<1x16xf32> to vector<16xf32>
        %add3A_1549 = arith.addf %add3A_1405, %get3A_1548 : vector<16xf32>
        scf.yield %add3A_1414, %add3A_1423, %add3A_1432, %add3A_1441, %add3A_1450, %add3A_1459, %add3A_1468, %add3A_1477, %add3A_1486, %add3A_1495, %add3A_1504, %add3A_1513, %add3A_1522, %add3A_1531, %add3A_1540, %add3A_1549 : vector<16xf32>, vector<16xf32>, vector<16xf32>, vector<16xf32>, vector<16xf32>, vector<16xf32>, vector<16xf32>, vector<16xf32>, vector<16xf32>, vector<16xf32>, vector<16xf32>, vector<16xf32>, vector<16xf32>, vector<16xf32>, vector<16xf32>, vector<16xf32>
      }
      %mul3A_264 = arith.constant 2 : i32
      %mul3A_265 = arith.muli %mul3A_264, %select_n3A : i32
      %add3A_266 = arith.constant 1 : i32
      %add3A_267 = arith.addi %add3A_266, %mul3A_265 : i32
      %while3A_268 = arith.subi %squeeze3A_155, %add3A_267 : i32
      %while3A_269 = arith.addi %add3A_267, %while3A_268 : i32
      %while3A_270 = arith.constant 1 : i32
      %while3A_271 = arith.divsi %while3A_268, %while3A_270 : i32
      %while3A_272 = arith.muli %while3A_271, %while3A_270 : i32
      %while3A_273 = arith.addi %add3A_267, %while3A_272 : i32
      %while3A_274 = arith.constant 1 : i32
      %while3A_275:16 = scf.for %while3A_1273 = %add3A_267 to %while3A_273 step %while3A_274 iter_args(%while3A_1274 = %while3A_263#0, %while3A_1275 = %while3A_263#1, %while3A_1276 = %while3A_263#2, %while3A_1277 = %while3A_263#3, %while3A_1278 = %while3A_263#4, %while3A_1279 = %while3A_263#5, %while3A_1280 = %while3A_263#6, %while3A_1281 = %while3A_263#7, %while3A_1282 = %while3A_263#8, %while3A_1283 = %while3A_263#9, %while3A_1284 = %while3A_263#10, %while3A_1285 = %while3A_263#11, %while3A_1286 = %while3A_263#12, %while3A_1287 = %while3A_263#13, %while3A_1288 = %while3A_263#14, %while3A_1289 = %while3A_263#15) -> (vector<16xf32>, vector<16xf32>, vector<16xf32>, vector<16xf32>, vector<16xf32>, vector<16xf32>, vector<16xf32>, vector<16xf32>, vector<16xf32>, vector<16xf32>, vector<16xf32>, vector<16xf32>, vector<16xf32>, vector<16xf32>, vector<16xf32>, vector<16xf32>)  : i32 {
        %add3A_1290 = arith.constant 0 : i32
        %add3A_1291 = arith.addi %add3A_1290, %while3A_1273 : i32
        %get3A_1292 = arith.index_cast %add3A_1291 : i32 to index
        %get3A_1293 = arith.constant 0 : index
        %get3A_1294 = tpu.vector_load %arg8[%get3A_1292, %get3A_1293] {strides = array<i32>} : memref<128x256xf32, #tpu.memory_space<vmem>>, vector<1x16xf32>,
        %get3A_1295 = vector.shape_cast %get3A_1294 : vector<1x16xf32> to vector<16xf32>
        %add3A_1296 = arith.addf %while3A_1274, %get3A_1295 : vector<16xf32>
        %add3A_1297 = arith.constant 0 : i32
        %add3A_1298 = arith.addi %add3A_1297, %while3A_1273 : i32
        %get3A_1299 = arith.index_cast %add3A_1298 : i32 to index
        %get3A_1300 = arith.constant 16 : index
        %get3A_1301 = tpu.vector_load %arg8[%get3A_1299, %get3A_1300] {strides = array<i32>} : memref<128x256xf32, #tpu.memory_space<vmem>>, vector<1x16xf32>,
        %get3A_1302 = vector.shape_cast %get3A_1301 : vector<1x16xf32> to vector<16xf32>
        %add3A_1303 = arith.addf %while3A_1275, %get3A_1302 : vector<16xf32>
        %add3A_1304 = arith.constant 0 : i32
        %add3A_1305 = arith.addi %add3A_1304, %while3A_1273 : i32
        %get3A_1306 = arith.index_cast %add3A_1305 : i32 to index
        %get3A_1307 = arith.constant 32 : index
        %get3A_1308 = tpu.vector_load %arg8[%get3A_1306, %get3A_1307] {strides = array<i32>} : memref<128x256xf32, #tpu.memory_space<vmem>>, vector<1x16xf32>,
        %get3A_1309 = vector.shape_cast %get3A_1308 : vector<1x16xf32> to vector<16xf32>
        %add3A_1310 = arith.addf %while3A_1276, %get3A_1309 : vector<16xf32>
        %add3A_1311 = arith.constant 0 : i32
        %add3A_1312 = arith.addi %add3A_1311, %while3A_1273 : i32
        %get3A_1313 = arith.index_cast %add3A_1312 : i32 to index
        %get3A_1314 = arith.constant 48 : index
        %get3A_1315 = tpu.vector_load %arg8[%get3A_1313, %get3A_1314] {strides = array<i32>} : memref<128x256xf32, #tpu.memory_space<vmem>>, vector<1x16xf32>,
        %get3A_1316 = vector.shape_cast %get3A_1315 : vector<1x16xf32> to vector<16xf32>
        %add3A_1317 = arith.addf %while3A_1277, %get3A_1316 : vector<16xf32>
        %add3A_1318 = arith.constant 0 : i32
        %add3A_1319 = arith.addi %add3A_1318, %while3A_1273 : i32
        %get3A_1320 = arith.index_cast %add3A_1319 : i32 to index
        %get3A_1321 = arith.constant 64 : index
        %get3A_1322 = tpu.vector_load %arg8[%get3A_1320, %get3A_1321] {strides = array<i32>} : memref<128x256xf32, #tpu.memory_space<vmem>>, vector<1x16xf32>,
        %get3A_1323 = vector.shape_cast %get3A_1322 : vector<1x16xf32> to vector<16xf32>
        %add3A_1324 = arith.addf %while3A_1278, %get3A_1323 : vector<16xf32>
        %add3A_1325 = arith.constant 0 : i32
        %add3A_1326 = arith.addi %add3A_1325, %while3A_1273 : i32
        %get3A_1327 = arith.index_cast %add3A_1326 : i32 to index
        %get3A_1328 = arith.constant 80 : index
        %get3A_1329 = tpu.vector_load %arg8[%get3A_1327, %get3A_1328] {strides = array<i32>} : memref<128x256xf32, #tpu.memory_space<vmem>>, vector<1x16xf32>,
        %get3A_1330 = vector.shape_cast %get3A_1329 : vector<1x16xf32> to vector<16xf32>
        %add3A_1331 = arith.addf %while3A_1279, %get3A_1330 : vector<16xf32>
        %add3A_1332 = arith.constant 0 : i32
        %add3A_1333 = arith.addi %add3A_1332, %while3A_1273 : i32
        %get3A_1334 = arith.index_cast %add3A_1333 : i32 to index
        %get3A_1335 = arith.constant 96 : index
        %get3A_1336 = tpu.vector_load %arg8[%get3A_1334, %get3A_1335] {strides = array<i32>} : memref<128x256xf32, #tpu.memory_space<vmem>>, vector<1x16xf32>,
        %get3A_1337 = vector.shape_cast %get3A_1336 : vector<1x16xf32> to vector<16xf32>
        %add3A_1338 = arith.addf %while3A_1280, %get3A_1337 : vector<16xf32>
        %add3A_1339 = arith.constant 0 : i32
        %add3A_1340 = arith.addi %add3A_1339, %while3A_1273 : i32
        %get3A_1341 = arith.index_cast %add3A_1340 : i32 to index
        %get3A_1342 = arith.constant 112 : index
        %get3A_1343 = tpu.vector_load %arg8[%get3A_1341, %get3A_1342] {strides = array<i32>} : memref<128x256xf32, #tpu.memory_space<vmem>>, vector<1x16xf32>,
        %get3A_1344 = vector.shape_cast %get3A_1343 : vector<1x16xf32> to vector<16xf32>
        %add3A_1345 = arith.addf %while3A_1281, %get3A_1344 : vector<16xf32>
        %add3A_1346 = arith.constant 0 : i32
        %add3A_1347 = arith.addi %add3A_1346, %while3A_1273 : i32
        %get3A_1348 = arith.index_cast %add3A_1347 : i32 to index
        %get3A_1349 = arith.constant 128 : index
        %get3A_1350 = tpu.vector_load %arg8[%get3A_1348, %get3A_1349] {strides = array<i32>} : memref<128x256xf32, #tpu.memory_space<vmem>>, vector<1x16xf32>,
        %get3A_1351 = vector.shape_cast %get3A_1350 : vector<1x16xf32> to vector<16xf32>
        %add3A_1352 = arith.addf %while3A_1282, %get3A_1351 : vector<16xf32>
        %add3A_1353 = arith.constant 0 : i32
        %add3A_1354 = arith.addi %add3A_1353, %while3A_1273 : i32
        %get3A_1355 = arith.index_cast %add3A_1354 : i32 to index
        %get3A_1356 = arith.constant 144 : index
        %get3A_1357 = tpu.vector_load %arg8[%get3A_1355, %get3A_1356] {strides = array<i32>} : memref<128x256xf32, #tpu.memory_space<vmem>>, vector<1x16xf32>,
        %get3A_1358 = vector.shape_cast %get3A_1357 : vector<1x16xf32> to vector<16xf32>
        %add3A_1359 = arith.addf %while3A_1283, %get3A_1358 : vector<16xf32>
        %add3A_1360 = arith.constant 0 : i32
        %add3A_1361 = arith.addi %add3A_1360, %while3A_1273 : i32
        %get3A_1362 = arith.index_cast %add3A_1361 : i32 to index
        %get3A_1363 = arith.constant 160 : index
        %get3A_1364 = tpu.vector_load %arg8[%get3A_1362, %get3A_1363] {strides = array<i32>} : memref<128x256xf32, #tpu.memory_space<vmem>>, vector<1x16xf32>,
        %get3A_1365 = vector.shape_cast %get3A_1364 : vector<1x16xf32> to vector<16xf32>
        %add3A_1366 = arith.addf %while3A_1284, %get3A_1365 : vector<16xf32>
        %add3A_1367 = arith.constant 0 : i32
        %add3A_1368 = arith.addi %add3A_1367, %while3A_1273 : i32
        %get3A_1369 = arith.index_cast %add3A_1368 : i32 to index
        %get3A_1370 = arith.constant 176 : index
        %get3A_1371 = tpu.vector_load %arg8[%get3A_1369, %get3A_1370] {strides = array<i32>} : memref<128x256xf32, #tpu.memory_space<vmem>>, vector<1x16xf32>,
        %get3A_1372 = vector.shape_cast %get3A_1371 : vector<1x16xf32> to vector<16xf32>
        %add3A_1373 = arith.addf %while3A_1285, %get3A_1372 : vector<16xf32>
        %add3A_1374 = arith.constant 0 : i32
        %add3A_1375 = arith.addi %add3A_1374, %while3A_1273 : i32
        %get3A_1376 = arith.index_cast %add3A_1375 : i32 to index
        %get3A_1377 = arith.constant 192 : index
        %get3A_1378 = tpu.vector_load %arg8[%get3A_1376, %get3A_1377] {strides = array<i32>} : memref<128x256xf32, #tpu.memory_space<vmem>>, vector<1x16xf32>,
        %get3A_1379 = vector.shape_cast %get3A_1378 : vector<1x16xf32> to vector<16xf32>
        %add3A_1380 = arith.addf %while3A_1286, %get3A_1379 : vector<16xf32>
        %add3A_1381 = arith.constant 0 : i32
        %add3A_1382 = arith.addi %add3A_1381, %while3A_1273 : i32
        %get3A_1383 = arith.index_cast %add3A_1382 : i32 to index
        %get3A_1384 = arith.constant 208 : index
        %get3A_1385 = tpu.vector_load %arg8[%get3A_1383, %get3A_1384] {strides = array<i32>} : memref<128x256xf32, #tpu.memory_space<vmem>>, vector<1x16xf32>,
        %get3A_1386 = vector.shape_cast %get3A_1385 : vector<1x16xf32> to vector<16xf32>
        %add3A_1387 = arith.addf %while3A_1287, %get3A_1386 : vector<16xf32>
        %add3A_1388 = arith.constant 0 : i32
        %add3A_1389 = arith.addi %add3A_1388, %while3A_1273 : i32
        %get3A_1390 = arith.index_cast %add3A_1389 : i32 to index
        %get3A_1391 = arith.constant 224 : index
        %get3A_1392 = tpu.vector_load %arg8[%get3A_1390, %get3A_1391] {strides = array<i32>} : memref<128x256xf32, #tpu.memory_space<vmem>>, vector<1x16xf32>,
        %get3A_1393 = vector.shape_cast %get3A_1392 : vector<1x16xf32> to vector<16xf32>
        %add3A_1394 = arith.addf %while3A_1288, %get3A_1393 : vector<16xf32>
        %add3A_1395 = arith.constant 0 : i32
        %add3A_1396 = arith.addi %add3A_1395, %while3A_1273 : i32
        %get3A_1397 = arith.index_cast %add3A_1396 : i32 to index
        %get3A_1398 = arith.constant 240 : index
        %get3A_1399 = tpu.vector_load %arg8[%get3A_1397, %get3A_1398] {strides = array<i32>} : memref<128x256xf32, #tpu.memory_space<vmem>>, vector<1x16xf32>,
        %get3A_1400 = vector.shape_cast %get3A_1399 : vector<1x16xf32> to vector<16xf32>
        %add3A_1401 = arith.addf %while3A_1289, %get3A_1400 : vector<16xf32>
        scf.yield %add3A_1296, %add3A_1303, %add3A_1310, %add3A_1317, %add3A_1324, %add3A_1331, %add3A_1338, %add3A_1345, %add3A_1352, %add3A_1359, %add3A_1366, %add3A_1373, %add3A_1380, %add3A_1387, %add3A_1394, %add3A_1401 : vector<16xf32>, vector<16xf32>, vector<16xf32>, vector<16xf32>, vector<16xf32>, vector<16xf32>, vector<16xf32>, vector<16xf32>, vector<16xf32>, vector<16xf32>, vector<16xf32>, vector<16xf32>, vector<16xf32>, vector<16xf32>, vector<16xf32>, vector<16xf32>
      }
      %while3A_276 = arith.constant 1 : i32
      %while3A_277:16 = scf.for %while3A_1273 = %while3A_273 to %while3A_269 step %while3A_276 iter_args(%while3A_1274 = %while3A_275#0, %while3A_1275 = %while3A_275#1, %while3A_1276 = %while3A_275#2, %while3A_1277 = %while3A_275#3, %while3A_1278 = %while3A_275#4, %while3A_1279 = %while3A_275#5, %while3A_1280 = %while3A_275#6, %while3A_1281 = %while3A_275#7, %while3A_1282 = %while3A_275#8, %while3A_1283 = %while3A_275#9, %while3A_1284 = %while3A_275#10, %while3A_1285 = %while3A_275#11, %while3A_1286 = %while3A_275#12, %while3A_1287 = %while3A_275#13, %while3A_1288 = %while3A_275#14, %while3A_1289 = %while3A_275#15) -> (vector<16xf32>, vector<16xf32>, vector<16xf32>, vector<16xf32>, vector<16xf32>, vector<16xf32>, vector<16xf32>, vector<16xf32>, vector<16xf32>, vector<16xf32>, vector<16xf32>, vector<16xf32>, vector<16xf32>, vector<16xf32>, vector<16xf32>, vector<16xf32>)  : i32 {
        %add3A_1290 = arith.constant 0 : i32
        %add3A_1291 = arith.addi %add3A_1290, %while3A_1273 : i32
        %get3A_1292 = arith.index_cast %add3A_1291 : i32 to index
        %get3A_1293 = arith.constant 0 : index
        %get3A_1294 = tpu.vector_load %arg8[%get3A_1292, %get3A_1293] {strides = array<i32>} : memref<128x256xf32, #tpu.memory_space<vmem>>, vector<1x16xf32>,
        %get3A_1295 = vector.shape_cast %get3A_1294 : vector<1x16xf32> to vector<16xf32>
        %add3A_1296 = arith.addf %while3A_1274, %get3A_1295 : vector<16xf32>
        %add3A_1297 = arith.constant 0 : i32
        %add3A_1298 = arith.addi %add3A_1297, %while3A_1273 : i32
        %get3A_1299 = arith.index_cast %add3A_1298 : i32 to index
        %get3A_1300 = arith.constant 16 : index
        %get3A_1301 = tpu.vector_load %arg8[%get3A_1299, %get3A_1300] {strides = array<i32>} : memref<128x256xf32, #tpu.memory_space<vmem>>, vector<1x16xf32>,
        %get3A_1302 = vector.shape_cast %get3A_1301 : vector<1x16xf32> to vector<16xf32>
        %add3A_1303 = arith.addf %while3A_1275, %get3A_1302 : vector<16xf32>
        %add3A_1304 = arith.constant 0 : i32
        %add3A_1305 = arith.addi %add3A_1304, %while3A_1273 : i32
        %get3A_1306 = arith.index_cast %add3A_1305 : i32 to index
        %get3A_1307 = arith.constant 32 : index
        %get3A_1308 = tpu.vector_load %arg8[%get3A_1306, %get3A_1307] {strides = array<i32>} : memref<128x256xf32, #tpu.memory_space<vmem>>, vector<1x16xf32>,
        %get3A_1309 = vector.shape_cast %get3A_1308 : vector<1x16xf32> to vector<16xf32>
        %add3A_1310 = arith.addf %while3A_1276, %get3A_1309 : vector<16xf32>
        %add3A_1311 = arith.constant 0 : i32
        %add3A_1312 = arith.addi %add3A_1311, %while3A_1273 : i32
        %get3A_1313 = arith.index_cast %add3A_1312 : i32 to index
        %get3A_1314 = arith.constant 48 : index
        %get3A_1315 = tpu.vector_load %arg8[%get3A_1313, %get3A_1314] {strides = array<i32>} : memref<128x256xf32, #tpu.memory_space<vmem>>, vector<1x16xf32>,
        %get3A_1316 = vector.shape_cast %get3A_1315 : vector<1x16xf32> to vector<16xf32>
        %add3A_1317 = arith.addf %while3A_1277, %get3A_1316 : vector<16xf32>
        %add3A_1318 = arith.constant 0 : i32
        %add3A_1319 = arith.addi %add3A_1318, %while3A_1273 : i32
        %get3A_1320 = arith.index_cast %add3A_1319 : i32 to index
        %get3A_1321 = arith.constant 64 : index
        %get3A_1322 = tpu.vector_load %arg8[%get3A_1320, %get3A_1321] {strides = array<i32>} : memref<128x256xf32, #tpu.memory_space<vmem>>, vector<1x16xf32>,
        %get3A_1323 = vector.shape_cast %get3A_1322 : vector<1x16xf32> to vector<16xf32>
        %add3A_1324 = arith.addf %while3A_1278, %get3A_1323 : vector<16xf32>
        %add3A_1325 = arith.constant 0 : i32
        %add3A_1326 = arith.addi %add3A_1325, %while3A_1273 : i32
        %get3A_1327 = arith.index_cast %add3A_1326 : i32 to index
        %get3A_1328 = arith.constant 80 : index
        %get3A_1329 = tpu.vector_load %arg8[%get3A_1327, %get3A_1328] {strides = array<i32>} : memref<128x256xf32, #tpu.memory_space<vmem>>, vector<1x16xf32>,
        %get3A_1330 = vector.shape_cast %get3A_1329 : vector<1x16xf32> to vector<16xf32>
        %add3A_1331 = arith.addf %while3A_1279, %get3A_1330 : vector<16xf32>
        %add3A_1332 = arith.constant 0 : i32
        %add3A_1333 = arith.addi %add3A_1332, %while3A_1273 : i32
        %get3A_1334 = arith.index_cast %add3A_1333 : i32 to index
        %get3A_1335 = arith.constant 96 : index
        %get3A_1336 = tpu.vector_load %arg8[%get3A_1334, %get3A_1335] {strides = array<i32>} : memref<128x256xf32, #tpu.memory_space<vmem>>, vector<1x16xf32>,
        %get3A_1337 = vector.shape_cast %get3A_1336 : vector<1x16xf32> to vector<16xf32>
        %add3A_1338 = arith.addf %while3A_1280, %get3A_1337 : vector<16xf32>
        %add3A_1339 = arith.constant 0 : i32
        %add3A_1340 = arith.addi %add3A_1339, %while3A_1273 : i32
        %get3A_1341 = arith.index_cast %add3A_1340 : i32 to index
        %get3A_1342 = arith.constant 112 : index
        %get3A_1343 = tpu.vector_load %arg8[%get3A_1341, %get3A_1342] {strides = array<i32>} : memref<128x256xf32, #tpu.memory_space<vmem>>, vector<1x16xf32>,
        %get3A_1344 = vector.shape_cast %get3A_1343 : vector<1x16xf32> to vector<16xf32>
        %add3A_1345 = arith.addf %while3A_1281, %get3A_1344 : vector<16xf32>
        %add3A_1346 = arith.constant 0 : i32
        %add3A_1347 = arith.addi %add3A_1346, %while3A_1273 : i32
        %get3A_1348 = arith.index_cast %add3A_1347 : i32 to index
        %get3A_1349 = arith.constant 128 : index
        %get3A_1350 = tpu.vector_load %arg8[%get3A_1348, %get3A_1349] {strides = array<i32>} : memref<128x256xf32, #tpu.memory_space<vmem>>, vector<1x16xf32>,
        %get3A_1351 = vector.shape_cast %get3A_1350 : vector<1x16xf32> to vector<16xf32>
        %add3A_1352 = arith.addf %while3A_1282, %get3A_1351 : vector<16xf32>
        %add3A_1353 = arith.constant 0 : i32
        %add3A_1354 = arith.addi %add3A_1353, %while3A_1273 : i32
        %get3A_1355 = arith.index_cast %add3A_1354 : i32 to index
        %get3A_1356 = arith.constant 144 : index
        %get3A_1357 = tpu.vector_load %arg8[%get3A_1355, %get3A_1356] {strides = array<i32>} : memref<128x256xf32, #tpu.memory_space<vmem>>, vector<1x16xf32>,
        %get3A_1358 = vector.shape_cast %get3A_1357 : vector<1x16xf32> to vector<16xf32>
        %add3A_1359 = arith.addf %while3A_1283, %get3A_1358 : vector<16xf32>
        %add3A_1360 = arith.constant 0 : i32
        %add3A_1361 = arith.addi %add3A_1360, %while3A_1273 : i32
        %get3A_1362 = arith.index_cast %add3A_1361 : i32 to index
        %get3A_1363 = arith.constant 160 : index
        %get3A_1364 = tpu.vector_load %arg8[%get3A_1362, %get3A_1363] {strides = array<i32>} : memref<128x256xf32, #tpu.memory_space<vmem>>, vector<1x16xf32>,
        %get3A_1365 = vector.shape_cast %get3A_1364 : vector<1x16xf32> to vector<16xf32>
        %add3A_1366 = arith.addf %while3A_1284, %get3A_1365 : vector<16xf32>
        %add3A_1367 = arith.constant 0 : i32
        %add3A_1368 = arith.addi %add3A_1367, %while3A_1273 : i32
        %get3A_1369 = arith.index_cast %add3A_1368 : i32 to index
        %get3A_1370 = arith.constant 176 : index
        %get3A_1371 = tpu.vector_load %arg8[%get3A_1369, %get3A_1370] {strides = array<i32>} : memref<128x256xf32, #tpu.memory_space<vmem>>, vector<1x16xf32>,
        %get3A_1372 = vector.shape_cast %get3A_1371 : vector<1x16xf32> to vector<16xf32>
        %add3A_1373 = arith.addf %while3A_1285, %get3A_1372 : vector<16xf32>
        %add3A_1374 = arith.constant 0 : i32
        %add3A_1375 = arith.addi %add3A_1374, %while3A_1273 : i32
        %get3A_1376 = arith.index_cast %add3A_1375 : i32 to index
        %get3A_1377 = arith.constant 192 : index
        %get3A_1378 = tpu.vector_load %arg8[%get3A_1376, %get3A_1377] {strides = array<i32>} : memref<128x256xf32, #tpu.memory_space<vmem>>, vector<1x16xf32>,
        %get3A_1379 = vector.shape_cast %get3A_1378 : vector<1x16xf32> to vector<16xf32>
        %add3A_1380 = arith.addf %while3A_1286, %get3A_1379 : vector<16xf32>
        %add3A_1381 = arith.constant 0 : i32
        %add3A_1382 = arith.addi %add3A_1381, %while3A_1273 : i32
        %get3A_1383 = arith.index_cast %add3A_1382 : i32 to index
        %get3A_1384 = arith.constant 208 : index
        %get3A_1385 = tpu.vector_load %arg8[%get3A_1383, %get3A_1384] {strides = array<i32>} : memref<128x256xf32, #tpu.memory_space<vmem>>, vector<1x16xf32>,
        %get3A_1386 = vector.shape_cast %get3A_1385 : vector<1x16xf32> to vector<16xf32>
        %add3A_1387 = arith.addf %while3A_1287, %get3A_1386 : vector<16xf32>
        %add3A_1388 = arith.constant 0 : i32
        %add3A_1389 = arith.addi %add3A_1388, %while3A_1273 : i32
        %get3A_1390 = arith.index_cast %add3A_1389 : i32 to index
        %get3A_1391 = arith.constant 224 : index
        %get3A_1392 = tpu.vector_load %arg8[%get3A_1390, %get3A_1391] {strides = array<i32>} : memref<128x256xf32, #tpu.memory_space<vmem>>, vector<1x16xf32>,
        %get3A_1393 = vector.shape_cast %get3A_1392 : vector<1x16xf32> to vector<16xf32>
        %add3A_1394 = arith.addf %while3A_1288, %get3A_1393 : vector<16xf32>
        %add3A_1395 = arith.constant 0 : i32
        %add3A_1396 = arith.addi %add3A_1395, %while3A_1273 : i32
        %get3A_1397 = arith.index_cast %add3A_1396 : i32 to index
        %get3A_1398 = arith.constant 240 : index
        %get3A_1399 = tpu.vector_load %arg8[%get3A_1397, %get3A_1398] {strides = array<i32>} : memref<128x256xf32, #tpu.memory_space<vmem>>, vector<1x16xf32>,
        %get3A_1400 = vector.shape_cast %get3A_1399 : vector<1x16xf32> to vector<16xf32>
        %add3A_1401 = arith.addf %while3A_1289, %get3A_1400 : vector<16xf32>
        scf.yield %add3A_1296, %add3A_1303, %add3A_1310, %add3A_1317, %add3A_1324, %add3A_1331, %add3A_1338, %add3A_1345, %add3A_1352, %add3A_1359, %add3A_1366, %add3A_1373, %add3A_1380, %add3A_1387, %add3A_1394, %add3A_1401 : vector<16xf32>, vector<16xf32>, vector<16xf32>, vector<16xf32>, vector<16xf32>, vector<16xf32>, vector<16xf32>, vector<16xf32>, vector<16xf32>, vector<16xf32>, vector<16xf32>, vector<16xf32>, vector<16xf32>, vector<16xf32>, vector<16xf32>, vector<16xf32>
      }
      %mul3A_278 = arith.constant 256 : i32
      %mul3A_279 = arith.muli %add3A_148, %mul3A_278 : i32
      %add3A_280 = arith.constant 0 : i32
      %add3A_281 = arith.addi %mul3A_279, %add3A_280 : i32
      %swap3A = arith.index_cast %add3A_281 : i32 to index
      %swap3A_282 = tpu.vector_load %arg10[%swap3A] {strides = array<i32>} : memref<32768xf32, #tpu.memory_space<vmem>>, vector<16xf32>,
      %swap3A_283 = vector.shape_cast %swap3A_282 : vector<16xf32> to vector<16xf32>
      %swap3A_284 = vector.shape_cast %while3A_277#0 : vector<16xf32> to vector<16xf32>
      tpu.vector_store %arg10[%swap3A], %swap3A_284 {strides = array<i32>} : memref<32768xf32, #tpu.memory_space<vmem>>, vector<16xf32>,
      %mul3A_285 = arith.constant 256 : i32
      %mul3A_286 = arith.muli %add3A_148, %mul3A_285 : i32
      %add3A_287 = arith.constant 16 : i32
      %add3A_288 = arith.addi %mul3A_286, %add3A_287 : i32
      %swap3A_289 = arith.index_cast %add3A_288 : i32 to index
      %swap3A_290 = tpu.vector_load %arg10[%swap3A_289] {strides = array<i32>} : memref<32768xf32, #tpu.memory_space<vmem>>, vector<16xf32>,
      %swap3A_291 = vector.shape_cast %swap3A_290 : vector<16xf32> to vector<16xf32>
      %swap3A_292 = vector.shape_cast %while3A_277#1 : vector<16xf32> to vector<16xf32>
      tpu.vector_store %arg10[%swap3A_289], %swap3A_292 {strides = array<i32>} : memref<32768xf32, #tpu.memory_space<vmem>>, vector<16xf32>,
      %mul3A_293 = arith.constant 256 : i32
      %mul3A_294 = arith.muli %add3A_148, %mul3A_293 : i32
      %add3A_295 = arith.constant 32 : i32
      %add3A_296 = arith.addi %mul3A_294, %add3A_295 : i32
      %swap3A_297 = arith.index_cast %add3A_296 : i32 to index
      %swap3A_298 = tpu.vector_load %arg10[%swap3A_297] {strides = array<i32>} : memref<32768xf32, #tpu.memory_space<vmem>>, vector<16xf32>,
      %swap3A_299 = vector.shape_cast %swap3A_298 : vector<16xf32> to vector<16xf32>
      %swap3A_300 = vector.shape_cast %while3A_277#2 : vector<16xf32> to vector<16xf32>
      tpu.vector_store %arg10[%swap3A_297], %swap3A_300 {strides = array<i32>} : memref<32768xf32, #tpu.memory_space<vmem>>, vector<16xf32>,
      %mul3A_301 = arith.constant 256 : i32
      %mul3A_302 = arith.muli %add3A_148, %mul3A_301 : i32
      %add3A_303 = arith.constant 48 : i32
      %add3A_304 = arith.addi %mul3A_302, %add3A_303 : i32
      %swap3A_305 = arith.index_cast %add3A_304 : i32 to index
      %swap3A_306 = tpu.vector_load %arg10[%swap3A_305] {strides = array<i32>} : memref<32768xf32, #tpu.memory_space<vmem>>, vector<16xf32>,
      %swap3A_307 = vector.shape_cast %swap3A_306 : vector<16xf32> to vector<16xf32>
      %swap3A_308 = vector.shape_cast %while3A_277#3 : vector<16xf32> to vector<16xf32>
      tpu.vector_store %arg10[%swap3A_305], %swap3A_308 {strides = array<i32>} : memref<32768xf32, #tpu.memory_space<vmem>>, vector<16xf32>,
      %mul3A_309 = arith.constant 256 : i32
      %mul3A_310 = arith.muli %add3A_148, %mul3A_309 : i32
      %add3A_311 = arith.constant 64 : i32
      %add3A_312 = arith.addi %mul3A_310, %add3A_311 : i32
      %swap3A_313 = arith.index_cast %add3A_312 : i32 to index
      %swap3A_314 = tpu.vector_load %arg10[%swap3A_313] {strides = array<i32>} : memref<32768xf32, #tpu.memory_space<vmem>>, vector<16xf32>,
      %swap3A_315 = vector.shape_cast %swap3A_314 : vector<16xf32> to vector<16xf32>
      %swap3A_316 = vector.shape_cast %while3A_277#4 : vector<16xf32> to vector<16xf32>
      tpu.vector_store %arg10[%swap3A_313], %swap3A_316 {strides = array<i32>} : memref<32768xf32, #tpu.memory_space<vmem>>, vector<16xf32>,
      %mul3A_317 = arith.constant 256 : i32
      %mul3A_318 = arith.muli %add3A_148, %mul3A_317 : i32
      %add3A_319 = arith.constant 80 : i32
      %add3A_320 = arith.addi %mul3A_318, %add3A_319 : i32
      %swap3A_321 = arith.index_cast %add3A_320 : i32 to index
      %swap3A_322 = tpu.vector_load %arg10[%swap3A_321] {strides = array<i32>} : memref<32768xf32, #tpu.memory_space<vmem>>, vector<16xf32>,
      %swap3A_323 = vector.shape_cast %swap3A_322 : vector<16xf32> to vector<16xf32>
      %swap3A_324 = vector.shape_cast %while3A_277#5 : vector<16xf32> to vector<16xf32>
      tpu.vector_store %arg10[%swap3A_321], %swap3A_324 {strides = array<i32>} : memref<32768xf32, #tpu.memory_space<vmem>>, vector<16xf32>,
      %mul3A_325 = arith.constant 256 : i32
      %mul3A_326 = arith.muli %add3A_148, %mul3A_325 : i32
      %add3A_327 = arith.constant 96 : i32
      %add3A_328 = arith.addi %mul3A_326, %add3A_327 : i32
      %swap3A_329 = arith.index_cast %add3A_328 : i32 to index
      %swap3A_330 = tpu.vector_load %arg10[%swap3A_329] {strides = array<i32>} : memref<32768xf32, #tpu.memory_space<vmem>>, vector<16xf32>,
      %swap3A_331 = vector.shape_cast %swap3A_330 : vector<16xf32> to vector<16xf32>
      %swap3A_332 = vector.shape_cast %while3A_277#6 : vector<16xf32> to vector<16xf32>
      tpu.vector_store %arg10[%swap3A_329], %swap3A_332 {strides = array<i32>} : memref<32768xf32, #tpu.memory_space<vmem>>, vector<16xf32>,
      %mul3A_333 = arith.constant 256 : i32
      %mul3A_334 = arith.muli %add3A_148, %mul3A_333 : i32
      %add3A_335 = arith.constant 112 : i32
      %add3A_336 = arith.addi %mul3A_334, %add3A_335 : i32
      %swap3A_337 = arith.index_cast %add3A_336 : i32 to index
      %swap3A_338 = tpu.vector_load %arg10[%swap3A_337] {strides = array<i32>} : memref<32768xf32, #tpu.memory_space<vmem>>, vector<16xf32>,
      %swap3A_339 = vector.shape_cast %swap3A_338 : vector<16xf32> to vector<16xf32>
      %swap3A_340 = vector.shape_cast %while3A_277#7 : vector<16xf32> to vector<16xf32>
      tpu.vector_store %arg10[%swap3A_337], %swap3A_340 {strides = array<i32>} : memref<32768xf32, #tpu.memory_space<vmem>>, vector<16xf32>,
      %mul3A_341 = arith.constant 256 : i32
      %mul3A_342 = arith.muli %add3A_148, %mul3A_341 : i32
      %add3A_343 = arith.constant 128 : i32
      %add3A_344 = arith.addi %mul3A_342, %add3A_343 : i32
      %swap3A_345 = arith.index_cast %add3A_344 : i32 to index
      %swap3A_346 = tpu.vector_load %arg10[%swap3A_345] {strides = array<i32>} : memref<32768xf32, #tpu.memory_space<vmem>>, vector<16xf32>,
      %swap3A_347 = vector.shape_cast %swap3A_346 : vector<16xf32> to vector<16xf32>
      %swap3A_348 = vector.shape_cast %while3A_277#8 : vector<16xf32> to vector<16xf32>
      tpu.vector_store %arg10[%swap3A_345], %swap3A_348 {strides = array<i32>} : memref<32768xf32, #tpu.memory_space<vmem>>, vector<16xf32>,
      %mul3A_349 = arith.constant 256 : i32
      %mul3A_350 = arith.muli %add3A_148, %mul3A_349 : i32
      %add3A_351 = arith.constant 144 : i32
      %add3A_352 = arith.addi %mul3A_350, %add3A_351 : i32
      %swap3A_353 = arith.index_cast %add3A_352 : i32 to index
      %swap3A_354 = tpu.vector_load %arg10[%swap3A_353] {strides = array<i32>} : memref<32768xf32, #tpu.memory_space<vmem>>, vector<16xf32>,
      %swap3A_355 = vector.shape_cast %swap3A_354 : vector<16xf32> to vector<16xf32>
      %swap3A_356 = vector.shape_cast %while3A_277#9 : vector<16xf32> to vector<16xf32>
      tpu.vector_store %arg10[%swap3A_353], %swap3A_356 {strides = array<i32>} : memref<32768xf32, #tpu.memory_space<vmem>>, vector<16xf32>,
      %mul3A_357 = arith.constant 256 : i32
      %mul3A_358 = arith.muli %add3A_148, %mul3A_357 : i32
      %add3A_359 = arith.constant 160 : i32
      %add3A_360 = arith.addi %mul3A_358, %add3A_359 : i32
      %swap3A_361 = arith.index_cast %add3A_360 : i32 to index
      %swap3A_362 = tpu.vector_load %arg10[%swap3A_361] {strides = array<i32>} : memref<32768xf32, #tpu.memory_space<vmem>>, vector<16xf32>,
      %swap3A_363 = vector.shape_cast %swap3A_362 : vector<16xf32> to vector<16xf32>
      %swap3A_364 = vector.shape_cast %while3A_277#10 : vector<16xf32> to vector<16xf32>
      tpu.vector_store %arg10[%swap3A_361], %swap3A_364 {strides = array<i32>} : memref<32768xf32, #tpu.memory_space<vmem>>, vector<16xf32>,
      %mul3A_365 = arith.constant 256 : i32
      %mul3A_366 = arith.muli %add3A_148, %mul3A_365 : i32
      %add3A_367 = arith.constant 176 : i32
      %add3A_368 = arith.addi %mul3A_366, %add3A_367 : i32
      %swap3A_369 = arith.index_cast %add3A_368 : i32 to index
      %swap3A_370 = tpu.vector_load %arg10[%swap3A_369] {strides = array<i32>} : memref<32768xf32, #tpu.memory_space<vmem>>, vector<16xf32>,
      %swap3A_371 = vector.shape_cast %swap3A_370 : vector<16xf32> to vector<16xf32>
      %swap3A_372 = vector.shape_cast %while3A_277#11 : vector<16xf32> to vector<16xf32>
      tpu.vector_store %arg10[%swap3A_369], %swap3A_372 {strides = array<i32>} : memref<32768xf32, #tpu.memory_space<vmem>>, vector<16xf32>,
      %mul3A_373 = arith.constant 256 : i32
      %mul3A_374 = arith.muli %add3A_148, %mul3A_373 : i32
      %add3A_375 = arith.constant 192 : i32
      %add3A_376 = arith.addi %mul3A_374, %add3A_375 : i32
      %swap3A_377 = arith.index_cast %add3A_376 : i32 to index
      %swap3A_378 = tpu.vector_load %arg10[%swap3A_377] {strides = array<i32>} : memref<32768xf32, #tpu.memory_space<vmem>>, vector<16xf32>,
      %swap3A_379 = vector.shape_cast %swap3A_378 : vector<16xf32> to vector<16xf32>
      %swap3A_380 = vector.shape_cast %while3A_277#12 : vector<16xf32> to vector<16xf32>
      tpu.vector_store %arg10[%swap3A_377], %swap3A_380 {strides = array<i32>} : memref<32768xf32, #tpu.memory_space<vmem>>, vector<16xf32>,
      %mul3A_381 = arith.constant 256 : i32
      %mul3A_382 = arith.muli %add3A_148, %mul3A_381 : i32
      %add3A_383 = arith.constant 208 : i32
      %add3A_384 = arith.addi %mul3A_382, %add3A_383 : i32
      %swap3A_385 = arith.index_cast %add3A_384 : i32 to index
      %swap3A_386 = tpu.vector_load %arg10[%swap3A_385] {strides = array<i32>} : memref<32768xf32, #tpu.memory_space<vmem>>, vector<16xf32>,
      %swap3A_387 = vector.shape_cast %swap3A_386 : vector<16xf32> to vector<16xf32>
      %swap3A_388 = vector.shape_cast %while3A_277#13 : vector<16xf32> to vector<16xf32>
      tpu.vector_store %arg10[%swap3A_385], %swap3A_388 {strides = array<i32>} : memref<32768xf32, #tpu.memory_space<vmem>>, vector<16xf32>,
      %mul3A_389 = arith.constant 256 : i32
      %mul3A_390 = arith.muli %add3A_148, %mul3A_389 : i32
      %add3A_391 = arith.constant 224 : i32
      %add3A_392 = arith.addi %mul3A_390, %add3A_391 : i32
      %swap3A_393 = arith.index_cast %add3A_392 : i32 to index
      %swap3A_394 = tpu.vector_load %arg10[%swap3A_393] {strides = array<i32>} : memref<32768xf32, #tpu.memory_space<vmem>>, vector<16xf32>,
      %swap3A_395 = vector.shape_cast %swap3A_394 : vector<16xf32> to vector<16xf32>
      %swap3A_396 = vector.shape_cast %while3A_277#14 : vector<16xf32> to vector<16xf32>
      tpu.vector_store %arg10[%swap3A_393], %swap3A_396 {strides = array<i32>} : memref<32768xf32, #tpu.memory_space<vmem>>, vector<16xf32>,
      %mul3A_397 = arith.constant 256 : i32
      %mul3A_398 = arith.muli %add3A_148, %mul3A_397 : i32
      %add3A_399 = arith.constant 240 : i32
      %add3A_400 = arith.addi %mul3A_398, %add3A_399 : i32
      %swap3A_401 = arith.index_cast %add3A_400 : i32 to index
      %swap3A_402 = tpu.vector_load %arg10[%swap3A_401] {strides = array<i32>} : memref<32768xf32, #tpu.memory_space<vmem>>, vector<16xf32>,
      %swap3A_403 = vector.shape_cast %swap3A_402 : vector<16xf32> to vector<16xf32>
      %swap3A_404 = vector.shape_cast %while3A_277#15 : vector<16xf32> to vector<16xf32>
      tpu.vector_store %arg10[%swap3A_401], %swap3A_404 {strides = array<i32>} : memref<32768xf32, #tpu.memory_space<vmem>>, vector<16xf32>,
      %mul3A_405 = arith.constant 2 : i32
      %mul3A_406 = arith.muli %mul3A_45, %mul3A_405 : i32
      %add3A_407 = arith.constant 1 : i32
      %add3A_408 = arith.addi %mul3A_406, %add3A_407 : i32
      %mul3A_409 = arith.constant 16 : i32
      %mul3A_410 = arith.muli %add3A_408, %mul3A_409 : i32
      %get3A_411 = arith.index_cast %mul3A_410 : i32 to index
      %get3A_412 = tpu.vector_load %arg7[%get3A_411] {strides = array<i32>} : memref<2048xi32, #tpu.memory_space<vmem>>, vector<16xi32>,
      %get3A_413 = vector.shape_cast %get3A_412 : vector<16xi32> to vector<16xi32>
      %slice3A_414 = vector.extract_strided_slice %get3A_413 {offsets = [0], sizes = [1], strides = [1]} : vector<16xi32> to vector<1xi32>
      %squeeze3A_415 = vector.extract %slice3A_414[0] : i32 from vector<1xi32>
      %get3A_416 = arith.constant 64 : i32
      %get3A_417 = arith.index_cast %get3A_416 : i32 to index
      %get3A_418 = arith.constant 0 : index
      %get3A_419 = tpu.vector_load %arg8[%get3A_417, %get3A_418] {strides = array<i32>} : memref<128x256xf32, #tpu.memory_space<vmem>>, vector<1x16xf32>,
      %get3A_420 = vector.shape_cast %get3A_419 : vector<1x16xf32> to vector<16xf32>
      %get3A_421 = arith.constant 64 : i32
      %get3A_422 = arith.index_cast %get3A_421 : i32 to index
      %get3A_423 = arith.constant 16 : index
      %get3A_424 = tpu.vector_load %arg8[%get3A_422, %get3A_423] {strides = array<i32>} : memref<128x256xf32, #tpu.memory_space<vmem>>, vector<1x16xf32>,
      %get3A_425 = vector.shape_cast %get3A_424 : vector<1x16xf32> to vector<16xf32>
      %get3A_426 = arith.constant 64 : i32
      %get3A_427 = arith.index_cast %get3A_426 : i32 to index
      %get3A_428 = arith.constant 32 : index
      %get3A_429 = tpu.vector_load %arg8[%get3A_427, %get3A_428] {strides = array<i32>} : memref<128x256xf32, #tpu.memory_space<vmem>>, vector<1x16xf32>,
      %get3A_430 = vector.shape_cast %get3A_429 : vector<1x16xf32> to vector<16xf32>
      %get3A_431 = arith.constant 64 : i32
      %get3A_432 = arith.index_cast %get3A_431 : i32 to index
      %get3A_433 = arith.constant 48 : index
      %get3A_434 = tpu.vector_load %arg8[%get3A_432, %get3A_433] {strides = array<i32>} : memref<128x256xf32, #tpu.memory_space<vmem>>, vector<1x16xf32>,
      %get3A_435 = vector.shape_cast %get3A_434 : vector<1x16xf32> to vector<16xf32>
      %get3A_436 = arith.constant 64 : i32
      %get3A_437 = arith.index_cast %get3A_436 : i32 to index
      %get3A_438 = arith.constant 64 : index
      %get3A_439 = tpu.vector_load %arg8[%get3A_437, %get3A_438] {strides = array<i32>} : memref<128x256xf32, #tpu.memory_space<vmem>>, vector<1x16xf32>,
      %get3A_440 = vector.shape_cast %get3A_439 : vector<1x16xf32> to vector<16xf32>
      %get3A_441 = arith.constant 64 : i32
      %get3A_442 = arith.index_cast %get3A_441 : i32 to index
      %get3A_443 = arith.constant 80 : index
      %get3A_444 = tpu.vector_load %arg8[%get3A_442, %get3A_443] {strides = array<i32>} : memref<128x256xf32, #tpu.memory_space<vmem>>, vector<1x16xf32>,
      %get3A_445 = vector.shape_cast %get3A_444 : vector<1x16xf32> to vector<16xf32>
      %get3A_446 = arith.constant 64 : i32
      %get3A_447 = arith.index_cast %get3A_446 : i32 to index
      %get3A_448 = arith.constant 96 : index
      %get3A_449 = tpu.vector_load %arg8[%get3A_447, %get3A_448] {strides = array<i32>} : memref<128x256xf32, #tpu.memory_space<vmem>>, vector<1x16xf32>,
      %get3A_450 = vector.shape_cast %get3A_449 : vector<1x16xf32> to vector<16xf32>
      %get3A_451 = arith.constant 64 : i32
      %get3A_452 = arith.index_cast %get3A_451 : i32 to index
      %get3A_453 = arith.constant 112 : index
      %get3A_454 = tpu.vector_load %arg8[%get3A_452, %get3A_453] {strides = array<i32>} : memref<128x256xf32, #tpu.memory_space<vmem>>, vector<1x16xf32>,
      %get3A_455 = vector.shape_cast %get3A_454 : vector<1x16xf32> to vector<16xf32>
      %get3A_456 = arith.constant 64 : i32
      %get3A_457 = arith.index_cast %get3A_456 : i32 to index
      %get3A_458 = arith.constant 128 : index
      %get3A_459 = tpu.vector_load %arg8[%get3A_457, %get3A_458] {strides = array<i32>} : memref<128x256xf32, #tpu.memory_space<vmem>>, vector<1x16xf32>,
      %get3A_460 = vector.shape_cast %get3A_459 : vector<1x16xf32> to vector<16xf32>
      %get3A_461 = arith.constant 64 : i32
      %get3A_462 = arith.index_cast %get3A_461 : i32 to index
      %get3A_463 = arith.constant 144 : index
      %get3A_464 = tpu.vector_load %arg8[%get3A_462, %get3A_463] {strides = array<i32>} : memref<128x256xf32, #tpu.memory_space<vmem>>, vector<1x16xf32>,
      %get3A_465 = vector.shape_cast %get3A_464 : vector<1x16xf32> to vector<16xf32>
      %get3A_466 = arith.constant 64 : i32
      %get3A_467 = arith.index_cast %get3A_466 : i32 to index
      %get3A_468 = arith.constant 160 : index
      %get3A_469 = tpu.vector_load %arg8[%get3A_467, %get3A_468] {strides = array<i32>} : memref<128x256xf32, #tpu.memory_space<vmem>>, vector<1x16xf32>,
      %get3A_470 = vector.shape_cast %get3A_469 : vector<1x16xf32> to vector<16xf32>
      %get3A_471 = arith.constant 64 : i32
      %get3A_472 = arith.index_cast %get3A_471 : i32 to index
      %get3A_473 = arith.constant 176 : index
      %get3A_474 = tpu.vector_load %arg8[%get3A_472, %get3A_473] {strides = array<i32>} : memref<128x256xf32, #tpu.memory_space<vmem>>, vector<1x16xf32>,
      %get3A_475 = vector.shape_cast %get3A_474 : vector<1x16xf32> to vector<16xf32>
      %get3A_476 = arith.constant 64 : i32
      %get3A_477 = arith.index_cast %get3A_476 : i32 to index
      %get3A_478 = arith.constant 192 : index
      %get3A_479 = tpu.vector_load %arg8[%get3A_477, %get3A_478] {strides = array<i32>} : memref<128x256xf32, #tpu.memory_space<vmem>>, vector<1x16xf32>,
      %get3A_480 = vector.shape_cast %get3A_479 : vector<1x16xf32> to vector<16xf32>
      %get3A_481 = arith.constant 64 : i32
      %get3A_482 = arith.index_cast %get3A_481 : i32 to index
      %get3A_483 = arith.constant 208 : index
      %get3A_484 = tpu.vector_load %arg8[%get3A_482, %get3A_483] {strides = array<i32>} : memref<128x256xf32, #tpu.memory_space<vmem>>, vector<1x16xf32>,
      %get3A_485 = vector.shape_cast %get3A_484 : vector<1x16xf32> to vector<16xf32>
      %get3A_486 = arith.constant 64 : i32
      %get3A_487 = arith.index_cast %get3A_486 : i32 to index
      %get3A_488 = arith.constant 224 : index
      %get3A_489 = tpu.vector_load %arg8[%get3A_487, %get3A_488] {strides = array<i32>} : memref<128x256xf32, #tpu.memory_space<vmem>>, vector<1x16xf32>,
      %get3A_490 = vector.shape_cast %get3A_489 : vector<1x16xf32> to vector<16xf32>
      %get3A_491 = arith.constant 64 : i32
      %get3A_492 = arith.index_cast %get3A_491 : i32 to index
      %get3A_493 = arith.constant 240 : index
      %get3A_494 = tpu.vector_load %arg8[%get3A_492, %get3A_493] {strides = array<i32>} : memref<128x256xf32, #tpu.memory_space<vmem>>, vector<1x16xf32>,
      %get3A_495 = vector.shape_cast %get3A_494 : vector<1x16xf32> to vector<16xf32>
      %sub3A_496 = arith.constant 1 : i32
      %sub3A_497 = arith.subi %squeeze3A_415, %sub3A_496 : i32
      %jit3A_498 = arith.constant 2 : i32
      %div3A_499 = arith.divsi %sub3A_497, %jit3A_498 : i32
      %sign3A_500 = arith.constant 0 : i32
      %sign3A_501 = arith.cmpi sgt, %sub3A_497, %sign3A_500 : i32
      %sign3A_502 = arith.extui %sign3A_501 : i1 to i32
      %sign3A_503 = arith.constant 0 : i32
      %sign3A_504 = arith.cmpi slt, %sub3A_497, %sign3A_503 : i32
      %sign3A_505 = arith.extui %sign3A_504 : i1 to i32
      %sign3A_506 = arith.subi %sign3A_502, %sign3A_505 : i32
      %sign3A_507 = arith.constant 0 : i32
      %sign3A_508 = arith.cmpi sgt, %jit3A_498, %sign3A_507 : i32
      %sign3A_509 = arith.extui %sign3A_508 : i1 to i32
      %sign3A_510 = arith.constant 0 : i32
      %sign3A_511 = arith.cmpi slt, %jit3A_498, %sign3A_510 : i32
      %sign3A_512 = arith.extui %sign3A_511 : i1 to i32
      %sign3A_513 = arith.subi %sign3A_509, %sign3A_512 : i32
      %ne3A_514 = arith.cmpi ne, %sign3A_506, %sign3A_513 : i32
      %rem3A_515 = arith.remsi %sub3A_497, %jit3A_498 : i32
      %ne3A_516 = arith.constant 0 : i32
      %ne3A_517 = arith.cmpi ne, %rem3A_515, %ne3A_516 : i32
      %and3A_518 = arith.andi %ne3A_514, %ne3A_517 : i1
      %sub3A_519 = arith.constant 1 : i32
      %sub3A_520 = arith.subi %div3A_499, %sub3A_519 : i32
      %select_n3A_521 = arith.select %and3A_518, %sub3A_520, %div3A_499 : i32
      %while3A_522 = arith.constant 0 : i32
      %while3A_523 = arith.subi %select_n3A_521, %while3A_522 : i32
      %while3A_524 = arith.addi %while3A_522, %while3A_523 : i32
      %while3A_525 = arith.constant 1 : i32
      %while3A_526 = arith.divsi %while3A_523, %while3A_525 : i32
      %while3A_527 = arith.muli %while3A_526, %while3A_525 : i32
      %while3A_528 = arith.addi %while3A_522, %while3A_527 : i32
      %while3A_529 = arith.constant 1 : i32
      %while3A_530:16 = scf.for %while3A_1273 = %while3A_522 to %while3A_528 step %while3A_529 iter_args(%while3A_1274 = %get3A_420, %while3A_1275 = %get3A_425, %while3A_1276 = %get3A_430, %while3A_1277 = %get3A_435, %while3A_1278 = %get3A_440, %while3A_1279 = %get3A_445, %while3A_1280 = %get3A_450, %while3A_1281 = %get3A_455, %while3A_1282 = %get3A_460, %while3A_1283 = %get3A_465, %while3A_1284 = %get3A_470, %while3A_1285 = %get3A_475, %while3A_1286 = %get3A_480, %while3A_1287 = %get3A_485, %while3A_1288 = %get3A_490, %while3A_1289 = %get3A_495) -> (vector<16xf32>, vector<16xf32>, vector<16xf32>, vector<16xf32>, vector<16xf32>, vector<16xf32>, vector<16xf32>, vector<16xf32>, vector<16xf32>, vector<16xf32>, vector<16xf32>, vector<16xf32>, vector<16xf32>, vector<16xf32>, vector<16xf32>, vector<16xf32>)  : i32 {
        %mul3A_1290 = arith.constant 2 : i32
        %mul3A_1291 = arith.muli %mul3A_1290, %while3A_1273 : i32
        %add3A_1292 = arith.constant 1 : i32
        %add3A_1293 = arith.addi %add3A_1292, %mul3A_1291 : i32
        %add3A_1294 = arith.constant 64 : i32
        %add3A_1295 = arith.addi %add3A_1294, %add3A_1293 : i32
        %get3A_1296 = arith.index_cast %add3A_1295 : i32 to index
        %get3A_1297 = arith.constant 0 : index
        %get3A_1298 = tpu.vector_load %arg8[%get3A_1296, %get3A_1297] {strides = array<i32>} : memref<128x256xf32, #tpu.memory_space<vmem>>, vector<1x16xf32>,
        %get3A_1299 = vector.shape_cast %get3A_1298 : vector<1x16xf32> to vector<16xf32>
        %add3A_1300 = arith.addf %while3A_1274, %get3A_1299 : vector<16xf32>
        %add3A_1301 = arith.constant 64 : i32
        %add3A_1302 = arith.addi %add3A_1301, %add3A_1293 : i32
        %get3A_1303 = arith.index_cast %add3A_1302 : i32 to index
        %get3A_1304 = arith.constant 16 : index
        %get3A_1305 = tpu.vector_load %arg8[%get3A_1303, %get3A_1304] {strides = array<i32>} : memref<128x256xf32, #tpu.memory_space<vmem>>, vector<1x16xf32>,
        %get3A_1306 = vector.shape_cast %get3A_1305 : vector<1x16xf32> to vector<16xf32>
        %add3A_1307 = arith.addf %while3A_1275, %get3A_1306 : vector<16xf32>
        %add3A_1308 = arith.constant 64 : i32
        %add3A_1309 = arith.addi %add3A_1308, %add3A_1293 : i32
        %get3A_1310 = arith.index_cast %add3A_1309 : i32 to index
        %get3A_1311 = arith.constant 32 : index
        %get3A_1312 = tpu.vector_load %arg8[%get3A_1310, %get3A_1311] {strides = array<i32>} : memref<128x256xf32, #tpu.memory_space<vmem>>, vector<1x16xf32>,
        %get3A_1313 = vector.shape_cast %get3A_1312 : vector<1x16xf32> to vector<16xf32>
        %add3A_1314 = arith.addf %while3A_1276, %get3A_1313 : vector<16xf32>
        %add3A_1315 = arith.constant 64 : i32
        %add3A_1316 = arith.addi %add3A_1315, %add3A_1293 : i32
        %get3A_1317 = arith.index_cast %add3A_1316 : i32 to index
        %get3A_1318 = arith.constant 48 : index
        %get3A_1319 = tpu.vector_load %arg8[%get3A_1317, %get3A_1318] {strides = array<i32>} : memref<128x256xf32, #tpu.memory_space<vmem>>, vector<1x16xf32>,
        %get3A_1320 = vector.shape_cast %get3A_1319 : vector<1x16xf32> to vector<16xf32>
        %add3A_1321 = arith.addf %while3A_1277, %get3A_1320 : vector<16xf32>
        %add3A_1322 = arith.constant 64 : i32
        %add3A_1323 = arith.addi %add3A_1322, %add3A_1293 : i32
        %get3A_1324 = arith.index_cast %add3A_1323 : i32 to index
        %get3A_1325 = arith.constant 64 : index
        %get3A_1326 = tpu.vector_load %arg8[%get3A_1324, %get3A_1325] {strides = array<i32>} : memref<128x256xf32, #tpu.memory_space<vmem>>, vector<1x16xf32>,
        %get3A_1327 = vector.shape_cast %get3A_1326 : vector<1x16xf32> to vector<16xf32>
        %add3A_1328 = arith.addf %while3A_1278, %get3A_1327 : vector<16xf32>
        %add3A_1329 = arith.constant 64 : i32
        %add3A_1330 = arith.addi %add3A_1329, %add3A_1293 : i32
        %get3A_1331 = arith.index_cast %add3A_1330 : i32 to index
        %get3A_1332 = arith.constant 80 : index
        %get3A_1333 = tpu.vector_load %arg8[%get3A_1331, %get3A_1332] {strides = array<i32>} : memref<128x256xf32, #tpu.memory_space<vmem>>, vector<1x16xf32>,
        %get3A_1334 = vector.shape_cast %get3A_1333 : vector<1x16xf32> to vector<16xf32>
        %add3A_1335 = arith.addf %while3A_1279, %get3A_1334 : vector<16xf32>
        %add3A_1336 = arith.constant 64 : i32
        %add3A_1337 = arith.addi %add3A_1336, %add3A_1293 : i32
        %get3A_1338 = arith.index_cast %add3A_1337 : i32 to index
        %get3A_1339 = arith.constant 96 : index
        %get3A_1340 = tpu.vector_load %arg8[%get3A_1338, %get3A_1339] {strides = array<i32>} : memref<128x256xf32, #tpu.memory_space<vmem>>, vector<1x16xf32>,
        %get3A_1341 = vector.shape_cast %get3A_1340 : vector<1x16xf32> to vector<16xf32>
        %add3A_1342 = arith.addf %while3A_1280, %get3A_1341 : vector<16xf32>
        %add3A_1343 = arith.constant 64 : i32
        %add3A_1344 = arith.addi %add3A_1343, %add3A_1293 : i32
        %get3A_1345 = arith.index_cast %add3A_1344 : i32 to index
        %get3A_1346 = arith.constant 112 : index
        %get3A_1347 = tpu.vector_load %arg8[%get3A_1345, %get3A_1346] {strides = array<i32>} : memref<128x256xf32, #tpu.memory_space<vmem>>, vector<1x16xf32>,
        %get3A_1348 = vector.shape_cast %get3A_1347 : vector<1x16xf32> to vector<16xf32>
        %add3A_1349 = arith.addf %while3A_1281, %get3A_1348 : vector<16xf32>
        %add3A_1350 = arith.constant 64 : i32
        %add3A_1351 = arith.addi %add3A_1350, %add3A_1293 : i32
        %get3A_1352 = arith.index_cast %add3A_1351 : i32 to index
        %get3A_1353 = arith.constant 128 : index
        %get3A_1354 = tpu.vector_load %arg8[%get3A_1352, %get3A_1353] {strides = array<i32>} : memref<128x256xf32, #tpu.memory_space<vmem>>, vector<1x16xf32>,
        %get3A_1355 = vector.shape_cast %get3A_1354 : vector<1x16xf32> to vector<16xf32>
        %add3A_1356 = arith.addf %while3A_1282, %get3A_1355 : vector<16xf32>
        %add3A_1357 = arith.constant 64 : i32
        %add3A_1358 = arith.addi %add3A_1357, %add3A_1293 : i32
        %get3A_1359 = arith.index_cast %add3A_1358 : i32 to index
        %get3A_1360 = arith.constant 144 : index
        %get3A_1361 = tpu.vector_load %arg8[%get3A_1359, %get3A_1360] {strides = array<i32>} : memref<128x256xf32, #tpu.memory_space<vmem>>, vector<1x16xf32>,
        %get3A_1362 = vector.shape_cast %get3A_1361 : vector<1x16xf32> to vector<16xf32>
        %add3A_1363 = arith.addf %while3A_1283, %get3A_1362 : vector<16xf32>
        %add3A_1364 = arith.constant 64 : i32
        %add3A_1365 = arith.addi %add3A_1364, %add3A_1293 : i32
        %get3A_1366 = arith.index_cast %add3A_1365 : i32 to index
        %get3A_1367 = arith.constant 160 : index
        %get3A_1368 = tpu.vector_load %arg8[%get3A_1366, %get3A_1367] {strides = array<i32>} : memref<128x256xf32, #tpu.memory_space<vmem>>, vector<1x16xf32>,
        %get3A_1369 = vector.shape_cast %get3A_1368 : vector<1x16xf32> to vector<16xf32>
        %add3A_1370 = arith.addf %while3A_1284, %get3A_1369 : vector<16xf32>
        %add3A_1371 = arith.constant 64 : i32
        %add3A_1372 = arith.addi %add3A_1371, %add3A_1293 : i32
        %get3A_1373 = arith.index_cast %add3A_1372 : i32 to index
        %get3A_1374 = arith.constant 176 : index
        %get3A_1375 = tpu.vector_load %arg8[%get3A_1373, %get3A_1374] {strides = array<i32>} : memref<128x256xf32, #tpu.memory_space<vmem>>, vector<1x16xf32>,
        %get3A_1376 = vector.shape_cast %get3A_1375 : vector<1x16xf32> to vector<16xf32>
        %add3A_1377 = arith.addf %while3A_1285, %get3A_1376 : vector<16xf32>
        %add3A_1378 = arith.constant 64 : i32
        %add3A_1379 = arith.addi %add3A_1378, %add3A_1293 : i32
        %get3A_1380 = arith.index_cast %add3A_1379 : i32 to index
        %get3A_1381 = arith.constant 192 : index
        %get3A_1382 = tpu.vector_load %arg8[%get3A_1380, %get3A_1381] {strides = array<i32>} : memref<128x256xf32, #tpu.memory_space<vmem>>, vector<1x16xf32>,
        %get3A_1383 = vector.shape_cast %get3A_1382 : vector<1x16xf32> to vector<16xf32>
        %add3A_1384 = arith.addf %while3A_1286, %get3A_1383 : vector<16xf32>
        %add3A_1385 = arith.constant 64 : i32
        %add3A_1386 = arith.addi %add3A_1385, %add3A_1293 : i32
        %get3A_1387 = arith.index_cast %add3A_1386 : i32 to index
        %get3A_1388 = arith.constant 208 : index
        %get3A_1389 = tpu.vector_load %arg8[%get3A_1387, %get3A_1388] {strides = array<i32>} : memref<128x256xf32, #tpu.memory_space<vmem>>, vector<1x16xf32>,
        %get3A_1390 = vector.shape_cast %get3A_1389 : vector<1x16xf32> to vector<16xf32>
        %add3A_1391 = arith.addf %while3A_1287, %get3A_1390 : vector<16xf32>
        %add3A_1392 = arith.constant 64 : i32
        %add3A_1393 = arith.addi %add3A_1392, %add3A_1293 : i32
        %get3A_1394 = arith.index_cast %add3A_1393 : i32 to index
        %get3A_1395 = arith.constant 224 : index
        %get3A_1396 = tpu.vector_load %arg8[%get3A_1394, %get3A_1395] {strides = array<i32>} : memref<128x256xf32, #tpu.memory_space<vmem>>, vector<1x16xf32>,
        %get3A_1397 = vector.shape_cast %get3A_1396 : vector<1x16xf32> to vector<16xf32>
        %add3A_1398 = arith.addf %while3A_1288, %get3A_1397 : vector<16xf32>
        %add3A_1399 = arith.constant 64 : i32
        %add3A_1400 = arith.addi %add3A_1399, %add3A_1293 : i32
        %get3A_1401 = arith.index_cast %add3A_1400 : i32 to index
        %get3A_1402 = arith.constant 240 : index
        %get3A_1403 = tpu.vector_load %arg8[%get3A_1401, %get3A_1402] {strides = array<i32>} : memref<128x256xf32, #tpu.memory_space<vmem>>, vector<1x16xf32>,
        %get3A_1404 = vector.shape_cast %get3A_1403 : vector<1x16xf32> to vector<16xf32>
        %add3A_1405 = arith.addf %while3A_1289, %get3A_1404 : vector<16xf32>
        %add3A_1406 = arith.constant 64 : i32
        %add3A_1407 = arith.addi %add3A_1406, %add3A_1293 : i32
        %add3A_1408 = arith.constant 1 : i32
        %add3A_1409 = arith.addi %add3A_1407, %add3A_1408 : i32
        %get3A_1410 = arith.index_cast %add3A_1409 : i32 to index
        %get3A_1411 = arith.constant 0 : index
        %get3A_1412 = tpu.vector_load %arg8[%get3A_1410, %get3A_1411] {strides = array<i32>} : memref<128x256xf32, #tpu.memory_space<vmem>>, vector<1x16xf32>,
        %get3A_1413 = vector.shape_cast %get3A_1412 : vector<1x16xf32> to vector<16xf32>
        %add3A_1414 = arith.addf %add3A_1300, %get3A_1413 : vector<16xf32>
        %add3A_1415 = arith.constant 64 : i32
        %add3A_1416 = arith.addi %add3A_1415, %add3A_1293 : i32
        %add3A_1417 = arith.constant 1 : i32
        %add3A_1418 = arith.addi %add3A_1416, %add3A_1417 : i32
        %get3A_1419 = arith.index_cast %add3A_1418 : i32 to index
        %get3A_1420 = arith.constant 16 : index
        %get3A_1421 = tpu.vector_load %arg8[%get3A_1419, %get3A_1420] {strides = array<i32>} : memref<128x256xf32, #tpu.memory_space<vmem>>, vector<1x16xf32>,
        %get3A_1422 = vector.shape_cast %get3A_1421 : vector<1x16xf32> to vector<16xf32>
        %add3A_1423 = arith.addf %add3A_1307, %get3A_1422 : vector<16xf32>
        %add3A_1424 = arith.constant 64 : i32
        %add3A_1425 = arith.addi %add3A_1424, %add3A_1293 : i32
        %add3A_1426 = arith.constant 1 : i32
        %add3A_1427 = arith.addi %add3A_1425, %add3A_1426 : i32
        %get3A_1428 = arith.index_cast %add3A_1427 : i32 to index
        %get3A_1429 = arith.constant 32 : index
        %get3A_1430 = tpu.vector_load %arg8[%get3A_1428, %get3A_1429] {strides = array<i32>} : memref<128x256xf32, #tpu.memory_space<vmem>>, vector<1x16xf32>,
        %get3A_1431 = vector.shape_cast %get3A_1430 : vector<1x16xf32> to vector<16xf32>
        %add3A_1432 = arith.addf %add3A_1314, %get3A_1431 : vector<16xf32>
        %add3A_1433 = arith.constant 64 : i32
        %add3A_1434 = arith.addi %add3A_1433, %add3A_1293 : i32
        %add3A_1435 = arith.constant 1 : i32
        %add3A_1436 = arith.addi %add3A_1434, %add3A_1435 : i32
        %get3A_1437 = arith.index_cast %add3A_1436 : i32 to index
        %get3A_1438 = arith.constant 48 : index
        %get3A_1439 = tpu.vector_load %arg8[%get3A_1437, %get3A_1438] {strides = array<i32>} : memref<128x256xf32, #tpu.memory_space<vmem>>, vector<1x16xf32>,
        %get3A_1440 = vector.shape_cast %get3A_1439 : vector<1x16xf32> to vector<16xf32>
        %add3A_1441 = arith.addf %add3A_1321, %get3A_1440 : vector<16xf32>
        %add3A_1442 = arith.constant 64 : i32
        %add3A_1443 = arith.addi %add3A_1442, %add3A_1293 : i32
        %add3A_1444 = arith.constant 1 : i32
        %add3A_1445 = arith.addi %add3A_1443, %add3A_1444 : i32
        %get3A_1446 = arith.index_cast %add3A_1445 : i32 to index
        %get3A_1447 = arith.constant 64 : index
        %get3A_1448 = tpu.vector_load %arg8[%get3A_1446, %get3A_1447] {strides = array<i32>} : memref<128x256xf32, #tpu.memory_space<vmem>>, vector<1x16xf32>,
        %get3A_1449 = vector.shape_cast %get3A_1448 : vector<1x16xf32> to vector<16xf32>
        %add3A_1450 = arith.addf %add3A_1328, %get3A_1449 : vector<16xf32>
        %add3A_1451 = arith.constant 64 : i32
        %add3A_1452 = arith.addi %add3A_1451, %add3A_1293 : i32
        %add3A_1453 = arith.constant 1 : i32
        %add3A_1454 = arith.addi %add3A_1452, %add3A_1453 : i32
        %get3A_1455 = arith.index_cast %add3A_1454 : i32 to index
        %get3A_1456 = arith.constant 80 : index
        %get3A_1457 = tpu.vector_load %arg8[%get3A_1455, %get3A_1456] {strides = array<i32>} : memref<128x256xf32, #tpu.memory_space<vmem>>, vector<1x16xf32>,
        %get3A_1458 = vector.shape_cast %get3A_1457 : vector<1x16xf32> to vector<16xf32>
        %add3A_1459 = arith.addf %add3A_1335, %get3A_1458 : vector<16xf32>
        %add3A_1460 = arith.constant 64 : i32
        %add3A_1461 = arith.addi %add3A_1460, %add3A_1293 : i32
        %add3A_1462 = arith.constant 1 : i32
        %add3A_1463 = arith.addi %add3A_1461, %add3A_1462 : i32
        %get3A_1464 = arith.index_cast %add3A_1463 : i32 to index
        %get3A_1465 = arith.constant 96 : index
        %get3A_1466 = tpu.vector_load %arg8[%get3A_1464, %get3A_1465] {strides = array<i32>} : memref<128x256xf32, #tpu.memory_space<vmem>>, vector<1x16xf32>,
        %get3A_1467 = vector.shape_cast %get3A_1466 : vector<1x16xf32> to vector<16xf32>
        %add3A_1468 = arith.addf %add3A_1342, %get3A_1467 : vector<16xf32>
        %add3A_1469 = arith.constant 64 : i32
        %add3A_1470 = arith.addi %add3A_1469, %add3A_1293 : i32
        %add3A_1471 = arith.constant 1 : i32
        %add3A_1472 = arith.addi %add3A_1470, %add3A_1471 : i32
        %get3A_1473 = arith.index_cast %add3A_1472 : i32 to index
        %get3A_1474 = arith.constant 112 : index
        %get3A_1475 = tpu.vector_load %arg8[%get3A_1473, %get3A_1474] {strides = array<i32>} : memref<128x256xf32, #tpu.memory_space<vmem>>, vector<1x16xf32>,
        %get3A_1476 = vector.shape_cast %get3A_1475 : vector<1x16xf32> to vector<16xf32>
        %add3A_1477 = arith.addf %add3A_1349, %get3A_1476 : vector<16xf32>
        %add3A_1478 = arith.constant 64 : i32
        %add3A_1479 = arith.addi %add3A_1478, %add3A_1293 : i32
        %add3A_1480 = arith.constant 1 : i32
        %add3A_1481 = arith.addi %add3A_1479, %add3A_1480 : i32
        %get3A_1482 = arith.index_cast %add3A_1481 : i32 to index
        %get3A_1483 = arith.constant 128 : index
        %get3A_1484 = tpu.vector_load %arg8[%get3A_1482, %get3A_1483] {strides = array<i32>} : memref<128x256xf32, #tpu.memory_space<vmem>>, vector<1x16xf32>,
        %get3A_1485 = vector.shape_cast %get3A_1484 : vector<1x16xf32> to vector<16xf32>
        %add3A_1486 = arith.addf %add3A_1356, %get3A_1485 : vector<16xf32>
        %add3A_1487 = arith.constant 64 : i32
        %add3A_1488 = arith.addi %add3A_1487, %add3A_1293 : i32
        %add3A_1489 = arith.constant 1 : i32
        %add3A_1490 = arith.addi %add3A_1488, %add3A_1489 : i32
        %get3A_1491 = arith.index_cast %add3A_1490 : i32 to index
        %get3A_1492 = arith.constant 144 : index
        %get3A_1493 = tpu.vector_load %arg8[%get3A_1491, %get3A_1492] {strides = array<i32>} : memref<128x256xf32, #tpu.memory_space<vmem>>, vector<1x16xf32>,
        %get3A_1494 = vector.shape_cast %get3A_1493 : vector<1x16xf32> to vector<16xf32>
        %add3A_1495 = arith.addf %add3A_1363, %get3A_1494 : vector<16xf32>
        %add3A_1496 = arith.constant 64 : i32
        %add3A_1497 = arith.addi %add3A_1496, %add3A_1293 : i32
        %add3A_1498 = arith.constant 1 : i32
        %add3A_1499 = arith.addi %add3A_1497, %add3A_1498 : i32
        %get3A_1500 = arith.index_cast %add3A_1499 : i32 to index
        %get3A_1501 = arith.constant 160 : index
        %get3A_1502 = tpu.vector_load %arg8[%get3A_1500, %get3A_1501] {strides = array<i32>} : memref<128x256xf32, #tpu.memory_space<vmem>>, vector<1x16xf32>,
        %get3A_1503 = vector.shape_cast %get3A_1502 : vector<1x16xf32> to vector<16xf32>
        %add3A_1504 = arith.addf %add3A_1370, %get3A_1503 : vector<16xf32>
        %add3A_1505 = arith.constant 64 : i32
        %add3A_1506 = arith.addi %add3A_1505, %add3A_1293 : i32
        %add3A_1507 = arith.constant 1 : i32
        %add3A_1508 = arith.addi %add3A_1506, %add3A_1507 : i32
        %get3A_1509 = arith.index_cast %add3A_1508 : i32 to index
        %get3A_1510 = arith.constant 176 : index
        %get3A_1511 = tpu.vector_load %arg8[%get3A_1509, %get3A_1510] {strides = array<i32>} : memref<128x256xf32, #tpu.memory_space<vmem>>, vector<1x16xf32>,
        %get3A_1512 = vector.shape_cast %get3A_1511 : vector<1x16xf32> to vector<16xf32>
        %add3A_1513 = arith.addf %add3A_1377, %get3A_1512 : vector<16xf32>
        %add3A_1514 = arith.constant 64 : i32
        %add3A_1515 = arith.addi %add3A_1514, %add3A_1293 : i32
        %add3A_1516 = arith.constant 1 : i32
        %add3A_1517 = arith.addi %add3A_1515, %add3A_1516 : i32
        %get3A_1518 = arith.index_cast %add3A_1517 : i32 to index
        %get3A_1519 = arith.constant 192 : index
        %get3A_1520 = tpu.vector_load %arg8[%get3A_1518, %get3A_1519] {strides = array<i32>} : memref<128x256xf32, #tpu.memory_space<vmem>>, vector<1x16xf32>,
        %get3A_1521 = vector.shape_cast %get3A_1520 : vector<1x16xf32> to vector<16xf32>
        %add3A_1522 = arith.addf %add3A_1384, %get3A_1521 : vector<16xf32>
        %add3A_1523 = arith.constant 64 : i32
        %add3A_1524 = arith.addi %add3A_1523, %add3A_1293 : i32
        %add3A_1525 = arith.constant 1 : i32
        %add3A_1526 = arith.addi %add3A_1524, %add3A_1525 : i32
        %get3A_1527 = arith.index_cast %add3A_1526 : i32 to index
        %get3A_1528 = arith.constant 208 : index
        %get3A_1529 = tpu.vector_load %arg8[%get3A_1527, %get3A_1528] {strides = array<i32>} : memref<128x256xf32, #tpu.memory_space<vmem>>, vector<1x16xf32>,
        %get3A_1530 = vector.shape_cast %get3A_1529 : vector<1x16xf32> to vector<16xf32>
        %add3A_1531 = arith.addf %add3A_1391, %get3A_1530 : vector<16xf32>
        %add3A_1532 = arith.constant 64 : i32
        %add3A_1533 = arith.addi %add3A_1532, %add3A_1293 : i32
        %add3A_1534 = arith.constant 1 : i32
        %add3A_1535 = arith.addi %add3A_1533, %add3A_1534 : i32
        %get3A_1536 = arith.index_cast %add3A_1535 : i32 to index
        %get3A_1537 = arith.constant 224 : index
        %get3A_1538 = tpu.vector_load %arg8[%get3A_1536, %get3A_1537] {strides = array<i32>} : memref<128x256xf32, #tpu.memory_space<vmem>>, vector<1x16xf32>,
        %get3A_1539 = vector.shape_cast %get3A_1538 : vector<1x16xf32> to vector<16xf32>
        %add3A_1540 = arith.addf %add3A_1398, %get3A_1539 : vector<16xf32>
        %add3A_1541 = arith.constant 64 : i32
        %add3A_1542 = arith.addi %add3A_1541, %add3A_1293 : i32
        %add3A_1543 = arith.constant 1 : i32
        %add3A_1544 = arith.addi %add3A_1542, %add3A_1543 : i32
        %get3A_1545 = arith.index_cast %add3A_1544 : i32 to index
        %get3A_1546 = arith.constant 240 : index
        %get3A_1547 = tpu.vector_load %arg8[%get3A_1545, %get3A_1546] {strides = array<i32>} : memref<128x256xf32, #tpu.memory_space<vmem>>, vector<1x16xf32>,
        %get3A_1548 = vector.shape_cast %get3A_1547 : vector<1x16xf32> to vector<16xf32>
        %add3A_1549 = arith.addf %add3A_1405, %get3A_1548 : vector<16xf32>
        scf.yield %add3A_1414, %add3A_1423, %add3A_1432, %add3A_1441, %add3A_1450, %add3A_1459, %add3A_1468, %add3A_1477, %add3A_1486, %add3A_1495, %add3A_1504, %add3A_1513, %add3A_1522, %add3A_1531, %add3A_1540, %add3A_1549 : vector<16xf32>, vector<16xf32>, vector<16xf32>, vector<16xf32>, vector<16xf32>, vector<16xf32>, vector<16xf32>, vector<16xf32>, vector<16xf32>, vector<16xf32>, vector<16xf32>, vector<16xf32>, vector<16xf32>, vector<16xf32>, vector<16xf32>, vector<16xf32>
      }
      %while3A_531 = arith.constant 1 : i32
      %while3A_532:16 = scf.for %while3A_1273 = %while3A_528 to %while3A_524 step %while3A_531 iter_args(%while3A_1274 = %while3A_530#0, %while3A_1275 = %while3A_530#1, %while3A_1276 = %while3A_530#2, %while3A_1277 = %while3A_530#3, %while3A_1278 = %while3A_530#4, %while3A_1279 = %while3A_530#5, %while3A_1280 = %while3A_530#6, %while3A_1281 = %while3A_530#7, %while3A_1282 = %while3A_530#8, %while3A_1283 = %while3A_530#9, %while3A_1284 = %while3A_530#10, %while3A_1285 = %while3A_530#11, %while3A_1286 = %while3A_530#12, %while3A_1287 = %while3A_530#13, %while3A_1288 = %while3A_530#14, %while3A_1289 = %while3A_530#15) -> (vector<16xf32>, vector<16xf32>, vector<16xf32>, vector<16xf32>, vector<16xf32>, vector<16xf32>, vector<16xf32>, vector<16xf32>, vector<16xf32>, vector<16xf32>, vector<16xf32>, vector<16xf32>, vector<16xf32>, vector<16xf32>, vector<16xf32>, vector<16xf32>)  : i32 {
        %mul3A_1290 = arith.constant 2 : i32
        %mul3A_1291 = arith.muli %mul3A_1290, %while3A_1273 : i32
        %add3A_1292 = arith.constant 1 : i32
        %add3A_1293 = arith.addi %add3A_1292, %mul3A_1291 : i32
        %add3A_1294 = arith.constant 64 : i32
        %add3A_1295 = arith.addi %add3A_1294, %add3A_1293 : i32
        %get3A_1296 = arith.index_cast %add3A_1295 : i32 to index
        %get3A_1297 = arith.constant 0 : index
        %get3A_1298 = tpu.vector_load %arg8[%get3A_1296, %get3A_1297] {strides = array<i32>} : memref<128x256xf32, #tpu.memory_space<vmem>>, vector<1x16xf32>,
        %get3A_1299 = vector.shape_cast %get3A_1298 : vector<1x16xf32> to vector<16xf32>
        %add3A_1300 = arith.addf %while3A_1274, %get3A_1299 : vector<16xf32>
        %add3A_1301 = arith.constant 64 : i32
        %add3A_1302 = arith.addi %add3A_1301, %add3A_1293 : i32
        %get3A_1303 = arith.index_cast %add3A_1302 : i32 to index
        %get3A_1304 = arith.constant 16 : index
        %get3A_1305 = tpu.vector_load %arg8[%get3A_1303, %get3A_1304] {strides = array<i32>} : memref<128x256xf32, #tpu.memory_space<vmem>>, vector<1x16xf32>,
        %get3A_1306 = vector.shape_cast %get3A_1305 : vector<1x16xf32> to vector<16xf32>
        %add3A_1307 = arith.addf %while3A_1275, %get3A_1306 : vector<16xf32>
        %add3A_1308 = arith.constant 64 : i32
        %add3A_1309 = arith.addi %add3A_1308, %add3A_1293 : i32
        %get3A_1310 = arith.index_cast %add3A_1309 : i32 to index
        %get3A_1311 = arith.constant 32 : index
        %get3A_1312 = tpu.vector_load %arg8[%get3A_1310, %get3A_1311] {strides = array<i32>} : memref<128x256xf32, #tpu.memory_space<vmem>>, vector<1x16xf32>,
        %get3A_1313 = vector.shape_cast %get3A_1312 : vector<1x16xf32> to vector<16xf32>
        %add3A_1314 = arith.addf %while3A_1276, %get3A_1313 : vector<16xf32>
        %add3A_1315 = arith.constant 64 : i32
        %add3A_1316 = arith.addi %add3A_1315, %add3A_1293 : i32
        %get3A_1317 = arith.index_cast %add3A_1316 : i32 to index
        %get3A_1318 = arith.constant 48 : index
        %get3A_1319 = tpu.vector_load %arg8[%get3A_1317, %get3A_1318] {strides = array<i32>} : memref<128x256xf32, #tpu.memory_space<vmem>>, vector<1x16xf32>,
        %get3A_1320 = vector.shape_cast %get3A_1319 : vector<1x16xf32> to vector<16xf32>
        %add3A_1321 = arith.addf %while3A_1277, %get3A_1320 : vector<16xf32>
        %add3A_1322 = arith.constant 64 : i32
        %add3A_1323 = arith.addi %add3A_1322, %add3A_1293 : i32
        %get3A_1324 = arith.index_cast %add3A_1323 : i32 to index
        %get3A_1325 = arith.constant 64 : index
        %get3A_1326 = tpu.vector_load %arg8[%get3A_1324, %get3A_1325] {strides = array<i32>} : memref<128x256xf32, #tpu.memory_space<vmem>>, vector<1x16xf32>,
        %get3A_1327 = vector.shape_cast %get3A_1326 : vector<1x16xf32> to vector<16xf32>
        %add3A_1328 = arith.addf %while3A_1278, %get3A_1327 : vector<16xf32>
        %add3A_1329 = arith.constant 64 : i32
        %add3A_1330 = arith.addi %add3A_1329, %add3A_1293 : i32
        %get3A_1331 = arith.index_cast %add3A_1330 : i32 to index
        %get3A_1332 = arith.constant 80 : index
        %get3A_1333 = tpu.vector_load %arg8[%get3A_1331, %get3A_1332] {strides = array<i32>} : memref<128x256xf32, #tpu.memory_space<vmem>>, vector<1x16xf32>,
        %get3A_1334 = vector.shape_cast %get3A_1333 : vector<1x16xf32> to vector<16xf32>
        %add3A_1335 = arith.addf %while3A_1279, %get3A_1334 : vector<16xf32>
        %add3A_1336 = arith.constant 64 : i32
        %add3A_1337 = arith.addi %add3A_1336, %add3A_1293 : i32
        %get3A_1338 = arith.index_cast %add3A_1337 : i32 to index
        %get3A_1339 = arith.constant 96 : index
        %get3A_1340 = tpu.vector_load %arg8[%get3A_1338, %get3A_1339] {strides = array<i32>} : memref<128x256xf32, #tpu.memory_space<vmem>>, vector<1x16xf32>,
        %get3A_1341 = vector.shape_cast %get3A_1340 : vector<1x16xf32> to vector<16xf32>
        %add3A_1342 = arith.addf %while3A_1280, %get3A_1341 : vector<16xf32>
        %add3A_1343 = arith.constant 64 : i32
        %add3A_1344 = arith.addi %add3A_1343, %add3A_1293 : i32
        %get3A_1345 = arith.index_cast %add3A_1344 : i32 to index
        %get3A_1346 = arith.constant 112 : index
        %get3A_1347 = tpu.vector_load %arg8[%get3A_1345, %get3A_1346] {strides = array<i32>} : memref<128x256xf32, #tpu.memory_space<vmem>>, vector<1x16xf32>,
        %get3A_1348 = vector.shape_cast %get3A_1347 : vector<1x16xf32> to vector<16xf32>
        %add3A_1349 = arith.addf %while3A_1281, %get3A_1348 : vector<16xf32>
        %add3A_1350 = arith.constant 64 : i32
        %add3A_1351 = arith.addi %add3A_1350, %add3A_1293 : i32
        %get3A_1352 = arith.index_cast %add3A_1351 : i32 to index
        %get3A_1353 = arith.constant 128 : index
        %get3A_1354 = tpu.vector_load %arg8[%get3A_1352, %get3A_1353] {strides = array<i32>} : memref<128x256xf32, #tpu.memory_space<vmem>>, vector<1x16xf32>,
        %get3A_1355 = vector.shape_cast %get3A_1354 : vector<1x16xf32> to vector<16xf32>
        %add3A_1356 = arith.addf %while3A_1282, %get3A_1355 : vector<16xf32>
        %add3A_1357 = arith.constant 64 : i32
        %add3A_1358 = arith.addi %add3A_1357, %add3A_1293 : i32
        %get3A_1359 = arith.index_cast %add3A_1358 : i32 to index
        %get3A_1360 = arith.constant 144 : index
        %get3A_1361 = tpu.vector_load %arg8[%get3A_1359, %get3A_1360] {strides = array<i32>} : memref<128x256xf32, #tpu.memory_space<vmem>>, vector<1x16xf32>,
        %get3A_1362 = vector.shape_cast %get3A_1361 : vector<1x16xf32> to vector<16xf32>
        %add3A_1363 = arith.addf %while3A_1283, %get3A_1362 : vector<16xf32>
        %add3A_1364 = arith.constant 64 : i32
        %add3A_1365 = arith.addi %add3A_1364, %add3A_1293 : i32
        %get3A_1366 = arith.index_cast %add3A_1365 : i32 to index
        %get3A_1367 = arith.constant 160 : index
        %get3A_1368 = tpu.vector_load %arg8[%get3A_1366, %get3A_1367] {strides = array<i32>} : memref<128x256xf32, #tpu.memory_space<vmem>>, vector<1x16xf32>,
        %get3A_1369 = vector.shape_cast %get3A_1368 : vector<1x16xf32> to vector<16xf32>
        %add3A_1370 = arith.addf %while3A_1284, %get3A_1369 : vector<16xf32>
        %add3A_1371 = arith.constant 64 : i32
        %add3A_1372 = arith.addi %add3A_1371, %add3A_1293 : i32
        %get3A_1373 = arith.index_cast %add3A_1372 : i32 to index
        %get3A_1374 = arith.constant 176 : index
        %get3A_1375 = tpu.vector_load %arg8[%get3A_1373, %get3A_1374] {strides = array<i32>} : memref<128x256xf32, #tpu.memory_space<vmem>>, vector<1x16xf32>,
        %get3A_1376 = vector.shape_cast %get3A_1375 : vector<1x16xf32> to vector<16xf32>
        %add3A_1377 = arith.addf %while3A_1285, %get3A_1376 : vector<16xf32>
        %add3A_1378 = arith.constant 64 : i32
        %add3A_1379 = arith.addi %add3A_1378, %add3A_1293 : i32
        %get3A_1380 = arith.index_cast %add3A_1379 : i32 to index
        %get3A_1381 = arith.constant 192 : index
        %get3A_1382 = tpu.vector_load %arg8[%get3A_1380, %get3A_1381] {strides = array<i32>} : memref<128x256xf32, #tpu.memory_space<vmem>>, vector<1x16xf32>,
        %get3A_1383 = vector.shape_cast %get3A_1382 : vector<1x16xf32> to vector<16xf32>
        %add3A_1384 = arith.addf %while3A_1286, %get3A_1383 : vector<16xf32>
        %add3A_1385 = arith.constant 64 : i32
        %add3A_1386 = arith.addi %add3A_1385, %add3A_1293 : i32
        %get3A_1387 = arith.index_cast %add3A_1386 : i32 to index
        %get3A_1388 = arith.constant 208 : index
        %get3A_1389 = tpu.vector_load %arg8[%get3A_1387, %get3A_1388] {strides = array<i32>} : memref<128x256xf32, #tpu.memory_space<vmem>>, vector<1x16xf32>,
        %get3A_1390 = vector.shape_cast %get3A_1389 : vector<1x16xf32> to vector<16xf32>
        %add3A_1391 = arith.addf %while3A_1287, %get3A_1390 : vector<16xf32>
        %add3A_1392 = arith.constant 64 : i32
        %add3A_1393 = arith.addi %add3A_1392, %add3A_1293 : i32
        %get3A_1394 = arith.index_cast %add3A_1393 : i32 to index
        %get3A_1395 = arith.constant 224 : index
        %get3A_1396 = tpu.vector_load %arg8[%get3A_1394, %get3A_1395] {strides = array<i32>} : memref<128x256xf32, #tpu.memory_space<vmem>>, vector<1x16xf32>,
        %get3A_1397 = vector.shape_cast %get3A_1396 : vector<1x16xf32> to vector<16xf32>
        %add3A_1398 = arith.addf %while3A_1288, %get3A_1397 : vector<16xf32>
        %add3A_1399 = arith.constant 64 : i32
        %add3A_1400 = arith.addi %add3A_1399, %add3A_1293 : i32
        %get3A_1401 = arith.index_cast %add3A_1400 : i32 to index
        %get3A_1402 = arith.constant 240 : index
        %get3A_1403 = tpu.vector_load %arg8[%get3A_1401, %get3A_1402] {strides = array<i32>} : memref<128x256xf32, #tpu.memory_space<vmem>>, vector<1x16xf32>,
        %get3A_1404 = vector.shape_cast %get3A_1403 : vector<1x16xf32> to vector<16xf32>
        %add3A_1405 = arith.addf %while3A_1289, %get3A_1404 : vector<16xf32>
        %add3A_1406 = arith.constant 64 : i32
        %add3A_1407 = arith.addi %add3A_1406, %add3A_1293 : i32
        %add3A_1408 = arith.constant 1 : i32
        %add3A_1409 = arith.addi %add3A_1407, %add3A_1408 : i32
        %get3A_1410 = arith.index_cast %add3A_1409 : i32 to index
        %get3A_1411 = arith.constant 0 : index
        %get3A_1412 = tpu.vector_load %arg8[%get3A_1410, %get3A_1411] {strides = array<i32>} : memref<128x256xf32, #tpu.memory_space<vmem>>, vector<1x16xf32>,
        %get3A_1413 = vector.shape_cast %get3A_1412 : vector<1x16xf32> to vector<16xf32>
        %add3A_1414 = arith.addf %add3A_1300, %get3A_1413 : vector<16xf32>
        %add3A_1415 = arith.constant 64 : i32
        %add3A_1416 = arith.addi %add3A_1415, %add3A_1293 : i32
        %add3A_1417 = arith.constant 1 : i32
        %add3A_1418 = arith.addi %add3A_1416, %add3A_1417 : i32
        %get3A_1419 = arith.index_cast %add3A_1418 : i32 to index
        %get3A_1420 = arith.constant 16 : index
        %get3A_1421 = tpu.vector_load %arg8[%get3A_1419, %get3A_1420] {strides = array<i32>} : memref<128x256xf32, #tpu.memory_space<vmem>>, vector<1x16xf32>,
        %get3A_1422 = vector.shape_cast %get3A_1421 : vector<1x16xf32> to vector<16xf32>
        %add3A_1423 = arith.addf %add3A_1307, %get3A_1422 : vector<16xf32>
        %add3A_1424 = arith.constant 64 : i32
        %add3A_1425 = arith.addi %add3A_1424, %add3A_1293 : i32
        %add3A_1426 = arith.constant 1 : i32
        %add3A_1427 = arith.addi %add3A_1425, %add3A_1426 : i32
        %get3A_1428 = arith.index_cast %add3A_1427 : i32 to index
        %get3A_1429 = arith.constant 32 : index
        %get3A_1430 = tpu.vector_load %arg8[%get3A_1428, %get3A_1429] {strides = array<i32>} : memref<128x256xf32, #tpu.memory_space<vmem>>, vector<1x16xf32>,
        %get3A_1431 = vector.shape_cast %get3A_1430 : vector<1x16xf32> to vector<16xf32>
        %add3A_1432 = arith.addf %add3A_1314, %get3A_1431 : vector<16xf32>
        %add3A_1433 = arith.constant 64 : i32
        %add3A_1434 = arith.addi %add3A_1433, %add3A_1293 : i32
        %add3A_1435 = arith.constant 1 : i32
        %add3A_1436 = arith.addi %add3A_1434, %add3A_1435 : i32
        %get3A_1437 = arith.index_cast %add3A_1436 : i32 to index
        %get3A_1438 = arith.constant 48 : index
        %get3A_1439 = tpu.vector_load %arg8[%get3A_1437, %get3A_1438] {strides = array<i32>} : memref<128x256xf32, #tpu.memory_space<vmem>>, vector<1x16xf32>,
        %get3A_1440 = vector.shape_cast %get3A_1439 : vector<1x16xf32> to vector<16xf32>
        %add3A_1441 = arith.addf %add3A_1321, %get3A_1440 : vector<16xf32>
        %add3A_1442 = arith.constant 64 : i32
        %add3A_1443 = arith.addi %add3A_1442, %add3A_1293 : i32
        %add3A_1444 = arith.constant 1 : i32
        %add3A_1445 = arith.addi %add3A_1443, %add3A_1444 : i32
        %get3A_1446 = arith.index_cast %add3A_1445 : i32 to index
        %get3A_1447 = arith.constant 64 : index
        %get3A_1448 = tpu.vector_load %arg8[%get3A_1446, %get3A_1447] {strides = array<i32>} : memref<128x256xf32, #tpu.memory_space<vmem>>, vector<1x16xf32>,
        %get3A_1449 = vector.shape_cast %get3A_1448 : vector<1x16xf32> to vector<16xf32>
        %add3A_1450 = arith.addf %add3A_1328, %get3A_1449 : vector<16xf32>
        %add3A_1451 = arith.constant 64 : i32
        %add3A_1452 = arith.addi %add3A_1451, %add3A_1293 : i32
        %add3A_1453 = arith.constant 1 : i32
        %add3A_1454 = arith.addi %add3A_1452, %add3A_1453 : i32
        %get3A_1455 = arith.index_cast %add3A_1454 : i32 to index
        %get3A_1456 = arith.constant 80 : index
        %get3A_1457 = tpu.vector_load %arg8[%get3A_1455, %get3A_1456] {strides = array<i32>} : memref<128x256xf32, #tpu.memory_space<vmem>>, vector<1x16xf32>,
        %get3A_1458 = vector.shape_cast %get3A_1457 : vector<1x16xf32> to vector<16xf32>
        %add3A_1459 = arith.addf %add3A_1335, %get3A_1458 : vector<16xf32>
        %add3A_1460 = arith.constant 64 : i32
        %add3A_1461 = arith.addi %add3A_1460, %add3A_1293 : i32
        %add3A_1462 = arith.constant 1 : i32
        %add3A_1463 = arith.addi %add3A_1461, %add3A_1462 : i32
        %get3A_1464 = arith.index_cast %add3A_1463 : i32 to index
        %get3A_1465 = arith.constant 96 : index
        %get3A_1466 = tpu.vector_load %arg8[%get3A_1464, %get3A_1465] {strides = array<i32>} : memref<128x256xf32, #tpu.memory_space<vmem>>, vector<1x16xf32>,
        %get3A_1467 = vector.shape_cast %get3A_1466 : vector<1x16xf32> to vector<16xf32>
        %add3A_1468 = arith.addf %add3A_1342, %get3A_1467 : vector<16xf32>
        %add3A_1469 = arith.constant 64 : i32
        %add3A_1470 = arith.addi %add3A_1469, %add3A_1293 : i32
        %add3A_1471 = arith.constant 1 : i32
        %add3A_1472 = arith.addi %add3A_1470, %add3A_1471 : i32
        %get3A_1473 = arith.index_cast %add3A_1472 : i32 to index
        %get3A_1474 = arith.constant 112 : index
        %get3A_1475 = tpu.vector_load %arg8[%get3A_1473, %get3A_1474] {strides = array<i32>} : memref<128x256xf32, #tpu.memory_space<vmem>>, vector<1x16xf32>,
        %get3A_1476 = vector.shape_cast %get3A_1475 : vector<1x16xf32> to vector<16xf32>
        %add3A_1477 = arith.addf %add3A_1349, %get3A_1476 : vector<16xf32>
        %add3A_1478 = arith.constant 64 : i32
        %add3A_1479 = arith.addi %add3A_1478, %add3A_1293 : i32
        %add3A_1480 = arith.constant 1 : i32
        %add3A_1481 = arith.addi %add3A_1479, %add3A_1480 : i32
        %get3A_1482 = arith.index_cast %add3A_1481 : i32 to index
        %get3A_1483 = arith.constant 128 : index
        %get3A_1484 = tpu.vector_load %arg8[%get3A_1482, %get3A_1483] {strides = array<i32>} : memref<128x256xf32, #tpu.memory_space<vmem>>, vector<1x16xf32>,
        %get3A_1485 = vector.shape_cast %get3A_1484 : vector<1x16xf32> to vector<16xf32>
        %add3A_1486 = arith.addf %add3A_1356, %get3A_1485 : vector<16xf32>
        %add3A_1487 = arith.constant 64 : i32
        %add3A_1488 = arith.addi %add3A_1487, %add3A_1293 : i32
        %add3A_1489 = arith.constant 1 : i32
        %add3A_1490 = arith.addi %add3A_1488, %add3A_1489 : i32
        %get3A_1491 = arith.index_cast %add3A_1490 : i32 to index
        %get3A_1492 = arith.constant 144 : index
        %get3A_1493 = tpu.vector_load %arg8[%get3A_1491, %get3A_1492] {strides = array<i32>} : memref<128x256xf32, #tpu.memory_space<vmem>>, vector<1x16xf32>,
        %get3A_1494 = vector.shape_cast %get3A_1493 : vector<1x16xf32> to vector<16xf32>
        %add3A_1495 = arith.addf %add3A_1363, %get3A_1494 : vector<16xf32>
        %add3A_1496 = arith.constant 64 : i32
        %add3A_1497 = arith.addi %add3A_1496, %add3A_1293 : i32
        %add3A_1498 = arith.constant 1 : i32
        %add3A_1499 = arith.addi %add3A_1497, %add3A_1498 : i32
        %get3A_1500 = arith.index_cast %add3A_1499 : i32 to index
        %get3A_1501 = arith.constant 160 : index
        %get3A_1502 = tpu.vector_load %arg8[%get3A_1500, %get3A_1501] {strides = array<i32>} : memref<128x256xf32, #tpu.memory_space<vmem>>, vector<1x16xf32>,
        %get3A_1503 = vector.shape_cast %get3A_1502 : vector<1x16xf32> to vector<16xf32>
        %add3A_1504 = arith.addf %add3A_1370, %get3A_1503 : vector<16xf32>
        %add3A_1505 = arith.constant 64 : i32
        %add3A_1506 = arith.addi %add3A_1505, %add3A_1293 : i32
        %add3A_1507 = arith.constant 1 : i32
        %add3A_1508 = arith.addi %add3A_1506, %add3A_1507 : i32
        %get3A_1509 = arith.index_cast %add3A_1508 : i32 to index
        %get3A_1510 = arith.constant 176 : index
        %get3A_1511 = tpu.vector_load %arg8[%get3A_1509, %get3A_1510] {strides = array<i32>} : memref<128x256xf32, #tpu.memory_space<vmem>>, vector<1x16xf32>,
        %get3A_1512 = vector.shape_cast %get3A_1511 : vector<1x16xf32> to vector<16xf32>
        %add3A_1513 = arith.addf %add3A_1377, %get3A_1512 : vector<16xf32>
        %add3A_1514 = arith.constant 64 : i32
        %add3A_1515 = arith.addi %add3A_1514, %add3A_1293 : i32
        %add3A_1516 = arith.constant 1 : i32
        %add3A_1517 = arith.addi %add3A_1515, %add3A_1516 : i32
        %get3A_1518 = arith.index_cast %add3A_1517 : i32 to index
        %get3A_1519 = arith.constant 192 : index
        %get3A_1520 = tpu.vector_load %arg8[%get3A_1518, %get3A_1519] {strides = array<i32>} : memref<128x256xf32, #tpu.memory_space<vmem>>, vector<1x16xf32>,
        %get3A_1521 = vector.shape_cast %get3A_1520 : vector<1x16xf32> to vector<16xf32>
        %add3A_1522 = arith.addf %add3A_1384, %get3A_1521 : vector<16xf32>
        %add3A_1523 = arith.constant 64 : i32
        %add3A_1524 = arith.addi %add3A_1523, %add3A_1293 : i32
        %add3A_1525 = arith.constant 1 : i32
        %add3A_1526 = arith.addi %add3A_1524, %add3A_1525 : i32
        %get3A_1527 = arith.index_cast %add3A_1526 : i32 to index
        %get3A_1528 = arith.constant 208 : index
        %get3A_1529 = tpu.vector_load %arg8[%get3A_1527, %get3A_1528] {strides = array<i32>} : memref<128x256xf32, #tpu.memory_space<vmem>>, vector<1x16xf32>,
        %get3A_1530 = vector.shape_cast %get3A_1529 : vector<1x16xf32> to vector<16xf32>
        %add3A_1531 = arith.addf %add3A_1391, %get3A_1530 : vector<16xf32>
        %add3A_1532 = arith.constant 64 : i32
        %add3A_1533 = arith.addi %add3A_1532, %add3A_1293 : i32
        %add3A_1534 = arith.constant 1 : i32
        %add3A_1535 = arith.addi %add3A_1533, %add3A_1534 : i32
        %get3A_1536 = arith.index_cast %add3A_1535 : i32 to index
        %get3A_1537 = arith.constant 224 : index
        %get3A_1538 = tpu.vector_load %arg8[%get3A_1536, %get3A_1537] {strides = array<i32>} : memref<128x256xf32, #tpu.memory_space<vmem>>, vector<1x16xf32>,
        %get3A_1539 = vector.shape_cast %get3A_1538 : vector<1x16xf32> to vector<16xf32>
        %add3A_1540 = arith.addf %add3A_1398, %get3A_1539 : vector<16xf32>
        %add3A_1541 = arith.constant 64 : i32
        %add3A_1542 = arith.addi %add3A_1541, %add3A_1293 : i32
        %add3A_1543 = arith.constant 1 : i32
        %add3A_1544 = arith.addi %add3A_1542, %add3A_1543 : i32
        %get3A_1545 = arith.index_cast %add3A_1544 : i32 to index
        %get3A_1546 = arith.constant 240 : index
        %get3A_1547 = tpu.vector_load %arg8[%get3A_1545, %get3A_1546] {strides = array<i32>} : memref<128x256xf32, #tpu.memory_space<vmem>>, vector<1x16xf32>,
        %get3A_1548 = vector.shape_cast %get3A_1547 : vector<1x16xf32> to vector<16xf32>
        %add3A_1549 = arith.addf %add3A_1405, %get3A_1548 : vector<16xf32>
        scf.yield %add3A_1414, %add3A_1423, %add3A_1432, %add3A_1441, %add3A_1450, %add3A_1459, %add3A_1468, %add3A_1477, %add3A_1486, %add3A_1495, %add3A_1504, %add3A_1513, %add3A_1522, %add3A_1531, %add3A_1540, %add3A_1549 : vector<16xf32>, vector<16xf32>, vector<16xf32>, vector<16xf32>, vector<16xf32>, vector<16xf32>, vector<16xf32>, vector<16xf32>, vector<16xf32>, vector<16xf32>, vector<16xf32>, vector<16xf32>, vector<16xf32>, vector<16xf32>, vector<16xf32>, vector<16xf32>
      }
      %mul3A_533 = arith.constant 2 : i32
      %mul3A_534 = arith.muli %mul3A_533, %select_n3A_521 : i32
      %add3A_535 = arith.constant 1 : i32
      %add3A_536 = arith.addi %add3A_535, %mul3A_534 : i32
      %while3A_537 = arith.subi %squeeze3A_415, %add3A_536 : i32
      %while3A_538 = arith.addi %add3A_536, %while3A_537 : i32
      %while3A_539 = arith.constant 1 : i32
      %while3A_540 = arith.divsi %while3A_537, %while3A_539 : i32
      %while3A_541 = arith.muli %while3A_540, %while3A_539 : i32
      %while3A_542 = arith.addi %add3A_536, %while3A_541 : i32
      %while3A_543 = arith.constant 1 : i32
      %while3A_544:16 = scf.for %while3A_1273 = %add3A_536 to %while3A_542 step %while3A_543 iter_args(%while3A_1274 = %while3A_532#0, %while3A_1275 = %while3A_532#1, %while3A_1276 = %while3A_532#2, %while3A_1277 = %while3A_532#3, %while3A_1278 = %while3A_532#4, %while3A_1279 = %while3A_532#5, %while3A_1280 = %while3A_532#6, %while3A_1281 = %while3A_532#7, %while3A_1282 = %while3A_532#8, %while3A_1283 = %while3A_532#9, %while3A_1284 = %while3A_532#10, %while3A_1285 = %while3A_532#11, %while3A_1286 = %while3A_532#12, %while3A_1287 = %while3A_532#13, %while3A_1288 = %while3A_532#14, %while3A_1289 = %while3A_532#15) -> (vector<16xf32>, vector<16xf32>, vector<16xf32>, vector<16xf32>, vector<16xf32>, vector<16xf32>, vector<16xf32>, vector<16xf32>, vector<16xf32>, vector<16xf32>, vector<16xf32>, vector<16xf32>, vector<16xf32>, vector<16xf32>, vector<16xf32>, vector<16xf32>)  : i32 {
        %add3A_1290 = arith.constant 64 : i32
        %add3A_1291 = arith.addi %add3A_1290, %while3A_1273 : i32
        %get3A_1292 = arith.index_cast %add3A_1291 : i32 to index
        %get3A_1293 = arith.constant 0 : index
        %get3A_1294 = tpu.vector_load %arg8[%get3A_1292, %get3A_1293] {strides = array<i32>} : memref<128x256xf32, #tpu.memory_space<vmem>>, vector<1x16xf32>,
        %get3A_1295 = vector.shape_cast %get3A_1294 : vector<1x16xf32> to vector<16xf32>
        %add3A_1296 = arith.addf %while3A_1274, %get3A_1295 : vector<16xf32>
        %add3A_1297 = arith.constant 64 : i32
        %add3A_1298 = arith.addi %add3A_1297, %while3A_1273 : i32
        %get3A_1299 = arith.index_cast %add3A_1298 : i32 to index
        %get3A_1300 = arith.constant 16 : index
        %get3A_1301 = tpu.vector_load %arg8[%get3A_1299, %get3A_1300] {strides = array<i32>} : memref<128x256xf32, #tpu.memory_space<vmem>>, vector<1x16xf32>,
        %get3A_1302 = vector.shape_cast %get3A_1301 : vector<1x16xf32> to vector<16xf32>
        %add3A_1303 = arith.addf %while3A_1275, %get3A_1302 : vector<16xf32>
        %add3A_1304 = arith.constant 64 : i32
        %add3A_1305 = arith.addi %add3A_1304, %while3A_1273 : i32
        %get3A_1306 = arith.index_cast %add3A_1305 : i32 to index
        %get3A_1307 = arith.constant 32 : index
        %get3A_1308 = tpu.vector_load %arg8[%get3A_1306, %get3A_1307] {strides = array<i32>} : memref<128x256xf32, #tpu.memory_space<vmem>>, vector<1x16xf32>,
        %get3A_1309 = vector.shape_cast %get3A_1308 : vector<1x16xf32> to vector<16xf32>
        %add3A_1310 = arith.addf %while3A_1276, %get3A_1309 : vector<16xf32>
        %add3A_1311 = arith.constant 64 : i32
        %add3A_1312 = arith.addi %add3A_1311, %while3A_1273 : i32
        %get3A_1313 = arith.index_cast %add3A_1312 : i32 to index
        %get3A_1314 = arith.constant 48 : index
        %get3A_1315 = tpu.vector_load %arg8[%get3A_1313, %get3A_1314] {strides = array<i32>} : memref<128x256xf32, #tpu.memory_space<vmem>>, vector<1x16xf32>,
        %get3A_1316 = vector.shape_cast %get3A_1315 : vector<1x16xf32> to vector<16xf32>
        %add3A_1317 = arith.addf %while3A_1277, %get3A_1316 : vector<16xf32>
        %add3A_1318 = arith.constant 64 : i32
        %add3A_1319 = arith.addi %add3A_1318, %while3A_1273 : i32
        %get3A_1320 = arith.index_cast %add3A_1319 : i32 to index
        %get3A_1321 = arith.constant 64 : index
        %get3A_1322 = tpu.vector_load %arg8[%get3A_1320, %get3A_1321] {strides = array<i32>} : memref<128x256xf32, #tpu.memory_space<vmem>>, vector<1x16xf32>,
        %get3A_1323 = vector.shape_cast %get3A_1322 : vector<1x16xf32> to vector<16xf32>
        %add3A_1324 = arith.addf %while3A_1278, %get3A_1323 : vector<16xf32>
        %add3A_1325 = arith.constant 64 : i32
        %add3A_1326 = arith.addi %add3A_1325, %while3A_1273 : i32
        %get3A_1327 = arith.index_cast %add3A_1326 : i32 to index
        %get3A_1328 = arith.constant 80 : index
        %get3A_1329 = tpu.vector_load %arg8[%get3A_1327, %get3A_1328] {strides = array<i32>} : memref<128x256xf32, #tpu.memory_space<vmem>>, vector<1x16xf32>,
        %get3A_1330 = vector.shape_cast %get3A_1329 : vector<1x16xf32> to vector<16xf32>
        %add3A_1331 = arith.addf %while3A_1279, %get3A_1330 : vector<16xf32>
        %add3A_1332 = arith.constant 64 : i32
        %add3A_1333 = arith.addi %add3A_1332, %while3A_1273 : i32
        %get3A_1334 = arith.index_cast %add3A_1333 : i32 to index
        %get3A_1335 = arith.constant 96 : index
        %get3A_1336 = tpu.vector_load %arg8[%get3A_1334, %get3A_1335] {strides = array<i32>} : memref<128x256xf32, #tpu.memory_space<vmem>>, vector<1x16xf32>,
        %get3A_1337 = vector.shape_cast %get3A_1336 : vector<1x16xf32> to vector<16xf32>
        %add3A_1338 = arith.addf %while3A_1280, %get3A_1337 : vector<16xf32>
        %add3A_1339 = arith.constant 64 : i32
        %add3A_1340 = arith.addi %add3A_1339, %while3A_1273 : i32
        %get3A_1341 = arith.index_cast %add3A_1340 : i32 to index
        %get3A_1342 = arith.constant 112 : index
        %get3A_1343 = tpu.vector_load %arg8[%get3A_1341, %get3A_1342] {strides = array<i32>} : memref<128x256xf32, #tpu.memory_space<vmem>>, vector<1x16xf32>,
        %get3A_1344 = vector.shape_cast %get3A_1343 : vector<1x16xf32> to vector<16xf32>
        %add3A_1345 = arith.addf %while3A_1281, %get3A_1344 : vector<16xf32>
        %add3A_1346 = arith.constant 64 : i32
        %add3A_1347 = arith.addi %add3A_1346, %while3A_1273 : i32
        %get3A_1348 = arith.index_cast %add3A_1347 : i32 to index
        %get3A_1349 = arith.constant 128 : index
        %get3A_1350 = tpu.vector_load %arg8[%get3A_1348, %get3A_1349] {strides = array<i32>} : memref<128x256xf32, #tpu.memory_space<vmem>>, vector<1x16xf32>,
        %get3A_1351 = vector.shape_cast %get3A_1350 : vector<1x16xf32> to vector<16xf32>
        %add3A_1352 = arith.addf %while3A_1282, %get3A_1351 : vector<16xf32>
        %add3A_1353 = arith.constant 64 : i32
        %add3A_1354 = arith.addi %add3A_1353, %while3A_1273 : i32
        %get3A_1355 = arith.index_cast %add3A_1354 : i32 to index
        %get3A_1356 = arith.constant 144 : index
        %get3A_1357 = tpu.vector_load %arg8[%get3A_1355, %get3A_1356] {strides = array<i32>} : memref<128x256xf32, #tpu.memory_space<vmem>>, vector<1x16xf32>,
        %get3A_1358 = vector.shape_cast %get3A_1357 : vector<1x16xf32> to vector<16xf32>
        %add3A_1359 = arith.addf %while3A_1283, %get3A_1358 : vector<16xf32>
        %add3A_1360 = arith.constant 64 : i32
        %add3A_1361 = arith.addi %add3A_1360, %while3A_1273 : i32
        %get3A_1362 = arith.index_cast %add3A_1361 : i32 to index
        %get3A_1363 = arith.constant 160 : index
        %get3A_1364 = tpu.vector_load %arg8[%get3A_1362, %get3A_1363] {strides = array<i32>} : memref<128x256xf32, #tpu.memory_space<vmem>>, vector<1x16xf32>,
        %get3A_1365 = vector.shape_cast %get3A_1364 : vector<1x16xf32> to vector<16xf32>
        %add3A_1366 = arith.addf %while3A_1284, %get3A_1365 : vector<16xf32>
        %add3A_1367 = arith.constant 64 : i32
        %add3A_1368 = arith.addi %add3A_1367, %while3A_1273 : i32
        %get3A_1369 = arith.index_cast %add3A_1368 : i32 to index
        %get3A_1370 = arith.constant 176 : index
        %get3A_1371 = tpu.vector_load %arg8[%get3A_1369, %get3A_1370] {strides = array<i32>} : memref<128x256xf32, #tpu.memory_space<vmem>>, vector<1x16xf32>,
        %get3A_1372 = vector.shape_cast %get3A_1371 : vector<1x16xf32> to vector<16xf32>
        %add3A_1373 = arith.addf %while3A_1285, %get3A_1372 : vector<16xf32>
        %add3A_1374 = arith.constant 64 : i32
        %add3A_1375 = arith.addi %add3A_1374, %while3A_1273 : i32
        %get3A_1376 = arith.index_cast %add3A_1375 : i32 to index
        %get3A_1377 = arith.constant 192 : index
        %get3A_1378 = tpu.vector_load %arg8[%get3A_1376, %get3A_1377] {strides = array<i32>} : memref<128x256xf32, #tpu.memory_space<vmem>>, vector<1x16xf32>,
        %get3A_1379 = vector.shape_cast %get3A_1378 : vector<1x16xf32> to vector<16xf32>
        %add3A_1380 = arith.addf %while3A_1286, %get3A_1379 : vector<16xf32>
        %add3A_1381 = arith.constant 64 : i32
        %add3A_1382 = arith.addi %add3A_1381, %while3A_1273 : i32
        %get3A_1383 = arith.index_cast %add3A_1382 : i32 to index
        %get3A_1384 = arith.constant 208 : index
        %get3A_1385 = tpu.vector_load %arg8[%get3A_1383, %get3A_1384] {strides = array<i32>} : memref<128x256xf32, #tpu.memory_space<vmem>>, vector<1x16xf32>,
        %get3A_1386 = vector.shape_cast %get3A_1385 : vector<1x16xf32> to vector<16xf32>
        %add3A_1387 = arith.addf %while3A_1287, %get3A_1386 : vector<16xf32>
        %add3A_1388 = arith.constant 64 : i32
        %add3A_1389 = arith.addi %add3A_1388, %while3A_1273 : i32
        %get3A_1390 = arith.index_cast %add3A_1389 : i32 to index
        %get3A_1391 = arith.constant 224 : index
        %get3A_1392 = tpu.vector_load %arg8[%get3A_1390, %get3A_1391] {strides = array<i32>} : memref<128x256xf32, #tpu.memory_space<vmem>>, vector<1x16xf32>,
        %get3A_1393 = vector.shape_cast %get3A_1392 : vector<1x16xf32> to vector<16xf32>
        %add3A_1394 = arith.addf %while3A_1288, %get3A_1393 : vector<16xf32>
        %add3A_1395 = arith.constant 64 : i32
        %add3A_1396 = arith.addi %add3A_1395, %while3A_1273 : i32
        %get3A_1397 = arith.index_cast %add3A_1396 : i32 to index
        %get3A_1398 = arith.constant 240 : index
        %get3A_1399 = tpu.vector_load %arg8[%get3A_1397, %get3A_1398] {strides = array<i32>} : memref<128x256xf32, #tpu.memory_space<vmem>>, vector<1x16xf32>,
        %get3A_1400 = vector.shape_cast %get3A_1399 : vector<1x16xf32> to vector<16xf32>
        %add3A_1401 = arith.addf %while3A_1289, %get3A_1400 : vector<16xf32>
        scf.yield %add3A_1296, %add3A_1303, %add3A_1310, %add3A_1317, %add3A_1324, %add3A_1331, %add3A_1338, %add3A_1345, %add3A_1352, %add3A_1359, %add3A_1366, %add3A_1373, %add3A_1380, %add3A_1387, %add3A_1394, %add3A_1401 : vector<16xf32>, vector<16xf32>, vector<16xf32>, vector<16xf32>, vector<16xf32>, vector<16xf32>, vector<16xf32>, vector<16xf32>, vector<16xf32>, vector<16xf32>, vector<16xf32>, vector<16xf32>, vector<16xf32>, vector<16xf32>, vector<16xf32>, vector<16xf32>
      }
      %while3A_545 = arith.constant 1 : i32
      %while3A_546:16 = scf.for %while3A_1273 = %while3A_542 to %while3A_538 step %while3A_545 iter_args(%while3A_1274 = %while3A_544#0, %while3A_1275 = %while3A_544#1, %while3A_1276 = %while3A_544#2, %while3A_1277 = %while3A_544#3, %while3A_1278 = %while3A_544#4, %while3A_1279 = %while3A_544#5, %while3A_1280 = %while3A_544#6, %while3A_1281 = %while3A_544#7, %while3A_1282 = %while3A_544#8, %while3A_1283 = %while3A_544#9, %while3A_1284 = %while3A_544#10, %while3A_1285 = %while3A_544#11, %while3A_1286 = %while3A_544#12, %while3A_1287 = %while3A_544#13, %while3A_1288 = %while3A_544#14, %while3A_1289 = %while3A_544#15) -> (vector<16xf32>, vector<16xf32>, vector<16xf32>, vector<16xf32>, vector<16xf32>, vector<16xf32>, vector<16xf32>, vector<16xf32>, vector<16xf32>, vector<16xf32>, vector<16xf32>, vector<16xf32>, vector<16xf32>, vector<16xf32>, vector<16xf32>, vector<16xf32>)  : i32 {
        %add3A_1290 = arith.constant 64 : i32
        %add3A_1291 = arith.addi %add3A_1290, %while3A_1273 : i32
        %get3A_1292 = arith.index_cast %add3A_1291 : i32 to index
        %get3A_1293 = arith.constant 0 : index
        %get3A_1294 = tpu.vector_load %arg8[%get3A_1292, %get3A_1293] {strides = array<i32>} : memref<128x256xf32, #tpu.memory_space<vmem>>, vector<1x16xf32>,
        %get3A_1295 = vector.shape_cast %get3A_1294 : vector<1x16xf32> to vector<16xf32>
        %add3A_1296 = arith.addf %while3A_1274, %get3A_1295 : vector<16xf32>
        %add3A_1297 = arith.constant 64 : i32
        %add3A_1298 = arith.addi %add3A_1297, %while3A_1273 : i32
        %get3A_1299 = arith.index_cast %add3A_1298 : i32 to index
        %get3A_1300 = arith.constant 16 : index
        %get3A_1301 = tpu.vector_load %arg8[%get3A_1299, %get3A_1300] {strides = array<i32>} : memref<128x256xf32, #tpu.memory_space<vmem>>, vector<1x16xf32>,
        %get3A_1302 = vector.shape_cast %get3A_1301 : vector<1x16xf32> to vector<16xf32>
        %add3A_1303 = arith.addf %while3A_1275, %get3A_1302 : vector<16xf32>
        %add3A_1304 = arith.constant 64 : i32
        %add3A_1305 = arith.addi %add3A_1304, %while3A_1273 : i32
        %get3A_1306 = arith.index_cast %add3A_1305 : i32 to index
        %get3A_1307 = arith.constant 32 : index
        %get3A_1308 = tpu.vector_load %arg8[%get3A_1306, %get3A_1307] {strides = array<i32>} : memref<128x256xf32, #tpu.memory_space<vmem>>, vector<1x16xf32>,
        %get3A_1309 = vector.shape_cast %get3A_1308 : vector<1x16xf32> to vector<16xf32>
        %add3A_1310 = arith.addf %while3A_1276, %get3A_1309 : vector<16xf32>
        %add3A_1311 = arith.constant 64 : i32
        %add3A_1312 = arith.addi %add3A_1311, %while3A_1273 : i32
        %get3A_1313 = arith.index_cast %add3A_1312 : i32 to index
        %get3A_1314 = arith.constant 48 : index
        %get3A_1315 = tpu.vector_load %arg8[%get3A_1313, %get3A_1314] {strides = array<i32>} : memref<128x256xf32, #tpu.memory_space<vmem>>, vector<1x16xf32>,
        %get3A_1316 = vector.shape_cast %get3A_1315 : vector<1x16xf32> to vector<16xf32>
        %add3A_1317 = arith.addf %while3A_1277, %get3A_1316 : vector<16xf32>
        %add3A_1318 = arith.constant 64 : i32
        %add3A_1319 = arith.addi %add3A_1318, %while3A_1273 : i32
        %get3A_1320 = arith.index_cast %add3A_1319 : i32 to index
        %get3A_1321 = arith.constant 64 : index
        %get3A_1322 = tpu.vector_load %arg8[%get3A_1320, %get3A_1321] {strides = array<i32>} : memref<128x256xf32, #tpu.memory_space<vmem>>, vector<1x16xf32>,
        %get3A_1323 = vector.shape_cast %get3A_1322 : vector<1x16xf32> to vector<16xf32>
        %add3A_1324 = arith.addf %while3A_1278, %get3A_1323 : vector<16xf32>
        %add3A_1325 = arith.constant 64 : i32
        %add3A_1326 = arith.addi %add3A_1325, %while3A_1273 : i32
        %get3A_1327 = arith.index_cast %add3A_1326 : i32 to index
        %get3A_1328 = arith.constant 80 : index
        %get3A_1329 = tpu.vector_load %arg8[%get3A_1327, %get3A_1328] {strides = array<i32>} : memref<128x256xf32, #tpu.memory_space<vmem>>, vector<1x16xf32>,
        %get3A_1330 = vector.shape_cast %get3A_1329 : vector<1x16xf32> to vector<16xf32>
        %add3A_1331 = arith.addf %while3A_1279, %get3A_1330 : vector<16xf32>
        %add3A_1332 = arith.constant 64 : i32
        %add3A_1333 = arith.addi %add3A_1332, %while3A_1273 : i32
        %get3A_1334 = arith.index_cast %add3A_1333 : i32 to index
        %get3A_1335 = arith.constant 96 : index
        %get3A_1336 = tpu.vector_load %arg8[%get3A_1334, %get3A_1335] {strides = array<i32>} : memref<128x256xf32, #tpu.memory_space<vmem>>, vector<1x16xf32>,
        %get3A_1337 = vector.shape_cast %get3A_1336 : vector<1x16xf32> to vector<16xf32>
        %add3A_1338 = arith.addf %while3A_1280, %get3A_1337 : vector<16xf32>
        %add3A_1339 = arith.constant 64 : i32
        %add3A_1340 = arith.addi %add3A_1339, %while3A_1273 : i32
        %get3A_1341 = arith.index_cast %add3A_1340 : i32 to index
        %get3A_1342 = arith.constant 112 : index
        %get3A_1343 = tpu.vector_load %arg8[%get3A_1341, %get3A_1342] {strides = array<i32>} : memref<128x256xf32, #tpu.memory_space<vmem>>, vector<1x16xf32>,
        %get3A_1344 = vector.shape_cast %get3A_1343 : vector<1x16xf32> to vector<16xf32>
        %add3A_1345 = arith.addf %while3A_1281, %get3A_1344 : vector<16xf32>
        %add3A_1346 = arith.constant 64 : i32
        %add3A_1347 = arith.addi %add3A_1346, %while3A_1273 : i32
        %get3A_1348 = arith.index_cast %add3A_1347 : i32 to index
        %get3A_1349 = arith.constant 128 : index
        %get3A_1350 = tpu.vector_load %arg8[%get3A_1348, %get3A_1349] {strides = array<i32>} : memref<128x256xf32, #tpu.memory_space<vmem>>, vector<1x16xf32>,
        %get3A_1351 = vector.shape_cast %get3A_1350 : vector<1x16xf32> to vector<16xf32>
        %add3A_1352 = arith.addf %while3A_1282, %get3A_1351 : vector<16xf32>
        %add3A_1353 = arith.constant 64 : i32
        %add3A_1354 = arith.addi %add3A_1353, %while3A_1273 : i32
        %get3A_1355 = arith.index_cast %add3A_1354 : i32 to index
        %get3A_1356 = arith.constant 144 : index
        %get3A_1357 = tpu.vector_load %arg8[%get3A_1355, %get3A_1356] {strides = array<i32>} : memref<128x256xf32, #tpu.memory_space<vmem>>, vector<1x16xf32>,
        %get3A_1358 = vector.shape_cast %get3A_1357 : vector<1x16xf32> to vector<16xf32>
        %add3A_1359 = arith.addf %while3A_1283, %get3A_1358 : vector<16xf32>
        %add3A_1360 = arith.constant 64 : i32
        %add3A_1361 = arith.addi %add3A_1360, %while3A_1273 : i32
        %get3A_1362 = arith.index_cast %add3A_1361 : i32 to index
        %get3A_1363 = arith.constant 160 : index
        %get3A_1364 = tpu.vector_load %arg8[%get3A_1362, %get3A_1363] {strides = array<i32>} : memref<128x256xf32, #tpu.memory_space<vmem>>, vector<1x16xf32>,
        %get3A_1365 = vector.shape_cast %get3A_1364 : vector<1x16xf32> to vector<16xf32>
        %add3A_1366 = arith.addf %while3A_1284, %get3A_1365 : vector<16xf32>
        %add3A_1367 = arith.constant 64 : i32
        %add3A_1368 = arith.addi %add3A_1367, %while3A_1273 : i32
        %get3A_1369 = arith.index_cast %add3A_1368 : i32 to index
        %get3A_1370 = arith.constant 176 : index
        %get3A_1371 = tpu.vector_load %arg8[%get3A_1369, %get3A_1370] {strides = array<i32>} : memref<128x256xf32, #tpu.memory_space<vmem>>, vector<1x16xf32>,
        %get3A_1372 = vector.shape_cast %get3A_1371 : vector<1x16xf32> to vector<16xf32>
        %add3A_1373 = arith.addf %while3A_1285, %get3A_1372 : vector<16xf32>
        %add3A_1374 = arith.constant 64 : i32
        %add3A_1375 = arith.addi %add3A_1374, %while3A_1273 : i32
        %get3A_1376 = arith.index_cast %add3A_1375 : i32 to index
        %get3A_1377 = arith.constant 192 : index
        %get3A_1378 = tpu.vector_load %arg8[%get3A_1376, %get3A_1377] {strides = array<i32>} : memref<128x256xf32, #tpu.memory_space<vmem>>, vector<1x16xf32>,
        %get3A_1379 = vector.shape_cast %get3A_1378 : vector<1x16xf32> to vector<16xf32>
        %add3A_1380 = arith.addf %while3A_1286, %get3A_1379 : vector<16xf32>
        %add3A_1381 = arith.constant 64 : i32
        %add3A_1382 = arith.addi %add3A_1381, %while3A_1273 : i32
        %get3A_1383 = arith.index_cast %add3A_1382 : i32 to index
        %get3A_1384 = arith.constant 208 : index
        %get3A_1385 = tpu.vector_load %arg8[%get3A_1383, %get3A_1384] {strides = array<i32>} : memref<128x256xf32, #tpu.memory_space<vmem>>, vector<1x16xf32>,
        %get3A_1386 = vector.shape_cast %get3A_1385 : vector<1x16xf32> to vector<16xf32>
        %add3A_1387 = arith.addf %while3A_1287, %get3A_1386 : vector<16xf32>
        %add3A_1388 = arith.constant 64 : i32
        %add3A_1389 = arith.addi %add3A_1388, %while3A_1273 : i32
        %get3A_1390 = arith.index_cast %add3A_1389 : i32 to index
        %get3A_1391 = arith.constant 224 : index
        %get3A_1392 = tpu.vector_load %arg8[%get3A_1390, %get3A_1391] {strides = array<i32>} : memref<128x256xf32, #tpu.memory_space<vmem>>, vector<1x16xf32>,
        %get3A_1393 = vector.shape_cast %get3A_1392 : vector<1x16xf32> to vector<16xf32>
        %add3A_1394 = arith.addf %while3A_1288, %get3A_1393 : vector<16xf32>
        %add3A_1395 = arith.constant 64 : i32
        %add3A_1396 = arith.addi %add3A_1395, %while3A_1273 : i32
        %get3A_1397 = arith.index_cast %add3A_1396 : i32 to index
        %get3A_1398 = arith.constant 240 : index
        %get3A_1399 = tpu.vector_load %arg8[%get3A_1397, %get3A_1398] {strides = array<i32>} : memref<128x256xf32, #tpu.memory_space<vmem>>, vector<1x16xf32>,
        %get3A_1400 = vector.shape_cast %get3A_1399 : vector<1x16xf32> to vector<16xf32>
        %add3A_1401 = arith.addf %while3A_1289, %get3A_1400 : vector<16xf32>
        scf.yield %add3A_1296, %add3A_1303, %add3A_1310, %add3A_1317, %add3A_1324, %add3A_1331, %add3A_1338, %add3A_1345, %add3A_1352, %add3A_1359, %add3A_1366, %add3A_1373, %add3A_1380, %add3A_1387, %add3A_1394, %add3A_1401 : vector<16xf32>, vector<16xf32>, vector<16xf32>, vector<16xf32>, vector<16xf32>, vector<16xf32>, vector<16xf32>, vector<16xf32>, vector<16xf32>, vector<16xf32>, vector<16xf32>, vector<16xf32>, vector<16xf32>, vector<16xf32>, vector<16xf32>, vector<16xf32>
      }
      %mul3A_547 = arith.constant 256 : i32
      %mul3A_548 = arith.muli %add3A_408, %mul3A_547 : i32
      %add3A_549 = arith.constant 0 : i32
      %add3A_550 = arith.addi %mul3A_548, %add3A_549 : i32
      %swap3A_551 = arith.index_cast %add3A_550 : i32 to index
      %swap3A_552 = tpu.vector_load %arg10[%swap3A_551] {strides = array<i32>} : memref<32768xf32, #tpu.memory_space<vmem>>, vector<16xf32>,
      %swap3A_553 = vector.shape_cast %swap3A_552 : vector<16xf32> to vector<16xf32>
      %swap3A_554 = vector.shape_cast %while3A_546#0 : vector<16xf32> to vector<16xf32>
      tpu.vector_store %arg10[%swap3A_551], %swap3A_554 {strides = array<i32>} : memref<32768xf32, #tpu.memory_space<vmem>>, vector<16xf32>,
      %mul3A_555 = arith.constant 256 : i32
      %mul3A_556 = arith.muli %add3A_408, %mul3A_555 : i32
      %add3A_557 = arith.constant 16 : i32
      %add3A_558 = arith.addi %mul3A_556, %add3A_557 : i32
      %swap3A_559 = arith.index_cast %add3A_558 : i32 to index
      %swap3A_560 = tpu.vector_load %arg10[%swap3A_559] {strides = array<i32>} : memref<32768xf32, #tpu.memory_space<vmem>>, vector<16xf32>,
      %swap3A_561 = vector.shape_cast %swap3A_560 : vector<16xf32> to vector<16xf32>
      %swap3A_562 = vector.shape_cast %while3A_546#1 : vector<16xf32> to vector<16xf32>
      tpu.vector_store %arg10[%swap3A_559], %swap3A_562 {strides = array<i32>} : memref<32768xf32, #tpu.memory_space<vmem>>, vector<16xf32>,
      %mul3A_563 = arith.constant 256 : i32
      %mul3A_564 = arith.muli %add3A_408, %mul3A_563 : i32
      %add3A_565 = arith.constant 32 : i32
      %add3A_566 = arith.addi %mul3A_564, %add3A_565 : i32
      %swap3A_567 = arith.index_cast %add3A_566 : i32 to index
      %swap3A_568 = tpu.vector_load %arg10[%swap3A_567] {strides = array<i32>} : memref<32768xf32, #tpu.memory_space<vmem>>, vector<16xf32>,
      %swap3A_569 = vector.shape_cast %swap3A_568 : vector<16xf32> to vector<16xf32>
      %swap3A_570 = vector.shape_cast %while3A_546#2 : vector<16xf32> to vector<16xf32>
      tpu.vector_store %arg10[%swap3A_567], %swap3A_570 {strides = array<i32>} : memref<32768xf32, #tpu.memory_space<vmem>>, vector<16xf32>,
      %mul3A_571 = arith.constant 256 : i32
      %mul3A_572 = arith.muli %add3A_408, %mul3A_571 : i32
      %add3A_573 = arith.constant 48 : i32
      %add3A_574 = arith.addi %mul3A_572, %add3A_573 : i32
      %swap3A_575 = arith.index_cast %add3A_574 : i32 to index
      %swap3A_576 = tpu.vector_load %arg10[%swap3A_575] {strides = array<i32>} : memref<32768xf32, #tpu.memory_space<vmem>>, vector<16xf32>,
      %swap3A_577 = vector.shape_cast %swap3A_576 : vector<16xf32> to vector<16xf32>
      %swap3A_578 = vector.shape_cast %while3A_546#3 : vector<16xf32> to vector<16xf32>
      tpu.vector_store %arg10[%swap3A_575], %swap3A_578 {strides = array<i32>} : memref<32768xf32, #tpu.memory_space<vmem>>, vector<16xf32>,
      %mul3A_579 = arith.constant 256 : i32
      %mul3A_580 = arith.muli %add3A_408, %mul3A_579 : i32
      %add3A_581 = arith.constant 64 : i32
      %add3A_582 = arith.addi %mul3A_580, %add3A_581 : i32
      %swap3A_583 = arith.index_cast %add3A_582 : i32 to index
      %swap3A_584 = tpu.vector_load %arg10[%swap3A_583] {strides = array<i32>} : memref<32768xf32, #tpu.memory_space<vmem>>, vector<16xf32>,
      %swap3A_585 = vector.shape_cast %swap3A_584 : vector<16xf32> to vector<16xf32>
      %swap3A_586 = vector.shape_cast %while3A_546#4 : vector<16xf32> to vector<16xf32>
      tpu.vector_store %arg10[%swap3A_583], %swap3A_586 {strides = array<i32>} : memref<32768xf32, #tpu.memory_space<vmem>>, vector<16xf32>,
      %mul3A_587 = arith.constant 256 : i32
      %mul3A_588 = arith.muli %add3A_408, %mul3A_587 : i32
      %add3A_589 = arith.constant 80 : i32
      %add3A_590 = arith.addi %mul3A_588, %add3A_589 : i32
      %swap3A_591 = arith.index_cast %add3A_590 : i32 to index
      %swap3A_592 = tpu.vector_load %arg10[%swap3A_591] {strides = array<i32>} : memref<32768xf32, #tpu.memory_space<vmem>>, vector<16xf32>,
      %swap3A_593 = vector.shape_cast %swap3A_592 : vector<16xf32> to vector<16xf32>
      %swap3A_594 = vector.shape_cast %while3A_546#5 : vector<16xf32> to vector<16xf32>
      tpu.vector_store %arg10[%swap3A_591], %swap3A_594 {strides = array<i32>} : memref<32768xf32, #tpu.memory_space<vmem>>, vector<16xf32>,
      %mul3A_595 = arith.constant 256 : i32
      %mul3A_596 = arith.muli %add3A_408, %mul3A_595 : i32
      %add3A_597 = arith.constant 96 : i32
      %add3A_598 = arith.addi %mul3A_596, %add3A_597 : i32
      %swap3A_599 = arith.index_cast %add3A_598 : i32 to index
      %swap3A_600 = tpu.vector_load %arg10[%swap3A_599] {strides = array<i32>} : memref<32768xf32, #tpu.memory_space<vmem>>, vector<16xf32>,
      %swap3A_601 = vector.shape_cast %swap3A_600 : vector<16xf32> to vector<16xf32>
      %swap3A_602 = vector.shape_cast %while3A_546#6 : vector<16xf32> to vector<16xf32>
      tpu.vector_store %arg10[%swap3A_599], %swap3A_602 {strides = array<i32>} : memref<32768xf32, #tpu.memory_space<vmem>>, vector<16xf32>,
      %mul3A_603 = arith.constant 256 : i32
      %mul3A_604 = arith.muli %add3A_408, %mul3A_603 : i32
      %add3A_605 = arith.constant 112 : i32
      %add3A_606 = arith.addi %mul3A_604, %add3A_605 : i32
      %swap3A_607 = arith.index_cast %add3A_606 : i32 to index
      %swap3A_608 = tpu.vector_load %arg10[%swap3A_607] {strides = array<i32>} : memref<32768xf32, #tpu.memory_space<vmem>>, vector<16xf32>,
      %swap3A_609 = vector.shape_cast %swap3A_608 : vector<16xf32> to vector<16xf32>
      %swap3A_610 = vector.shape_cast %while3A_546#7 : vector<16xf32> to vector<16xf32>
      tpu.vector_store %arg10[%swap3A_607], %swap3A_610 {strides = array<i32>} : memref<32768xf32, #tpu.memory_space<vmem>>, vector<16xf32>,
      %mul3A_611 = arith.constant 256 : i32
      %mul3A_612 = arith.muli %add3A_408, %mul3A_611 : i32
      %add3A_613 = arith.constant 128 : i32
      %add3A_614 = arith.addi %mul3A_612, %add3A_613 : i32
      %swap3A_615 = arith.index_cast %add3A_614 : i32 to index
      %swap3A_616 = tpu.vector_load %arg10[%swap3A_615] {strides = array<i32>} : memref<32768xf32, #tpu.memory_space<vmem>>, vector<16xf32>,
      %swap3A_617 = vector.shape_cast %swap3A_616 : vector<16xf32> to vector<16xf32>
      %swap3A_618 = vector.shape_cast %while3A_546#8 : vector<16xf32> to vector<16xf32>
      tpu.vector_store %arg10[%swap3A_615], %swap3A_618 {strides = array<i32>} : memref<32768xf32, #tpu.memory_space<vmem>>, vector<16xf32>,
      %mul3A_619 = arith.constant 256 : i32
      %mul3A_620 = arith.muli %add3A_408, %mul3A_619 : i32
      %add3A_621 = arith.constant 144 : i32
      %add3A_622 = arith.addi %mul3A_620, %add3A_621 : i32
      %swap3A_623 = arith.index_cast %add3A_622 : i32 to index
      %swap3A_624 = tpu.vector_load %arg10[%swap3A_623] {strides = array<i32>} : memref<32768xf32, #tpu.memory_space<vmem>>, vector<16xf32>,
      %swap3A_625 = vector.shape_cast %swap3A_624 : vector<16xf32> to vector<16xf32>
      %swap3A_626 = vector.shape_cast %while3A_546#9 : vector<16xf32> to vector<16xf32>
      tpu.vector_store %arg10[%swap3A_623], %swap3A_626 {strides = array<i32>} : memref<32768xf32, #tpu.memory_space<vmem>>, vector<16xf32>,
      %mul3A_627 = arith.constant 256 : i32
      %mul3A_628 = arith.muli %add3A_408, %mul3A_627 : i32
      %add3A_629 = arith.constant 160 : i32
      %add3A_630 = arith.addi %mul3A_628, %add3A_629 : i32
      %swap3A_631 = arith.index_cast %add3A_630 : i32 to index
      %swap3A_632 = tpu.vector_load %arg10[%swap3A_631] {strides = array<i32>} : memref<32768xf32, #tpu.memory_space<vmem>>, vector<16xf32>,
      %swap3A_633 = vector.shape_cast %swap3A_632 : vector<16xf32> to vector<16xf32>
      %swap3A_634 = vector.shape_cast %while3A_546#10 : vector<16xf32> to vector<16xf32>
      tpu.vector_store %arg10[%swap3A_631], %swap3A_634 {strides = array<i32>} : memref<32768xf32, #tpu.memory_space<vmem>>, vector<16xf32>,
      %mul3A_635 = arith.constant 256 : i32
      %mul3A_636 = arith.muli %add3A_408, %mul3A_635 : i32
      %add3A_637 = arith.constant 176 : i32
      %add3A_638 = arith.addi %mul3A_636, %add3A_637 : i32
      %swap3A_639 = arith.index_cast %add3A_638 : i32 to index
      %swap3A_640 = tpu.vector_load %arg10[%swap3A_639] {strides = array<i32>} : memref<32768xf32, #tpu.memory_space<vmem>>, vector<16xf32>,
      %swap3A_641 = vector.shape_cast %swap3A_640 : vector<16xf32> to vector<16xf32>
      %swap3A_642 = vector.shape_cast %while3A_546#11 : vector<16xf32> to vector<16xf32>
      tpu.vector_store %arg10[%swap3A_639], %swap3A_642 {strides = array<i32>} : memref<32768xf32, #tpu.memory_space<vmem>>, vector<16xf32>,
      %mul3A_643 = arith.constant 256 : i32
      %mul3A_644 = arith.muli %add3A_408, %mul3A_643 : i32
      %add3A_645 = arith.constant 192 : i32
      %add3A_646 = arith.addi %mul3A_644, %add3A_645 : i32
      %swap3A_647 = arith.index_cast %add3A_646 : i32 to index
      %swap3A_648 = tpu.vector_load %arg10[%swap3A_647] {strides = array<i32>} : memref<32768xf32, #tpu.memory_space<vmem>>, vector<16xf32>,
      %swap3A_649 = vector.shape_cast %swap3A_648 : vector<16xf32> to vector<16xf32>
      %swap3A_650 = vector.shape_cast %while3A_546#12 : vector<16xf32> to vector<16xf32>
      tpu.vector_store %arg10[%swap3A_647], %swap3A_650 {strides = array<i32>} : memref<32768xf32, #tpu.memory_space<vmem>>, vector<16xf32>,
      %mul3A_651 = arith.constant 256 : i32
      %mul3A_652 = arith.muli %add3A_408, %mul3A_651 : i32
      %add3A_653 = arith.constant 208 : i32
      %add3A_654 = arith.addi %mul3A_652, %add3A_653 : i32
      %swap3A_655 = arith.index_cast %add3A_654 : i32 to index
      %swap3A_656 = tpu.vector_load %arg10[%swap3A_655] {strides = array<i32>} : memref<32768xf32, #tpu.memory_space<vmem>>, vector<16xf32>,
      %swap3A_657 = vector.shape_cast %swap3A_656 : vector<16xf32> to vector<16xf32>
      %swap3A_658 = vector.shape_cast %while3A_546#13 : vector<16xf32> to vector<16xf32>
      tpu.vector_store %arg10[%swap3A_655], %swap3A_658 {strides = array<i32>} : memref<32768xf32, #tpu.memory_space<vmem>>, vector<16xf32>,
      %mul3A_659 = arith.constant 256 : i32
      %mul3A_660 = arith.muli %add3A_408, %mul3A_659 : i32
      %add3A_661 = arith.constant 224 : i32
      %add3A_662 = arith.addi %mul3A_660, %add3A_661 : i32
      %swap3A_663 = arith.index_cast %add3A_662 : i32 to index
      %swap3A_664 = tpu.vector_load %arg10[%swap3A_663] {strides = array<i32>} : memref<32768xf32, #tpu.memory_space<vmem>>, vector<16xf32>,
      %swap3A_665 = vector.shape_cast %swap3A_664 : vector<16xf32> to vector<16xf32>
      %swap3A_666 = vector.shape_cast %while3A_546#14 : vector<16xf32> to vector<16xf32>
      tpu.vector_store %arg10[%swap3A_663], %swap3A_666 {strides = array<i32>} : memref<32768xf32, #tpu.memory_space<vmem>>, vector<16xf32>,
      %mul3A_667 = arith.constant 256 : i32
      %mul3A_668 = arith.muli %add3A_408, %mul3A_667 : i32
      %add3A_669 = arith.constant 240 : i32
      %add3A_670 = arith.addi %mul3A_668, %add3A_669 : i32
      %swap3A_671 = arith.index_cast %add3A_670 : i32 to index
      %swap3A_672 = tpu.vector_load %arg10[%swap3A_671] {strides = array<i32>} : memref<32768xf32, #tpu.memory_space<vmem>>, vector<16xf32>,
      %swap3A_673 = vector.shape_cast %swap3A_672 : vector<16xf32> to vector<16xf32>
      %swap3A_674 = vector.shape_cast %while3A_546#15 : vector<16xf32> to vector<16xf32>
      tpu.vector_store %arg10[%swap3A_671], %swap3A_674 {strides = array<i32>} : memref<32768xf32, #tpu.memory_space<vmem>>, vector<16xf32>,
      %add3A_675 = arith.constant 2 : i32
      %add3A_676 = arith.addi %mul3A_45, %add3A_675 : i32
      %lt3A = arith.constant 64 : i32
      %lt3A_677 = arith.cmpi slt, %add3A_676, %lt3A : i32
      %convert_element_type3A_678 = arith.extui %lt3A_677 : i1 to i32
      %cond3A_679 = arith.constant 0 : i32
      %cond3A_680 = arith.cmpi ne, %convert_element_type3A_678, %cond3A_679 : i32
      scf.if %cond3A_680 {
        %add3A_1273 = arith.constant 2 : i32
        %add3A_1274 = arith.addi %mul3A_45, %add3A_1273 : i32
        %mul3A_1275 = arith.constant 2 : i32
        %mul3A_1276 = arith.muli %add3A_1274, %mul3A_1275 : i32
        %add3A_1277 = arith.constant 0 : i32
        %add3A_1278 = arith.addi %mul3A_1276, %add3A_1277 : i32
        %mul3A_1279 = arith.constant 16 : i32
        %mul3A_1280 = arith.muli %add3A_1278, %mul3A_1279 : i32
        %get3A_1281 = arith.index_cast %mul3A_1280 : i32 to index
        %get3A_1282 = tpu.vector_load %arg7[%get3A_1281] {strides = array<i32>} : memref<2048xi32, #tpu.memory_space<vmem>>, vector<16xi32>,
        %get3A_1283 = vector.shape_cast %get3A_1282 : vector<16xi32> to vector<16xi32>
        %slice3A_1284 = vector.extract_strided_slice %get3A_1283 {offsets = [0], sizes = [1], strides = [1]} : vector<16xi32> to vector<1xi32>
        %squeeze3A_1285 = vector.extract %slice3A_1284[0] : i32 from vector<1xi32>
        %mul3A_1286 = arith.constant 64 : i32
        %mul3A_1287 = arith.muli %add3A_1278, %mul3A_1286 : i32
        %dma_start3A_1288 = arith.constant 0 : i32
        %dma_start3A_1289 = arith.constant 0 : i32
        %dma_start3A_1290 = tpu.memref_slice %arg8[%dma_start3A_1288, %dma_start3A_1289] : memref<128x256xf32, #tpu.memory_space<vmem>> -> memref<32x256xf32, #tpu.memory_space<vmem>>
        %dma_start3A_1291 = tpu.memref_slice %arg6[%mul3A_1287] : memref<8192xi32, #tpu.memory_space<vmem>> -> memref<32xi32, #tpu.memory_space<vmem>>
        %dma_start3A_1292 = arith.constant 0 : i32
        %dma_start3A_1293 = arith.constant 0 : i32
        %dma_start3A_1294 = tpu.memref_slice %arg2[%dma_start3A_1292, %dma_start3A_1293] : memref<16384x256xf32, #tpu.memory_space<hbm>> -> memref<16384x256xf32, #tpu.memory_space<hbm>>
        tpu.enqueue_indirect_dma source(%dma_start3A_1294 : memref<16384x256xf32, #tpu.memory_space<hbm>>) target(%dma_start3A_1290 : memref<32x256xf32, #tpu.memory_space<vmem>>) offsets(%dma_start3A_1291 : memref<32xi32, #tpu.memory_space<vmem>>) semaphore(%arg11 : memref<!tpu.dma_semaphore, #tpu.memory_space<semaphore_mem>>)
        %gt3A_1295 = arith.constant 32 : i32
        %gt3A_1296 = arith.cmpi sgt, %squeeze3A_1285, %gt3A_1295 : i32
        %convert_element_type3A_1297 = arith.extui %gt3A_1296 : i1 to i32
        %cond3A_1298 = arith.constant 0 : i32
        %cond3A_1299 = arith.cmpi ne, %convert_element_type3A_1297, %cond3A_1298 : i32
        scf.if %cond3A_1299 {
          %mul3A_1325 = arith.constant 64 : i32
          %mul3A_1326 = arith.muli %add3A_1278, %mul3A_1325 : i32
          %add3A_1327 = arith.constant 32 : i32
          %add3A_1328 = arith.addi %mul3A_1326, %add3A_1327 : i32
          %dma_start3A_1329 = arith.constant 32 : i32
          %dma_start3A_1330 = arith.constant 0 : i32
          %dma_start3A_1331 = tpu.memref_slice %arg8[%dma_start3A_1329, %dma_start3A_1330] : memref<128x256xf32, #tpu.memory_space<vmem>> -> memref<32x256xf32, #tpu.memory_space<vmem>>
          %dma_start3A_1332 = tpu.memref_slice %arg6[%add3A_1328] : memref<8192xi32, #tpu.memory_space<vmem>> -> memref<32xi32, #tpu.memory_space<vmem>>
          %dma_start3A_1333 = arith.constant 0 : i32
          %dma_start3A_1334 = arith.constant 0 : i32
          %dma_start3A_1335 = tpu.memref_slice %arg2[%dma_start3A_1333, %dma_start3A_1334] : memref<16384x256xf32, #tpu.memory_space<hbm>> -> memref<16384x256xf32, #tpu.memory_space<hbm>>
          tpu.enqueue_indirect_dma source(%dma_start3A_1335 : memref<16384x256xf32, #tpu.memory_space<hbm>>) target(%dma_start3A_1331 : memref<32x256xf32, #tpu.memory_space<vmem>>) offsets(%dma_start3A_1332 : memref<32xi32, #tpu.memory_space<vmem>>) semaphore(%arg11 : memref<!tpu.dma_semaphore, #tpu.memory_space<semaphore_mem>>)
        } else {
        }
        %mul3A_1300 = arith.constant 2 : i32
        %mul3A_1301 = arith.muli %add3A_1274, %mul3A_1300 : i32
        %add3A_1302 = arith.constant 1 : i32
        %add3A_1303 = arith.addi %mul3A_1301, %add3A_1302 : i32
        %mul3A_1304 = arith.constant 16 : i32
        %mul3A_1305 = arith.muli %add3A_1303, %mul3A_1304 : i32
        %get3A_1306 = arith.index_cast %mul3A_1305 : i32 to index
        %get3A_1307 = tpu.vector_load %arg7[%get3A_1306] {strides = array<i32>} : memref<2048xi32, #tpu.memory_space<vmem>>, vector<16xi32>,
        %get3A_1308 = vector.shape_cast %get3A_1307 : vector<16xi32> to vector<16xi32>
        %slice3A_1309 = vector.extract_strided_slice %get3A_1308 {offsets = [0], sizes = [1], strides = [1]} : vector<16xi32> to vector<1xi32>
        %squeeze3A_1310 = vector.extract %slice3A_1309[0] : i32 from vector<1xi32>
        %mul3A_1311 = arith.constant 64 : i32
        %mul3A_1312 = arith.muli %add3A_1303, %mul3A_1311 : i32
        %dma_start3A_1313 = arith.constant 64 : i32
        %dma_start3A_1314 = arith.constant 0 : i32
        %dma_start3A_1315 = tpu.memref_slice %arg8[%dma_start3A_1313, %dma_start3A_1314] : memref<128x256xf32, #tpu.memory_space<vmem>> -> memref<32x256xf32, #tpu.memory_space<vmem>>
        %dma_start3A_1316 = tpu.memref_slice %arg6[%mul3A_1312] : memref<8192xi32, #tpu.memory_space<vmem>> -> memref<32xi32, #tpu.memory_space<vmem>>
        %dma_start3A_1317 = arith.constant 0 : i32
        %dma_start3A_1318 = arith.constant 0 : i32
        %dma_start3A_1319 = tpu.memref_slice %arg2[%dma_start3A_1317, %dma_start3A_1318] : memref<16384x256xf32, #tpu.memory_space<hbm>> -> memref<16384x256xf32, #tpu.memory_space<hbm>>
        tpu.enqueue_indirect_dma source(%dma_start3A_1319 : memref<16384x256xf32, #tpu.memory_space<hbm>>) target(%dma_start3A_1315 : memref<32x256xf32, #tpu.memory_space<vmem>>) offsets(%dma_start3A_1316 : memref<32xi32, #tpu.memory_space<vmem>>) semaphore(%arg11 : memref<!tpu.dma_semaphore, #tpu.memory_space<semaphore_mem>>)
        %gt3A_1320 = arith.constant 32 : i32
        %gt3A_1321 = arith.cmpi sgt, %squeeze3A_1310, %gt3A_1320 : i32
        %convert_element_type3A_1322 = arith.extui %gt3A_1321 : i1 to i32
        %cond3A_1323 = arith.constant 0 : i32
        %cond3A_1324 = arith.cmpi ne, %convert_element_type3A_1322, %cond3A_1323 : i32
        scf.if %cond3A_1324 {
          %mul3A_1325 = arith.constant 64 : i32
          %mul3A_1326 = arith.muli %add3A_1303, %mul3A_1325 : i32
          %add3A_1327 = arith.constant 32 : i32
          %add3A_1328 = arith.addi %mul3A_1326, %add3A_1327 : i32
          %dma_start3A_1329 = arith.constant 96 : i32
          %dma_start3A_1330 = arith.constant 0 : i32
          %dma_start3A_1331 = tpu.memref_slice %arg8[%dma_start3A_1329, %dma_start3A_1330] : memref<128x256xf32, #tpu.memory_space<vmem>> -> memref<32x256xf32, #tpu.memory_space<vmem>>
          %dma_start3A_1332 = tpu.memref_slice %arg6[%add3A_1328] : memref<8192xi32, #tpu.memory_space<vmem>> -> memref<32xi32, #tpu.memory_space<vmem>>
          %dma_start3A_1333 = arith.constant 0 : i32
          %dma_start3A_1334 = arith.constant 0 : i32
          %dma_start3A_1335 = tpu.memref_slice %arg2[%dma_start3A_1333, %dma_start3A_1334] : memref<16384x256xf32, #tpu.memory_space<hbm>> -> memref<16384x256xf32, #tpu.memory_space<hbm>>
          tpu.enqueue_indirect_dma source(%dma_start3A_1335 : memref<16384x256xf32, #tpu.memory_space<hbm>>) target(%dma_start3A_1331 : memref<32x256xf32, #tpu.memory_space<vmem>>) offsets(%dma_start3A_1332 : memref<32xi32, #tpu.memory_space<vmem>>) semaphore(%arg11 : memref<!tpu.dma_semaphore, #tpu.memory_space<semaphore_mem>>)
        } else {
        }
      } else {
      }
      %add3A_681 = arith.constant 1 : i32
      %add3A_682 = arith.addi %mul3A_45, %add3A_681 : i32
      %mul3A_683 = arith.constant 2 : i32
      %mul3A_684 = arith.muli %add3A_682, %mul3A_683 : i32
      %add3A_685 = arith.constant 0 : i32
      %add3A_686 = arith.addi %mul3A_684, %add3A_685 : i32
      %mul3A_687 = arith.constant 16 : i32
      %mul3A_688 = arith.muli %add3A_686, %mul3A_687 : i32
      %get3A_689 = arith.index_cast %mul3A_688 : i32 to index
      %get3A_690 = tpu.vector_load %arg7[%get3A_689] {strides = array<i32>} : memref<2048xi32, #tpu.memory_space<vmem>>, vector<16xi32>,
      %get3A_691 = vector.shape_cast %get3A_690 : vector<16xi32> to vector<16xi32>
      %slice3A_692 = vector.extract_strided_slice %get3A_691 {offsets = [0], sizes = [1], strides = [1]} : vector<16xi32> to vector<1xi32>
      %squeeze3A_693 = vector.extract %slice3A_692[0] : i32 from vector<1xi32>
      %dma_wait3A_694 = arith.constant 0 : i32
      %dma_wait3A_695 = arith.constant 0 : i32
      %dma_wait3A_696 = tpu.memref_slice %arg9[%dma_wait3A_694, %dma_wait3A_695] : memref<128x256xf32, #tpu.memory_space<vmem>> -> memref<32x256xf32, #tpu.memory_space<vmem>>
      %dma_wait3A_697 = arith.constant 0 : i32
      %dma_wait3A_698 = tpu.memref_slice %arg6[%dma_wait3A_697] : memref<8192xi32, #tpu.memory_space<vmem>> -> memref<32xi32, #tpu.memory_space<vmem>>
      %dma_wait3A_699 = arith.constant 0 : i32
      %dma_wait3A_700 = arith.constant 0 : i32
      %dma_wait3A_701 = tpu.memref_slice %arg2[%dma_wait3A_699, %dma_wait3A_700] : memref<16384x256xf32, #tpu.memory_space<hbm>> -> memref<16384x256xf32, #tpu.memory_space<hbm>>
      tpu.wait_indirect_dma semaphore(%arg12 : memref<!tpu.dma_semaphore, #tpu.memory_space<semaphore_mem>>) src(%dma_wait3A_701 : memref<16384x256xf32, #tpu.memory_space<hbm>>) dst(%dma_wait3A_696 : memref<32x256xf32, #tpu.memory_space<vmem>>)
      %gt3A_702 = arith.constant 32 : i32
      %gt3A_703 = arith.cmpi sgt, %squeeze3A_693, %gt3A_702 : i32
      %convert_element_type3A_704 = arith.extui %gt3A_703 : i1 to i32
      %cond3A_705 = arith.constant 0 : i32
      %cond3A_706 = arith.cmpi ne, %convert_element_type3A_704, %cond3A_705 : i32
      scf.if %cond3A_706 {
        %dma_wait3A_1273 = arith.constant 32 : i32
        %dma_wait3A_1274 = arith.constant 0 : i32
        %dma_wait3A_1275 = tpu.memref_slice %arg9[%dma_wait3A_1273, %dma_wait3A_1274] : memref<128x256xf32, #tpu.memory_space<vmem>> -> memref<32x256xf32, #tpu.memory_space<vmem>>
        %dma_wait3A_1276 = arith.constant 0 : i32
        %dma_wait3A_1277 = tpu.memref_slice %arg6[%dma_wait3A_1276] : memref<8192xi32, #tpu.memory_space<vmem>> -> memref<32xi32, #tpu.memory_space<vmem>>
        %dma_wait3A_1278 = arith.constant 0 : i32
        %dma_wait3A_1279 = arith.constant 0 : i32
        %dma_wait3A_1280 = tpu.memref_slice %arg2[%dma_wait3A_1278, %dma_wait3A_1279] : memref<16384x256xf32, #tpu.memory_space<hbm>> -> memref<16384x256xf32, #tpu.memory_space<hbm>>
        tpu.wait_indirect_dma semaphore(%arg12 : memref<!tpu.dma_semaphore, #tpu.memory_space<semaphore_mem>>) src(%dma_wait3A_1280 : memref<16384x256xf32, #tpu.memory_space<hbm>>) dst(%dma_wait3A_1275 : memref<32x256xf32, #tpu.memory_space<vmem>>)
      } else {
      }
      %mul3A_707 = arith.constant 2 : i32
      %mul3A_708 = arith.muli %add3A_682, %mul3A_707 : i32
      %add3A_709 = arith.constant 1 : i32
      %add3A_710 = arith.addi %mul3A_708, %add3A_709 : i32
      %mul3A_711 = arith.constant 16 : i32
      %mul3A_712 = arith.muli %add3A_710, %mul3A_711 : i32
      %get3A_713 = arith.index_cast %mul3A_712 : i32 to index
      %get3A_714 = tpu.vector_load %arg7[%get3A_713] {strides = array<i32>} : memref<2048xi32, #tpu.memory_space<vmem>>, vector<16xi32>,
      %get3A_715 = vector.shape_cast %get3A_714 : vector<16xi32> to vector<16xi32>
      %slice3A_716 = vector.extract_strided_slice %get3A_715 {offsets = [0], sizes = [1], strides = [1]} : vector<16xi32> to vector<1xi32>
      %squeeze3A_717 = vector.extract %slice3A_716[0] : i32 from vector<1xi32>
      %dma_wait3A_718 = arith.constant 64 : i32
      %dma_wait3A_719 = arith.constant 0 : i32
      %dma_wait3A_720 = tpu.memref_slice %arg9[%dma_wait3A_718, %dma_wait3A_719] : memref<128x256xf32, #tpu.memory_space<vmem>> -> memref<32x256xf32, #tpu.memory_space<vmem>>
      %dma_wait3A_721 = arith.constant 0 : i32
      %dma_wait3A_722 = tpu.memref_slice %arg6[%dma_wait3A_721] : memref<8192xi32, #tpu.memory_space<vmem>> -> memref<32xi32, #tpu.memory_space<vmem>>
      %dma_wait3A_723 = arith.constant 0 : i32
      %dma_wait3A_724 = arith.constant 0 : i32
      %dma_wait3A_725 = tpu.memref_slice %arg2[%dma_wait3A_723, %dma_wait3A_724] : memref<16384x256xf32, #tpu.memory_space<hbm>> -> memref<16384x256xf32, #tpu.memory_space<hbm>>
      tpu.wait_indirect_dma semaphore(%arg12 : memref<!tpu.dma_semaphore, #tpu.memory_space<semaphore_mem>>) src(%dma_wait3A_725 : memref<16384x256xf32, #tpu.memory_space<hbm>>) dst(%dma_wait3A_720 : memref<32x256xf32, #tpu.memory_space<vmem>>)
      %gt3A_726 = arith.constant 32 : i32
      %gt3A_727 = arith.cmpi sgt, %squeeze3A_717, %gt3A_726 : i32
      %convert_element_type3A_728 = arith.extui %gt3A_727 : i1 to i32
      %cond3A_729 = arith.constant 0 : i32
      %cond3A_730 = arith.cmpi ne, %convert_element_type3A_728, %cond3A_729 : i32
      scf.if %cond3A_730 {
        %dma_wait3A_1273 = arith.constant 96 : i32
        %dma_wait3A_1274 = arith.constant 0 : i32
        %dma_wait3A_1275 = tpu.memref_slice %arg9[%dma_wait3A_1273, %dma_wait3A_1274] : memref<128x256xf32, #tpu.memory_space<vmem>> -> memref<32x256xf32, #tpu.memory_space<vmem>>
        %dma_wait3A_1276 = arith.constant 0 : i32
        %dma_wait3A_1277 = tpu.memref_slice %arg6[%dma_wait3A_1276] : memref<8192xi32, #tpu.memory_space<vmem>> -> memref<32xi32, #tpu.memory_space<vmem>>
        %dma_wait3A_1278 = arith.constant 0 : i32
        %dma_wait3A_1279 = arith.constant 0 : i32
        %dma_wait3A_1280 = tpu.memref_slice %arg2[%dma_wait3A_1278, %dma_wait3A_1279] : memref<16384x256xf32, #tpu.memory_space<hbm>> -> memref<16384x256xf32, #tpu.memory_space<hbm>>
        tpu.wait_indirect_dma semaphore(%arg12 : memref<!tpu.dma_semaphore, #tpu.memory_space<semaphore_mem>>) src(%dma_wait3A_1280 : memref<16384x256xf32, #tpu.memory_space<hbm>>) dst(%dma_wait3A_1275 : memref<32x256xf32, #tpu.memory_space<vmem>>)
      } else {
      }
      %add3A_731 = arith.constant 1 : i32
      %add3A_732 = arith.addi %mul3A_45, %add3A_731 : i32
      %mul3A_733 = arith.constant 2 : i32
      %mul3A_734 = arith.muli %add3A_732, %mul3A_733 : i32
      %add3A_735 = arith.constant 0 : i32
      %add3A_736 = arith.addi %mul3A_734, %add3A_735 : i32
      %mul3A_737 = arith.constant 16 : i32
      %mul3A_738 = arith.muli %add3A_736, %mul3A_737 : i32
      %get3A_739 = arith.index_cast %mul3A_738 : i32 to index
      %get3A_740 = tpu.vector_load %arg7[%get3A_739] {strides = array<i32>} : memref<2048xi32, #tpu.memory_space<vmem>>, vector<16xi32>,
      %get3A_741 = vector.shape_cast %get3A_740 : vector<16xi32> to vector<16xi32>
      %slice3A_742 = vector.extract_strided_slice %get3A_741 {offsets = [0], sizes = [1], strides = [1]} : vector<16xi32> to vector<1xi32>
      %squeeze3A_743 = vector.extract %slice3A_742[0] : i32 from vector<1xi32>
      %get3A_744 = arith.constant 0 : i32
      %get3A_745 = arith.index_cast %get3A_744 : i32 to index
      %get3A_746 = arith.constant 0 : index
      %get3A_747 = tpu.vector_load %arg9[%get3A_745, %get3A_746] {strides = array<i32>} : memref<128x256xf32, #tpu.memory_space<vmem>>, vector<1x16xf32>,
      %get3A_748 = vector.shape_cast %get3A_747 : vector<1x16xf32> to vector<16xf32>
      %get3A_749 = arith.constant 0 : i32
      %get3A_750 = arith.index_cast %get3A_749 : i32 to index
      %get3A_751 = arith.constant 16 : index
      %get3A_752 = tpu.vector_load %arg9[%get3A_750, %get3A_751] {strides = array<i32>} : memref<128x256xf32, #tpu.memory_space<vmem>>, vector<1x16xf32>,
      %get3A_753 = vector.shape_cast %get3A_752 : vector<1x16xf32> to vector<16xf32>
      %get3A_754 = arith.constant 0 : i32
      %get3A_755 = arith.index_cast %get3A_754 : i32 to index
      %get3A_756 = arith.constant 32 : index
      %get3A_757 = tpu.vector_load %arg9[%get3A_755, %get3A_756] {strides = array<i32>} : memref<128x256xf32, #tpu.memory_space<vmem>>, vector<1x16xf32>,
      %get3A_758 = vector.shape_cast %get3A_757 : vector<1x16xf32> to vector<16xf32>
      %get3A_759 = arith.constant 0 : i32
      %get3A_760 = arith.index_cast %get3A_759 : i32 to index
      %get3A_761 = arith.constant 48 : index
      %get3A_762 = tpu.vector_load %arg9[%get3A_760, %get3A_761] {strides = array<i32>} : memref<128x256xf32, #tpu.memory_space<vmem>>, vector<1x16xf32>,
      %get3A_763 = vector.shape_cast %get3A_762 : vector<1x16xf32> to vector<16xf32>
      %get3A_764 = arith.constant 0 : i32
      %get3A_765 = arith.index_cast %get3A_764 : i32 to index
      %get3A_766 = arith.constant 64 : index
      %get3A_767 = tpu.vector_load %arg9[%get3A_765, %get3A_766] {strides = array<i32>} : memref<128x256xf32, #tpu.memory_space<vmem>>, vector<1x16xf32>,
      %get3A_768 = vector.shape_cast %get3A_767 : vector<1x16xf32> to vector<16xf32>
      %get3A_769 = arith.constant 0 : i32
      %get3A_770 = arith.index_cast %get3A_769 : i32 to index
      %get3A_771 = arith.constant 80 : index
      %get3A_772 = tpu.vector_load %arg9[%get3A_770, %get3A_771] {strides = array<i32>} : memref<128x256xf32, #tpu.memory_space<vmem>>, vector<1x16xf32>,
      %get3A_773 = vector.shape_cast %get3A_772 : vector<1x16xf32> to vector<16xf32>
      %get3A_774 = arith.constant 0 : i32
      %get3A_775 = arith.index_cast %get3A_774 : i32 to index
      %get3A_776 = arith.constant 96 : index
      %get3A_777 = tpu.vector_load %arg9[%get3A_775, %get3A_776] {strides = array<i32>} : memref<128x256xf32, #tpu.memory_space<vmem>>, vector<1x16xf32>,
      %get3A_778 = vector.shape_cast %get3A_777 : vector<1x16xf32> to vector<16xf32>
      %get3A_779 = arith.constant 0 : i32
      %get3A_780 = arith.index_cast %get3A_779 : i32 to index
      %get3A_781 = arith.constant 112 : index
      %get3A_782 = tpu.vector_load %arg9[%get3A_780, %get3A_781] {strides = array<i32>} : memref<128x256xf32, #tpu.memory_space<vmem>>, vector<1x16xf32>,
      %get3A_783 = vector.shape_cast %get3A_782 : vector<1x16xf32> to vector<16xf32>
      %get3A_784 = arith.constant 0 : i32
      %get3A_785 = arith.index_cast %get3A_784 : i32 to index
      %get3A_786 = arith.constant 128 : index
      %get3A_787 = tpu.vector_load %arg9[%get3A_785, %get3A_786] {strides = array<i32>} : memref<128x256xf32, #tpu.memory_space<vmem>>, vector<1x16xf32>,
      %get3A_788 = vector.shape_cast %get3A_787 : vector<1x16xf32> to vector<16xf32>
      %get3A_789 = arith.constant 0 : i32
      %get3A_790 = arith.index_cast %get3A_789 : i32 to index
      %get3A_791 = arith.constant 144 : index
      %get3A_792 = tpu.vector_load %arg9[%get3A_790, %get3A_791] {strides = array<i32>} : memref<128x256xf32, #tpu.memory_space<vmem>>, vector<1x16xf32>,
      %get3A_793 = vector.shape_cast %get3A_792 : vector<1x16xf32> to vector<16xf32>
      %get3A_794 = arith.constant 0 : i32
      %get3A_795 = arith.index_cast %get3A_794 : i32 to index
      %get3A_796 = arith.constant 160 : index
      %get3A_797 = tpu.vector_load %arg9[%get3A_795, %get3A_796] {strides = array<i32>} : memref<128x256xf32, #tpu.memory_space<vmem>>, vector<1x16xf32>,
      %get3A_798 = vector.shape_cast %get3A_797 : vector<1x16xf32> to vector<16xf32>
      %get3A_799 = arith.constant 0 : i32
      %get3A_800 = arith.index_cast %get3A_799 : i32 to index
      %get3A_801 = arith.constant 176 : index
      %get3A_802 = tpu.vector_load %arg9[%get3A_800, %get3A_801] {strides = array<i32>} : memref<128x256xf32, #tpu.memory_space<vmem>>, vector<1x16xf32>,
      %get3A_803 = vector.shape_cast %get3A_802 : vector<1x16xf32> to vector<16xf32>
      %get3A_804 = arith.constant 0 : i32
      %get3A_805 = arith.index_cast %get3A_804 : i32 to index
      %get3A_806 = arith.constant 192 : index
      %get3A_807 = tpu.vector_load %arg9[%get3A_805, %get3A_806] {strides = array<i32>} : memref<128x256xf32, #tpu.memory_space<vmem>>, vector<1x16xf32>,
      %get3A_808 = vector.shape_cast %get3A_807 : vector<1x16xf32> to vector<16xf32>
      %get3A_809 = arith.constant 0 : i32
      %get3A_810 = arith.index_cast %get3A_809 : i32 to index
      %get3A_811 = arith.constant 208 : index
      %get3A_812 = tpu.vector_load %arg9[%get3A_810, %get3A_811] {strides = array<i32>} : memref<128x256xf32, #tpu.memory_space<vmem>>, vector<1x16xf32>,
      %get3A_813 = vector.shape_cast %get3A_812 : vector<1x16xf32> to vector<16xf32>
      %get3A_814 = arith.constant 0 : i32
      %get3A_815 = arith.index_cast %get3A_814 : i32 to index
      %get3A_816 = arith.constant 224 : index
      %get3A_817 = tpu.vector_load %arg9[%get3A_815, %get3A_816] {strides = array<i32>} : memref<128x256xf32, #tpu.memory_space<vmem>>, vector<1x16xf32>,
      %get3A_818 = vector.shape_cast %get3A_817 : vector<1x16xf32> to vector<16xf32>
      %get3A_819 = arith.constant 0 : i32
      %get3A_820 = arith.index_cast %get3A_819 : i32 to index
      %get3A_821 = arith.constant 240 : index
      %get3A_822 = tpu.vector_load %arg9[%get3A_820, %get3A_821] {strides = array<i32>} : memref<128x256xf32, #tpu.memory_space<vmem>>, vector<1x16xf32>,
      %get3A_823 = vector.shape_cast %get3A_822 : vector<1x16xf32> to vector<16xf32>
      %sub3A_824 = arith.constant 1 : i32
      %sub3A_825 = arith.subi %squeeze3A_743, %sub3A_824 : i32
      %jit3A_826 = arith.constant 2 : i32
      %div3A_827 = arith.divsi %sub3A_825, %jit3A_826 : i32
      %sign3A_828 = arith.constant 0 : i32
      %sign3A_829 = arith.cmpi sgt, %sub3A_825, %sign3A_828 : i32
      %sign3A_830 = arith.extui %sign3A_829 : i1 to i32
      %sign3A_831 = arith.constant 0 : i32
      %sign3A_832 = arith.cmpi slt, %sub3A_825, %sign3A_831 : i32
      %sign3A_833 = arith.extui %sign3A_832 : i1 to i32
      %sign3A_834 = arith.subi %sign3A_830, %sign3A_833 : i32
      %sign3A_835 = arith.constant 0 : i32
      %sign3A_836 = arith.cmpi sgt, %jit3A_826, %sign3A_835 : i32
      %sign3A_837 = arith.extui %sign3A_836 : i1 to i32
      %sign3A_838 = arith.constant 0 : i32
      %sign3A_839 = arith.cmpi slt, %jit3A_826, %sign3A_838 : i32
      %sign3A_840 = arith.extui %sign3A_839 : i1 to i32
      %sign3A_841 = arith.subi %sign3A_837, %sign3A_840 : i32
      %ne3A_842 = arith.cmpi ne, %sign3A_834, %sign3A_841 : i32
      %rem3A_843 = arith.remsi %sub3A_825, %jit3A_826 : i32
      %ne3A_844 = arith.constant 0 : i32
      %ne3A_845 = arith.cmpi ne, %rem3A_843, %ne3A_844 : i32
      %and3A_846 = arith.andi %ne3A_842, %ne3A_845 : i1
      %sub3A_847 = arith.constant 1 : i32
      %sub3A_848 = arith.subi %div3A_827, %sub3A_847 : i32
      %select_n3A_849 = arith.select %and3A_846, %sub3A_848, %div3A_827 : i32
      %while3A_850 = arith.constant 0 : i32
      %while3A_851 = arith.subi %select_n3A_849, %while3A_850 : i32
      %while3A_852 = arith.addi %while3A_850, %while3A_851 : i32
      %while3A_853 = arith.constant 1 : i32
      %while3A_854 = arith.divsi %while3A_851, %while3A_853 : i32
      %while3A_855 = arith.muli %while3A_854, %while3A_853 : i32
      %while3A_856 = arith.addi %while3A_850, %while3A_855 : i32
      %while3A_857 = arith.constant 1 : i32
      %while3A_858:16 = scf.for %while3A_1273 = %while3A_850 to %while3A_856 step %while3A_857 iter_args(%while3A_1274 = %get3A_748, %while3A_1275 = %get3A_753, %while3A_1276 = %get3A_758, %while3A_1277 = %get3A_763, %while3A_1278 = %get3A_768, %while3A_1279 = %get3A_773, %while3A_1280 = %get3A_778, %while3A_1281 = %get3A_783, %while3A_1282 = %get3A_788, %while3A_1283 = %get3A_793, %while3A_1284 = %get3A_798, %while3A_1285 = %get3A_803, %while3A_1286 = %get3A_808, %while3A_1287 = %get3A_813, %while3A_1288 = %get3A_818, %while3A_1289 = %get3A_823) -> (vector<16xf32>, vector<16xf32>, vector<16xf32>, vector<16xf32>, vector<16xf32>, vector<16xf32>, vector<16xf32>, vector<16xf32>, vector<16xf32>, vector<16xf32>, vector<16xf32>, vector<16xf32>, vector<16xf32>, vector<16xf32>, vector<16xf32>, vector<16xf32>)  : i32 {
        %mul3A_1290 = arith.constant 2 : i32
        %mul3A_1291 = arith.muli %mul3A_1290, %while3A_1273 : i32
        %add3A_1292 = arith.constant 1 : i32
        %add3A_1293 = arith.addi %add3A_1292, %mul3A_1291 : i32
        %add3A_1294 = arith.constant 0 : i32
        %add3A_1295 = arith.addi %add3A_1294, %add3A_1293 : i32
        %get3A_1296 = arith.index_cast %add3A_1295 : i32 to index
        %get3A_1297 = arith.constant 0 : index
        %get3A_1298 = tpu.vector_load %arg9[%get3A_1296, %get3A_1297] {strides = array<i32>} : memref<128x256xf32, #tpu.memory_space<vmem>>, vector<1x16xf32>,
        %get3A_1299 = vector.shape_cast %get3A_1298 : vector<1x16xf32> to vector<16xf32>
        %add3A_1300 = arith.addf %while3A_1274, %get3A_1299 : vector<16xf32>
        %add3A_1301 = arith.constant 0 : i32
        %add3A_1302 = arith.addi %add3A_1301, %add3A_1293 : i32
        %get3A_1303 = arith.index_cast %add3A_1302 : i32 to index
        %get3A_1304 = arith.constant 16 : index
        %get3A_1305 = tpu.vector_load %arg9[%get3A_1303, %get3A_1304] {strides = array<i32>} : memref<128x256xf32, #tpu.memory_space<vmem>>, vector<1x16xf32>,
        %get3A_1306 = vector.shape_cast %get3A_1305 : vector<1x16xf32> to vector<16xf32>
        %add3A_1307 = arith.addf %while3A_1275, %get3A_1306 : vector<16xf32>
        %add3A_1308 = arith.constant 0 : i32
        %add3A_1309 = arith.addi %add3A_1308, %add3A_1293 : i32
        %get3A_1310 = arith.index_cast %add3A_1309 : i32 to index
        %get3A_1311 = arith.constant 32 : index
        %get3A_1312 = tpu.vector_load %arg9[%get3A_1310, %get3A_1311] {strides = array<i32>} : memref<128x256xf32, #tpu.memory_space<vmem>>, vector<1x16xf32>,
        %get3A_1313 = vector.shape_cast %get3A_1312 : vector<1x16xf32> to vector<16xf32>
        %add3A_1314 = arith.addf %while3A_1276, %get3A_1313 : vector<16xf32>
        %add3A_1315 = arith.constant 0 : i32
        %add3A_1316 = arith.addi %add3A_1315, %add3A_1293 : i32
        %get3A_1317 = arith.index_cast %add3A_1316 : i32 to index
        %get3A_1318 = arith.constant 48 : index
        %get3A_1319 = tpu.vector_load %arg9[%get3A_1317, %get3A_1318] {strides = array<i32>} : memref<128x256xf32, #tpu.memory_space<vmem>>, vector<1x16xf32>,
        %get3A_1320 = vector.shape_cast %get3A_1319 : vector<1x16xf32> to vector<16xf32>
        %add3A_1321 = arith.addf %while3A_1277, %get3A_1320 : vector<16xf32>
        %add3A_1322 = arith.constant 0 : i32
        %add3A_1323 = arith.addi %add3A_1322, %add3A_1293 : i32
        %get3A_1324 = arith.index_cast %add3A_1323 : i32 to index
        %get3A_1325 = arith.constant 64 : index
        %get3A_1326 = tpu.vector_load %arg9[%get3A_1324, %get3A_1325] {strides = array<i32>} : memref<128x256xf32, #tpu.memory_space<vmem>>, vector<1x16xf32>,
        %get3A_1327 = vector.shape_cast %get3A_1326 : vector<1x16xf32> to vector<16xf32>
        %add3A_1328 = arith.addf %while3A_1278, %get3A_1327 : vector<16xf32>
        %add3A_1329 = arith.constant 0 : i32
        %add3A_1330 = arith.addi %add3A_1329, %add3A_1293 : i32
        %get3A_1331 = arith.index_cast %add3A_1330 : i32 to index
        %get3A_1332 = arith.constant 80 : index
        %get3A_1333 = tpu.vector_load %arg9[%get3A_1331, %get3A_1332] {strides = array<i32>} : memref<128x256xf32, #tpu.memory_space<vmem>>, vector<1x16xf32>,
        %get3A_1334 = vector.shape_cast %get3A_1333 : vector<1x16xf32> to vector<16xf32>
        %add3A_1335 = arith.addf %while3A_1279, %get3A_1334 : vector<16xf32>
        %add3A_1336 = arith.constant 0 : i32
        %add3A_1337 = arith.addi %add3A_1336, %add3A_1293 : i32
        %get3A_1338 = arith.index_cast %add3A_1337 : i32 to index
        %get3A_1339 = arith.constant 96 : index
        %get3A_1340 = tpu.vector_load %arg9[%get3A_1338, %get3A_1339] {strides = array<i32>} : memref<128x256xf32, #tpu.memory_space<vmem>>, vector<1x16xf32>,
        %get3A_1341 = vector.shape_cast %get3A_1340 : vector<1x16xf32> to vector<16xf32>
        %add3A_1342 = arith.addf %while3A_1280, %get3A_1341 : vector<16xf32>
        %add3A_1343 = arith.constant 0 : i32
        %add3A_1344 = arith.addi %add3A_1343, %add3A_1293 : i32
        %get3A_1345 = arith.index_cast %add3A_1344 : i32 to index
        %get3A_1346 = arith.constant 112 : index
        %get3A_1347 = tpu.vector_load %arg9[%get3A_1345, %get3A_1346] {strides = array<i32>} : memref<128x256xf32, #tpu.memory_space<vmem>>, vector<1x16xf32>,
        %get3A_1348 = vector.shape_cast %get3A_1347 : vector<1x16xf32> to vector<16xf32>
        %add3A_1349 = arith.addf %while3A_1281, %get3A_1348 : vector<16xf32>
        %add3A_1350 = arith.constant 0 : i32
        %add3A_1351 = arith.addi %add3A_1350, %add3A_1293 : i32
        %get3A_1352 = arith.index_cast %add3A_1351 : i32 to index
        %get3A_1353 = arith.constant 128 : index
        %get3A_1354 = tpu.vector_load %arg9[%get3A_1352, %get3A_1353] {strides = array<i32>} : memref<128x256xf32, #tpu.memory_space<vmem>>, vector<1x16xf32>,
        %get3A_1355 = vector.shape_cast %get3A_1354 : vector<1x16xf32> to vector<16xf32>
        %add3A_1356 = arith.addf %while3A_1282, %get3A_1355 : vector<16xf32>
        %add3A_1357 = arith.constant 0 : i32
        %add3A_1358 = arith.addi %add3A_1357, %add3A_1293 : i32
        %get3A_1359 = arith.index_cast %add3A_1358 : i32 to index
        %get3A_1360 = arith.constant 144 : index
        %get3A_1361 = tpu.vector_load %arg9[%get3A_1359, %get3A_1360] {strides = array<i32>} : memref<128x256xf32, #tpu.memory_space<vmem>>, vector<1x16xf32>,
        %get3A_1362 = vector.shape_cast %get3A_1361 : vector<1x16xf32> to vector<16xf32>
        %add3A_1363 = arith.addf %while3A_1283, %get3A_1362 : vector<16xf32>
        %add3A_1364 = arith.constant 0 : i32
        %add3A_1365 = arith.addi %add3A_1364, %add3A_1293 : i32
        %get3A_1366 = arith.index_cast %add3A_1365 : i32 to index
        %get3A_1367 = arith.constant 160 : index
        %get3A_1368 = tpu.vector_load %arg9[%get3A_1366, %get3A_1367] {strides = array<i32>} : memref<128x256xf32, #tpu.memory_space<vmem>>, vector<1x16xf32>,
        %get3A_1369 = vector.shape_cast %get3A_1368 : vector<1x16xf32> to vector<16xf32>
        %add3A_1370 = arith.addf %while3A_1284, %get3A_1369 : vector<16xf32>
        %add3A_1371 = arith.constant 0 : i32
        %add3A_1372 = arith.addi %add3A_1371, %add3A_1293 : i32
        %get3A_1373 = arith.index_cast %add3A_1372 : i32 to index
        %get3A_1374 = arith.constant 176 : index
        %get3A_1375 = tpu.vector_load %arg9[%get3A_1373, %get3A_1374] {strides = array<i32>} : memref<128x256xf32, #tpu.memory_space<vmem>>, vector<1x16xf32>,
        %get3A_1376 = vector.shape_cast %get3A_1375 : vector<1x16xf32> to vector<16xf32>
        %add3A_1377 = arith.addf %while3A_1285, %get3A_1376 : vector<16xf32>
        %add3A_1378 = arith.constant 0 : i32
        %add3A_1379 = arith.addi %add3A_1378, %add3A_1293 : i32
        %get3A_1380 = arith.index_cast %add3A_1379 : i32 to index
        %get3A_1381 = arith.constant 192 : index
        %get3A_1382 = tpu.vector_load %arg9[%get3A_1380, %get3A_1381] {strides = array<i32>} : memref<128x256xf32, #tpu.memory_space<vmem>>, vector<1x16xf32>,
        %get3A_1383 = vector.shape_cast %get3A_1382 : vector<1x16xf32> to vector<16xf32>
        %add3A_1384 = arith.addf %while3A_1286, %get3A_1383 : vector<16xf32>
        %add3A_1385 = arith.constant 0 : i32
        %add3A_1386 = arith.addi %add3A_1385, %add3A_1293 : i32
        %get3A_1387 = arith.index_cast %add3A_1386 : i32 to index
        %get3A_1388 = arith.constant 208 : index
        %get3A_1389 = tpu.vector_load %arg9[%get3A_1387, %get3A_1388] {strides = array<i32>} : memref<128x256xf32, #tpu.memory_space<vmem>>, vector<1x16xf32>,
        %get3A_1390 = vector.shape_cast %get3A_1389 : vector<1x16xf32> to vector<16xf32>
        %add3A_1391 = arith.addf %while3A_1287, %get3A_1390 : vector<16xf32>
        %add3A_1392 = arith.constant 0 : i32
        %add3A_1393 = arith.addi %add3A_1392, %add3A_1293 : i32
        %get3A_1394 = arith.index_cast %add3A_1393 : i32 to index
        %get3A_1395 = arith.constant 224 : index
        %get3A_1396 = tpu.vector_load %arg9[%get3A_1394, %get3A_1395] {strides = array<i32>} : memref<128x256xf32, #tpu.memory_space<vmem>>, vector<1x16xf32>,
        %get3A_1397 = vector.shape_cast %get3A_1396 : vector<1x16xf32> to vector<16xf32>
        %add3A_1398 = arith.addf %while3A_1288, %get3A_1397 : vector<16xf32>
        %add3A_1399 = arith.constant 0 : i32
        %add3A_1400 = arith.addi %add3A_1399, %add3A_1293 : i32
        %get3A_1401 = arith.index_cast %add3A_1400 : i32 to index
        %get3A_1402 = arith.constant 240 : index
        %get3A_1403 = tpu.vector_load %arg9[%get3A_1401, %get3A_1402] {strides = array<i32>} : memref<128x256xf32, #tpu.memory_space<vmem>>, vector<1x16xf32>,
        %get3A_1404 = vector.shape_cast %get3A_1403 : vector<1x16xf32> to vector<16xf32>
        %add3A_1405 = arith.addf %while3A_1289, %get3A_1404 : vector<16xf32>
        %add3A_1406 = arith.constant 0 : i32
        %add3A_1407 = arith.addi %add3A_1406, %add3A_1293 : i32
        %add3A_1408 = arith.constant 1 : i32
        %add3A_1409 = arith.addi %add3A_1407, %add3A_1408 : i32
        %get3A_1410 = arith.index_cast %add3A_1409 : i32 to index
        %get3A_1411 = arith.constant 0 : index
        %get3A_1412 = tpu.vector_load %arg9[%get3A_1410, %get3A_1411] {strides = array<i32>} : memref<128x256xf32, #tpu.memory_space<vmem>>, vector<1x16xf32>,
        %get3A_1413 = vector.shape_cast %get3A_1412 : vector<1x16xf32> to vector<16xf32>
        %add3A_1414 = arith.addf %add3A_1300, %get3A_1413 : vector<16xf32>
        %add3A_1415 = arith.constant 0 : i32
        %add3A_1416 = arith.addi %add3A_1415, %add3A_1293 : i32
        %add3A_1417 = arith.constant 1 : i32
        %add3A_1418 = arith.addi %add3A_1416, %add3A_1417 : i32
        %get3A_1419 = arith.index_cast %add3A_1418 : i32 to index
        %get3A_1420 = arith.constant 16 : index
        %get3A_1421 = tpu.vector_load %arg9[%get3A_1419, %get3A_1420] {strides = array<i32>} : memref<128x256xf32, #tpu.memory_space<vmem>>, vector<1x16xf32>,
        %get3A_1422 = vector.shape_cast %get3A_1421 : vector<1x16xf32> to vector<16xf32>
        %add3A_1423 = arith.addf %add3A_1307, %get3A_1422 : vector<16xf32>
        %add3A_1424 = arith.constant 0 : i32
        %add3A_1425 = arith.addi %add3A_1424, %add3A_1293 : i32
        %add3A_1426 = arith.constant 1 : i32
        %add3A_1427 = arith.addi %add3A_1425, %add3A_1426 : i32
        %get3A_1428 = arith.index_cast %add3A_1427 : i32 to index
        %get3A_1429 = arith.constant 32 : index
        %get3A_1430 = tpu.vector_load %arg9[%get3A_1428, %get3A_1429] {strides = array<i32>} : memref<128x256xf32, #tpu.memory_space<vmem>>, vector<1x16xf32>,
        %get3A_1431 = vector.shape_cast %get3A_1430 : vector<1x16xf32> to vector<16xf32>
        %add3A_1432 = arith.addf %add3A_1314, %get3A_1431 : vector<16xf32>
        %add3A_1433 = arith.constant 0 : i32
        %add3A_1434 = arith.addi %add3A_1433, %add3A_1293 : i32
        %add3A_1435 = arith.constant 1 : i32
        %add3A_1436 = arith.addi %add3A_1434, %add3A_1435 : i32
        %get3A_1437 = arith.index_cast %add3A_1436 : i32 to index
        %get3A_1438 = arith.constant 48 : index
        %get3A_1439 = tpu.vector_load %arg9[%get3A_1437, %get3A_1438] {strides = array<i32>} : memref<128x256xf32, #tpu.memory_space<vmem>>, vector<1x16xf32>,
        %get3A_1440 = vector.shape_cast %get3A_1439 : vector<1x16xf32> to vector<16xf32>
        %add3A_1441 = arith.addf %add3A_1321, %get3A_1440 : vector<16xf32>
        %add3A_1442 = arith.constant 0 : i32
        %add3A_1443 = arith.addi %add3A_1442, %add3A_1293 : i32
        %add3A_1444 = arith.constant 1 : i32
        %add3A_1445 = arith.addi %add3A_1443, %add3A_1444 : i32
        %get3A_1446 = arith.index_cast %add3A_1445 : i32 to index
        %get3A_1447 = arith.constant 64 : index
        %get3A_1448 = tpu.vector_load %arg9[%get3A_1446, %get3A_1447] {strides = array<i32>} : memref<128x256xf32, #tpu.memory_space<vmem>>, vector<1x16xf32>,
        %get3A_1449 = vector.shape_cast %get3A_1448 : vector<1x16xf32> to vector<16xf32>
        %add3A_1450 = arith.addf %add3A_1328, %get3A_1449 : vector<16xf32>
        %add3A_1451 = arith.constant 0 : i32
        %add3A_1452 = arith.addi %add3A_1451, %add3A_1293 : i32
        %add3A_1453 = arith.constant 1 : i32
        %add3A_1454 = arith.addi %add3A_1452, %add3A_1453 : i32
        %get3A_1455 = arith.index_cast %add3A_1454 : i32 to index
        %get3A_1456 = arith.constant 80 : index
        %get3A_1457 = tpu.vector_load %arg9[%get3A_1455, %get3A_1456] {strides = array<i32>} : memref<128x256xf32, #tpu.memory_space<vmem>>, vector<1x16xf32>,
        %get3A_1458 = vector.shape_cast %get3A_1457 : vector<1x16xf32> to vector<16xf32>
        %add3A_1459 = arith.addf %add3A_1335, %get3A_1458 : vector<16xf32>
        %add3A_1460 = arith.constant 0 : i32
        %add3A_1461 = arith.addi %add3A_1460, %add3A_1293 : i32
        %add3A_1462 = arith.constant 1 : i32
        %add3A_1463 = arith.addi %add3A_1461, %add3A_1462 : i32
        %get3A_1464 = arith.index_cast %add3A_1463 : i32 to index
        %get3A_1465 = arith.constant 96 : index
        %get3A_1466 = tpu.vector_load %arg9[%get3A_1464, %get3A_1465] {strides = array<i32>} : memref<128x256xf32, #tpu.memory_space<vmem>>, vector<1x16xf32>,
        %get3A_1467 = vector.shape_cast %get3A_1466 : vector<1x16xf32> to vector<16xf32>
        %add3A_1468 = arith.addf %add3A_1342, %get3A_1467 : vector<16xf32>
        %add3A_1469 = arith.constant 0 : i32
        %add3A_1470 = arith.addi %add3A_1469, %add3A_1293 : i32
        %add3A_1471 = arith.constant 1 : i32
        %add3A_1472 = arith.addi %add3A_1470, %add3A_1471 : i32
        %get3A_1473 = arith.index_cast %add3A_1472 : i32 to index
        %get3A_1474 = arith.constant 112 : index
        %get3A_1475 = tpu.vector_load %arg9[%get3A_1473, %get3A_1474] {strides = array<i32>} : memref<128x256xf32, #tpu.memory_space<vmem>>, vector<1x16xf32>,
        %get3A_1476 = vector.shape_cast %get3A_1475 : vector<1x16xf32> to vector<16xf32>
        %add3A_1477 = arith.addf %add3A_1349, %get3A_1476 : vector<16xf32>
        %add3A_1478 = arith.constant 0 : i32
        %add3A_1479 = arith.addi %add3A_1478, %add3A_1293 : i32
        %add3A_1480 = arith.constant 1 : i32
        %add3A_1481 = arith.addi %add3A_1479, %add3A_1480 : i32
        %get3A_1482 = arith.index_cast %add3A_1481 : i32 to index
        %get3A_1483 = arith.constant 128 : index
        %get3A_1484 = tpu.vector_load %arg9[%get3A_1482, %get3A_1483] {strides = array<i32>} : memref<128x256xf32, #tpu.memory_space<vmem>>, vector<1x16xf32>,
        %get3A_1485 = vector.shape_cast %get3A_1484 : vector<1x16xf32> to vector<16xf32>
        %add3A_1486 = arith.addf %add3A_1356, %get3A_1485 : vector<16xf32>
        %add3A_1487 = arith.constant 0 : i32
        %add3A_1488 = arith.addi %add3A_1487, %add3A_1293 : i32
        %add3A_1489 = arith.constant 1 : i32
        %add3A_1490 = arith.addi %add3A_1488, %add3A_1489 : i32
        %get3A_1491 = arith.index_cast %add3A_1490 : i32 to index
        %get3A_1492 = arith.constant 144 : index
        %get3A_1493 = tpu.vector_load %arg9[%get3A_1491, %get3A_1492] {strides = array<i32>} : memref<128x256xf32, #tpu.memory_space<vmem>>, vector<1x16xf32>,
        %get3A_1494 = vector.shape_cast %get3A_1493 : vector<1x16xf32> to vector<16xf32>
        %add3A_1495 = arith.addf %add3A_1363, %get3A_1494 : vector<16xf32>
        %add3A_1496 = arith.constant 0 : i32
        %add3A_1497 = arith.addi %add3A_1496, %add3A_1293 : i32
        %add3A_1498 = arith.constant 1 : i32
        %add3A_1499 = arith.addi %add3A_1497, %add3A_1498 : i32
        %get3A_1500 = arith.index_cast %add3A_1499 : i32 to index
        %get3A_1501 = arith.constant 160 : index
        %get3A_1502 = tpu.vector_load %arg9[%get3A_1500, %get3A_1501] {strides = array<i32>} : memref<128x256xf32, #tpu.memory_space<vmem>>, vector<1x16xf32>,
        %get3A_1503 = vector.shape_cast %get3A_1502 : vector<1x16xf32> to vector<16xf32>
        %add3A_1504 = arith.addf %add3A_1370, %get3A_1503 : vector<16xf32>
        %add3A_1505 = arith.constant 0 : i32
        %add3A_1506 = arith.addi %add3A_1505, %add3A_1293 : i32
        %add3A_1507 = arith.constant 1 : i32
        %add3A_1508 = arith.addi %add3A_1506, %add3A_1507 : i32
        %get3A_1509 = arith.index_cast %add3A_1508 : i32 to index
        %get3A_1510 = arith.constant 176 : index
        %get3A_1511 = tpu.vector_load %arg9[%get3A_1509, %get3A_1510] {strides = array<i32>} : memref<128x256xf32, #tpu.memory_space<vmem>>, vector<1x16xf32>,
        %get3A_1512 = vector.shape_cast %get3A_1511 : vector<1x16xf32> to vector<16xf32>
        %add3A_1513 = arith.addf %add3A_1377, %get3A_1512 : vector<16xf32>
        %add3A_1514 = arith.constant 0 : i32
        %add3A_1515 = arith.addi %add3A_1514, %add3A_1293 : i32
        %add3A_1516 = arith.constant 1 : i32
        %add3A_1517 = arith.addi %add3A_1515, %add3A_1516 : i32
        %get3A_1518 = arith.index_cast %add3A_1517 : i32 to index
        %get3A_1519 = arith.constant 192 : index
        %get3A_1520 = tpu.vector_load %arg9[%get3A_1518, %get3A_1519] {strides = array<i32>} : memref<128x256xf32, #tpu.memory_space<vmem>>, vector<1x16xf32>,
        %get3A_1521 = vector.shape_cast %get3A_1520 : vector<1x16xf32> to vector<16xf32>
        %add3A_1522 = arith.addf %add3A_1384, %get3A_1521 : vector<16xf32>
        %add3A_1523 = arith.constant 0 : i32
        %add3A_1524 = arith.addi %add3A_1523, %add3A_1293 : i32
        %add3A_1525 = arith.constant 1 : i32
        %add3A_1526 = arith.addi %add3A_1524, %add3A_1525 : i32
        %get3A_1527 = arith.index_cast %add3A_1526 : i32 to index
        %get3A_1528 = arith.constant 208 : index
        %get3A_1529 = tpu.vector_load %arg9[%get3A_1527, %get3A_1528] {strides = array<i32>} : memref<128x256xf32, #tpu.memory_space<vmem>>, vector<1x16xf32>,
        %get3A_1530 = vector.shape_cast %get3A_1529 : vector<1x16xf32> to vector<16xf32>
        %add3A_1531 = arith.addf %add3A_1391, %get3A_1530 : vector<16xf32>
        %add3A_1532 = arith.constant 0 : i32
        %add3A_1533 = arith.addi %add3A_1532, %add3A_1293 : i32
        %add3A_1534 = arith.constant 1 : i32
        %add3A_1535 = arith.addi %add3A_1533, %add3A_1534 : i32
        %get3A_1536 = arith.index_cast %add3A_1535 : i32 to index
        %get3A_1537 = arith.constant 224 : index
        %get3A_1538 = tpu.vector_load %arg9[%get3A_1536, %get3A_1537] {strides = array<i32>} : memref<128x256xf32, #tpu.memory_space<vmem>>, vector<1x16xf32>,
        %get3A_1539 = vector.shape_cast %get3A_1538 : vector<1x16xf32> to vector<16xf32>
        %add3A_1540 = arith.addf %add3A_1398, %get3A_1539 : vector<16xf32>
        %add3A_1541 = arith.constant 0 : i32
        %add3A_1542 = arith.addi %add3A_1541, %add3A_1293 : i32
        %add3A_1543 = arith.constant 1 : i32
        %add3A_1544 = arith.addi %add3A_1542, %add3A_1543 : i32
        %get3A_1545 = arith.index_cast %add3A_1544 : i32 to index
        %get3A_1546 = arith.constant 240 : index
        %get3A_1547 = tpu.vector_load %arg9[%get3A_1545, %get3A_1546] {strides = array<i32>} : memref<128x256xf32, #tpu.memory_space<vmem>>, vector<1x16xf32>,
        %get3A_1548 = vector.shape_cast %get3A_1547 : vector<1x16xf32> to vector<16xf32>
        %add3A_1549 = arith.addf %add3A_1405, %get3A_1548 : vector<16xf32>
        scf.yield %add3A_1414, %add3A_1423, %add3A_1432, %add3A_1441, %add3A_1450, %add3A_1459, %add3A_1468, %add3A_1477, %add3A_1486, %add3A_1495, %add3A_1504, %add3A_1513, %add3A_1522, %add3A_1531, %add3A_1540, %add3A_1549 : vector<16xf32>, vector<16xf32>, vector<16xf32>, vector<16xf32>, vector<16xf32>, vector<16xf32>, vector<16xf32>, vector<16xf32>, vector<16xf32>, vector<16xf32>, vector<16xf32>, vector<16xf32>, vector<16xf32>, vector<16xf32>, vector<16xf32>, vector<16xf32>
      }
      %while3A_859 = arith.constant 1 : i32
      %while3A_860:16 = scf.for %while3A_1273 = %while3A_856 to %while3A_852 step %while3A_859 iter_args(%while3A_1274 = %while3A_858#0, %while3A_1275 = %while3A_858#1, %while3A_1276 = %while3A_858#2, %while3A_1277 = %while3A_858#3, %while3A_1278 = %while3A_858#4, %while3A_1279 = %while3A_858#5, %while3A_1280 = %while3A_858#6, %while3A_1281 = %while3A_858#7, %while3A_1282 = %while3A_858#8, %while3A_1283 = %while3A_858#9, %while3A_1284 = %while3A_858#10, %while3A_1285 = %while3A_858#11, %while3A_1286 = %while3A_858#12, %while3A_1287 = %while3A_858#13, %while3A_1288 = %while3A_858#14, %while3A_1289 = %while3A_858#15) -> (vector<16xf32>, vector<16xf32>, vector<16xf32>, vector<16xf32>, vector<16xf32>, vector<16xf32>, vector<16xf32>, vector<16xf32>, vector<16xf32>, vector<16xf32>, vector<16xf32>, vector<16xf32>, vector<16xf32>, vector<16xf32>, vector<16xf32>, vector<16xf32>)  : i32 {
        %mul3A_1290 = arith.constant 2 : i32
        %mul3A_1291 = arith.muli %mul3A_1290, %while3A_1273 : i32
        %add3A_1292 = arith.constant 1 : i32
        %add3A_1293 = arith.addi %add3A_1292, %mul3A_1291 : i32
        %add3A_1294 = arith.constant 0 : i32
        %add3A_1295 = arith.addi %add3A_1294, %add3A_1293 : i32
        %get3A_1296 = arith.index_cast %add3A_1295 : i32 to index
        %get3A_1297 = arith.constant 0 : index
        %get3A_1298 = tpu.vector_load %arg9[%get3A_1296, %get3A_1297] {strides = array<i32>} : memref<128x256xf32, #tpu.memory_space<vmem>>, vector<1x16xf32>,
        %get3A_1299 = vector.shape_cast %get3A_1298 : vector<1x16xf32> to vector<16xf32>
        %add3A_1300 = arith.addf %while3A_1274, %get3A_1299 : vector<16xf32>
        %add3A_1301 = arith.constant 0 : i32
        %add3A_1302 = arith.addi %add3A_1301, %add3A_1293 : i32
        %get3A_1303 = arith.index_cast %add3A_1302 : i32 to index
        %get3A_1304 = arith.constant 16 : index
        %get3A_1305 = tpu.vector_load %arg9[%get3A_1303, %get3A_1304] {strides = array<i32>} : memref<128x256xf32, #tpu.memory_space<vmem>>, vector<1x16xf32>,
        %get3A_1306 = vector.shape_cast %get3A_1305 : vector<1x16xf32> to vector<16xf32>
        %add3A_1307 = arith.addf %while3A_1275, %get3A_1306 : vector<16xf32>
        %add3A_1308 = arith.constant 0 : i32
        %add3A_1309 = arith.addi %add3A_1308, %add3A_1293 : i32
        %get3A_1310 = arith.index_cast %add3A_1309 : i32 to index
        %get3A_1311 = arith.constant 32 : index
        %get3A_1312 = tpu.vector_load %arg9[%get3A_1310, %get3A_1311] {strides = array<i32>} : memref<128x256xf32, #tpu.memory_space<vmem>>, vector<1x16xf32>,
        %get3A_1313 = vector.shape_cast %get3A_1312 : vector<1x16xf32> to vector<16xf32>
        %add3A_1314 = arith.addf %while3A_1276, %get3A_1313 : vector<16xf32>
        %add3A_1315 = arith.constant 0 : i32
        %add3A_1316 = arith.addi %add3A_1315, %add3A_1293 : i32
        %get3A_1317 = arith.index_cast %add3A_1316 : i32 to index
        %get3A_1318 = arith.constant 48 : index
        %get3A_1319 = tpu.vector_load %arg9[%get3A_1317, %get3A_1318] {strides = array<i32>} : memref<128x256xf32, #tpu.memory_space<vmem>>, vector<1x16xf32>,
        %get3A_1320 = vector.shape_cast %get3A_1319 : vector<1x16xf32> to vector<16xf32>
        %add3A_1321 = arith.addf %while3A_1277, %get3A_1320 : vector<16xf32>
        %add3A_1322 = arith.constant 0 : i32
        %add3A_1323 = arith.addi %add3A_1322, %add3A_1293 : i32
        %get3A_1324 = arith.index_cast %add3A_1323 : i32 to index
        %get3A_1325 = arith.constant 64 : index
        %get3A_1326 = tpu.vector_load %arg9[%get3A_1324, %get3A_1325] {strides = array<i32>} : memref<128x256xf32, #tpu.memory_space<vmem>>, vector<1x16xf32>,
        %get3A_1327 = vector.shape_cast %get3A_1326 : vector<1x16xf32> to vector<16xf32>
        %add3A_1328 = arith.addf %while3A_1278, %get3A_1327 : vector<16xf32>
        %add3A_1329 = arith.constant 0 : i32
        %add3A_1330 = arith.addi %add3A_1329, %add3A_1293 : i32
        %get3A_1331 = arith.index_cast %add3A_1330 : i32 to index
        %get3A_1332 = arith.constant 80 : index
        %get3A_1333 = tpu.vector_load %arg9[%get3A_1331, %get3A_1332] {strides = array<i32>} : memref<128x256xf32, #tpu.memory_space<vmem>>, vector<1x16xf32>,
        %get3A_1334 = vector.shape_cast %get3A_1333 : vector<1x16xf32> to vector<16xf32>
        %add3A_1335 = arith.addf %while3A_1279, %get3A_1334 : vector<16xf32>
        %add3A_1336 = arith.constant 0 : i32
        %add3A_1337 = arith.addi %add3A_1336, %add3A_1293 : i32
        %get3A_1338 = arith.index_cast %add3A_1337 : i32 to index
        %get3A_1339 = arith.constant 96 : index
        %get3A_1340 = tpu.vector_load %arg9[%get3A_1338, %get3A_1339] {strides = array<i32>} : memref<128x256xf32, #tpu.memory_space<vmem>>, vector<1x16xf32>,
        %get3A_1341 = vector.shape_cast %get3A_1340 : vector<1x16xf32> to vector<16xf32>
        %add3A_1342 = arith.addf %while3A_1280, %get3A_1341 : vector<16xf32>
        %add3A_1343 = arith.constant 0 : i32
        %add3A_1344 = arith.addi %add3A_1343, %add3A_1293 : i32
        %get3A_1345 = arith.index_cast %add3A_1344 : i32 to index
        %get3A_1346 = arith.constant 112 : index
        %get3A_1347 = tpu.vector_load %arg9[%get3A_1345, %get3A_1346] {strides = array<i32>} : memref<128x256xf32, #tpu.memory_space<vmem>>, vector<1x16xf32>,
        %get3A_1348 = vector.shape_cast %get3A_1347 : vector<1x16xf32> to vector<16xf32>
        %add3A_1349 = arith.addf %while3A_1281, %get3A_1348 : vector<16xf32>
        %add3A_1350 = arith.constant 0 : i32
        %add3A_1351 = arith.addi %add3A_1350, %add3A_1293 : i32
        %get3A_1352 = arith.index_cast %add3A_1351 : i32 to index
        %get3A_1353 = arith.constant 128 : index
        %get3A_1354 = tpu.vector_load %arg9[%get3A_1352, %get3A_1353] {strides = array<i32>} : memref<128x256xf32, #tpu.memory_space<vmem>>, vector<1x16xf32>,
        %get3A_1355 = vector.shape_cast %get3A_1354 : vector<1x16xf32> to vector<16xf32>
        %add3A_1356 = arith.addf %while3A_1282, %get3A_1355 : vector<16xf32>
        %add3A_1357 = arith.constant 0 : i32
        %add3A_1358 = arith.addi %add3A_1357, %add3A_1293 : i32
        %get3A_1359 = arith.index_cast %add3A_1358 : i32 to index
        %get3A_1360 = arith.constant 144 : index
        %get3A_1361 = tpu.vector_load %arg9[%get3A_1359, %get3A_1360] {strides = array<i32>} : memref<128x256xf32, #tpu.memory_space<vmem>>, vector<1x16xf32>,
        %get3A_1362 = vector.shape_cast %get3A_1361 : vector<1x16xf32> to vector<16xf32>
        %add3A_1363 = arith.addf %while3A_1283, %get3A_1362 : vector<16xf32>
        %add3A_1364 = arith.constant 0 : i32
        %add3A_1365 = arith.addi %add3A_1364, %add3A_1293 : i32
        %get3A_1366 = arith.index_cast %add3A_1365 : i32 to index
        %get3A_1367 = arith.constant 160 : index
        %get3A_1368 = tpu.vector_load %arg9[%get3A_1366, %get3A_1367] {strides = array<i32>} : memref<128x256xf32, #tpu.memory_space<vmem>>, vector<1x16xf32>,
        %get3A_1369 = vector.shape_cast %get3A_1368 : vector<1x16xf32> to vector<16xf32>
        %add3A_1370 = arith.addf %while3A_1284, %get3A_1369 : vector<16xf32>
        %add3A_1371 = arith.constant 0 : i32
        %add3A_1372 = arith.addi %add3A_1371, %add3A_1293 : i32
        %get3A_1373 = arith.index_cast %add3A_1372 : i32 to index
        %get3A_1374 = arith.constant 176 : index
        %get3A_1375 = tpu.vector_load %arg9[%get3A_1373, %get3A_1374] {strides = array<i32>} : memref<128x256xf32, #tpu.memory_space<vmem>>, vector<1x16xf32>,
        %get3A_1376 = vector.shape_cast %get3A_1375 : vector<1x16xf32> to vector<16xf32>
        %add3A_1377 = arith.addf %while3A_1285, %get3A_1376 : vector<16xf32>
        %add3A_1378 = arith.constant 0 : i32
        %add3A_1379 = arith.addi %add3A_1378, %add3A_1293 : i32
        %get3A_1380 = arith.index_cast %add3A_1379 : i32 to index
        %get3A_1381 = arith.constant 192 : index
        %get3A_1382 = tpu.vector_load %arg9[%get3A_1380, %get3A_1381] {strides = array<i32>} : memref<128x256xf32, #tpu.memory_space<vmem>>, vector<1x16xf32>,
        %get3A_1383 = vector.shape_cast %get3A_1382 : vector<1x16xf32> to vector<16xf32>
        %add3A_1384 = arith.addf %while3A_1286, %get3A_1383 : vector<16xf32>
        %add3A_1385 = arith.constant 0 : i32
        %add3A_1386 = arith.addi %add3A_1385, %add3A_1293 : i32
        %get3A_1387 = arith.index_cast %add3A_1386 : i32 to index
        %get3A_1388 = arith.constant 208 : index
        %get3A_1389 = tpu.vector_load %arg9[%get3A_1387, %get3A_1388] {strides = array<i32>} : memref<128x256xf32, #tpu.memory_space<vmem>>, vector<1x16xf32>,
        %get3A_1390 = vector.shape_cast %get3A_1389 : vector<1x16xf32> to vector<16xf32>
        %add3A_1391 = arith.addf %while3A_1287, %get3A_1390 : vector<16xf32>
        %add3A_1392 = arith.constant 0 : i32
        %add3A_1393 = arith.addi %add3A_1392, %add3A_1293 : i32
        %get3A_1394 = arith.index_cast %add3A_1393 : i32 to index
        %get3A_1395 = arith.constant 224 : index
        %get3A_1396 = tpu.vector_load %arg9[%get3A_1394, %get3A_1395] {strides = array<i32>} : memref<128x256xf32, #tpu.memory_space<vmem>>, vector<1x16xf32>,
        %get3A_1397 = vector.shape_cast %get3A_1396 : vector<1x16xf32> to vector<16xf32>
        %add3A_1398 = arith.addf %while3A_1288, %get3A_1397 : vector<16xf32>
        %add3A_1399 = arith.constant 0 : i32
        %add3A_1400 = arith.addi %add3A_1399, %add3A_1293 : i32
        %get3A_1401 = arith.index_cast %add3A_1400 : i32 to index
        %get3A_1402 = arith.constant 240 : index
        %get3A_1403 = tpu.vector_load %arg9[%get3A_1401, %get3A_1402] {strides = array<i32>} : memref<128x256xf32, #tpu.memory_space<vmem>>, vector<1x16xf32>,
        %get3A_1404 = vector.shape_cast %get3A_1403 : vector<1x16xf32> to vector<16xf32>
        %add3A_1405 = arith.addf %while3A_1289, %get3A_1404 : vector<16xf32>
        %add3A_1406 = arith.constant 0 : i32
        %add3A_1407 = arith.addi %add3A_1406, %add3A_1293 : i32
        %add3A_1408 = arith.constant 1 : i32
        %add3A_1409 = arith.addi %add3A_1407, %add3A_1408 : i32
        %get3A_1410 = arith.index_cast %add3A_1409 : i32 to index
        %get3A_1411 = arith.constant 0 : index
        %get3A_1412 = tpu.vector_load %arg9[%get3A_1410, %get3A_1411] {strides = array<i32>} : memref<128x256xf32, #tpu.memory_space<vmem>>, vector<1x16xf32>,
        %get3A_1413 = vector.shape_cast %get3A_1412 : vector<1x16xf32> to vector<16xf32>
        %add3A_1414 = arith.addf %add3A_1300, %get3A_1413 : vector<16xf32>
        %add3A_1415 = arith.constant 0 : i32
        %add3A_1416 = arith.addi %add3A_1415, %add3A_1293 : i32
        %add3A_1417 = arith.constant 1 : i32
        %add3A_1418 = arith.addi %add3A_1416, %add3A_1417 : i32
        %get3A_1419 = arith.index_cast %add3A_1418 : i32 to index
        %get3A_1420 = arith.constant 16 : index
        %get3A_1421 = tpu.vector_load %arg9[%get3A_1419, %get3A_1420] {strides = array<i32>} : memref<128x256xf32, #tpu.memory_space<vmem>>, vector<1x16xf32>,
        %get3A_1422 = vector.shape_cast %get3A_1421 : vector<1x16xf32> to vector<16xf32>
        %add3A_1423 = arith.addf %add3A_1307, %get3A_1422 : vector<16xf32>
        %add3A_1424 = arith.constant 0 : i32
        %add3A_1425 = arith.addi %add3A_1424, %add3A_1293 : i32
        %add3A_1426 = arith.constant 1 : i32
        %add3A_1427 = arith.addi %add3A_1425, %add3A_1426 : i32
        %get3A_1428 = arith.index_cast %add3A_1427 : i32 to index
        %get3A_1429 = arith.constant 32 : index
        %get3A_1430 = tpu.vector_load %arg9[%get3A_1428, %get3A_1429] {strides = array<i32>} : memref<128x256xf32, #tpu.memory_space<vmem>>, vector<1x16xf32>,
        %get3A_1431 = vector.shape_cast %get3A_1430 : vector<1x16xf32> to vector<16xf32>
        %add3A_1432 = arith.addf %add3A_1314, %get3A_1431 : vector<16xf32>
        %add3A_1433 = arith.constant 0 : i32
        %add3A_1434 = arith.addi %add3A_1433, %add3A_1293 : i32
        %add3A_1435 = arith.constant 1 : i32
        %add3A_1436 = arith.addi %add3A_1434, %add3A_1435 : i32
        %get3A_1437 = arith.index_cast %add3A_1436 : i32 to index
        %get3A_1438 = arith.constant 48 : index
        %get3A_1439 = tpu.vector_load %arg9[%get3A_1437, %get3A_1438] {strides = array<i32>} : memref<128x256xf32, #tpu.memory_space<vmem>>, vector<1x16xf32>,
        %get3A_1440 = vector.shape_cast %get3A_1439 : vector<1x16xf32> to vector<16xf32>
        %add3A_1441 = arith.addf %add3A_1321, %get3A_1440 : vector<16xf32>
        %add3A_1442 = arith.constant 0 : i32
        %add3A_1443 = arith.addi %add3A_1442, %add3A_1293 : i32
        %add3A_1444 = arith.constant 1 : i32
        %add3A_1445 = arith.addi %add3A_1443, %add3A_1444 : i32
        %get3A_1446 = arith.index_cast %add3A_1445 : i32 to index
        %get3A_1447 = arith.constant 64 : index
        %get3A_1448 = tpu.vector_load %arg9[%get3A_1446, %get3A_1447] {strides = array<i32>} : memref<128x256xf32, #tpu.memory_space<vmem>>, vector<1x16xf32>,
        %get3A_1449 = vector.shape_cast %get3A_1448 : vector<1x16xf32> to vector<16xf32>
        %add3A_1450 = arith.addf %add3A_1328, %get3A_1449 : vector<16xf32>
        %add3A_1451 = arith.constant 0 : i32
        %add3A_1452 = arith.addi %add3A_1451, %add3A_1293 : i32
        %add3A_1453 = arith.constant 1 : i32
        %add3A_1454 = arith.addi %add3A_1452, %add3A_1453 : i32
        %get3A_1455 = arith.index_cast %add3A_1454 : i32 to index
        %get3A_1456 = arith.constant 80 : index
        %get3A_1457 = tpu.vector_load %arg9[%get3A_1455, %get3A_1456] {strides = array<i32>} : memref<128x256xf32, #tpu.memory_space<vmem>>, vector<1x16xf32>,
        %get3A_1458 = vector.shape_cast %get3A_1457 : vector<1x16xf32> to vector<16xf32>
        %add3A_1459 = arith.addf %add3A_1335, %get3A_1458 : vector<16xf32>
        %add3A_1460 = arith.constant 0 : i32
        %add3A_1461 = arith.addi %add3A_1460, %add3A_1293 : i32
        %add3A_1462 = arith.constant 1 : i32
        %add3A_1463 = arith.addi %add3A_1461, %add3A_1462 : i32
        %get3A_1464 = arith.index_cast %add3A_1463 : i32 to index
        %get3A_1465 = arith.constant 96 : index
        %get3A_1466 = tpu.vector_load %arg9[%get3A_1464, %get3A_1465] {strides = array<i32>} : memref<128x256xf32, #tpu.memory_space<vmem>>, vector<1x16xf32>,
        %get3A_1467 = vector.shape_cast %get3A_1466 : vector<1x16xf32> to vector<16xf32>
        %add3A_1468 = arith.addf %add3A_1342, %get3A_1467 : vector<16xf32>
        %add3A_1469 = arith.constant 0 : i32
        %add3A_1470 = arith.addi %add3A_1469, %add3A_1293 : i32
        %add3A_1471 = arith.constant 1 : i32
        %add3A_1472 = arith.addi %add3A_1470, %add3A_1471 : i32
        %get3A_1473 = arith.index_cast %add3A_1472 : i32 to index
        %get3A_1474 = arith.constant 112 : index
        %get3A_1475 = tpu.vector_load %arg9[%get3A_1473, %get3A_1474] {strides = array<i32>} : memref<128x256xf32, #tpu.memory_space<vmem>>, vector<1x16xf32>,
        %get3A_1476 = vector.shape_cast %get3A_1475 : vector<1x16xf32> to vector<16xf32>
        %add3A_1477 = arith.addf %add3A_1349, %get3A_1476 : vector<16xf32>
        %add3A_1478 = arith.constant 0 : i32
        %add3A_1479 = arith.addi %add3A_1478, %add3A_1293 : i32
        %add3A_1480 = arith.constant 1 : i32
        %add3A_1481 = arith.addi %add3A_1479, %add3A_1480 : i32
        %get3A_1482 = arith.index_cast %add3A_1481 : i32 to index
        %get3A_1483 = arith.constant 128 : index
        %get3A_1484 = tpu.vector_load %arg9[%get3A_1482, %get3A_1483] {strides = array<i32>} : memref<128x256xf32, #tpu.memory_space<vmem>>, vector<1x16xf32>,
        %get3A_1485 = vector.shape_cast %get3A_1484 : vector<1x16xf32> to vector<16xf32>
        %add3A_1486 = arith.addf %add3A_1356, %get3A_1485 : vector<16xf32>
        %add3A_1487 = arith.constant 0 : i32
        %add3A_1488 = arith.addi %add3A_1487, %add3A_1293 : i32
        %add3A_1489 = arith.constant 1 : i32
        %add3A_1490 = arith.addi %add3A_1488, %add3A_1489 : i32
        %get3A_1491 = arith.index_cast %add3A_1490 : i32 to index
        %get3A_1492 = arith.constant 144 : index
        %get3A_1493 = tpu.vector_load %arg9[%get3A_1491, %get3A_1492] {strides = array<i32>} : memref<128x256xf32, #tpu.memory_space<vmem>>, vector<1x16xf32>,
        %get3A_1494 = vector.shape_cast %get3A_1493 : vector<1x16xf32> to vector<16xf32>
        %add3A_1495 = arith.addf %add3A_1363, %get3A_1494 : vector<16xf32>
        %add3A_1496 = arith.constant 0 : i32
        %add3A_1497 = arith.addi %add3A_1496, %add3A_1293 : i32
        %add3A_1498 = arith.constant 1 : i32
        %add3A_1499 = arith.addi %add3A_1497, %add3A_1498 : i32
        %get3A_1500 = arith.index_cast %add3A_1499 : i32 to index
        %get3A_1501 = arith.constant 160 : index
        %get3A_1502 = tpu.vector_load %arg9[%get3A_1500, %get3A_1501] {strides = array<i32>} : memref<128x256xf32, #tpu.memory_space<vmem>>, vector<1x16xf32>,
        %get3A_1503 = vector.shape_cast %get3A_1502 : vector<1x16xf32> to vector<16xf32>
        %add3A_1504 = arith.addf %add3A_1370, %get3A_1503 : vector<16xf32>
        %add3A_1505 = arith.constant 0 : i32
        %add3A_1506 = arith.addi %add3A_1505, %add3A_1293 : i32
        %add3A_1507 = arith.constant 1 : i32
        %add3A_1508 = arith.addi %add3A_1506, %add3A_1507 : i32
        %get3A_1509 = arith.index_cast %add3A_1508 : i32 to index
        %get3A_1510 = arith.constant 176 : index
        %get3A_1511 = tpu.vector_load %arg9[%get3A_1509, %get3A_1510] {strides = array<i32>} : memref<128x256xf32, #tpu.memory_space<vmem>>, vector<1x16xf32>,
        %get3A_1512 = vector.shape_cast %get3A_1511 : vector<1x16xf32> to vector<16xf32>
        %add3A_1513 = arith.addf %add3A_1377, %get3A_1512 : vector<16xf32>
        %add3A_1514 = arith.constant 0 : i32
        %add3A_1515 = arith.addi %add3A_1514, %add3A_1293 : i32
        %add3A_1516 = arith.constant 1 : i32
        %add3A_1517 = arith.addi %add3A_1515, %add3A_1516 : i32
        %get3A_1518 = arith.index_cast %add3A_1517 : i32 to index
        %get3A_1519 = arith.constant 192 : index
        %get3A_1520 = tpu.vector_load %arg9[%get3A_1518, %get3A_1519] {strides = array<i32>} : memref<128x256xf32, #tpu.memory_space<vmem>>, vector<1x16xf32>,
        %get3A_1521 = vector.shape_cast %get3A_1520 : vector<1x16xf32> to vector<16xf32>
        %add3A_1522 = arith.addf %add3A_1384, %get3A_1521 : vector<16xf32>
        %add3A_1523 = arith.constant 0 : i32
        %add3A_1524 = arith.addi %add3A_1523, %add3A_1293 : i32
        %add3A_1525 = arith.constant 1 : i32
        %add3A_1526 = arith.addi %add3A_1524, %add3A_1525 : i32
        %get3A_1527 = arith.index_cast %add3A_1526 : i32 to index
        %get3A_1528 = arith.constant 208 : index
        %get3A_1529 = tpu.vector_load %arg9[%get3A_1527, %get3A_1528] {strides = array<i32>} : memref<128x256xf32, #tpu.memory_space<vmem>>, vector<1x16xf32>,
        %get3A_1530 = vector.shape_cast %get3A_1529 : vector<1x16xf32> to vector<16xf32>
        %add3A_1531 = arith.addf %add3A_1391, %get3A_1530 : vector<16xf32>
        %add3A_1532 = arith.constant 0 : i32
        %add3A_1533 = arith.addi %add3A_1532, %add3A_1293 : i32
        %add3A_1534 = arith.constant 1 : i32
        %add3A_1535 = arith.addi %add3A_1533, %add3A_1534 : i32
        %get3A_1536 = arith.index_cast %add3A_1535 : i32 to index
        %get3A_1537 = arith.constant 224 : index
        %get3A_1538 = tpu.vector_load %arg9[%get3A_1536, %get3A_1537] {strides = array<i32>} : memref<128x256xf32, #tpu.memory_space<vmem>>, vector<1x16xf32>,
        %get3A_1539 = vector.shape_cast %get3A_1538 : vector<1x16xf32> to vector<16xf32>
        %add3A_1540 = arith.addf %add3A_1398, %get3A_1539 : vector<16xf32>
        %add3A_1541 = arith.constant 0 : i32
        %add3A_1542 = arith.addi %add3A_1541, %add3A_1293 : i32
        %add3A_1543 = arith.constant 1 : i32
        %add3A_1544 = arith.addi %add3A_1542, %add3A_1543 : i32
        %get3A_1545 = arith.index_cast %add3A_1544 : i32 to index
        %get3A_1546 = arith.constant 240 : index
        %get3A_1547 = tpu.vector_load %arg9[%get3A_1545, %get3A_1546] {strides = array<i32>} : memref<128x256xf32, #tpu.memory_space<vmem>>, vector<1x16xf32>,
        %get3A_1548 = vector.shape_cast %get3A_1547 : vector<1x16xf32> to vector<16xf32>
        %add3A_1549 = arith.addf %add3A_1405, %get3A_1548 : vector<16xf32>
        scf.yield %add3A_1414, %add3A_1423, %add3A_1432, %add3A_1441, %add3A_1450, %add3A_1459, %add3A_1468, %add3A_1477, %add3A_1486, %add3A_1495, %add3A_1504, %add3A_1513, %add3A_1522, %add3A_1531, %add3A_1540, %add3A_1549 : vector<16xf32>, vector<16xf32>, vector<16xf32>, vector<16xf32>, vector<16xf32>, vector<16xf32>, vector<16xf32>, vector<16xf32>, vector<16xf32>, vector<16xf32>, vector<16xf32>, vector<16xf32>, vector<16xf32>, vector<16xf32>, vector<16xf32>, vector<16xf32>
      }
      %mul3A_861 = arith.constant 2 : i32
      %mul3A_862 = arith.muli %mul3A_861, %select_n3A_849 : i32
      %add3A_863 = arith.constant 1 : i32
      %add3A_864 = arith.addi %add3A_863, %mul3A_862 : i32
      %while3A_865 = arith.subi %squeeze3A_743, %add3A_864 : i32
      %while3A_866 = arith.addi %add3A_864, %while3A_865 : i32
      %while3A_867 = arith.constant 1 : i32
      %while3A_868 = arith.divsi %while3A_865, %while3A_867 : i32
      %while3A_869 = arith.muli %while3A_868, %while3A_867 : i32
      %while3A_870 = arith.addi %add3A_864, %while3A_869 : i32
      %while3A_871 = arith.constant 1 : i32
      %while3A_872:16 = scf.for %while3A_1273 = %add3A_864 to %while3A_870 step %while3A_871 iter_args(%while3A_1274 = %while3A_860#0, %while3A_1275 = %while3A_860#1, %while3A_1276 = %while3A_860#2, %while3A_1277 = %while3A_860#3, %while3A_1278 = %while3A_860#4, %while3A_1279 = %while3A_860#5, %while3A_1280 = %while3A_860#6, %while3A_1281 = %while3A_860#7, %while3A_1282 = %while3A_860#8, %while3A_1283 = %while3A_860#9, %while3A_1284 = %while3A_860#10, %while3A_1285 = %while3A_860#11, %while3A_1286 = %while3A_860#12, %while3A_1287 = %while3A_860#13, %while3A_1288 = %while3A_860#14, %while3A_1289 = %while3A_860#15) -> (vector<16xf32>, vector<16xf32>, vector<16xf32>, vector<16xf32>, vector<16xf32>, vector<16xf32>, vector<16xf32>, vector<16xf32>, vector<16xf32>, vector<16xf32>, vector<16xf32>, vector<16xf32>, vector<16xf32>, vector<16xf32>, vector<16xf32>, vector<16xf32>)  : i32 {
        %add3A_1290 = arith.constant 0 : i32
        %add3A_1291 = arith.addi %add3A_1290, %while3A_1273 : i32
        %get3A_1292 = arith.index_cast %add3A_1291 : i32 to index
        %get3A_1293 = arith.constant 0 : index
        %get3A_1294 = tpu.vector_load %arg9[%get3A_1292, %get3A_1293] {strides = array<i32>} : memref<128x256xf32, #tpu.memory_space<vmem>>, vector<1x16xf32>,
        %get3A_1295 = vector.shape_cast %get3A_1294 : vector<1x16xf32> to vector<16xf32>
        %add3A_1296 = arith.addf %while3A_1274, %get3A_1295 : vector<16xf32>
        %add3A_1297 = arith.constant 0 : i32
        %add3A_1298 = arith.addi %add3A_1297, %while3A_1273 : i32
        %get3A_1299 = arith.index_cast %add3A_1298 : i32 to index
        %get3A_1300 = arith.constant 16 : index
        %get3A_1301 = tpu.vector_load %arg9[%get3A_1299, %get3A_1300] {strides = array<i32>} : memref<128x256xf32, #tpu.memory_space<vmem>>, vector<1x16xf32>,
        %get3A_1302 = vector.shape_cast %get3A_1301 : vector<1x16xf32> to vector<16xf32>
        %add3A_1303 = arith.addf %while3A_1275, %get3A_1302 : vector<16xf32>
        %add3A_1304 = arith.constant 0 : i32
        %add3A_1305 = arith.addi %add3A_1304, %while3A_1273 : i32
        %get3A_1306 = arith.index_cast %add3A_1305 : i32 to index
        %get3A_1307 = arith.constant 32 : index
        %get3A_1308 = tpu.vector_load %arg9[%get3A_1306, %get3A_1307] {strides = array<i32>} : memref<128x256xf32, #tpu.memory_space<vmem>>, vector<1x16xf32>,
        %get3A_1309 = vector.shape_cast %get3A_1308 : vector<1x16xf32> to vector<16xf32>
        %add3A_1310 = arith.addf %while3A_1276, %get3A_1309 : vector<16xf32>
        %add3A_1311 = arith.constant 0 : i32
        %add3A_1312 = arith.addi %add3A_1311, %while3A_1273 : i32
        %get3A_1313 = arith.index_cast %add3A_1312 : i32 to index
        %get3A_1314 = arith.constant 48 : index
        %get3A_1315 = tpu.vector_load %arg9[%get3A_1313, %get3A_1314] {strides = array<i32>} : memref<128x256xf32, #tpu.memory_space<vmem>>, vector<1x16xf32>,
        %get3A_1316 = vector.shape_cast %get3A_1315 : vector<1x16xf32> to vector<16xf32>
        %add3A_1317 = arith.addf %while3A_1277, %get3A_1316 : vector<16xf32>
        %add3A_1318 = arith.constant 0 : i32
        %add3A_1319 = arith.addi %add3A_1318, %while3A_1273 : i32
        %get3A_1320 = arith.index_cast %add3A_1319 : i32 to index
        %get3A_1321 = arith.constant 64 : index
        %get3A_1322 = tpu.vector_load %arg9[%get3A_1320, %get3A_1321] {strides = array<i32>} : memref<128x256xf32, #tpu.memory_space<vmem>>, vector<1x16xf32>,
        %get3A_1323 = vector.shape_cast %get3A_1322 : vector<1x16xf32> to vector<16xf32>
        %add3A_1324 = arith.addf %while3A_1278, %get3A_1323 : vector<16xf32>
        %add3A_1325 = arith.constant 0 : i32
        %add3A_1326 = arith.addi %add3A_1325, %while3A_1273 : i32
        %get3A_1327 = arith.index_cast %add3A_1326 : i32 to index
        %get3A_1328 = arith.constant 80 : index
        %get3A_1329 = tpu.vector_load %arg9[%get3A_1327, %get3A_1328] {strides = array<i32>} : memref<128x256xf32, #tpu.memory_space<vmem>>, vector<1x16xf32>,
        %get3A_1330 = vector.shape_cast %get3A_1329 : vector<1x16xf32> to vector<16xf32>
        %add3A_1331 = arith.addf %while3A_1279, %get3A_1330 : vector<16xf32>
        %add3A_1332 = arith.constant 0 : i32
        %add3A_1333 = arith.addi %add3A_1332, %while3A_1273 : i32
        %get3A_1334 = arith.index_cast %add3A_1333 : i32 to index
        %get3A_1335 = arith.constant 96 : index
        %get3A_1336 = tpu.vector_load %arg9[%get3A_1334, %get3A_1335] {strides = array<i32>} : memref<128x256xf32, #tpu.memory_space<vmem>>, vector<1x16xf32>,
        %get3A_1337 = vector.shape_cast %get3A_1336 : vector<1x16xf32> to vector<16xf32>
        %add3A_1338 = arith.addf %while3A_1280, %get3A_1337 : vector<16xf32>
        %add3A_1339 = arith.constant 0 : i32
        %add3A_1340 = arith.addi %add3A_1339, %while3A_1273 : i32
        %get3A_1341 = arith.index_cast %add3A_1340 : i32 to index
        %get3A_1342 = arith.constant 112 : index
        %get3A_1343 = tpu.vector_load %arg9[%get3A_1341, %get3A_1342] {strides = array<i32>} : memref<128x256xf32, #tpu.memory_space<vmem>>, vector<1x16xf32>,
        %get3A_1344 = vector.shape_cast %get3A_1343 : vector<1x16xf32> to vector<16xf32>
        %add3A_1345 = arith.addf %while3A_1281, %get3A_1344 : vector<16xf32>
        %add3A_1346 = arith.constant 0 : i32
        %add3A_1347 = arith.addi %add3A_1346, %while3A_1273 : i32
        %get3A_1348 = arith.index_cast %add3A_1347 : i32 to index
        %get3A_1349 = arith.constant 128 : index
        %get3A_1350 = tpu.vector_load %arg9[%get3A_1348, %get3A_1349] {strides = array<i32>} : memref<128x256xf32, #tpu.memory_space<vmem>>, vector<1x16xf32>,
        %get3A_1351 = vector.shape_cast %get3A_1350 : vector<1x16xf32> to vector<16xf32>
        %add3A_1352 = arith.addf %while3A_1282, %get3A_1351 : vector<16xf32>
        %add3A_1353 = arith.constant 0 : i32
        %add3A_1354 = arith.addi %add3A_1353, %while3A_1273 : i32
        %get3A_1355 = arith.index_cast %add3A_1354 : i32 to index
        %get3A_1356 = arith.constant 144 : index
        %get3A_1357 = tpu.vector_load %arg9[%get3A_1355, %get3A_1356] {strides = array<i32>} : memref<128x256xf32, #tpu.memory_space<vmem>>, vector<1x16xf32>,
        %get3A_1358 = vector.shape_cast %get3A_1357 : vector<1x16xf32> to vector<16xf32>
        %add3A_1359 = arith.addf %while3A_1283, %get3A_1358 : vector<16xf32>
        %add3A_1360 = arith.constant 0 : i32
        %add3A_1361 = arith.addi %add3A_1360, %while3A_1273 : i32
        %get3A_1362 = arith.index_cast %add3A_1361 : i32 to index
        %get3A_1363 = arith.constant 160 : index
        %get3A_1364 = tpu.vector_load %arg9[%get3A_1362, %get3A_1363] {strides = array<i32>} : memref<128x256xf32, #tpu.memory_space<vmem>>, vector<1x16xf32>,
        %get3A_1365 = vector.shape_cast %get3A_1364 : vector<1x16xf32> to vector<16xf32>
        %add3A_1366 = arith.addf %while3A_1284, %get3A_1365 : vector<16xf32>
        %add3A_1367 = arith.constant 0 : i32
        %add3A_1368 = arith.addi %add3A_1367, %while3A_1273 : i32
        %get3A_1369 = arith.index_cast %add3A_1368 : i32 to index
        %get3A_1370 = arith.constant 176 : index
        %get3A_1371 = tpu.vector_load %arg9[%get3A_1369, %get3A_1370] {strides = array<i32>} : memref<128x256xf32, #tpu.memory_space<vmem>>, vector<1x16xf32>,
        %get3A_1372 = vector.shape_cast %get3A_1371 : vector<1x16xf32> to vector<16xf32>
        %add3A_1373 = arith.addf %while3A_1285, %get3A_1372 : vector<16xf32>
        %add3A_1374 = arith.constant 0 : i32
        %add3A_1375 = arith.addi %add3A_1374, %while3A_1273 : i32
        %get3A_1376 = arith.index_cast %add3A_1375 : i32 to index
        %get3A_1377 = arith.constant 192 : index
        %get3A_1378 = tpu.vector_load %arg9[%get3A_1376, %get3A_1377] {strides = array<i32>} : memref<128x256xf32, #tpu.memory_space<vmem>>, vector<1x16xf32>,
        %get3A_1379 = vector.shape_cast %get3A_1378 : vector<1x16xf32> to vector<16xf32>
        %add3A_1380 = arith.addf %while3A_1286, %get3A_1379 : vector<16xf32>
        %add3A_1381 = arith.constant 0 : i32
        %add3A_1382 = arith.addi %add3A_1381, %while3A_1273 : i32
        %get3A_1383 = arith.index_cast %add3A_1382 : i32 to index
        %get3A_1384 = arith.constant 208 : index
        %get3A_1385 = tpu.vector_load %arg9[%get3A_1383, %get3A_1384] {strides = array<i32>} : memref<128x256xf32, #tpu.memory_space<vmem>>, vector<1x16xf32>,
        %get3A_1386 = vector.shape_cast %get3A_1385 : vector<1x16xf32> to vector<16xf32>
        %add3A_1387 = arith.addf %while3A_1287, %get3A_1386 : vector<16xf32>
        %add3A_1388 = arith.constant 0 : i32
        %add3A_1389 = arith.addi %add3A_1388, %while3A_1273 : i32
        %get3A_1390 = arith.index_cast %add3A_1389 : i32 to index
        %get3A_1391 = arith.constant 224 : index
        %get3A_1392 = tpu.vector_load %arg9[%get3A_1390, %get3A_1391] {strides = array<i32>} : memref<128x256xf32, #tpu.memory_space<vmem>>, vector<1x16xf32>,
        %get3A_1393 = vector.shape_cast %get3A_1392 : vector<1x16xf32> to vector<16xf32>
        %add3A_1394 = arith.addf %while3A_1288, %get3A_1393 : vector<16xf32>
        %add3A_1395 = arith.constant 0 : i32
        %add3A_1396 = arith.addi %add3A_1395, %while3A_1273 : i32
        %get3A_1397 = arith.index_cast %add3A_1396 : i32 to index
        %get3A_1398 = arith.constant 240 : index
        %get3A_1399 = tpu.vector_load %arg9[%get3A_1397, %get3A_1398] {strides = array<i32>} : memref<128x256xf32, #tpu.memory_space<vmem>>, vector<1x16xf32>,
        %get3A_1400 = vector.shape_cast %get3A_1399 : vector<1x16xf32> to vector<16xf32>
        %add3A_1401 = arith.addf %while3A_1289, %get3A_1400 : vector<16xf32>
        scf.yield %add3A_1296, %add3A_1303, %add3A_1310, %add3A_1317, %add3A_1324, %add3A_1331, %add3A_1338, %add3A_1345, %add3A_1352, %add3A_1359, %add3A_1366, %add3A_1373, %add3A_1380, %add3A_1387, %add3A_1394, %add3A_1401 : vector<16xf32>, vector<16xf32>, vector<16xf32>, vector<16xf32>, vector<16xf32>, vector<16xf32>, vector<16xf32>, vector<16xf32>, vector<16xf32>, vector<16xf32>, vector<16xf32>, vector<16xf32>, vector<16xf32>, vector<16xf32>, vector<16xf32>, vector<16xf32>
      }
      %while3A_873 = arith.constant 1 : i32
      %while3A_874:16 = scf.for %while3A_1273 = %while3A_870 to %while3A_866 step %while3A_873 iter_args(%while3A_1274 = %while3A_872#0, %while3A_1275 = %while3A_872#1, %while3A_1276 = %while3A_872#2, %while3A_1277 = %while3A_872#3, %while3A_1278 = %while3A_872#4, %while3A_1279 = %while3A_872#5, %while3A_1280 = %while3A_872#6, %while3A_1281 = %while3A_872#7, %while3A_1282 = %while3A_872#8, %while3A_1283 = %while3A_872#9, %while3A_1284 = %while3A_872#10, %while3A_1285 = %while3A_872#11, %while3A_1286 = %while3A_872#12, %while3A_1287 = %while3A_872#13, %while3A_1288 = %while3A_872#14, %while3A_1289 = %while3A_872#15) -> (vector<16xf32>, vector<16xf32>, vector<16xf32>, vector<16xf32>, vector<16xf32>, vector<16xf32>, vector<16xf32>, vector<16xf32>, vector<16xf32>, vector<16xf32>, vector<16xf32>, vector<16xf32>, vector<16xf32>, vector<16xf32>, vector<16xf32>, vector<16xf32>)  : i32 {
        %add3A_1290 = arith.constant 0 : i32
        %add3A_1291 = arith.addi %add3A_1290, %while3A_1273 : i32
        %get3A_1292 = arith.index_cast %add3A_1291 : i32 to index
        %get3A_1293 = arith.constant 0 : index
        %get3A_1294 = tpu.vector_load %arg9[%get3A_1292, %get3A_1293] {strides = array<i32>} : memref<128x256xf32, #tpu.memory_space<vmem>>, vector<1x16xf32>,
        %get3A_1295 = vector.shape_cast %get3A_1294 : vector<1x16xf32> to vector<16xf32>
        %add3A_1296 = arith.addf %while3A_1274, %get3A_1295 : vector<16xf32>
        %add3A_1297 = arith.constant 0 : i32
        %add3A_1298 = arith.addi %add3A_1297, %while3A_1273 : i32
        %get3A_1299 = arith.index_cast %add3A_1298 : i32 to index
        %get3A_1300 = arith.constant 16 : index
        %get3A_1301 = tpu.vector_load %arg9[%get3A_1299, %get3A_1300] {strides = array<i32>} : memref<128x256xf32, #tpu.memory_space<vmem>>, vector<1x16xf32>,
        %get3A_1302 = vector.shape_cast %get3A_1301 : vector<1x16xf32> to vector<16xf32>
        %add3A_1303 = arith.addf %while3A_1275, %get3A_1302 : vector<16xf32>
        %add3A_1304 = arith.constant 0 : i32
        %add3A_1305 = arith.addi %add3A_1304, %while3A_1273 : i32
        %get3A_1306 = arith.index_cast %add3A_1305 : i32 to index
        %get3A_1307 = arith.constant 32 : index
        %get3A_1308 = tpu.vector_load %arg9[%get3A_1306, %get3A_1307] {strides = array<i32>} : memref<128x256xf32, #tpu.memory_space<vmem>>, vector<1x16xf32>,
        %get3A_1309 = vector.shape_cast %get3A_1308 : vector<1x16xf32> to vector<16xf32>
        %add3A_1310 = arith.addf %while3A_1276, %get3A_1309 : vector<16xf32>
        %add3A_1311 = arith.constant 0 : i32
        %add3A_1312 = arith.addi %add3A_1311, %while3A_1273 : i32
        %get3A_1313 = arith.index_cast %add3A_1312 : i32 to index
        %get3A_1314 = arith.constant 48 : index
        %get3A_1315 = tpu.vector_load %arg9[%get3A_1313, %get3A_1314] {strides = array<i32>} : memref<128x256xf32, #tpu.memory_space<vmem>>, vector<1x16xf32>,
        %get3A_1316 = vector.shape_cast %get3A_1315 : vector<1x16xf32> to vector<16xf32>
        %add3A_1317 = arith.addf %while3A_1277, %get3A_1316 : vector<16xf32>
        %add3A_1318 = arith.constant 0 : i32
        %add3A_1319 = arith.addi %add3A_1318, %while3A_1273 : i32
        %get3A_1320 = arith.index_cast %add3A_1319 : i32 to index
        %get3A_1321 = arith.constant 64 : index
        %get3A_1322 = tpu.vector_load %arg9[%get3A_1320, %get3A_1321] {strides = array<i32>} : memref<128x256xf32, #tpu.memory_space<vmem>>, vector<1x16xf32>,
        %get3A_1323 = vector.shape_cast %get3A_1322 : vector<1x16xf32> to vector<16xf32>
        %add3A_1324 = arith.addf %while3A_1278, %get3A_1323 : vector<16xf32>
        %add3A_1325 = arith.constant 0 : i32
        %add3A_1326 = arith.addi %add3A_1325, %while3A_1273 : i32
        %get3A_1327 = arith.index_cast %add3A_1326 : i32 to index
        %get3A_1328 = arith.constant 80 : index
        %get3A_1329 = tpu.vector_load %arg9[%get3A_1327, %get3A_1328] {strides = array<i32>} : memref<128x256xf32, #tpu.memory_space<vmem>>, vector<1x16xf32>,
        %get3A_1330 = vector.shape_cast %get3A_1329 : vector<1x16xf32> to vector<16xf32>
        %add3A_1331 = arith.addf %while3A_1279, %get3A_1330 : vector<16xf32>
        %add3A_1332 = arith.constant 0 : i32
        %add3A_1333 = arith.addi %add3A_1332, %while3A_1273 : i32
        %get3A_1334 = arith.index_cast %add3A_1333 : i32 to index
        %get3A_1335 = arith.constant 96 : index
        %get3A_1336 = tpu.vector_load %arg9[%get3A_1334, %get3A_1335] {strides = array<i32>} : memref<128x256xf32, #tpu.memory_space<vmem>>, vector<1x16xf32>,
        %get3A_1337 = vector.shape_cast %get3A_1336 : vector<1x16xf32> to vector<16xf32>
        %add3A_1338 = arith.addf %while3A_1280, %get3A_1337 : vector<16xf32>
        %add3A_1339 = arith.constant 0 : i32
        %add3A_1340 = arith.addi %add3A_1339, %while3A_1273 : i32
        %get3A_1341 = arith.index_cast %add3A_1340 : i32 to index
        %get3A_1342 = arith.constant 112 : index
        %get3A_1343 = tpu.vector_load %arg9[%get3A_1341, %get3A_1342] {strides = array<i32>} : memref<128x256xf32, #tpu.memory_space<vmem>>, vector<1x16xf32>,
        %get3A_1344 = vector.shape_cast %get3A_1343 : vector<1x16xf32> to vector<16xf32>
        %add3A_1345 = arith.addf %while3A_1281, %get3A_1344 : vector<16xf32>
        %add3A_1346 = arith.constant 0 : i32
        %add3A_1347 = arith.addi %add3A_1346, %while3A_1273 : i32
        %get3A_1348 = arith.index_cast %add3A_1347 : i32 to index
        %get3A_1349 = arith.constant 128 : index
        %get3A_1350 = tpu.vector_load %arg9[%get3A_1348, %get3A_1349] {strides = array<i32>} : memref<128x256xf32, #tpu.memory_space<vmem>>, vector<1x16xf32>,
        %get3A_1351 = vector.shape_cast %get3A_1350 : vector<1x16xf32> to vector<16xf32>
        %add3A_1352 = arith.addf %while3A_1282, %get3A_1351 : vector<16xf32>
        %add3A_1353 = arith.constant 0 : i32
        %add3A_1354 = arith.addi %add3A_1353, %while3A_1273 : i32
        %get3A_1355 = arith.index_cast %add3A_1354 : i32 to index
        %get3A_1356 = arith.constant 144 : index
        %get3A_1357 = tpu.vector_load %arg9[%get3A_1355, %get3A_1356] {strides = array<i32>} : memref<128x256xf32, #tpu.memory_space<vmem>>, vector<1x16xf32>,
        %get3A_1358 = vector.shape_cast %get3A_1357 : vector<1x16xf32> to vector<16xf32>
        %add3A_1359 = arith.addf %while3A_1283, %get3A_1358 : vector<16xf32>
        %add3A_1360 = arith.constant 0 : i32
        %add3A_1361 = arith.addi %add3A_1360, %while3A_1273 : i32
        %get3A_1362 = arith.index_cast %add3A_1361 : i32 to index
        %get3A_1363 = arith.constant 160 : index
        %get3A_1364 = tpu.vector_load %arg9[%get3A_1362, %get3A_1363] {strides = array<i32>} : memref<128x256xf32, #tpu.memory_space<vmem>>, vector<1x16xf32>,
        %get3A_1365 = vector.shape_cast %get3A_1364 : vector<1x16xf32> to vector<16xf32>
        %add3A_1366 = arith.addf %while3A_1284, %get3A_1365 : vector<16xf32>
        %add3A_1367 = arith.constant 0 : i32
        %add3A_1368 = arith.addi %add3A_1367, %while3A_1273 : i32
        %get3A_1369 = arith.index_cast %add3A_1368 : i32 to index
        %get3A_1370 = arith.constant 176 : index
        %get3A_1371 = tpu.vector_load %arg9[%get3A_1369, %get3A_1370] {strides = array<i32>} : memref<128x256xf32, #tpu.memory_space<vmem>>, vector<1x16xf32>,
        %get3A_1372 = vector.shape_cast %get3A_1371 : vector<1x16xf32> to vector<16xf32>
        %add3A_1373 = arith.addf %while3A_1285, %get3A_1372 : vector<16xf32>
        %add3A_1374 = arith.constant 0 : i32
        %add3A_1375 = arith.addi %add3A_1374, %while3A_1273 : i32
        %get3A_1376 = arith.index_cast %add3A_1375 : i32 to index
        %get3A_1377 = arith.constant 192 : index
        %get3A_1378 = tpu.vector_load %arg9[%get3A_1376, %get3A_1377] {strides = array<i32>} : memref<128x256xf32, #tpu.memory_space<vmem>>, vector<1x16xf32>,
        %get3A_1379 = vector.shape_cast %get3A_1378 : vector<1x16xf32> to vector<16xf32>
        %add3A_1380 = arith.addf %while3A_1286, %get3A_1379 : vector<16xf32>
        %add3A_1381 = arith.constant 0 : i32
        %add3A_1382 = arith.addi %add3A_1381, %while3A_1273 : i32
        %get3A_1383 = arith.index_cast %add3A_1382 : i32 to index
        %get3A_1384 = arith.constant 208 : index
        %get3A_1385 = tpu.vector_load %arg9[%get3A_1383, %get3A_1384] {strides = array<i32>} : memref<128x256xf32, #tpu.memory_space<vmem>>, vector<1x16xf32>,
        %get3A_1386 = vector.shape_cast %get3A_1385 : vector<1x16xf32> to vector<16xf32>
        %add3A_1387 = arith.addf %while3A_1287, %get3A_1386 : vector<16xf32>
        %add3A_1388 = arith.constant 0 : i32
        %add3A_1389 = arith.addi %add3A_1388, %while3A_1273 : i32
        %get3A_1390 = arith.index_cast %add3A_1389 : i32 to index
        %get3A_1391 = arith.constant 224 : index
        %get3A_1392 = tpu.vector_load %arg9[%get3A_1390, %get3A_1391] {strides = array<i32>} : memref<128x256xf32, #tpu.memory_space<vmem>>, vector<1x16xf32>,
        %get3A_1393 = vector.shape_cast %get3A_1392 : vector<1x16xf32> to vector<16xf32>
        %add3A_1394 = arith.addf %while3A_1288, %get3A_1393 : vector<16xf32>
        %add3A_1395 = arith.constant 0 : i32
        %add3A_1396 = arith.addi %add3A_1395, %while3A_1273 : i32
        %get3A_1397 = arith.index_cast %add3A_1396 : i32 to index
        %get3A_1398 = arith.constant 240 : index
        %get3A_1399 = tpu.vector_load %arg9[%get3A_1397, %get3A_1398] {strides = array<i32>} : memref<128x256xf32, #tpu.memory_space<vmem>>, vector<1x16xf32>,
        %get3A_1400 = vector.shape_cast %get3A_1399 : vector<1x16xf32> to vector<16xf32>
        %add3A_1401 = arith.addf %while3A_1289, %get3A_1400 : vector<16xf32>
        scf.yield %add3A_1296, %add3A_1303, %add3A_1310, %add3A_1317, %add3A_1324, %add3A_1331, %add3A_1338, %add3A_1345, %add3A_1352, %add3A_1359, %add3A_1366, %add3A_1373, %add3A_1380, %add3A_1387, %add3A_1394, %add3A_1401 : vector<16xf32>, vector<16xf32>, vector<16xf32>, vector<16xf32>, vector<16xf32>, vector<16xf32>, vector<16xf32>, vector<16xf32>, vector<16xf32>, vector<16xf32>, vector<16xf32>, vector<16xf32>, vector<16xf32>, vector<16xf32>, vector<16xf32>, vector<16xf32>
      }
      %mul3A_875 = arith.constant 256 : i32
      %mul3A_876 = arith.muli %add3A_736, %mul3A_875 : i32
      %add3A_877 = arith.constant 0 : i32
      %add3A_878 = arith.addi %mul3A_876, %add3A_877 : i32
      %swap3A_879 = arith.index_cast %add3A_878 : i32 to index
      %swap3A_880 = tpu.vector_load %arg10[%swap3A_879] {strides = array<i32>} : memref<32768xf32, #tpu.memory_space<vmem>>, vector<16xf32>,
      %swap3A_881 = vector.shape_cast %swap3A_880 : vector<16xf32> to vector<16xf32>
      %swap3A_882 = vector.shape_cast %while3A_874#0 : vector<16xf32> to vector<16xf32>
      tpu.vector_store %arg10[%swap3A_879], %swap3A_882 {strides = array<i32>} : memref<32768xf32, #tpu.memory_space<vmem>>, vector<16xf32>,
      %mul3A_883 = arith.constant 256 : i32
      %mul3A_884 = arith.muli %add3A_736, %mul3A_883 : i32
      %add3A_885 = arith.constant 16 : i32
      %add3A_886 = arith.addi %mul3A_884, %add3A_885 : i32
      %swap3A_887 = arith.index_cast %add3A_886 : i32 to index
      %swap3A_888 = tpu.vector_load %arg10[%swap3A_887] {strides = array<i32>} : memref<32768xf32, #tpu.memory_space<vmem>>, vector<16xf32>,
      %swap3A_889 = vector.shape_cast %swap3A_888 : vector<16xf32> to vector<16xf32>
      %swap3A_890 = vector.shape_cast %while3A_874#1 : vector<16xf32> to vector<16xf32>
      tpu.vector_store %arg10[%swap3A_887], %swap3A_890 {strides = array<i32>} : memref<32768xf32, #tpu.memory_space<vmem>>, vector<16xf32>,
      %mul3A_891 = arith.constant 256 : i32
      %mul3A_892 = arith.muli %add3A_736, %mul3A_891 : i32
      %add3A_893 = arith.constant 32 : i32
      %add3A_894 = arith.addi %mul3A_892, %add3A_893 : i32
      %swap3A_895 = arith.index_cast %add3A_894 : i32 to index
      %swap3A_896 = tpu.vector_load %arg10[%swap3A_895] {strides = array<i32>} : memref<32768xf32, #tpu.memory_space<vmem>>, vector<16xf32>,
      %swap3A_897 = vector.shape_cast %swap3A_896 : vector<16xf32> to vector<16xf32>
      %swap3A_898 = vector.shape_cast %while3A_874#2 : vector<16xf32> to vector<16xf32>
      tpu.vector_store %arg10[%swap3A_895], %swap3A_898 {strides = array<i32>} : memref<32768xf32, #tpu.memory_space<vmem>>, vector<16xf32>,
      %mul3A_899 = arith.constant 256 : i32
      %mul3A_900 = arith.muli %add3A_736, %mul3A_899 : i32
      %add3A_901 = arith.constant 48 : i32
      %add3A_902 = arith.addi %mul3A_900, %add3A_901 : i32
      %swap3A_903 = arith.index_cast %add3A_902 : i32 to index
      %swap3A_904 = tpu.vector_load %arg10[%swap3A_903] {strides = array<i32>} : memref<32768xf32, #tpu.memory_space<vmem>>, vector<16xf32>,
      %swap3A_905 = vector.shape_cast %swap3A_904 : vector<16xf32> to vector<16xf32>
      %swap3A_906 = vector.shape_cast %while3A_874#3 : vector<16xf32> to vector<16xf32>
      tpu.vector_store %arg10[%swap3A_903], %swap3A_906 {strides = array<i32>} : memref<32768xf32, #tpu.memory_space<vmem>>, vector<16xf32>,
      %mul3A_907 = arith.constant 256 : i32
      %mul3A_908 = arith.muli %add3A_736, %mul3A_907 : i32
      %add3A_909 = arith.constant 64 : i32
      %add3A_910 = arith.addi %mul3A_908, %add3A_909 : i32
      %swap3A_911 = arith.index_cast %add3A_910 : i32 to index
      %swap3A_912 = tpu.vector_load %arg10[%swap3A_911] {strides = array<i32>} : memref<32768xf32, #tpu.memory_space<vmem>>, vector<16xf32>,
      %swap3A_913 = vector.shape_cast %swap3A_912 : vector<16xf32> to vector<16xf32>
      %swap3A_914 = vector.shape_cast %while3A_874#4 : vector<16xf32> to vector<16xf32>
      tpu.vector_store %arg10[%swap3A_911], %swap3A_914 {strides = array<i32>} : memref<32768xf32, #tpu.memory_space<vmem>>, vector<16xf32>,
      %mul3A_915 = arith.constant 256 : i32
      %mul3A_916 = arith.muli %add3A_736, %mul3A_915 : i32
      %add3A_917 = arith.constant 80 : i32
      %add3A_918 = arith.addi %mul3A_916, %add3A_917 : i32
      %swap3A_919 = arith.index_cast %add3A_918 : i32 to index
      %swap3A_920 = tpu.vector_load %arg10[%swap3A_919] {strides = array<i32>} : memref<32768xf32, #tpu.memory_space<vmem>>, vector<16xf32>,
      %swap3A_921 = vector.shape_cast %swap3A_920 : vector<16xf32> to vector<16xf32>
      %swap3A_922 = vector.shape_cast %while3A_874#5 : vector<16xf32> to vector<16xf32>
      tpu.vector_store %arg10[%swap3A_919], %swap3A_922 {strides = array<i32>} : memref<32768xf32, #tpu.memory_space<vmem>>, vector<16xf32>,
      %mul3A_923 = arith.constant 256 : i32
      %mul3A_924 = arith.muli %add3A_736, %mul3A_923 : i32
      %add3A_925 = arith.constant 96 : i32
      %add3A_926 = arith.addi %mul3A_924, %add3A_925 : i32
      %swap3A_927 = arith.index_cast %add3A_926 : i32 to index
      %swap3A_928 = tpu.vector_load %arg10[%swap3A_927] {strides = array<i32>} : memref<32768xf32, #tpu.memory_space<vmem>>, vector<16xf32>,
      %swap3A_929 = vector.shape_cast %swap3A_928 : vector<16xf32> to vector<16xf32>
      %swap3A_930 = vector.shape_cast %while3A_874#6 : vector<16xf32> to vector<16xf32>
      tpu.vector_store %arg10[%swap3A_927], %swap3A_930 {strides = array<i32>} : memref<32768xf32, #tpu.memory_space<vmem>>, vector<16xf32>,
      %mul3A_931 = arith.constant 256 : i32
      %mul3A_932 = arith.muli %add3A_736, %mul3A_931 : i32
      %add3A_933 = arith.constant 112 : i32
      %add3A_934 = arith.addi %mul3A_932, %add3A_933 : i32
      %swap3A_935 = arith.index_cast %add3A_934 : i32 to index
      %swap3A_936 = tpu.vector_load %arg10[%swap3A_935] {strides = array<i32>} : memref<32768xf32, #tpu.memory_space<vmem>>, vector<16xf32>,
      %swap3A_937 = vector.shape_cast %swap3A_936 : vector<16xf32> to vector<16xf32>
      %swap3A_938 = vector.shape_cast %while3A_874#7 : vector<16xf32> to vector<16xf32>
      tpu.vector_store %arg10[%swap3A_935], %swap3A_938 {strides = array<i32>} : memref<32768xf32, #tpu.memory_space<vmem>>, vector<16xf32>,
      %mul3A_939 = arith.constant 256 : i32
      %mul3A_940 = arith.muli %add3A_736, %mul3A_939 : i32
      %add3A_941 = arith.constant 128 : i32
      %add3A_942 = arith.addi %mul3A_940, %add3A_941 : i32
      %swap3A_943 = arith.index_cast %add3A_942 : i32 to index
      %swap3A_944 = tpu.vector_load %arg10[%swap3A_943] {strides = array<i32>} : memref<32768xf32, #tpu.memory_space<vmem>>, vector<16xf32>,
      %swap3A_945 = vector.shape_cast %swap3A_944 : vector<16xf32> to vector<16xf32>
      %swap3A_946 = vector.shape_cast %while3A_874#8 : vector<16xf32> to vector<16xf32>
      tpu.vector_store %arg10[%swap3A_943], %swap3A_946 {strides = array<i32>} : memref<32768xf32, #tpu.memory_space<vmem>>, vector<16xf32>,
      %mul3A_947 = arith.constant 256 : i32
      %mul3A_948 = arith.muli %add3A_736, %mul3A_947 : i32
      %add3A_949 = arith.constant 144 : i32
      %add3A_950 = arith.addi %mul3A_948, %add3A_949 : i32
      %swap3A_951 = arith.index_cast %add3A_950 : i32 to index
      %swap3A_952 = tpu.vector_load %arg10[%swap3A_951] {strides = array<i32>} : memref<32768xf32, #tpu.memory_space<vmem>>, vector<16xf32>,
      %swap3A_953 = vector.shape_cast %swap3A_952 : vector<16xf32> to vector<16xf32>
      %swap3A_954 = vector.shape_cast %while3A_874#9 : vector<16xf32> to vector<16xf32>
      tpu.vector_store %arg10[%swap3A_951], %swap3A_954 {strides = array<i32>} : memref<32768xf32, #tpu.memory_space<vmem>>, vector<16xf32>,
      %mul3A_955 = arith.constant 256 : i32
      %mul3A_956 = arith.muli %add3A_736, %mul3A_955 : i32
      %add3A_957 = arith.constant 160 : i32
      %add3A_958 = arith.addi %mul3A_956, %add3A_957 : i32
      %swap3A_959 = arith.index_cast %add3A_958 : i32 to index
      %swap3A_960 = tpu.vector_load %arg10[%swap3A_959] {strides = array<i32>} : memref<32768xf32, #tpu.memory_space<vmem>>, vector<16xf32>,
      %swap3A_961 = vector.shape_cast %swap3A_960 : vector<16xf32> to vector<16xf32>
      %swap3A_962 = vector.shape_cast %while3A_874#10 : vector<16xf32> to vector<16xf32>
      tpu.vector_store %arg10[%swap3A_959], %swap3A_962 {strides = array<i32>} : memref<32768xf32, #tpu.memory_space<vmem>>, vector<16xf32>,
      %mul3A_963 = arith.constant 256 : i32
      %mul3A_964 = arith.muli %add3A_736, %mul3A_963 : i32
      %add3A_965 = arith.constant 176 : i32
      %add3A_966 = arith.addi %mul3A_964, %add3A_965 : i32
      %swap3A_967 = arith.index_cast %add3A_966 : i32 to index
      %swap3A_968 = tpu.vector_load %arg10[%swap3A_967] {strides = array<i32>} : memref<32768xf32, #tpu.memory_space<vmem>>, vector<16xf32>,
      %swap3A_969 = vector.shape_cast %swap3A_968 : vector<16xf32> to vector<16xf32>
      %swap3A_970 = vector.shape_cast %while3A_874#11 : vector<16xf32> to vector<16xf32>
      tpu.vector_store %arg10[%swap3A_967], %swap3A_970 {strides = array<i32>} : memref<32768xf32, #tpu.memory_space<vmem>>, vector<16xf32>,
      %mul3A_971 = arith.constant 256 : i32
      %mul3A_972 = arith.muli %add3A_736, %mul3A_971 : i32
      %add3A_973 = arith.constant 192 : i32
      %add3A_974 = arith.addi %mul3A_972, %add3A_973 : i32
      %swap3A_975 = arith.index_cast %add3A_974 : i32 to index
      %swap3A_976 = tpu.vector_load %arg10[%swap3A_975] {strides = array<i32>} : memref<32768xf32, #tpu.memory_space<vmem>>, vector<16xf32>,
      %swap3A_977 = vector.shape_cast %swap3A_976 : vector<16xf32> to vector<16xf32>
      %swap3A_978 = vector.shape_cast %while3A_874#12 : vector<16xf32> to vector<16xf32>
      tpu.vector_store %arg10[%swap3A_975], %swap3A_978 {strides = array<i32>} : memref<32768xf32, #tpu.memory_space<vmem>>, vector<16xf32>,
      %mul3A_979 = arith.constant 256 : i32
      %mul3A_980 = arith.muli %add3A_736, %mul3A_979 : i32
      %add3A_981 = arith.constant 208 : i32
      %add3A_982 = arith.addi %mul3A_980, %add3A_981 : i32
      %swap3A_983 = arith.index_cast %add3A_982 : i32 to index
      %swap3A_984 = tpu.vector_load %arg10[%swap3A_983] {strides = array<i32>} : memref<32768xf32, #tpu.memory_space<vmem>>, vector<16xf32>,
      %swap3A_985 = vector.shape_cast %swap3A_984 : vector<16xf32> to vector<16xf32>
      %swap3A_986 = vector.shape_cast %while3A_874#13 : vector<16xf32> to vector<16xf32>
      tpu.vector_store %arg10[%swap3A_983], %swap3A_986 {strides = array<i32>} : memref<32768xf32, #tpu.memory_space<vmem>>, vector<16xf32>,
      %mul3A_987 = arith.constant 256 : i32
      %mul3A_988 = arith.muli %add3A_736, %mul3A_987 : i32
      %add3A_989 = arith.constant 224 : i32
      %add3A_990 = arith.addi %mul3A_988, %add3A_989 : i32
      %swap3A_991 = arith.index_cast %add3A_990 : i32 to index
      %swap3A_992 = tpu.vector_load %arg10[%swap3A_991] {strides = array<i32>} : memref<32768xf32, #tpu.memory_space<vmem>>, vector<16xf32>,
      %swap3A_993 = vector.shape_cast %swap3A_992 : vector<16xf32> to vector<16xf32>
      %swap3A_994 = vector.shape_cast %while3A_874#14 : vector<16xf32> to vector<16xf32>
      tpu.vector_store %arg10[%swap3A_991], %swap3A_994 {strides = array<i32>} : memref<32768xf32, #tpu.memory_space<vmem>>, vector<16xf32>,
      %mul3A_995 = arith.constant 256 : i32
      %mul3A_996 = arith.muli %add3A_736, %mul3A_995 : i32
      %add3A_997 = arith.constant 240 : i32
      %add3A_998 = arith.addi %mul3A_996, %add3A_997 : i32
      %swap3A_999 = arith.index_cast %add3A_998 : i32 to index
      %swap3A_1000 = tpu.vector_load %arg10[%swap3A_999] {strides = array<i32>} : memref<32768xf32, #tpu.memory_space<vmem>>, vector<16xf32>,
      %swap3A_1001 = vector.shape_cast %swap3A_1000 : vector<16xf32> to vector<16xf32>
      %swap3A_1002 = vector.shape_cast %while3A_874#15 : vector<16xf32> to vector<16xf32>
      tpu.vector_store %arg10[%swap3A_999], %swap3A_1002 {strides = array<i32>} : memref<32768xf32, #tpu.memory_space<vmem>>, vector<16xf32>,
      %mul3A_1003 = arith.constant 2 : i32
      %mul3A_1004 = arith.muli %add3A_732, %mul3A_1003 : i32
      %add3A_1005 = arith.constant 1 : i32
      %add3A_1006 = arith.addi %mul3A_1004, %add3A_1005 : i32
      %mul3A_1007 = arith.constant 16 : i32
      %mul3A_1008 = arith.muli %add3A_1006, %mul3A_1007 : i32
      %get3A_1009 = arith.index_cast %mul3A_1008 : i32 to index
      %get3A_1010 = tpu.vector_load %arg7[%get3A_1009] {strides = array<i32>} : memref<2048xi32, #tpu.memory_space<vmem>>, vector<16xi32>,
      %get3A_1011 = vector.shape_cast %get3A_1010 : vector<16xi32> to vector<16xi32>
      %slice3A_1012 = vector.extract_strided_slice %get3A_1011 {offsets = [0], sizes = [1], strides = [1]} : vector<16xi32> to vector<1xi32>
      %squeeze3A_1013 = vector.extract %slice3A_1012[0] : i32 from vector<1xi32>
      %get3A_1014 = arith.constant 64 : i32
      %get3A_1015 = arith.index_cast %get3A_1014 : i32 to index
      %get3A_1016 = arith.constant 0 : index
      %get3A_1017 = tpu.vector_load %arg9[%get3A_1015, %get3A_1016] {strides = array<i32>} : memref<128x256xf32, #tpu.memory_space<vmem>>, vector<1x16xf32>,
      %get3A_1018 = vector.shape_cast %get3A_1017 : vector<1x16xf32> to vector<16xf32>
      %get3A_1019 = arith.constant 64 : i32
      %get3A_1020 = arith.index_cast %get3A_1019 : i32 to index
      %get3A_1021 = arith.constant 16 : index
      %get3A_1022 = tpu.vector_load %arg9[%get3A_1020, %get3A_1021] {strides = array<i32>} : memref<128x256xf32, #tpu.memory_space<vmem>>, vector<1x16xf32>,
      %get3A_1023 = vector.shape_cast %get3A_1022 : vector<1x16xf32> to vector<16xf32>
      %get3A_1024 = arith.constant 64 : i32
      %get3A_1025 = arith.index_cast %get3A_1024 : i32 to index
      %get3A_1026 = arith.constant 32 : index
      %get3A_1027 = tpu.vector_load %arg9[%get3A_1025, %get3A_1026] {strides = array<i32>} : memref<128x256xf32, #tpu.memory_space<vmem>>, vector<1x16xf32>,
      %get3A_1028 = vector.shape_cast %get3A_1027 : vector<1x16xf32> to vector<16xf32>
      %get3A_1029 = arith.constant 64 : i32
      %get3A_1030 = arith.index_cast %get3A_1029 : i32 to index
      %get3A_1031 = arith.constant 48 : index
      %get3A_1032 = tpu.vector_load %arg9[%get3A_1030, %get3A_1031] {strides = array<i32>} : memref<128x256xf32, #tpu.memory_space<vmem>>, vector<1x16xf32>,
      %get3A_1033 = vector.shape_cast %get3A_1032 : vector<1x16xf32> to vector<16xf32>
      %get3A_1034 = arith.constant 64 : i32
      %get3A_1035 = arith.index_cast %get3A_1034 : i32 to index
      %get3A_1036 = arith.constant 64 : index
      %get3A_1037 = tpu.vector_load %arg9[%get3A_1035, %get3A_1036] {strides = array<i32>} : memref<128x256xf32, #tpu.memory_space<vmem>>, vector<1x16xf32>,
      %get3A_1038 = vector.shape_cast %get3A_1037 : vector<1x16xf32> to vector<16xf32>
      %get3A_1039 = arith.constant 64 : i32
      %get3A_1040 = arith.index_cast %get3A_1039 : i32 to index
      %get3A_1041 = arith.constant 80 : index
      %get3A_1042 = tpu.vector_load %arg9[%get3A_1040, %get3A_1041] {strides = array<i32>} : memref<128x256xf32, #tpu.memory_space<vmem>>, vector<1x16xf32>,
      %get3A_1043 = vector.shape_cast %get3A_1042 : vector<1x16xf32> to vector<16xf32>
      %get3A_1044 = arith.constant 64 : i32
      %get3A_1045 = arith.index_cast %get3A_1044 : i32 to index
      %get3A_1046 = arith.constant 96 : index
      %get3A_1047 = tpu.vector_load %arg9[%get3A_1045, %get3A_1046] {strides = array<i32>} : memref<128x256xf32, #tpu.memory_space<vmem>>, vector<1x16xf32>,
      %get3A_1048 = vector.shape_cast %get3A_1047 : vector<1x16xf32> to vector<16xf32>
      %get3A_1049 = arith.constant 64 : i32
      %get3A_1050 = arith.index_cast %get3A_1049 : i32 to index
      %get3A_1051 = arith.constant 112 : index
      %get3A_1052 = tpu.vector_load %arg9[%get3A_1050, %get3A_1051] {strides = array<i32>} : memref<128x256xf32, #tpu.memory_space<vmem>>, vector<1x16xf32>,
      %get3A_1053 = vector.shape_cast %get3A_1052 : vector<1x16xf32> to vector<16xf32>
      %get3A_1054 = arith.constant 64 : i32
      %get3A_1055 = arith.index_cast %get3A_1054 : i32 to index
      %get3A_1056 = arith.constant 128 : index
      %get3A_1057 = tpu.vector_load %arg9[%get3A_1055, %get3A_1056] {strides = array<i32>} : memref<128x256xf32, #tpu.memory_space<vmem>>, vector<1x16xf32>,
      %get3A_1058 = vector.shape_cast %get3A_1057 : vector<1x16xf32> to vector<16xf32>
      %get3A_1059 = arith.constant 64 : i32
      %get3A_1060 = arith.index_cast %get3A_1059 : i32 to index
      %get3A_1061 = arith.constant 144 : index
      %get3A_1062 = tpu.vector_load %arg9[%get3A_1060, %get3A_1061] {strides = array<i32>} : memref<128x256xf32, #tpu.memory_space<vmem>>, vector<1x16xf32>,
      %get3A_1063 = vector.shape_cast %get3A_1062 : vector<1x16xf32> to vector<16xf32>
      %get3A_1064 = arith.constant 64 : i32
      %get3A_1065 = arith.index_cast %get3A_1064 : i32 to index
      %get3A_1066 = arith.constant 160 : index
      %get3A_1067 = tpu.vector_load %arg9[%get3A_1065, %get3A_1066] {strides = array<i32>} : memref<128x256xf32, #tpu.memory_space<vmem>>, vector<1x16xf32>,
      %get3A_1068 = vector.shape_cast %get3A_1067 : vector<1x16xf32> to vector<16xf32>
      %get3A_1069 = arith.constant 64 : i32
      %get3A_1070 = arith.index_cast %get3A_1069 : i32 to index
      %get3A_1071 = arith.constant 176 : index
      %get3A_1072 = tpu.vector_load %arg9[%get3A_1070, %get3A_1071] {strides = array<i32>} : memref<128x256xf32, #tpu.memory_space<vmem>>, vector<1x16xf32>,
      %get3A_1073 = vector.shape_cast %get3A_1072 : vector<1x16xf32> to vector<16xf32>
      %get3A_1074 = arith.constant 64 : i32
      %get3A_1075 = arith.index_cast %get3A_1074 : i32 to index
      %get3A_1076 = arith.constant 192 : index
      %get3A_1077 = tpu.vector_load %arg9[%get3A_1075, %get3A_1076] {strides = array<i32>} : memref<128x256xf32, #tpu.memory_space<vmem>>, vector<1x16xf32>,
      %get3A_1078 = vector.shape_cast %get3A_1077 : vector<1x16xf32> to vector<16xf32>
      %get3A_1079 = arith.constant 64 : i32
      %get3A_1080 = arith.index_cast %get3A_1079 : i32 to index
      %get3A_1081 = arith.constant 208 : index
      %get3A_1082 = tpu.vector_load %arg9[%get3A_1080, %get3A_1081] {strides = array<i32>} : memref<128x256xf32, #tpu.memory_space<vmem>>, vector<1x16xf32>,
      %get3A_1083 = vector.shape_cast %get3A_1082 : vector<1x16xf32> to vector<16xf32>
      %get3A_1084 = arith.constant 64 : i32
      %get3A_1085 = arith.index_cast %get3A_1084 : i32 to index
      %get3A_1086 = arith.constant 224 : index
      %get3A_1087 = tpu.vector_load %arg9[%get3A_1085, %get3A_1086] {strides = array<i32>} : memref<128x256xf32, #tpu.memory_space<vmem>>, vector<1x16xf32>,
      %get3A_1088 = vector.shape_cast %get3A_1087 : vector<1x16xf32> to vector<16xf32>
      %get3A_1089 = arith.constant 64 : i32
      %get3A_1090 = arith.index_cast %get3A_1089 : i32 to index
      %get3A_1091 = arith.constant 240 : index
      %get3A_1092 = tpu.vector_load %arg9[%get3A_1090, %get3A_1091] {strides = array<i32>} : memref<128x256xf32, #tpu.memory_space<vmem>>, vector<1x16xf32>,
      %get3A_1093 = vector.shape_cast %get3A_1092 : vector<1x16xf32> to vector<16xf32>
      %sub3A_1094 = arith.constant 1 : i32
      %sub3A_1095 = arith.subi %squeeze3A_1013, %sub3A_1094 : i32
      %jit3A_1096 = arith.constant 2 : i32
      %div3A_1097 = arith.divsi %sub3A_1095, %jit3A_1096 : i32
      %sign3A_1098 = arith.constant 0 : i32
      %sign3A_1099 = arith.cmpi sgt, %sub3A_1095, %sign3A_1098 : i32
      %sign3A_1100 = arith.extui %sign3A_1099 : i1 to i32
      %sign3A_1101 = arith.constant 0 : i32
      %sign3A_1102 = arith.cmpi slt, %sub3A_1095, %sign3A_1101 : i32
      %sign3A_1103 = arith.extui %sign3A_1102 : i1 to i32
      %sign3A_1104 = arith.subi %sign3A_1100, %sign3A_1103 : i32
      %sign3A_1105 = arith.constant 0 : i32
      %sign3A_1106 = arith.cmpi sgt, %jit3A_1096, %sign3A_1105 : i32
      %sign3A_1107 = arith.extui %sign3A_1106 : i1 to i32
      %sign3A_1108 = arith.constant 0 : i32
      %sign3A_1109 = arith.cmpi slt, %jit3A_1096, %sign3A_1108 : i32
      %sign3A_1110 = arith.extui %sign3A_1109 : i1 to i32
      %sign3A_1111 = arith.subi %sign3A_1107, %sign3A_1110 : i32
      %ne3A_1112 = arith.cmpi ne, %sign3A_1104, %sign3A_1111 : i32
      %rem3A_1113 = arith.remsi %sub3A_1095, %jit3A_1096 : i32
      %ne3A_1114 = arith.constant 0 : i32
      %ne3A_1115 = arith.cmpi ne, %rem3A_1113, %ne3A_1114 : i32
      %and3A_1116 = arith.andi %ne3A_1112, %ne3A_1115 : i1
      %sub3A_1117 = arith.constant 1 : i32
      %sub3A_1118 = arith.subi %div3A_1097, %sub3A_1117 : i32
      %select_n3A_1119 = arith.select %and3A_1116, %sub3A_1118, %div3A_1097 : i32
      %while3A_1120 = arith.constant 0 : i32
      %while3A_1121 = arith.subi %select_n3A_1119, %while3A_1120 : i32
      %while3A_1122 = arith.addi %while3A_1120, %while3A_1121 : i32
      %while3A_1123 = arith.constant 1 : i32
      %while3A_1124 = arith.divsi %while3A_1121, %while3A_1123 : i32
      %while3A_1125 = arith.muli %while3A_1124, %while3A_1123 : i32
      %while3A_1126 = arith.addi %while3A_1120, %while3A_1125 : i32
      %while3A_1127 = arith.constant 1 : i32
      %while3A_1128:16 = scf.for %while3A_1273 = %while3A_1120 to %while3A_1126 step %while3A_1127 iter_args(%while3A_1274 = %get3A_1018, %while3A_1275 = %get3A_1023, %while3A_1276 = %get3A_1028, %while3A_1277 = %get3A_1033, %while3A_1278 = %get3A_1038, %while3A_1279 = %get3A_1043, %while3A_1280 = %get3A_1048, %while3A_1281 = %get3A_1053, %while3A_1282 = %get3A_1058, %while3A_1283 = %get3A_1063, %while3A_1284 = %get3A_1068, %while3A_1285 = %get3A_1073, %while3A_1286 = %get3A_1078, %while3A_1287 = %get3A_1083, %while3A_1288 = %get3A_1088, %while3A_1289 = %get3A_1093) -> (vector<16xf32>, vector<16xf32>, vector<16xf32>, vector<16xf32>, vector<16xf32>, vector<16xf32>, vector<16xf32>, vector<16xf32>, vector<16xf32>, vector<16xf32>, vector<16xf32>, vector<16xf32>, vector<16xf32>, vector<16xf32>, vector<16xf32>, vector<16xf32>)  : i32 {
        %mul3A_1290 = arith.constant 2 : i32
        %mul3A_1291 = arith.muli %mul3A_1290, %while3A_1273 : i32
        %add3A_1292 = arith.constant 1 : i32
        %add3A_1293 = arith.addi %add3A_1292, %mul3A_1291 : i32
        %add3A_1294 = arith.constant 64 : i32
        %add3A_1295 = arith.addi %add3A_1294, %add3A_1293 : i32
        %get3A_1296 = arith.index_cast %add3A_1295 : i32 to index
        %get3A_1297 = arith.constant 0 : index
        %get3A_1298 = tpu.vector_load %arg9[%get3A_1296, %get3A_1297] {strides = array<i32>} : memref<128x256xf32, #tpu.memory_space<vmem>>, vector<1x16xf32>,
        %get3A_1299 = vector.shape_cast %get3A_1298 : vector<1x16xf32> to vector<16xf32>
        %add3A_1300 = arith.addf %while3A_1274, %get3A_1299 : vector<16xf32>
        %add3A_1301 = arith.constant 64 : i32
        %add3A_1302 = arith.addi %add3A_1301, %add3A_1293 : i32
        %get3A_1303 = arith.index_cast %add3A_1302 : i32 to index
        %get3A_1304 = arith.constant 16 : index
        %get3A_1305 = tpu.vector_load %arg9[%get3A_1303, %get3A_1304] {strides = array<i32>} : memref<128x256xf32, #tpu.memory_space<vmem>>, vector<1x16xf32>,
        %get3A_1306 = vector.shape_cast %get3A_1305 : vector<1x16xf32> to vector<16xf32>
        %add3A_1307 = arith.addf %while3A_1275, %get3A_1306 : vector<16xf32>
        %add3A_1308 = arith.constant 64 : i32
        %add3A_1309 = arith.addi %add3A_1308, %add3A_1293 : i32
        %get3A_1310 = arith.index_cast %add3A_1309 : i32 to index
        %get3A_1311 = arith.constant 32 : index
        %get3A_1312 = tpu.vector_load %arg9[%get3A_1310, %get3A_1311] {strides = array<i32>} : memref<128x256xf32, #tpu.memory_space<vmem>>, vector<1x16xf32>,
        %get3A_1313 = vector.shape_cast %get3A_1312 : vector<1x16xf32> to vector<16xf32>
        %add3A_1314 = arith.addf %while3A_1276, %get3A_1313 : vector<16xf32>
        %add3A_1315 = arith.constant 64 : i32
        %add3A_1316 = arith.addi %add3A_1315, %add3A_1293 : i32
        %get3A_1317 = arith.index_cast %add3A_1316 : i32 to index
        %get3A_1318 = arith.constant 48 : index
        %get3A_1319 = tpu.vector_load %arg9[%get3A_1317, %get3A_1318] {strides = array<i32>} : memref<128x256xf32, #tpu.memory_space<vmem>>, vector<1x16xf32>,
        %get3A_1320 = vector.shape_cast %get3A_1319 : vector<1x16xf32> to vector<16xf32>
        %add3A_1321 = arith.addf %while3A_1277, %get3A_1320 : vector<16xf32>
        %add3A_1322 = arith.constant 64 : i32
        %add3A_1323 = arith.addi %add3A_1322, %add3A_1293 : i32
        %get3A_1324 = arith.index_cast %add3A_1323 : i32 to index
        %get3A_1325 = arith.constant 64 : index
        %get3A_1326 = tpu.vector_load %arg9[%get3A_1324, %get3A_1325] {strides = array<i32>} : memref<128x256xf32, #tpu.memory_space<vmem>>, vector<1x16xf32>,
        %get3A_1327 = vector.shape_cast %get3A_1326 : vector<1x16xf32> to vector<16xf32>
        %add3A_1328 = arith.addf %while3A_1278, %get3A_1327 : vector<16xf32>
        %add3A_1329 = arith.constant 64 : i32
        %add3A_1330 = arith.addi %add3A_1329, %add3A_1293 : i32
        %get3A_1331 = arith.index_cast %add3A_1330 : i32 to index
        %get3A_1332 = arith.constant 80 : index
        %get3A_1333 = tpu.vector_load %arg9[%get3A_1331, %get3A_1332] {strides = array<i32>} : memref<128x256xf32, #tpu.memory_space<vmem>>, vector<1x16xf32>,
        %get3A_1334 = vector.shape_cast %get3A_1333 : vector<1x16xf32> to vector<16xf32>
        %add3A_1335 = arith.addf %while3A_1279, %get3A_1334 : vector<16xf32>
        %add3A_1336 = arith.constant 64 : i32
        %add3A_1337 = arith.addi %add3A_1336, %add3A_1293 : i32
        %get3A_1338 = arith.index_cast %add3A_1337 : i32 to index
        %get3A_1339 = arith.constant 96 : index
        %get3A_1340 = tpu.vector_load %arg9[%get3A_1338, %get3A_1339] {strides = array<i32>} : memref<128x256xf32, #tpu.memory_space<vmem>>, vector<1x16xf32>,
        %get3A_1341 = vector.shape_cast %get3A_1340 : vector<1x16xf32> to vector<16xf32>
        %add3A_1342 = arith.addf %while3A_1280, %get3A_1341 : vector<16xf32>
        %add3A_1343 = arith.constant 64 : i32
        %add3A_1344 = arith.addi %add3A_1343, %add3A_1293 : i32
        %get3A_1345 = arith.index_cast %add3A_1344 : i32 to index
        %get3A_1346 = arith.constant 112 : index
        %get3A_1347 = tpu.vector_load %arg9[%get3A_1345, %get3A_1346] {strides = array<i32>} : memref<128x256xf32, #tpu.memory_space<vmem>>, vector<1x16xf32>,
        %get3A_1348 = vector.shape_cast %get3A_1347 : vector<1x16xf32> to vector<16xf32>
        %add3A_1349 = arith.addf %while3A_1281, %get3A_1348 : vector<16xf32>
        %add3A_1350 = arith.constant 64 : i32
        %add3A_1351 = arith.addi %add3A_1350, %add3A_1293 : i32
        %get3A_1352 = arith.index_cast %add3A_1351 : i32 to index
        %get3A_1353 = arith.constant 128 : index
        %get3A_1354 = tpu.vector_load %arg9[%get3A_1352, %get3A_1353] {strides = array<i32>} : memref<128x256xf32, #tpu.memory_space<vmem>>, vector<1x16xf32>,
        %get3A_1355 = vector.shape_cast %get3A_1354 : vector<1x16xf32> to vector<16xf32>
        %add3A_1356 = arith.addf %while3A_1282, %get3A_1355 : vector<16xf32>
        %add3A_1357 = arith.constant 64 : i32
        %add3A_1358 = arith.addi %add3A_1357, %add3A_1293 : i32
        %get3A_1359 = arith.index_cast %add3A_1358 : i32 to index
        %get3A_1360 = arith.constant 144 : index
        %get3A_1361 = tpu.vector_load %arg9[%get3A_1359, %get3A_1360] {strides = array<i32>} : memref<128x256xf32, #tpu.memory_space<vmem>>, vector<1x16xf32>,
        %get3A_1362 = vector.shape_cast %get3A_1361 : vector<1x16xf32> to vector<16xf32>
        %add3A_1363 = arith.addf %while3A_1283, %get3A_1362 : vector<16xf32>
        %add3A_1364 = arith.constant 64 : i32
        %add3A_1365 = arith.addi %add3A_1364, %add3A_1293 : i32
        %get3A_1366 = arith.index_cast %add3A_1365 : i32 to index
        %get3A_1367 = arith.constant 160 : index
        %get3A_1368 = tpu.vector_load %arg9[%get3A_1366, %get3A_1367] {strides = array<i32>} : memref<128x256xf32, #tpu.memory_space<vmem>>, vector<1x16xf32>,
        %get3A_1369 = vector.shape_cast %get3A_1368 : vector<1x16xf32> to vector<16xf32>
        %add3A_1370 = arith.addf %while3A_1284, %get3A_1369 : vector<16xf32>
        %add3A_1371 = arith.constant 64 : i32
        %add3A_1372 = arith.addi %add3A_1371, %add3A_1293 : i32
        %get3A_1373 = arith.index_cast %add3A_1372 : i32 to index
        %get3A_1374 = arith.constant 176 : index
        %get3A_1375 = tpu.vector_load %arg9[%get3A_1373, %get3A_1374] {strides = array<i32>} : memref<128x256xf32, #tpu.memory_space<vmem>>, vector<1x16xf32>,
        %get3A_1376 = vector.shape_cast %get3A_1375 : vector<1x16xf32> to vector<16xf32>
        %add3A_1377 = arith.addf %while3A_1285, %get3A_1376 : vector<16xf32>
        %add3A_1378 = arith.constant 64 : i32
        %add3A_1379 = arith.addi %add3A_1378, %add3A_1293 : i32
        %get3A_1380 = arith.index_cast %add3A_1379 : i32 to index
        %get3A_1381 = arith.constant 192 : index
        %get3A_1382 = tpu.vector_load %arg9[%get3A_1380, %get3A_1381] {strides = array<i32>} : memref<128x256xf32, #tpu.memory_space<vmem>>, vector<1x16xf32>,
        %get3A_1383 = vector.shape_cast %get3A_1382 : vector<1x16xf32> to vector<16xf32>
        %add3A_1384 = arith.addf %while3A_1286, %get3A_1383 : vector<16xf32>
        %add3A_1385 = arith.constant 64 : i32
        %add3A_1386 = arith.addi %add3A_1385, %add3A_1293 : i32
        %get3A_1387 = arith.index_cast %add3A_1386 : i32 to index
        %get3A_1388 = arith.constant 208 : index
        %get3A_1389 = tpu.vector_load %arg9[%get3A_1387, %get3A_1388] {strides = array<i32>} : memref<128x256xf32, #tpu.memory_space<vmem>>, vector<1x16xf32>,
        %get3A_1390 = vector.shape_cast %get3A_1389 : vector<1x16xf32> to vector<16xf32>
        %add3A_1391 = arith.addf %while3A_1287, %get3A_1390 : vector<16xf32>
        %add3A_1392 = arith.constant 64 : i32
        %add3A_1393 = arith.addi %add3A_1392, %add3A_1293 : i32
        %get3A_1394 = arith.index_cast %add3A_1393 : i32 to index
        %get3A_1395 = arith.constant 224 : index
        %get3A_1396 = tpu.vector_load %arg9[%get3A_1394, %get3A_1395] {strides = array<i32>} : memref<128x256xf32, #tpu.memory_space<vmem>>, vector<1x16xf32>,
        %get3A_1397 = vector.shape_cast %get3A_1396 : vector<1x16xf32> to vector<16xf32>
        %add3A_1398 = arith.addf %while3A_1288, %get3A_1397 : vector<16xf32>
        %add3A_1399 = arith.constant 64 : i32
        %add3A_1400 = arith.addi %add3A_1399, %add3A_1293 : i32
        %get3A_1401 = arith.index_cast %add3A_1400 : i32 to index
        %get3A_1402 = arith.constant 240 : index
        %get3A_1403 = tpu.vector_load %arg9[%get3A_1401, %get3A_1402] {strides = array<i32>} : memref<128x256xf32, #tpu.memory_space<vmem>>, vector<1x16xf32>,
        %get3A_1404 = vector.shape_cast %get3A_1403 : vector<1x16xf32> to vector<16xf32>
        %add3A_1405 = arith.addf %while3A_1289, %get3A_1404 : vector<16xf32>
        %add3A_1406 = arith.constant 64 : i32
        %add3A_1407 = arith.addi %add3A_1406, %add3A_1293 : i32
        %add3A_1408 = arith.constant 1 : i32
        %add3A_1409 = arith.addi %add3A_1407, %add3A_1408 : i32
        %get3A_1410 = arith.index_cast %add3A_1409 : i32 to index
        %get3A_1411 = arith.constant 0 : index
        %get3A_1412 = tpu.vector_load %arg9[%get3A_1410, %get3A_1411] {strides = array<i32>} : memref<128x256xf32, #tpu.memory_space<vmem>>, vector<1x16xf32>,
        %get3A_1413 = vector.shape_cast %get3A_1412 : vector<1x16xf32> to vector<16xf32>
        %add3A_1414 = arith.addf %add3A_1300, %get3A_1413 : vector<16xf32>
        %add3A_1415 = arith.constant 64 : i32
        %add3A_1416 = arith.addi %add3A_1415, %add3A_1293 : i32
        %add3A_1417 = arith.constant 1 : i32
        %add3A_1418 = arith.addi %add3A_1416, %add3A_1417 : i32
        %get3A_1419 = arith.index_cast %add3A_1418 : i32 to index
        %get3A_1420 = arith.constant 16 : index
        %get3A_1421 = tpu.vector_load %arg9[%get3A_1419, %get3A_1420] {strides = array<i32>} : memref<128x256xf32, #tpu.memory_space<vmem>>, vector<1x16xf32>,
        %get3A_1422 = vector.shape_cast %get3A_1421 : vector<1x16xf32> to vector<16xf32>
        %add3A_1423 = arith.addf %add3A_1307, %get3A_1422 : vector<16xf32>
        %add3A_1424 = arith.constant 64 : i32
        %add3A_1425 = arith.addi %add3A_1424, %add3A_1293 : i32
        %add3A_1426 = arith.constant 1 : i32
        %add3A_1427 = arith.addi %add3A_1425, %add3A_1426 : i32
        %get3A_1428 = arith.index_cast %add3A_1427 : i32 to index
        %get3A_1429 = arith.constant 32 : index
        %get3A_1430 = tpu.vector_load %arg9[%get3A_1428, %get3A_1429] {strides = array<i32>} : memref<128x256xf32, #tpu.memory_space<vmem>>, vector<1x16xf32>,
        %get3A_1431 = vector.shape_cast %get3A_1430 : vector<1x16xf32> to vector<16xf32>
        %add3A_1432 = arith.addf %add3A_1314, %get3A_1431 : vector<16xf32>
        %add3A_1433 = arith.constant 64 : i32
        %add3A_1434 = arith.addi %add3A_1433, %add3A_1293 : i32
        %add3A_1435 = arith.constant 1 : i32
        %add3A_1436 = arith.addi %add3A_1434, %add3A_1435 : i32
        %get3A_1437 = arith.index_cast %add3A_1436 : i32 to index
        %get3A_1438 = arith.constant 48 : index
        %get3A_1439 = tpu.vector_load %arg9[%get3A_1437, %get3A_1438] {strides = array<i32>} : memref<128x256xf32, #tpu.memory_space<vmem>>, vector<1x16xf32>,
        %get3A_1440 = vector.shape_cast %get3A_1439 : vector<1x16xf32> to vector<16xf32>
        %add3A_1441 = arith.addf %add3A_1321, %get3A_1440 : vector<16xf32>
        %add3A_1442 = arith.constant 64 : i32
        %add3A_1443 = arith.addi %add3A_1442, %add3A_1293 : i32
        %add3A_1444 = arith.constant 1 : i32
        %add3A_1445 = arith.addi %add3A_1443, %add3A_1444 : i32
        %get3A_1446 = arith.index_cast %add3A_1445 : i32 to index
        %get3A_1447 = arith.constant 64 : index
        %get3A_1448 = tpu.vector_load %arg9[%get3A_1446, %get3A_1447] {strides = array<i32>} : memref<128x256xf32, #tpu.memory_space<vmem>>, vector<1x16xf32>,
        %get3A_1449 = vector.shape_cast %get3A_1448 : vector<1x16xf32> to vector<16xf32>
        %add3A_1450 = arith.addf %add3A_1328, %get3A_1449 : vector<16xf32>
        %add3A_1451 = arith.constant 64 : i32
        %add3A_1452 = arith.addi %add3A_1451, %add3A_1293 : i32
        %add3A_1453 = arith.constant 1 : i32
        %add3A_1454 = arith.addi %add3A_1452, %add3A_1453 : i32
        %get3A_1455 = arith.index_cast %add3A_1454 : i32 to index
        %get3A_1456 = arith.constant 80 : index
        %get3A_1457 = tpu.vector_load %arg9[%get3A_1455, %get3A_1456] {strides = array<i32>} : memref<128x256xf32, #tpu.memory_space<vmem>>, vector<1x16xf32>,
        %get3A_1458 = vector.shape_cast %get3A_1457 : vector<1x16xf32> to vector<16xf32>
        %add3A_1459 = arith.addf %add3A_1335, %get3A_1458 : vector<16xf32>
        %add3A_1460 = arith.constant 64 : i32
        %add3A_1461 = arith.addi %add3A_1460, %add3A_1293 : i32
        %add3A_1462 = arith.constant 1 : i32
        %add3A_1463 = arith.addi %add3A_1461, %add3A_1462 : i32
        %get3A_1464 = arith.index_cast %add3A_1463 : i32 to index
        %get3A_1465 = arith.constant 96 : index
        %get3A_1466 = tpu.vector_load %arg9[%get3A_1464, %get3A_1465] {strides = array<i32>} : memref<128x256xf32, #tpu.memory_space<vmem>>, vector<1x16xf32>,
        %get3A_1467 = vector.shape_cast %get3A_1466 : vector<1x16xf32> to vector<16xf32>
        %add3A_1468 = arith.addf %add3A_1342, %get3A_1467 : vector<16xf32>
        %add3A_1469 = arith.constant 64 : i32
        %add3A_1470 = arith.addi %add3A_1469, %add3A_1293 : i32
        %add3A_1471 = arith.constant 1 : i32
        %add3A_1472 = arith.addi %add3A_1470, %add3A_1471 : i32
        %get3A_1473 = arith.index_cast %add3A_1472 : i32 to index
        %get3A_1474 = arith.constant 112 : index
        %get3A_1475 = tpu.vector_load %arg9[%get3A_1473, %get3A_1474] {strides = array<i32>} : memref<128x256xf32, #tpu.memory_space<vmem>>, vector<1x16xf32>,
        %get3A_1476 = vector.shape_cast %get3A_1475 : vector<1x16xf32> to vector<16xf32>
        %add3A_1477 = arith.addf %add3A_1349, %get3A_1476 : vector<16xf32>
        %add3A_1478 = arith.constant 64 : i32
        %add3A_1479 = arith.addi %add3A_1478, %add3A_1293 : i32
        %add3A_1480 = arith.constant 1 : i32
        %add3A_1481 = arith.addi %add3A_1479, %add3A_1480 : i32
        %get3A_1482 = arith.index_cast %add3A_1481 : i32 to index
        %get3A_1483 = arith.constant 128 : index
        %get3A_1484 = tpu.vector_load %arg9[%get3A_1482, %get3A_1483] {strides = array<i32>} : memref<128x256xf32, #tpu.memory_space<vmem>>, vector<1x16xf32>,
        %get3A_1485 = vector.shape_cast %get3A_1484 : vector<1x16xf32> to vector<16xf32>
        %add3A_1486 = arith.addf %add3A_1356, %get3A_1485 : vector<16xf32>
        %add3A_1487 = arith.constant 64 : i32
        %add3A_1488 = arith.addi %add3A_1487, %add3A_1293 : i32
        %add3A_1489 = arith.constant 1 : i32
        %add3A_1490 = arith.addi %add3A_1488, %add3A_1489 : i32
        %get3A_1491 = arith.index_cast %add3A_1490 : i32 to index
        %get3A_1492 = arith.constant 144 : index
        %get3A_1493 = tpu.vector_load %arg9[%get3A_1491, %get3A_1492] {strides = array<i32>} : memref<128x256xf32, #tpu.memory_space<vmem>>, vector<1x16xf32>,
        %get3A_1494 = vector.shape_cast %get3A_1493 : vector<1x16xf32> to vector<16xf32>
        %add3A_1495 = arith.addf %add3A_1363, %get3A_1494 : vector<16xf32>
        %add3A_1496 = arith.constant 64 : i32
        %add3A_1497 = arith.addi %add3A_1496, %add3A_1293 : i32
        %add3A_1498 = arith.constant 1 : i32
        %add3A_1499 = arith.addi %add3A_1497, %add3A_1498 : i32
        %get3A_1500 = arith.index_cast %add3A_1499 : i32 to index
        %get3A_1501 = arith.constant 160 : index
        %get3A_1502 = tpu.vector_load %arg9[%get3A_1500, %get3A_1501] {strides = array<i32>} : memref<128x256xf32, #tpu.memory_space<vmem>>, vector<1x16xf32>,
        %get3A_1503 = vector.shape_cast %get3A_1502 : vector<1x16xf32> to vector<16xf32>
        %add3A_1504 = arith.addf %add3A_1370, %get3A_1503 : vector<16xf32>
        %add3A_1505 = arith.constant 64 : i32
        %add3A_1506 = arith.addi %add3A_1505, %add3A_1293 : i32
        %add3A_1507 = arith.constant 1 : i32
        %add3A_1508 = arith.addi %add3A_1506, %add3A_1507 : i32
        %get3A_1509 = arith.index_cast %add3A_1508 : i32 to index
        %get3A_1510 = arith.constant 176 : index
        %get3A_1511 = tpu.vector_load %arg9[%get3A_1509, %get3A_1510] {strides = array<i32>} : memref<128x256xf32, #tpu.memory_space<vmem>>, vector<1x16xf32>,
        %get3A_1512 = vector.shape_cast %get3A_1511 : vector<1x16xf32> to vector<16xf32>
        %add3A_1513 = arith.addf %add3A_1377, %get3A_1512 : vector<16xf32>
        %add3A_1514 = arith.constant 64 : i32
        %add3A_1515 = arith.addi %add3A_1514, %add3A_1293 : i32
        %add3A_1516 = arith.constant 1 : i32
        %add3A_1517 = arith.addi %add3A_1515, %add3A_1516 : i32
        %get3A_1518 = arith.index_cast %add3A_1517 : i32 to index
        %get3A_1519 = arith.constant 192 : index
        %get3A_1520 = tpu.vector_load %arg9[%get3A_1518, %get3A_1519] {strides = array<i32>} : memref<128x256xf32, #tpu.memory_space<vmem>>, vector<1x16xf32>,
        %get3A_1521 = vector.shape_cast %get3A_1520 : vector<1x16xf32> to vector<16xf32>
        %add3A_1522 = arith.addf %add3A_1384, %get3A_1521 : vector<16xf32>
        %add3A_1523 = arith.constant 64 : i32
        %add3A_1524 = arith.addi %add3A_1523, %add3A_1293 : i32
        %add3A_1525 = arith.constant 1 : i32
        %add3A_1526 = arith.addi %add3A_1524, %add3A_1525 : i32
        %get3A_1527 = arith.index_cast %add3A_1526 : i32 to index
        %get3A_1528 = arith.constant 208 : index
        %get3A_1529 = tpu.vector_load %arg9[%get3A_1527, %get3A_1528] {strides = array<i32>} : memref<128x256xf32, #tpu.memory_space<vmem>>, vector<1x16xf32>,
        %get3A_1530 = vector.shape_cast %get3A_1529 : vector<1x16xf32> to vector<16xf32>
        %add3A_1531 = arith.addf %add3A_1391, %get3A_1530 : vector<16xf32>
        %add3A_1532 = arith.constant 64 : i32
        %add3A_1533 = arith.addi %add3A_1532, %add3A_1293 : i32
        %add3A_1534 = arith.constant 1 : i32
        %add3A_1535 = arith.addi %add3A_1533, %add3A_1534 : i32
        %get3A_1536 = arith.index_cast %add3A_1535 : i32 to index
        %get3A_1537 = arith.constant 224 : index
        %get3A_1538 = tpu.vector_load %arg9[%get3A_1536, %get3A_1537] {strides = array<i32>} : memref<128x256xf32, #tpu.memory_space<vmem>>, vector<1x16xf32>,
        %get3A_1539 = vector.shape_cast %get3A_1538 : vector<1x16xf32> to vector<16xf32>
        %add3A_1540 = arith.addf %add3A_1398, %get3A_1539 : vector<16xf32>
        %add3A_1541 = arith.constant 64 : i32
        %add3A_1542 = arith.addi %add3A_1541, %add3A_1293 : i32
        %add3A_1543 = arith.constant 1 : i32
        %add3A_1544 = arith.addi %add3A_1542, %add3A_1543 : i32
        %get3A_1545 = arith.index_cast %add3A_1544 : i32 to index
        %get3A_1546 = arith.constant 240 : index
        %get3A_1547 = tpu.vector_load %arg9[%get3A_1545, %get3A_1546] {strides = array<i32>} : memref<128x256xf32, #tpu.memory_space<vmem>>, vector<1x16xf32>,
        %get3A_1548 = vector.shape_cast %get3A_1547 : vector<1x16xf32> to vector<16xf32>
        %add3A_1549 = arith.addf %add3A_1405, %get3A_1548 : vector<16xf32>
        scf.yield %add3A_1414, %add3A_1423, %add3A_1432, %add3A_1441, %add3A_1450, %add3A_1459, %add3A_1468, %add3A_1477, %add3A_1486, %add3A_1495, %add3A_1504, %add3A_1513, %add3A_1522, %add3A_1531, %add3A_1540, %add3A_1549 : vector<16xf32>, vector<16xf32>, vector<16xf32>, vector<16xf32>, vector<16xf32>, vector<16xf32>, vector<16xf32>, vector<16xf32>, vector<16xf32>, vector<16xf32>, vector<16xf32>, vector<16xf32>, vector<16xf32>, vector<16xf32>, vector<16xf32>, vector<16xf32>
      }
      %while3A_1129 = arith.constant 1 : i32
      %while3A_1130:16 = scf.for %while3A_1273 = %while3A_1126 to %while3A_1122 step %while3A_1129 iter_args(%while3A_1274 = %while3A_1128#0, %while3A_1275 = %while3A_1128#1, %while3A_1276 = %while3A_1128#2, %while3A_1277 = %while3A_1128#3, %while3A_1278 = %while3A_1128#4, %while3A_1279 = %while3A_1128#5, %while3A_1280 = %while3A_1128#6, %while3A_1281 = %while3A_1128#7, %while3A_1282 = %while3A_1128#8, %while3A_1283 = %while3A_1128#9, %while3A_1284 = %while3A_1128#10, %while3A_1285 = %while3A_1128#11, %while3A_1286 = %while3A_1128#12, %while3A_1287 = %while3A_1128#13, %while3A_1288 = %while3A_1128#14, %while3A_1289 = %while3A_1128#15) -> (vector<16xf32>, vector<16xf32>, vector<16xf32>, vector<16xf32>, vector<16xf32>, vector<16xf32>, vector<16xf32>, vector<16xf32>, vector<16xf32>, vector<16xf32>, vector<16xf32>, vector<16xf32>, vector<16xf32>, vector<16xf32>, vector<16xf32>, vector<16xf32>)  : i32 {
        %mul3A_1290 = arith.constant 2 : i32
        %mul3A_1291 = arith.muli %mul3A_1290, %while3A_1273 : i32
        %add3A_1292 = arith.constant 1 : i32
        %add3A_1293 = arith.addi %add3A_1292, %mul3A_1291 : i32
        %add3A_1294 = arith.constant 64 : i32
        %add3A_1295 = arith.addi %add3A_1294, %add3A_1293 : i32
        %get3A_1296 = arith.index_cast %add3A_1295 : i32 to index
        %get3A_1297 = arith.constant 0 : index
        %get3A_1298 = tpu.vector_load %arg9[%get3A_1296, %get3A_1297] {strides = array<i32>} : memref<128x256xf32, #tpu.memory_space<vmem>>, vector<1x16xf32>,
        %get3A_1299 = vector.shape_cast %get3A_1298 : vector<1x16xf32> to vector<16xf32>
        %add3A_1300 = arith.addf %while3A_1274, %get3A_1299 : vector<16xf32>
        %add3A_1301 = arith.constant 64 : i32
        %add3A_1302 = arith.addi %add3A_1301, %add3A_1293 : i32
        %get3A_1303 = arith.index_cast %add3A_1302 : i32 to index
        %get3A_1304 = arith.constant 16 : index
        %get3A_1305 = tpu.vector_load %arg9[%get3A_1303, %get3A_1304] {strides = array<i32>} : memref<128x256xf32, #tpu.memory_space<vmem>>, vector<1x16xf32>,
        %get3A_1306 = vector.shape_cast %get3A_1305 : vector<1x16xf32> to vector<16xf32>
        %add3A_1307 = arith.addf %while3A_1275, %get3A_1306 : vector<16xf32>
        %add3A_1308 = arith.constant 64 : i32
        %add3A_1309 = arith.addi %add3A_1308, %add3A_1293 : i32
        %get3A_1310 = arith.index_cast %add3A_1309 : i32 to index
        %get3A_1311 = arith.constant 32 : index
        %get3A_1312 = tpu.vector_load %arg9[%get3A_1310, %get3A_1311] {strides = array<i32>} : memref<128x256xf32, #tpu.memory_space<vmem>>, vector<1x16xf32>,
        %get3A_1313 = vector.shape_cast %get3A_1312 : vector<1x16xf32> to vector<16xf32>
        %add3A_1314 = arith.addf %while3A_1276, %get3A_1313 : vector<16xf32>
        %add3A_1315 = arith.constant 64 : i32
        %add3A_1316 = arith.addi %add3A_1315, %add3A_1293 : i32
        %get3A_1317 = arith.index_cast %add3A_1316 : i32 to index
        %get3A_1318 = arith.constant 48 : index
        %get3A_1319 = tpu.vector_load %arg9[%get3A_1317, %get3A_1318] {strides = array<i32>} : memref<128x256xf32, #tpu.memory_space<vmem>>, vector<1x16xf32>,
        %get3A_1320 = vector.shape_cast %get3A_1319 : vector<1x16xf32> to vector<16xf32>
        %add3A_1321 = arith.addf %while3A_1277, %get3A_1320 : vector<16xf32>
        %add3A_1322 = arith.constant 64 : i32
        %add3A_1323 = arith.addi %add3A_1322, %add3A_1293 : i32
        %get3A_1324 = arith.index_cast %add3A_1323 : i32 to index
        %get3A_1325 = arith.constant 64 : index
        %get3A_1326 = tpu.vector_load %arg9[%get3A_1324, %get3A_1325] {strides = array<i32>} : memref<128x256xf32, #tpu.memory_space<vmem>>, vector<1x16xf32>,
        %get3A_1327 = vector.shape_cast %get3A_1326 : vector<1x16xf32> to vector<16xf32>
        %add3A_1328 = arith.addf %while3A_1278, %get3A_1327 : vector<16xf32>
        %add3A_1329 = arith.constant 64 : i32
        %add3A_1330 = arith.addi %add3A_1329, %add3A_1293 : i32
        %get3A_1331 = arith.index_cast %add3A_1330 : i32 to index
        %get3A_1332 = arith.constant 80 : index
        %get3A_1333 = tpu.vector_load %arg9[%get3A_1331, %get3A_1332] {strides = array<i32>} : memref<128x256xf32, #tpu.memory_space<vmem>>, vector<1x16xf32>,
        %get3A_1334 = vector.shape_cast %get3A_1333 : vector<1x16xf32> to vector<16xf32>
        %add3A_1335 = arith.addf %while3A_1279, %get3A_1334 : vector<16xf32>
        %add3A_1336 = arith.constant 64 : i32
        %add3A_1337 = arith.addi %add3A_1336, %add3A_1293 : i32
        %get3A_1338 = arith.index_cast %add3A_1337 : i32 to index
        %get3A_1339 = arith.constant 96 : index
        %get3A_1340 = tpu.vector_load %arg9[%get3A_1338, %get3A_1339] {strides = array<i32>} : memref<128x256xf32, #tpu.memory_space<vmem>>, vector<1x16xf32>,
        %get3A_1341 = vector.shape_cast %get3A_1340 : vector<1x16xf32> to vector<16xf32>
        %add3A_1342 = arith.addf %while3A_1280, %get3A_1341 : vector<16xf32>
        %add3A_1343 = arith.constant 64 : i32
        %add3A_1344 = arith.addi %add3A_1343, %add3A_1293 : i32
        %get3A_1345 = arith.index_cast %add3A_1344 : i32 to index
        %get3A_1346 = arith.constant 112 : index
        %get3A_1347 = tpu.vector_load %arg9[%get3A_1345, %get3A_1346] {strides = array<i32>} : memref<128x256xf32, #tpu.memory_space<vmem>>, vector<1x16xf32>,
        %get3A_1348 = vector.shape_cast %get3A_1347 : vector<1x16xf32> to vector<16xf32>
        %add3A_1349 = arith.addf %while3A_1281, %get3A_1348 : vector<16xf32>
        %add3A_1350 = arith.constant 64 : i32
        %add3A_1351 = arith.addi %add3A_1350, %add3A_1293 : i32
        %get3A_1352 = arith.index_cast %add3A_1351 : i32 to index
        %get3A_1353 = arith.constant 128 : index
        %get3A_1354 = tpu.vector_load %arg9[%get3A_1352, %get3A_1353] {strides = array<i32>} : memref<128x256xf32, #tpu.memory_space<vmem>>, vector<1x16xf32>,
        %get3A_1355 = vector.shape_cast %get3A_1354 : vector<1x16xf32> to vector<16xf32>
        %add3A_1356 = arith.addf %while3A_1282, %get3A_1355 : vector<16xf32>
        %add3A_1357 = arith.constant 64 : i32
        %add3A_1358 = arith.addi %add3A_1357, %add3A_1293 : i32
        %get3A_1359 = arith.index_cast %add3A_1358 : i32 to index
        %get3A_1360 = arith.constant 144 : index
        %get3A_1361 = tpu.vector_load %arg9[%get3A_1359, %get3A_1360] {strides = array<i32>} : memref<128x256xf32, #tpu.memory_space<vmem>>, vector<1x16xf32>,
        %get3A_1362 = vector.shape_cast %get3A_1361 : vector<1x16xf32> to vector<16xf32>
        %add3A_1363 = arith.addf %while3A_1283, %get3A_1362 : vector<16xf32>
        %add3A_1364 = arith.constant 64 : i32
        %add3A_1365 = arith.addi %add3A_1364, %add3A_1293 : i32
        %get3A_1366 = arith.index_cast %add3A_1365 : i32 to index
        %get3A_1367 = arith.constant 160 : index
        %get3A_1368 = tpu.vector_load %arg9[%get3A_1366, %get3A_1367] {strides = array<i32>} : memref<128x256xf32, #tpu.memory_space<vmem>>, vector<1x16xf32>,
        %get3A_1369 = vector.shape_cast %get3A_1368 : vector<1x16xf32> to vector<16xf32>
        %add3A_1370 = arith.addf %while3A_1284, %get3A_1369 : vector<16xf32>
        %add3A_1371 = arith.constant 64 : i32
        %add3A_1372 = arith.addi %add3A_1371, %add3A_1293 : i32
        %get3A_1373 = arith.index_cast %add3A_1372 : i32 to index
        %get3A_1374 = arith.constant 176 : index
        %get3A_1375 = tpu.vector_load %arg9[%get3A_1373, %get3A_1374] {strides = array<i32>} : memref<128x256xf32, #tpu.memory_space<vmem>>, vector<1x16xf32>,
        %get3A_1376 = vector.shape_cast %get3A_1375 : vector<1x16xf32> to vector<16xf32>
        %add3A_1377 = arith.addf %while3A_1285, %get3A_1376 : vector<16xf32>
        %add3A_1378 = arith.constant 64 : i32
        %add3A_1379 = arith.addi %add3A_1378, %add3A_1293 : i32
        %get3A_1380 = arith.index_cast %add3A_1379 : i32 to index
        %get3A_1381 = arith.constant 192 : index
        %get3A_1382 = tpu.vector_load %arg9[%get3A_1380, %get3A_1381] {strides = array<i32>} : memref<128x256xf32, #tpu.memory_space<vmem>>, vector<1x16xf32>,
        %get3A_1383 = vector.shape_cast %get3A_1382 : vector<1x16xf32> to vector<16xf32>
        %add3A_1384 = arith.addf %while3A_1286, %get3A_1383 : vector<16xf32>
        %add3A_1385 = arith.constant 64 : i32
        %add3A_1386 = arith.addi %add3A_1385, %add3A_1293 : i32
        %get3A_1387 = arith.index_cast %add3A_1386 : i32 to index
        %get3A_1388 = arith.constant 208 : index
        %get3A_1389 = tpu.vector_load %arg9[%get3A_1387, %get3A_1388] {strides = array<i32>} : memref<128x256xf32, #tpu.memory_space<vmem>>, vector<1x16xf32>,
        %get3A_1390 = vector.shape_cast %get3A_1389 : vector<1x16xf32> to vector<16xf32>
        %add3A_1391 = arith.addf %while3A_1287, %get3A_1390 : vector<16xf32>
        %add3A_1392 = arith.constant 64 : i32
        %add3A_1393 = arith.addi %add3A_1392, %add3A_1293 : i32
        %get3A_1394 = arith.index_cast %add3A_1393 : i32 to index
        %get3A_1395 = arith.constant 224 : index
        %get3A_1396 = tpu.vector_load %arg9[%get3A_1394, %get3A_1395] {strides = array<i32>} : memref<128x256xf32, #tpu.memory_space<vmem>>, vector<1x16xf32>,
        %get3A_1397 = vector.shape_cast %get3A_1396 : vector<1x16xf32> to vector<16xf32>
        %add3A_1398 = arith.addf %while3A_1288, %get3A_1397 : vector<16xf32>
        %add3A_1399 = arith.constant 64 : i32
        %add3A_1400 = arith.addi %add3A_1399, %add3A_1293 : i32
        %get3A_1401 = arith.index_cast %add3A_1400 : i32 to index
        %get3A_1402 = arith.constant 240 : index
        %get3A_1403 = tpu.vector_load %arg9[%get3A_1401, %get3A_1402] {strides = array<i32>} : memref<128x256xf32, #tpu.memory_space<vmem>>, vector<1x16xf32>,
        %get3A_1404 = vector.shape_cast %get3A_1403 : vector<1x16xf32> to vector<16xf32>
        %add3A_1405 = arith.addf %while3A_1289, %get3A_1404 : vector<16xf32>
        %add3A_1406 = arith.constant 64 : i32
        %add3A_1407 = arith.addi %add3A_1406, %add3A_1293 : i32
        %add3A_1408 = arith.constant 1 : i32
        %add3A_1409 = arith.addi %add3A_1407, %add3A_1408 : i32
        %get3A_1410 = arith.index_cast %add3A_1409 : i32 to index
        %get3A_1411 = arith.constant 0 : index
        %get3A_1412 = tpu.vector_load %arg9[%get3A_1410, %get3A_1411] {strides = array<i32>} : memref<128x256xf32, #tpu.memory_space<vmem>>, vector<1x16xf32>,
        %get3A_1413 = vector.shape_cast %get3A_1412 : vector<1x16xf32> to vector<16xf32>
        %add3A_1414 = arith.addf %add3A_1300, %get3A_1413 : vector<16xf32>
        %add3A_1415 = arith.constant 64 : i32
        %add3A_1416 = arith.addi %add3A_1415, %add3A_1293 : i32
        %add3A_1417 = arith.constant 1 : i32
        %add3A_1418 = arith.addi %add3A_1416, %add3A_1417 : i32
        %get3A_1419 = arith.index_cast %add3A_1418 : i32 to index
        %get3A_1420 = arith.constant 16 : index
        %get3A_1421 = tpu.vector_load %arg9[%get3A_1419, %get3A_1420] {strides = array<i32>} : memref<128x256xf32, #tpu.memory_space<vmem>>, vector<1x16xf32>,
        %get3A_1422 = vector.shape_cast %get3A_1421 : vector<1x16xf32> to vector<16xf32>
        %add3A_1423 = arith.addf %add3A_1307, %get3A_1422 : vector<16xf32>
        %add3A_1424 = arith.constant 64 : i32
        %add3A_1425 = arith.addi %add3A_1424, %add3A_1293 : i32
        %add3A_1426 = arith.constant 1 : i32
        %add3A_1427 = arith.addi %add3A_1425, %add3A_1426 : i32
        %get3A_1428 = arith.index_cast %add3A_1427 : i32 to index
        %get3A_1429 = arith.constant 32 : index
        %get3A_1430 = tpu.vector_load %arg9[%get3A_1428, %get3A_1429] {strides = array<i32>} : memref<128x256xf32, #tpu.memory_space<vmem>>, vector<1x16xf32>,
        %get3A_1431 = vector.shape_cast %get3A_1430 : vector<1x16xf32> to vector<16xf32>
        %add3A_1432 = arith.addf %add3A_1314, %get3A_1431 : vector<16xf32>
        %add3A_1433 = arith.constant 64 : i32
        %add3A_1434 = arith.addi %add3A_1433, %add3A_1293 : i32
        %add3A_1435 = arith.constant 1 : i32
        %add3A_1436 = arith.addi %add3A_1434, %add3A_1435 : i32
        %get3A_1437 = arith.index_cast %add3A_1436 : i32 to index
        %get3A_1438 = arith.constant 48 : index
        %get3A_1439 = tpu.vector_load %arg9[%get3A_1437, %get3A_1438] {strides = array<i32>} : memref<128x256xf32, #tpu.memory_space<vmem>>, vector<1x16xf32>,
        %get3A_1440 = vector.shape_cast %get3A_1439 : vector<1x16xf32> to vector<16xf32>
        %add3A_1441 = arith.addf %add3A_1321, %get3A_1440 : vector<16xf32>
        %add3A_1442 = arith.constant 64 : i32
        %add3A_1443 = arith.addi %add3A_1442, %add3A_1293 : i32
        %add3A_1444 = arith.constant 1 : i32
        %add3A_1445 = arith.addi %add3A_1443, %add3A_1444 : i32
        %get3A_1446 = arith.index_cast %add3A_1445 : i32 to index
        %get3A_1447 = arith.constant 64 : index
        %get3A_1448 = tpu.vector_load %arg9[%get3A_1446, %get3A_1447] {strides = array<i32>} : memref<128x256xf32, #tpu.memory_space<vmem>>, vector<1x16xf32>,
        %get3A_1449 = vector.shape_cast %get3A_1448 : vector<1x16xf32> to vector<16xf32>
        %add3A_1450 = arith.addf %add3A_1328, %get3A_1449 : vector<16xf32>
        %add3A_1451 = arith.constant 64 : i32
        %add3A_1452 = arith.addi %add3A_1451, %add3A_1293 : i32
        %add3A_1453 = arith.constant 1 : i32
        %add3A_1454 = arith.addi %add3A_1452, %add3A_1453 : i32
        %get3A_1455 = arith.index_cast %add3A_1454 : i32 to index
        %get3A_1456 = arith.constant 80 : index
        %get3A_1457 = tpu.vector_load %arg9[%get3A_1455, %get3A_1456] {strides = array<i32>} : memref<128x256xf32, #tpu.memory_space<vmem>>, vector<1x16xf32>,
        %get3A_1458 = vector.shape_cast %get3A_1457 : vector<1x16xf32> to vector<16xf32>
        %add3A_1459 = arith.addf %add3A_1335, %get3A_1458 : vector<16xf32>
        %add3A_1460 = arith.constant 64 : i32
        %add3A_1461 = arith.addi %add3A_1460, %add3A_1293 : i32
        %add3A_1462 = arith.constant 1 : i32
        %add3A_1463 = arith.addi %add3A_1461, %add3A_1462 : i32
        %get3A_1464 = arith.index_cast %add3A_1463 : i32 to index
        %get3A_1465 = arith.constant 96 : index
        %get3A_1466 = tpu.vector_load %arg9[%get3A_1464, %get3A_1465] {strides = array<i32>} : memref<128x256xf32, #tpu.memory_space<vmem>>, vector<1x16xf32>,
        %get3A_1467 = vector.shape_cast %get3A_1466 : vector<1x16xf32> to vector<16xf32>
        %add3A_1468 = arith.addf %add3A_1342, %get3A_1467 : vector<16xf32>
        %add3A_1469 = arith.constant 64 : i32
        %add3A_1470 = arith.addi %add3A_1469, %add3A_1293 : i32
        %add3A_1471 = arith.constant 1 : i32
        %add3A_1472 = arith.addi %add3A_1470, %add3A_1471 : i32
        %get3A_1473 = arith.index_cast %add3A_1472 : i32 to index
        %get3A_1474 = arith.constant 112 : index
        %get3A_1475 = tpu.vector_load %arg9[%get3A_1473, %get3A_1474] {strides = array<i32>} : memref<128x256xf32, #tpu.memory_space<vmem>>, vector<1x16xf32>,
        %get3A_1476 = vector.shape_cast %get3A_1475 : vector<1x16xf32> to vector<16xf32>
        %add3A_1477 = arith.addf %add3A_1349, %get3A_1476 : vector<16xf32>
        %add3A_1478 = arith.constant 64 : i32
        %add3A_1479 = arith.addi %add3A_1478, %add3A_1293 : i32
        %add3A_1480 = arith.constant 1 : i32
        %add3A_1481 = arith.addi %add3A_1479, %add3A_1480 : i32
        %get3A_1482 = arith.index_cast %add3A_1481 : i32 to index
        %get3A_1483 = arith.constant 128 : index
        %get3A_1484 = tpu.vector_load %arg9[%get3A_1482, %get3A_1483] {strides = array<i32>} : memref<128x256xf32, #tpu.memory_space<vmem>>, vector<1x16xf32>,
        %get3A_1485 = vector.shape_cast %get3A_1484 : vector<1x16xf32> to vector<16xf32>
        %add3A_1486 = arith.addf %add3A_1356, %get3A_1485 : vector<16xf32>
        %add3A_1487 = arith.constant 64 : i32
        %add3A_1488 = arith.addi %add3A_1487, %add3A_1293 : i32
        %add3A_1489 = arith.constant 1 : i32
        %add3A_1490 = arith.addi %add3A_1488, %add3A_1489 : i32
        %get3A_1491 = arith.index_cast %add3A_1490 : i32 to index
        %get3A_1492 = arith.constant 144 : index
        %get3A_1493 = tpu.vector_load %arg9[%get3A_1491, %get3A_1492] {strides = array<i32>} : memref<128x256xf32, #tpu.memory_space<vmem>>, vector<1x16xf32>,
        %get3A_1494 = vector.shape_cast %get3A_1493 : vector<1x16xf32> to vector<16xf32>
        %add3A_1495 = arith.addf %add3A_1363, %get3A_1494 : vector<16xf32>
        %add3A_1496 = arith.constant 64 : i32
        %add3A_1497 = arith.addi %add3A_1496, %add3A_1293 : i32
        %add3A_1498 = arith.constant 1 : i32
        %add3A_1499 = arith.addi %add3A_1497, %add3A_1498 : i32
        %get3A_1500 = arith.index_cast %add3A_1499 : i32 to index
        %get3A_1501 = arith.constant 160 : index
        %get3A_1502 = tpu.vector_load %arg9[%get3A_1500, %get3A_1501] {strides = array<i32>} : memref<128x256xf32, #tpu.memory_space<vmem>>, vector<1x16xf32>,
        %get3A_1503 = vector.shape_cast %get3A_1502 : vector<1x16xf32> to vector<16xf32>
        %add3A_1504 = arith.addf %add3A_1370, %get3A_1503 : vector<16xf32>
        %add3A_1505 = arith.constant 64 : i32
        %add3A_1506 = arith.addi %add3A_1505, %add3A_1293 : i32
        %add3A_1507 = arith.constant 1 : i32
        %add3A_1508 = arith.addi %add3A_1506, %add3A_1507 : i32
        %get3A_1509 = arith.index_cast %add3A_1508 : i32 to index
        %get3A_1510 = arith.constant 176 : index
        %get3A_1511 = tpu.vector_load %arg9[%get3A_1509, %get3A_1510] {strides = array<i32>} : memref<128x256xf32, #tpu.memory_space<vmem>>, vector<1x16xf32>,
        %get3A_1512 = vector.shape_cast %get3A_1511 : vector<1x16xf32> to vector<16xf32>
        %add3A_1513 = arith.addf %add3A_1377, %get3A_1512 : vector<16xf32>
        %add3A_1514 = arith.constant 64 : i32
        %add3A_1515 = arith.addi %add3A_1514, %add3A_1293 : i32
        %add3A_1516 = arith.constant 1 : i32
        %add3A_1517 = arith.addi %add3A_1515, %add3A_1516 : i32
        %get3A_1518 = arith.index_cast %add3A_1517 : i32 to index
        %get3A_1519 = arith.constant 192 : index
        %get3A_1520 = tpu.vector_load %arg9[%get3A_1518, %get3A_1519] {strides = array<i32>} : memref<128x256xf32, #tpu.memory_space<vmem>>, vector<1x16xf32>,
        %get3A_1521 = vector.shape_cast %get3A_1520 : vector<1x16xf32> to vector<16xf32>
        %add3A_1522 = arith.addf %add3A_1384, %get3A_1521 : vector<16xf32>
        %add3A_1523 = arith.constant 64 : i32
        %add3A_1524 = arith.addi %add3A_1523, %add3A_1293 : i32
        %add3A_1525 = arith.constant 1 : i32
        %add3A_1526 = arith.addi %add3A_1524, %add3A_1525 : i32
        %get3A_1527 = arith.index_cast %add3A_1526 : i32 to index
        %get3A_1528 = arith.constant 208 : index
        %get3A_1529 = tpu.vector_load %arg9[%get3A_1527, %get3A_1528] {strides = array<i32>} : memref<128x256xf32, #tpu.memory_space<vmem>>, vector<1x16xf32>,
        %get3A_1530 = vector.shape_cast %get3A_1529 : vector<1x16xf32> to vector<16xf32>
        %add3A_1531 = arith.addf %add3A_1391, %get3A_1530 : vector<16xf32>
        %add3A_1532 = arith.constant 64 : i32
        %add3A_1533 = arith.addi %add3A_1532, %add3A_1293 : i32
        %add3A_1534 = arith.constant 1 : i32
        %add3A_1535 = arith.addi %add3A_1533, %add3A_1534 : i32
        %get3A_1536 = arith.index_cast %add3A_1535 : i32 to index
        %get3A_1537 = arith.constant 224 : index
        %get3A_1538 = tpu.vector_load %arg9[%get3A_1536, %get3A_1537] {strides = array<i32>} : memref<128x256xf32, #tpu.memory_space<vmem>>, vector<1x16xf32>,
        %get3A_1539 = vector.shape_cast %get3A_1538 : vector<1x16xf32> to vector<16xf32>
        %add3A_1540 = arith.addf %add3A_1398, %get3A_1539 : vector<16xf32>
        %add3A_1541 = arith.constant 64 : i32
        %add3A_1542 = arith.addi %add3A_1541, %add3A_1293 : i32
        %add3A_1543 = arith.constant 1 : i32
        %add3A_1544 = arith.addi %add3A_1542, %add3A_1543 : i32
        %get3A_1545 = arith.index_cast %add3A_1544 : i32 to index
        %get3A_1546 = arith.constant 240 : index
        %get3A_1547 = tpu.vector_load %arg9[%get3A_1545, %get3A_1546] {strides = array<i32>} : memref<128x256xf32, #tpu.memory_space<vmem>>, vector<1x16xf32>,
        %get3A_1548 = vector.shape_cast %get3A_1547 : vector<1x16xf32> to vector<16xf32>
        %add3A_1549 = arith.addf %add3A_1405, %get3A_1548 : vector<16xf32>
        scf.yield %add3A_1414, %add3A_1423, %add3A_1432, %add3A_1441, %add3A_1450, %add3A_1459, %add3A_1468, %add3A_1477, %add3A_1486, %add3A_1495, %add3A_1504, %add3A_1513, %add3A_1522, %add3A_1531, %add3A_1540, %add3A_1549 : vector<16xf32>, vector<16xf32>, vector<16xf32>, vector<16xf32>, vector<16xf32>, vector<16xf32>, vector<16xf32>, vector<16xf32>, vector<16xf32>, vector<16xf32>, vector<16xf32>, vector<16xf32>, vector<16xf32>, vector<16xf32>, vector<16xf32>, vector<16xf32>
      }
      %mul3A_1131 = arith.constant 2 : i32
      %mul3A_1132 = arith.muli %mul3A_1131, %select_n3A_1119 : i32
      %add3A_1133 = arith.constant 1 : i32
      %add3A_1134 = arith.addi %add3A_1133, %mul3A_1132 : i32
      %while3A_1135 = arith.subi %squeeze3A_1013, %add3A_1134 : i32
      %while3A_1136 = arith.addi %add3A_1134, %while3A_1135 : i32
      %while3A_1137 = arith.constant 1 : i32
      %while3A_1138 = arith.divsi %while3A_1135, %while3A_1137 : i32
      %while3A_1139 = arith.muli %while3A_1138, %while3A_1137 : i32
      %while3A_1140 = arith.addi %add3A_1134, %while3A_1139 : i32
      %while3A_1141 = arith.constant 1 : i32
      %while3A_1142:16 = scf.for %while3A_1273 = %add3A_1134 to %while3A_1140 step %while3A_1141 iter_args(%while3A_1274 = %while3A_1130#0, %while3A_1275 = %while3A_1130#1, %while3A_1276 = %while3A_1130#2, %while3A_1277 = %while3A_1130#3, %while3A_1278 = %while3A_1130#4, %while3A_1279 = %while3A_1130#5, %while3A_1280 = %while3A_1130#6, %while3A_1281 = %while3A_1130#7, %while3A_1282 = %while3A_1130#8, %while3A_1283 = %while3A_1130#9, %while3A_1284 = %while3A_1130#10, %while3A_1285 = %while3A_1130#11, %while3A_1286 = %while3A_1130#12, %while3A_1287 = %while3A_1130#13, %while3A_1288 = %while3A_1130#14, %while3A_1289 = %while3A_1130#15) -> (vector<16xf32>, vector<16xf32>, vector<16xf32>, vector<16xf32>, vector<16xf32>, vector<16xf32>, vector<16xf32>, vector<16xf32>, vector<16xf32>, vector<16xf32>, vector<16xf32>, vector<16xf32>, vector<16xf32>, vector<16xf32>, vector<16xf32>, vector<16xf32>)  : i32 {
        %add3A_1290 = arith.constant 64 : i32
        %add3A_1291 = arith.addi %add3A_1290, %while3A_1273 : i32
        %get3A_1292 = arith.index_cast %add3A_1291 : i32 to index
        %get3A_1293 = arith.constant 0 : index
        %get3A_1294 = tpu.vector_load %arg9[%get3A_1292, %get3A_1293] {strides = array<i32>} : memref<128x256xf32, #tpu.memory_space<vmem>>, vector<1x16xf32>,
        %get3A_1295 = vector.shape_cast %get3A_1294 : vector<1x16xf32> to vector<16xf32>
        %add3A_1296 = arith.addf %while3A_1274, %get3A_1295 : vector<16xf32>
        %add3A_1297 = arith.constant 64 : i32
        %add3A_1298 = arith.addi %add3A_1297, %while3A_1273 : i32
        %get3A_1299 = arith.index_cast %add3A_1298 : i32 to index
        %get3A_1300 = arith.constant 16 : index
        %get3A_1301 = tpu.vector_load %arg9[%get3A_1299, %get3A_1300] {strides = array<i32>} : memref<128x256xf32, #tpu.memory_space<vmem>>, vector<1x16xf32>,
        %get3A_1302 = vector.shape_cast %get3A_1301 : vector<1x16xf32> to vector<16xf32>
        %add3A_1303 = arith.addf %while3A_1275, %get3A_1302 : vector<16xf32>
        %add3A_1304 = arith.constant 64 : i32
        %add3A_1305 = arith.addi %add3A_1304, %while3A_1273 : i32
        %get3A_1306 = arith.index_cast %add3A_1305 : i32 to index
        %get3A_1307 = arith.constant 32 : index
        %get3A_1308 = tpu.vector_load %arg9[%get3A_1306, %get3A_1307] {strides = array<i32>} : memref<128x256xf32, #tpu.memory_space<vmem>>, vector<1x16xf32>,
        %get3A_1309 = vector.shape_cast %get3A_1308 : vector<1x16xf32> to vector<16xf32>
        %add3A_1310 = arith.addf %while3A_1276, %get3A_1309 : vector<16xf32>
        %add3A_1311 = arith.constant 64 : i32
        %add3A_1312 = arith.addi %add3A_1311, %while3A_1273 : i32
        %get3A_1313 = arith.index_cast %add3A_1312 : i32 to index
        %get3A_1314 = arith.constant 48 : index
        %get3A_1315 = tpu.vector_load %arg9[%get3A_1313, %get3A_1314] {strides = array<i32>} : memref<128x256xf32, #tpu.memory_space<vmem>>, vector<1x16xf32>,
        %get3A_1316 = vector.shape_cast %get3A_1315 : vector<1x16xf32> to vector<16xf32>
        %add3A_1317 = arith.addf %while3A_1277, %get3A_1316 : vector<16xf32>
        %add3A_1318 = arith.constant 64 : i32
        %add3A_1319 = arith.addi %add3A_1318, %while3A_1273 : i32
        %get3A_1320 = arith.index_cast %add3A_1319 : i32 to index
        %get3A_1321 = arith.constant 64 : index
        %get3A_1322 = tpu.vector_load %arg9[%get3A_1320, %get3A_1321] {strides = array<i32>} : memref<128x256xf32, #tpu.memory_space<vmem>>, vector<1x16xf32>,
        %get3A_1323 = vector.shape_cast %get3A_1322 : vector<1x16xf32> to vector<16xf32>
        %add3A_1324 = arith.addf %while3A_1278, %get3A_1323 : vector<16xf32>
        %add3A_1325 = arith.constant 64 : i32
        %add3A_1326 = arith.addi %add3A_1325, %while3A_1273 : i32
        %get3A_1327 = arith.index_cast %add3A_1326 : i32 to index
        %get3A_1328 = arith.constant 80 : index
        %get3A_1329 = tpu.vector_load %arg9[%get3A_1327, %get3A_1328] {strides = array<i32>} : memref<128x256xf32, #tpu.memory_space<vmem>>, vector<1x16xf32>,
        %get3A_1330 = vector.shape_cast %get3A_1329 : vector<1x16xf32> to vector<16xf32>
        %add3A_1331 = arith.addf %while3A_1279, %get3A_1330 : vector<16xf32>
        %add3A_1332 = arith.constant 64 : i32
        %add3A_1333 = arith.addi %add3A_1332, %while3A_1273 : i32
        %get3A_1334 = arith.index_cast %add3A_1333 : i32 to index
        %get3A_1335 = arith.constant 96 : index
        %get3A_1336 = tpu.vector_load %arg9[%get3A_1334, %get3A_1335] {strides = array<i32>} : memref<128x256xf32, #tpu.memory_space<vmem>>, vector<1x16xf32>,
        %get3A_1337 = vector.shape_cast %get3A_1336 : vector<1x16xf32> to vector<16xf32>
        %add3A_1338 = arith.addf %while3A_1280, %get3A_1337 : vector<16xf32>
        %add3A_1339 = arith.constant 64 : i32
        %add3A_1340 = arith.addi %add3A_1339, %while3A_1273 : i32
        %get3A_1341 = arith.index_cast %add3A_1340 : i32 to index
        %get3A_1342 = arith.constant 112 : index
        %get3A_1343 = tpu.vector_load %arg9[%get3A_1341, %get3A_1342] {strides = array<i32>} : memref<128x256xf32, #tpu.memory_space<vmem>>, vector<1x16xf32>,
        %get3A_1344 = vector.shape_cast %get3A_1343 : vector<1x16xf32> to vector<16xf32>
        %add3A_1345 = arith.addf %while3A_1281, %get3A_1344 : vector<16xf32>
        %add3A_1346 = arith.constant 64 : i32
        %add3A_1347 = arith.addi %add3A_1346, %while3A_1273 : i32
        %get3A_1348 = arith.index_cast %add3A_1347 : i32 to index
        %get3A_1349 = arith.constant 128 : index
        %get3A_1350 = tpu.vector_load %arg9[%get3A_1348, %get3A_1349] {strides = array<i32>} : memref<128x256xf32, #tpu.memory_space<vmem>>, vector<1x16xf32>,
        %get3A_1351 = vector.shape_cast %get3A_1350 : vector<1x16xf32> to vector<16xf32>
        %add3A_1352 = arith.addf %while3A_1282, %get3A_1351 : vector<16xf32>
        %add3A_1353 = arith.constant 64 : i32
        %add3A_1354 = arith.addi %add3A_1353, %while3A_1273 : i32
        %get3A_1355 = arith.index_cast %add3A_1354 : i32 to index
        %get3A_1356 = arith.constant 144 : index
        %get3A_1357 = tpu.vector_load %arg9[%get3A_1355, %get3A_1356] {strides = array<i32>} : memref<128x256xf32, #tpu.memory_space<vmem>>, vector<1x16xf32>,
        %get3A_1358 = vector.shape_cast %get3A_1357 : vector<1x16xf32> to vector<16xf32>
        %add3A_1359 = arith.addf %while3A_1283, %get3A_1358 : vector<16xf32>
        %add3A_1360 = arith.constant 64 : i32
        %add3A_1361 = arith.addi %add3A_1360, %while3A_1273 : i32
        %get3A_1362 = arith.index_cast %add3A_1361 : i32 to index
        %get3A_1363 = arith.constant 160 : index
        %get3A_1364 = tpu.vector_load %arg9[%get3A_1362, %get3A_1363] {strides = array<i32>} : memref<128x256xf32, #tpu.memory_space<vmem>>, vector<1x16xf32>,
        %get3A_1365 = vector.shape_cast %get3A_1364 : vector<1x16xf32> to vector<16xf32>
        %add3A_1366 = arith.addf %while3A_1284, %get3A_1365 : vector<16xf32>
        %add3A_1367 = arith.constant 64 : i32
        %add3A_1368 = arith.addi %add3A_1367, %while3A_1273 : i32
        %get3A_1369 = arith.index_cast %add3A_1368 : i32 to index
        %get3A_1370 = arith.constant 176 : index
        %get3A_1371 = tpu.vector_load %arg9[%get3A_1369, %get3A_1370] {strides = array<i32>} : memref<128x256xf32, #tpu.memory_space<vmem>>, vector<1x16xf32>,
        %get3A_1372 = vector.shape_cast %get3A_1371 : vector<1x16xf32> to vector<16xf32>
        %add3A_1373 = arith.addf %while3A_1285, %get3A_1372 : vector<16xf32>
        %add3A_1374 = arith.constant 64 : i32
        %add3A_1375 = arith.addi %add3A_1374, %while3A_1273 : i32
        %get3A_1376 = arith.index_cast %add3A_1375 : i32 to index
        %get3A_1377 = arith.constant 192 : index
        %get3A_1378 = tpu.vector_load %arg9[%get3A_1376, %get3A_1377] {strides = array<i32>} : memref<128x256xf32, #tpu.memory_space<vmem>>, vector<1x16xf32>,
        %get3A_1379 = vector.shape_cast %get3A_1378 : vector<1x16xf32> to vector<16xf32>
        %add3A_1380 = arith.addf %while3A_1286, %get3A_1379 : vector<16xf32>
        %add3A_1381 = arith.constant 64 : i32
        %add3A_1382 = arith.addi %add3A_1381, %while3A_1273 : i32
        %get3A_1383 = arith.index_cast %add3A_1382 : i32 to index
        %get3A_1384 = arith.constant 208 : index
        %get3A_1385 = tpu.vector_load %arg9[%get3A_1383, %get3A_1384] {strides = array<i32>} : memref<128x256xf32, #tpu.memory_space<vmem>>, vector<1x16xf32>,
        %get3A_1386 = vector.shape_cast %get3A_1385 : vector<1x16xf32> to vector<16xf32>
        %add3A_1387 = arith.addf %while3A_1287, %get3A_1386 : vector<16xf32>
        %add3A_1388 = arith.constant 64 : i32
        %add3A_1389 = arith.addi %add3A_1388, %while3A_1273 : i32
        %get3A_1390 = arith.index_cast %add3A_1389 : i32 to index
        %get3A_1391 = arith.constant 224 : index
        %get3A_1392 = tpu.vector_load %arg9[%get3A_1390, %get3A_1391] {strides = array<i32>} : memref<128x256xf32, #tpu.memory_space<vmem>>, vector<1x16xf32>,
        %get3A_1393 = vector.shape_cast %get3A_1392 : vector<1x16xf32> to vector<16xf32>
        %add3A_1394 = arith.addf %while3A_1288, %get3A_1393 : vector<16xf32>
        %add3A_1395 = arith.constant 64 : i32
        %add3A_1396 = arith.addi %add3A_1395, %while3A_1273 : i32
        %get3A_1397 = arith.index_cast %add3A_1396 : i32 to index
        %get3A_1398 = arith.constant 240 : index
        %get3A_1399 = tpu.vector_load %arg9[%get3A_1397, %get3A_1398] {strides = array<i32>} : memref<128x256xf32, #tpu.memory_space<vmem>>, vector<1x16xf32>,
        %get3A_1400 = vector.shape_cast %get3A_1399 : vector<1x16xf32> to vector<16xf32>
        %add3A_1401 = arith.addf %while3A_1289, %get3A_1400 : vector<16xf32>
        scf.yield %add3A_1296, %add3A_1303, %add3A_1310, %add3A_1317, %add3A_1324, %add3A_1331, %add3A_1338, %add3A_1345, %add3A_1352, %add3A_1359, %add3A_1366, %add3A_1373, %add3A_1380, %add3A_1387, %add3A_1394, %add3A_1401 : vector<16xf32>, vector<16xf32>, vector<16xf32>, vector<16xf32>, vector<16xf32>, vector<16xf32>, vector<16xf32>, vector<16xf32>, vector<16xf32>, vector<16xf32>, vector<16xf32>, vector<16xf32>, vector<16xf32>, vector<16xf32>, vector<16xf32>, vector<16xf32>
      }
      %while3A_1143 = arith.constant 1 : i32
      %while3A_1144:16 = scf.for %while3A_1273 = %while3A_1140 to %while3A_1136 step %while3A_1143 iter_args(%while3A_1274 = %while3A_1142#0, %while3A_1275 = %while3A_1142#1, %while3A_1276 = %while3A_1142#2, %while3A_1277 = %while3A_1142#3, %while3A_1278 = %while3A_1142#4, %while3A_1279 = %while3A_1142#5, %while3A_1280 = %while3A_1142#6, %while3A_1281 = %while3A_1142#7, %while3A_1282 = %while3A_1142#8, %while3A_1283 = %while3A_1142#9, %while3A_1284 = %while3A_1142#10, %while3A_1285 = %while3A_1142#11, %while3A_1286 = %while3A_1142#12, %while3A_1287 = %while3A_1142#13, %while3A_1288 = %while3A_1142#14, %while3A_1289 = %while3A_1142#15) -> (vector<16xf32>, vector<16xf32>, vector<16xf32>, vector<16xf32>, vector<16xf32>, vector<16xf32>, vector<16xf32>, vector<16xf32>, vector<16xf32>, vector<16xf32>, vector<16xf32>, vector<16xf32>, vector<16xf32>, vector<16xf32>, vector<16xf32>, vector<16xf32>)  : i32 {
        %add3A_1290 = arith.constant 64 : i32
        %add3A_1291 = arith.addi %add3A_1290, %while3A_1273 : i32
        %get3A_1292 = arith.index_cast %add3A_1291 : i32 to index
        %get3A_1293 = arith.constant 0 : index
        %get3A_1294 = tpu.vector_load %arg9[%get3A_1292, %get3A_1293] {strides = array<i32>} : memref<128x256xf32, #tpu.memory_space<vmem>>, vector<1x16xf32>,
        %get3A_1295 = vector.shape_cast %get3A_1294 : vector<1x16xf32> to vector<16xf32>
        %add3A_1296 = arith.addf %while3A_1274, %get3A_1295 : vector<16xf32>
        %add3A_1297 = arith.constant 64 : i32
        %add3A_1298 = arith.addi %add3A_1297, %while3A_1273 : i32
        %get3A_1299 = arith.index_cast %add3A_1298 : i32 to index
        %get3A_1300 = arith.constant 16 : index
        %get3A_1301 = tpu.vector_load %arg9[%get3A_1299, %get3A_1300] {strides = array<i32>} : memref<128x256xf32, #tpu.memory_space<vmem>>, vector<1x16xf32>,
        %get3A_1302 = vector.shape_cast %get3A_1301 : vector<1x16xf32> to vector<16xf32>
        %add3A_1303 = arith.addf %while3A_1275, %get3A_1302 : vector<16xf32>
        %add3A_1304 = arith.constant 64 : i32
        %add3A_1305 = arith.addi %add3A_1304, %while3A_1273 : i32
        %get3A_1306 = arith.index_cast %add3A_1305 : i32 to index
        %get3A_1307 = arith.constant 32 : index
        %get3A_1308 = tpu.vector_load %arg9[%get3A_1306, %get3A_1307] {strides = array<i32>} : memref<128x256xf32, #tpu.memory_space<vmem>>, vector<1x16xf32>,
        %get3A_1309 = vector.shape_cast %get3A_1308 : vector<1x16xf32> to vector<16xf32>
        %add3A_1310 = arith.addf %while3A_1276, %get3A_1309 : vector<16xf32>
        %add3A_1311 = arith.constant 64 : i32
        %add3A_1312 = arith.addi %add3A_1311, %while3A_1273 : i32
        %get3A_1313 = arith.index_cast %add3A_1312 : i32 to index
        %get3A_1314 = arith.constant 48 : index
        %get3A_1315 = tpu.vector_load %arg9[%get3A_1313, %get3A_1314] {strides = array<i32>} : memref<128x256xf32, #tpu.memory_space<vmem>>, vector<1x16xf32>,
        %get3A_1316 = vector.shape_cast %get3A_1315 : vector<1x16xf32> to vector<16xf32>
        %add3A_1317 = arith.addf %while3A_1277, %get3A_1316 : vector<16xf32>
        %add3A_1318 = arith.constant 64 : i32
        %add3A_1319 = arith.addi %add3A_1318, %while3A_1273 : i32
        %get3A_1320 = arith.index_cast %add3A_1319 : i32 to index
        %get3A_1321 = arith.constant 64 : index
        %get3A_1322 = tpu.vector_load %arg9[%get3A_1320, %get3A_1321] {strides = array<i32>} : memref<128x256xf32, #tpu.memory_space<vmem>>, vector<1x16xf32>,
        %get3A_1323 = vector.shape_cast %get3A_1322 : vector<1x16xf32> to vector<16xf32>
        %add3A_1324 = arith.addf %while3A_1278, %get3A_1323 : vector<16xf32>
        %add3A_1325 = arith.constant 64 : i32
        %add3A_1326 = arith.addi %add3A_1325, %while3A_1273 : i32
        %get3A_1327 = arith.index_cast %add3A_1326 : i32 to index
        %get3A_1328 = arith.constant 80 : index
        %get3A_1329 = tpu.vector_load %arg9[%get3A_1327, %get3A_1328] {strides = array<i32>} : memref<128x256xf32, #tpu.memory_space<vmem>>, vector<1x16xf32>,
        %get3A_1330 = vector.shape_cast %get3A_1329 : vector<1x16xf32> to vector<16xf32>
        %add3A_1331 = arith.addf %while3A_1279, %get3A_1330 : vector<16xf32>
        %add3A_1332 = arith.constant 64 : i32
        %add3A_1333 = arith.addi %add3A_1332, %while3A_1273 : i32
        %get3A_1334 = arith.index_cast %add3A_1333 : i32 to index
        %get3A_1335 = arith.constant 96 : index
        %get3A_1336 = tpu.vector_load %arg9[%get3A_1334, %get3A_1335] {strides = array<i32>} : memref<128x256xf32, #tpu.memory_space<vmem>>, vector<1x16xf32>,
        %get3A_1337 = vector.shape_cast %get3A_1336 : vector<1x16xf32> to vector<16xf32>
        %add3A_1338 = arith.addf %while3A_1280, %get3A_1337 : vector<16xf32>
        %add3A_1339 = arith.constant 64 : i32
        %add3A_1340 = arith.addi %add3A_1339, %while3A_1273 : i32
        %get3A_1341 = arith.index_cast %add3A_1340 : i32 to index
        %get3A_1342 = arith.constant 112 : index
        %get3A_1343 = tpu.vector_load %arg9[%get3A_1341, %get3A_1342] {strides = array<i32>} : memref<128x256xf32, #tpu.memory_space<vmem>>, vector<1x16xf32>,
        %get3A_1344 = vector.shape_cast %get3A_1343 : vector<1x16xf32> to vector<16xf32>
        %add3A_1345 = arith.addf %while3A_1281, %get3A_1344 : vector<16xf32>
        %add3A_1346 = arith.constant 64 : i32
        %add3A_1347 = arith.addi %add3A_1346, %while3A_1273 : i32
        %get3A_1348 = arith.index_cast %add3A_1347 : i32 to index
        %get3A_1349 = arith.constant 128 : index
        %get3A_1350 = tpu.vector_load %arg9[%get3A_1348, %get3A_1349] {strides = array<i32>} : memref<128x256xf32, #tpu.memory_space<vmem>>, vector<1x16xf32>,
        %get3A_1351 = vector.shape_cast %get3A_1350 : vector<1x16xf32> to vector<16xf32>
        %add3A_1352 = arith.addf %while3A_1282, %get3A_1351 : vector<16xf32>
        %add3A_1353 = arith.constant 64 : i32
        %add3A_1354 = arith.addi %add3A_1353, %while3A_1273 : i32
        %get3A_1355 = arith.index_cast %add3A_1354 : i32 to index
        %get3A_1356 = arith.constant 144 : index
        %get3A_1357 = tpu.vector_load %arg9[%get3A_1355, %get3A_1356] {strides = array<i32>} : memref<128x256xf32, #tpu.memory_space<vmem>>, vector<1x16xf32>,
        %get3A_1358 = vector.shape_cast %get3A_1357 : vector<1x16xf32> to vector<16xf32>
        %add3A_1359 = arith.addf %while3A_1283, %get3A_1358 : vector<16xf32>
        %add3A_1360 = arith.constant 64 : i32
        %add3A_1361 = arith.addi %add3A_1360, %while3A_1273 : i32
        %get3A_1362 = arith.index_cast %add3A_1361 : i32 to index
        %get3A_1363 = arith.constant 160 : index
        %get3A_1364 = tpu.vector_load %arg9[%get3A_1362, %get3A_1363] {strides = array<i32>} : memref<128x256xf32, #tpu.memory_space<vmem>>, vector<1x16xf32>,
        %get3A_1365 = vector.shape_cast %get3A_1364 : vector<1x16xf32> to vector<16xf32>
        %add3A_1366 = arith.addf %while3A_1284, %get3A_1365 : vector<16xf32>
        %add3A_1367 = arith.constant 64 : i32
        %add3A_1368 = arith.addi %add3A_1367, %while3A_1273 : i32
        %get3A_1369 = arith.index_cast %add3A_1368 : i32 to index
        %get3A_1370 = arith.constant 176 : index
        %get3A_1371 = tpu.vector_load %arg9[%get3A_1369, %get3A_1370] {strides = array<i32>} : memref<128x256xf32, #tpu.memory_space<vmem>>, vector<1x16xf32>,
        %get3A_1372 = vector.shape_cast %get3A_1371 : vector<1x16xf32> to vector<16xf32>
        %add3A_1373 = arith.addf %while3A_1285, %get3A_1372 : vector<16xf32>
        %add3A_1374 = arith.constant 64 : i32
        %add3A_1375 = arith.addi %add3A_1374, %while3A_1273 : i32
        %get3A_1376 = arith.index_cast %add3A_1375 : i32 to index
        %get3A_1377 = arith.constant 192 : index
        %get3A_1378 = tpu.vector_load %arg9[%get3A_1376, %get3A_1377] {strides = array<i32>} : memref<128x256xf32, #tpu.memory_space<vmem>>, vector<1x16xf32>,
        %get3A_1379 = vector.shape_cast %get3A_1378 : vector<1x16xf32> to vector<16xf32>
        %add3A_1380 = arith.addf %while3A_1286, %get3A_1379 : vector<16xf32>
        %add3A_1381 = arith.constant 64 : i32
        %add3A_1382 = arith.addi %add3A_1381, %while3A_1273 : i32
        %get3A_1383 = arith.index_cast %add3A_1382 : i32 to index
        %get3A_1384 = arith.constant 208 : index
        %get3A_1385 = tpu.vector_load %arg9[%get3A_1383, %get3A_1384] {strides = array<i32>} : memref<128x256xf32, #tpu.memory_space<vmem>>, vector<1x16xf32>,
        %get3A_1386 = vector.shape_cast %get3A_1385 : vector<1x16xf32> to vector<16xf32>
        %add3A_1387 = arith.addf %while3A_1287, %get3A_1386 : vector<16xf32>
        %add3A_1388 = arith.constant 64 : i32
        %add3A_1389 = arith.addi %add3A_1388, %while3A_1273 : i32
        %get3A_1390 = arith.index_cast %add3A_1389 : i32 to index
        %get3A_1391 = arith.constant 224 : index
        %get3A_1392 = tpu.vector_load %arg9[%get3A_1390, %get3A_1391] {strides = array<i32>} : memref<128x256xf32, #tpu.memory_space<vmem>>, vector<1x16xf32>,
        %get3A_1393 = vector.shape_cast %get3A_1392 : vector<1x16xf32> to vector<16xf32>
        %add3A_1394 = arith.addf %while3A_1288, %get3A_1393 : vector<16xf32>
        %add3A_1395 = arith.constant 64 : i32
        %add3A_1396 = arith.addi %add3A_1395, %while3A_1273 : i32
        %get3A_1397 = arith.index_cast %add3A_1396 : i32 to index
        %get3A_1398 = arith.constant 240 : index
        %get3A_1399 = tpu.vector_load %arg9[%get3A_1397, %get3A_1398] {strides = array<i32>} : memref<128x256xf32, #tpu.memory_space<vmem>>, vector<1x16xf32>,
        %get3A_1400 = vector.shape_cast %get3A_1399 : vector<1x16xf32> to vector<16xf32>
        %add3A_1401 = arith.addf %while3A_1289, %get3A_1400 : vector<16xf32>
        scf.yield %add3A_1296, %add3A_1303, %add3A_1310, %add3A_1317, %add3A_1324, %add3A_1331, %add3A_1338, %add3A_1345, %add3A_1352, %add3A_1359, %add3A_1366, %add3A_1373, %add3A_1380, %add3A_1387, %add3A_1394, %add3A_1401 : vector<16xf32>, vector<16xf32>, vector<16xf32>, vector<16xf32>, vector<16xf32>, vector<16xf32>, vector<16xf32>, vector<16xf32>, vector<16xf32>, vector<16xf32>, vector<16xf32>, vector<16xf32>, vector<16xf32>, vector<16xf32>, vector<16xf32>, vector<16xf32>
      }
      %mul3A_1145 = arith.constant 256 : i32
      %mul3A_1146 = arith.muli %add3A_1006, %mul3A_1145 : i32
      %add3A_1147 = arith.constant 0 : i32
      %add3A_1148 = arith.addi %mul3A_1146, %add3A_1147 : i32
      %swap3A_1149 = arith.index_cast %add3A_1148 : i32 to index
      %swap3A_1150 = tpu.vector_load %arg10[%swap3A_1149] {strides = array<i32>} : memref<32768xf32, #tpu.memory_space<vmem>>, vector<16xf32>,
      %swap3A_1151 = vector.shape_cast %swap3A_1150 : vector<16xf32> to vector<16xf32>
      %swap3A_1152 = vector.shape_cast %while3A_1144#0 : vector<16xf32> to vector<16xf32>
      tpu.vector_store %arg10[%swap3A_1149], %swap3A_1152 {strides = array<i32>} : memref<32768xf32, #tpu.memory_space<vmem>>, vector<16xf32>,
      %mul3A_1153 = arith.constant 256 : i32
      %mul3A_1154 = arith.muli %add3A_1006, %mul3A_1153 : i32
      %add3A_1155 = arith.constant 16 : i32
      %add3A_1156 = arith.addi %mul3A_1154, %add3A_1155 : i32
      %swap3A_1157 = arith.index_cast %add3A_1156 : i32 to index
      %swap3A_1158 = tpu.vector_load %arg10[%swap3A_1157] {strides = array<i32>} : memref<32768xf32, #tpu.memory_space<vmem>>, vector<16xf32>,
      %swap3A_1159 = vector.shape_cast %swap3A_1158 : vector<16xf32> to vector<16xf32>
      %swap3A_1160 = vector.shape_cast %while3A_1144#1 : vector<16xf32> to vector<16xf32>
      tpu.vector_store %arg10[%swap3A_1157], %swap3A_1160 {strides = array<i32>} : memref<32768xf32, #tpu.memory_space<vmem>>, vector<16xf32>,
      %mul3A_1161 = arith.constant 256 : i32
      %mul3A_1162 = arith.muli %add3A_1006, %mul3A_1161 : i32
      %add3A_1163 = arith.constant 32 : i32
      %add3A_1164 = arith.addi %mul3A_1162, %add3A_1163 : i32
      %swap3A_1165 = arith.index_cast %add3A_1164 : i32 to index
      %swap3A_1166 = tpu.vector_load %arg10[%swap3A_1165] {strides = array<i32>} : memref<32768xf32, #tpu.memory_space<vmem>>, vector<16xf32>,
      %swap3A_1167 = vector.shape_cast %swap3A_1166 : vector<16xf32> to vector<16xf32>
      %swap3A_1168 = vector.shape_cast %while3A_1144#2 : vector<16xf32> to vector<16xf32>
      tpu.vector_store %arg10[%swap3A_1165], %swap3A_1168 {strides = array<i32>} : memref<32768xf32, #tpu.memory_space<vmem>>, vector<16xf32>,
      %mul3A_1169 = arith.constant 256 : i32
      %mul3A_1170 = arith.muli %add3A_1006, %mul3A_1169 : i32
      %add3A_1171 = arith.constant 48 : i32
      %add3A_1172 = arith.addi %mul3A_1170, %add3A_1171 : i32
      %swap3A_1173 = arith.index_cast %add3A_1172 : i32 to index
      %swap3A_1174 = tpu.vector_load %arg10[%swap3A_1173] {strides = array<i32>} : memref<32768xf32, #tpu.memory_space<vmem>>, vector<16xf32>,
      %swap3A_1175 = vector.shape_cast %swap3A_1174 : vector<16xf32> to vector<16xf32>
      %swap3A_1176 = vector.shape_cast %while3A_1144#3 : vector<16xf32> to vector<16xf32>
      tpu.vector_store %arg10[%swap3A_1173], %swap3A_1176 {strides = array<i32>} : memref<32768xf32, #tpu.memory_space<vmem>>, vector<16xf32>,
      %mul3A_1177 = arith.constant 256 : i32
      %mul3A_1178 = arith.muli %add3A_1006, %mul3A_1177 : i32
      %add3A_1179 = arith.constant 64 : i32
      %add3A_1180 = arith.addi %mul3A_1178, %add3A_1179 : i32
      %swap3A_1181 = arith.index_cast %add3A_1180 : i32 to index
      %swap3A_1182 = tpu.vector_load %arg10[%swap3A_1181] {strides = array<i32>} : memref<32768xf32, #tpu.memory_space<vmem>>, vector<16xf32>,
      %swap3A_1183 = vector.shape_cast %swap3A_1182 : vector<16xf32> to vector<16xf32>
      %swap3A_1184 = vector.shape_cast %while3A_1144#4 : vector<16xf32> to vector<16xf32>
      tpu.vector_store %arg10[%swap3A_1181], %swap3A_1184 {strides = array<i32>} : memref<32768xf32, #tpu.memory_space<vmem>>, vector<16xf32>,
      %mul3A_1185 = arith.constant 256 : i32
      %mul3A_1186 = arith.muli %add3A_1006, %mul3A_1185 : i32
      %add3A_1187 = arith.constant 80 : i32
      %add3A_1188 = arith.addi %mul3A_1186, %add3A_1187 : i32
      %swap3A_1189 = arith.index_cast %add3A_1188 : i32 to index
      %swap3A_1190 = tpu.vector_load %arg10[%swap3A_1189] {strides = array<i32>} : memref<32768xf32, #tpu.memory_space<vmem>>, vector<16xf32>,
      %swap3A_1191 = vector.shape_cast %swap3A_1190 : vector<16xf32> to vector<16xf32>
      %swap3A_1192 = vector.shape_cast %while3A_1144#5 : vector<16xf32> to vector<16xf32>
      tpu.vector_store %arg10[%swap3A_1189], %swap3A_1192 {strides = array<i32>} : memref<32768xf32, #tpu.memory_space<vmem>>, vector<16xf32>,
      %mul3A_1193 = arith.constant 256 : i32
      %mul3A_1194 = arith.muli %add3A_1006, %mul3A_1193 : i32
      %add3A_1195 = arith.constant 96 : i32
      %add3A_1196 = arith.addi %mul3A_1194, %add3A_1195 : i32
      %swap3A_1197 = arith.index_cast %add3A_1196 : i32 to index
      %swap3A_1198 = tpu.vector_load %arg10[%swap3A_1197] {strides = array<i32>} : memref<32768xf32, #tpu.memory_space<vmem>>, vector<16xf32>,
      %swap3A_1199 = vector.shape_cast %swap3A_1198 : vector<16xf32> to vector<16xf32>
      %swap3A_1200 = vector.shape_cast %while3A_1144#6 : vector<16xf32> to vector<16xf32>
      tpu.vector_store %arg10[%swap3A_1197], %swap3A_1200 {strides = array<i32>} : memref<32768xf32, #tpu.memory_space<vmem>>, vector<16xf32>,
      %mul3A_1201 = arith.constant 256 : i32
      %mul3A_1202 = arith.muli %add3A_1006, %mul3A_1201 : i32
      %add3A_1203 = arith.constant 112 : i32
      %add3A_1204 = arith.addi %mul3A_1202, %add3A_1203 : i32
      %swap3A_1205 = arith.index_cast %add3A_1204 : i32 to index
      %swap3A_1206 = tpu.vector_load %arg10[%swap3A_1205] {strides = array<i32>} : memref<32768xf32, #tpu.memory_space<vmem>>, vector<16xf32>,
      %swap3A_1207 = vector.shape_cast %swap3A_1206 : vector<16xf32> to vector<16xf32>
      %swap3A_1208 = vector.shape_cast %while3A_1144#7 : vector<16xf32> to vector<16xf32>
      tpu.vector_store %arg10[%swap3A_1205], %swap3A_1208 {strides = array<i32>} : memref<32768xf32, #tpu.memory_space<vmem>>, vector<16xf32>,
      %mul3A_1209 = arith.constant 256 : i32
      %mul3A_1210 = arith.muli %add3A_1006, %mul3A_1209 : i32
      %add3A_1211 = arith.constant 128 : i32
      %add3A_1212 = arith.addi %mul3A_1210, %add3A_1211 : i32
      %swap3A_1213 = arith.index_cast %add3A_1212 : i32 to index
      %swap3A_1214 = tpu.vector_load %arg10[%swap3A_1213] {strides = array<i32>} : memref<32768xf32, #tpu.memory_space<vmem>>, vector<16xf32>,
      %swap3A_1215 = vector.shape_cast %swap3A_1214 : vector<16xf32> to vector<16xf32>
      %swap3A_1216 = vector.shape_cast %while3A_1144#8 : vector<16xf32> to vector<16xf32>
      tpu.vector_store %arg10[%swap3A_1213], %swap3A_1216 {strides = array<i32>} : memref<32768xf32, #tpu.memory_space<vmem>>, vector<16xf32>,
      %mul3A_1217 = arith.constant 256 : i32
      %mul3A_1218 = arith.muli %add3A_1006, %mul3A_1217 : i32
      %add3A_1219 = arith.constant 144 : i32
      %add3A_1220 = arith.addi %mul3A_1218, %add3A_1219 : i32
      %swap3A_1221 = arith.index_cast %add3A_1220 : i32 to index
      %swap3A_1222 = tpu.vector_load %arg10[%swap3A_1221] {strides = array<i32>} : memref<32768xf32, #tpu.memory_space<vmem>>, vector<16xf32>,
      %swap3A_1223 = vector.shape_cast %swap3A_1222 : vector<16xf32> to vector<16xf32>
      %swap3A_1224 = vector.shape_cast %while3A_1144#9 : vector<16xf32> to vector<16xf32>
      tpu.vector_store %arg10[%swap3A_1221], %swap3A_1224 {strides = array<i32>} : memref<32768xf32, #tpu.memory_space<vmem>>, vector<16xf32>,
      %mul3A_1225 = arith.constant 256 : i32
      %mul3A_1226 = arith.muli %add3A_1006, %mul3A_1225 : i32
      %add3A_1227 = arith.constant 160 : i32
      %add3A_1228 = arith.addi %mul3A_1226, %add3A_1227 : i32
      %swap3A_1229 = arith.index_cast %add3A_1228 : i32 to index
      %swap3A_1230 = tpu.vector_load %arg10[%swap3A_1229] {strides = array<i32>} : memref<32768xf32, #tpu.memory_space<vmem>>, vector<16xf32>,
      %swap3A_1231 = vector.shape_cast %swap3A_1230 : vector<16xf32> to vector<16xf32>
      %swap3A_1232 = vector.shape_cast %while3A_1144#10 : vector<16xf32> to vector<16xf32>
      tpu.vector_store %arg10[%swap3A_1229], %swap3A_1232 {strides = array<i32>} : memref<32768xf32, #tpu.memory_space<vmem>>, vector<16xf32>,
      %mul3A_1233 = arith.constant 256 : i32
      %mul3A_1234 = arith.muli %add3A_1006, %mul3A_1233 : i32
      %add3A_1235 = arith.constant 176 : i32
      %add3A_1236 = arith.addi %mul3A_1234, %add3A_1235 : i32
      %swap3A_1237 = arith.index_cast %add3A_1236 : i32 to index
      %swap3A_1238 = tpu.vector_load %arg10[%swap3A_1237] {strides = array<i32>} : memref<32768xf32, #tpu.memory_space<vmem>>, vector<16xf32>,
      %swap3A_1239 = vector.shape_cast %swap3A_1238 : vector<16xf32> to vector<16xf32>
      %swap3A_1240 = vector.shape_cast %while3A_1144#11 : vector<16xf32> to vector<16xf32>
      tpu.vector_store %arg10[%swap3A_1237], %swap3A_1240 {strides = array<i32>} : memref<32768xf32, #tpu.memory_space<vmem>>, vector<16xf32>,
      %mul3A_1241 = arith.constant 256 : i32
      %mul3A_1242 = arith.muli %add3A_1006, %mul3A_1241 : i32
      %add3A_1243 = arith.constant 192 : i32
      %add3A_1244 = arith.addi %mul3A_1242, %add3A_1243 : i32
      %swap3A_1245 = arith.index_cast %add3A_1244 : i32 to index
      %swap3A_1246 = tpu.vector_load %arg10[%swap3A_1245] {strides = array<i32>} : memref<32768xf32, #tpu.memory_space<vmem>>, vector<16xf32>,
      %swap3A_1247 = vector.shape_cast %swap3A_1246 : vector<16xf32> to vector<16xf32>
      %swap3A_1248 = vector.shape_cast %while3A_1144#12 : vector<16xf32> to vector<16xf32>
      tpu.vector_store %arg10[%swap3A_1245], %swap3A_1248 {strides = array<i32>} : memref<32768xf32, #tpu.memory_space<vmem>>, vector<16xf32>,
      %mul3A_1249 = arith.constant 256 : i32
      %mul3A_1250 = arith.muli %add3A_1006, %mul3A_1249 : i32
      %add3A_1251 = arith.constant 208 : i32
      %add3A_1252 = arith.addi %mul3A_1250, %add3A_1251 : i32
      %swap3A_1253 = arith.index_cast %add3A_1252 : i32 to index
      %swap3A_1254 = tpu.vector_load %arg10[%swap3A_1253] {strides = array<i32>} : memref<32768xf32, #tpu.memory_space<vmem>>, vector<16xf32>,
      %swap3A_1255 = vector.shape_cast %swap3A_1254 : vector<16xf32> to vector<16xf32>
      %swap3A_1256 = vector.shape_cast %while3A_1144#13 : vector<16xf32> to vector<16xf32>
      tpu.vector_store %arg10[%swap3A_1253], %swap3A_1256 {strides = array<i32>} : memref<32768xf32, #tpu.memory_space<vmem>>, vector<16xf32>,
      %mul3A_1257 = arith.constant 256 : i32
      %mul3A_1258 = arith.muli %add3A_1006, %mul3A_1257 : i32
      %add3A_1259 = arith.constant 224 : i32
      %add3A_1260 = arith.addi %mul3A_1258, %add3A_1259 : i32
      %swap3A_1261 = arith.index_cast %add3A_1260 : i32 to index
      %swap3A_1262 = tpu.vector_load %arg10[%swap3A_1261] {strides = array<i32>} : memref<32768xf32, #tpu.memory_space<vmem>>, vector<16xf32>,
      %swap3A_1263 = vector.shape_cast %swap3A_1262 : vector<16xf32> to vector<16xf32>
      %swap3A_1264 = vector.shape_cast %while3A_1144#14 : vector<16xf32> to vector<16xf32>
      tpu.vector_store %arg10[%swap3A_1261], %swap3A_1264 {strides = array<i32>} : memref<32768xf32, #tpu.memory_space<vmem>>, vector<16xf32>,
      %mul3A_1265 = arith.constant 256 : i32
      %mul3A_1266 = arith.muli %add3A_1006, %mul3A_1265 : i32
      %add3A_1267 = arith.constant 240 : i32
      %add3A_1268 = arith.addi %mul3A_1266, %add3A_1267 : i32
      %swap3A_1269 = arith.index_cast %add3A_1268 : i32 to index
      %swap3A_1270 = tpu.vector_load %arg10[%swap3A_1269] {strides = array<i32>} : memref<32768xf32, #tpu.memory_space<vmem>>, vector<16xf32>,
      %swap3A_1271 = vector.shape_cast %swap3A_1270 : vector<16xf32> to vector<16xf32>
      %swap3A_1272 = vector.shape_cast %while3A_1144#15 : vector<16xf32> to vector<16xf32>
      tpu.vector_store %arg10[%swap3A_1269], %swap3A_1272 {strides = array<i32>} : memref<32768xf32, #tpu.memory_space<vmem>>, vector<16xf32>,
    }
    %scan3A_40 = arith.constant 32 : i32
    %mul3A_41 = arith.constant 256 : i32
    %mul3A_42 = arith.muli %mul3A_2, %mul3A_41 : i32
    "tpu.region"() ({
      %run_scoped3A = tpu.sem_alloc : memref<!tpu.dma_semaphore, #tpu.memory_space<semaphore_mem>>
      %dma_start3A_43 = tpu.memref_slice %arg5[%mul3A_42] : memref<1048576xf32, #tpu.memory_space<hbm>> -> memref<32768xf32, #tpu.memory_space<hbm>>
      %dma_start3A_44 = tpu.memref_slice %arg5[%mul3A_42] : memref<1048576xf32, #tpu.memory_space<hbm>> -> memref<32768xf32, #tpu.memory_space<hbm>>
      tpu.enqueue_dma source(%arg10 : memref<32768xf32, #tpu.memory_space<vmem>>) target(%dma_start3A_44 : memref<32768xf32, #tpu.memory_space<hbm>>) target_semaphore(%run_scoped3A : memref<!tpu.dma_semaphore, #tpu.memory_space<semaphore_mem>>)
      %dma_wait3A = tpu.memref_slice %arg5[%mul3A_42] : memref<1048576xf32, #tpu.memory_space<hbm>> -> memref<32768xf32, #tpu.memory_space<hbm>>
      %dma_wait3A_45 = tpu.memref_slice %arg5[%mul3A_42] : memref<1048576xf32, #tpu.memory_space<hbm>> -> memref<32768xf32, #tpu.memory_space<hbm>>
      tpu.wait_dma2 semaphore(%run_scoped3A : memref<!tpu.dma_semaphore, #tpu.memory_space<semaphore_mem>>) src(%arg10 : memref<32768xf32, #tpu.memory_space<vmem>>) dst(%dma_wait3A_45 : memref<32768xf32, #tpu.memory_space<hbm>>)
      tpu.yield
    }) : () -> ()
    return
  }
}

</mosaic_0001>

<sc_bundles>
// kernel: kernel.3.cloned.1.call-start
scs
__scs_entry_jumppad:
0x0: {  	(pc) =	sbr.rel $0x88, $3  }
0x1: {  	(tag) =	ssettag $0x0;
	lr =	simm.s32 $0x1  }
0x2: {  	[smem:$0x3F9E] =	sst lr;
	_ =	strace $0xD0000000  }
0x3: {  	_ = 	snop  }
0x4: {  	_ = 	snop  }
0x5: {  	_ = 	snop  }
0x6: {  	_ = 	snop  }
0x7: {  	_ = 	snop  }
__scs_overlays_trampoline_lowered:
0x8: {  	[smem:$0x3FAD] =	sst s0  }
0x9: {  	[smem:$0x3FAE] =	sst s1  }
0xa: {  	[smem:$0x3FAF] =	sst s2  }
0xb: {  	[smem:$0x3FB0] =	sst s3  }
0xc: {  	[smem:$0x3FB1] =	sst s4  }
0xd: {  	[smem:$0x3FB2] =	sst s5  }
0xe: {  	[smem:$0x3FB3] =	sst s6  }
0xf: {  	[smem:$0x3FB4] =	sst s7  }
0x10: {  	[smem:$0x3FB5] =	sst s8  }
0x11: {  	[smem:$0x3FB6] =	sst s9;
	s0 =	simm.s32 @!p0 $0x0  }
0x12: {  	s1 =	sld [smem:$0x3F9C];
	s0 =	simm.s32 @p0 $0x1  }
0x13: {  	[smem:$0x3FB7] =	sst s0;
	s0 =	simm.s32 @!p1 $0x0  }
0x14: {  	s2 =	sld [smem:$0x3F9B];
	s0 =	simm.s32 @p1 $0x1  }
0x15: {  	[smem:$0x3FB8] =	sst s0;
	s0 =	simm.s32 @!p2 $0x0  }
0x16: {  	s3 =	sld [smem:$0x3FDB];
	s0 =	simm.s32 @p2 $0x1  }
0x17: {  	s4 =	simm.s32 $0x1BF5;
	[smem:$0x3FBA] =	sst s0  }
0x18: {  	s0 =	sld [smem:$0x3F9D];
	_ =	swait.ge [sflag:s4], $0x0  }
0x19: {  	s7 =	sld [smem:$0x3F9E]  }
0x1a: {  	s8 =	sadd.s32 $0xFFFFE003, lr  }
0x1b: {  	s9 =	sadd.s32 $0xFFFFFEF7, lr;
	s5 =	simm.s32 $0xFFFFFFFF;
	p2 =	slt.u32 s8, $0xFFFFF086  }
0x1c: {  	p1 =	slt.u32 s9, $0xF7A;
	s5 =	simm.s32 @!p2 $0x0  }
0x1d: {  	s5 =	simm.s32 @p1 $0x1;
	p0 =	seq.s32 s7, s2  }
0x1e: {  	s7 =	smul.u32 @!p0 $0xF7A, s2;
	p2 =	seq.s32 @!p0 s5, $0x0  }
0x1f: {  	s9 =	smul.u32 $0xF7A, s1;
	s8 =	simm.s32 @!p0 $0x1BF5;
	p2 =	por !p2, p0  }
0x20: {  	[sflag:s8] =	ssyncset.s32 @!p0 $0xFFFFF086;
	s6 =	sadd.s32 @!p0 s3, s7;
	s7 =	simm.s32 @!p0 $0x108  }
0x21: {  	s3 =	sadd.s32 s3, s9;
	s6 =	sadd.s32 @!p0 $0x88, s6;
	s7 =	simm.s32 @p2 $0x1082  }
0x22: {  	[simem:s7], [sflag:s8] =	dma.local @!p0 [hbm:s6], $0xF7A  }
0x23: {  	s9 =	sor.u32 $0xD0000000, s2;
	s6 =	simm.s32 $0x108;
	_ =	swait.ge @!p0 [sflag:s8], $0x0  }
0x24: {  	s3 =	sadd.s32 $0x88, s3;
	s6 =	simm.s32 @!p1 $0x1082;
	[sflag:s4] =	ssyncset.s32 $0xFFFFF086  }
0x25: {  	[simem:s6], [sflag:s4] =	dma.local [hbm:s3], $0xF7A  }
0x26: {  	[smem:$0x3F9E] =	sst s1;
	(tag) =	ssettag s2;
	_ =	strace s9  }
0x27: {  	s1 =	sld [smem:$0x3FAE]  }
0x28: {  	s2 =	sld [smem:$0x3FAF]  }
0x29: {  	s4 =	sld [smem:$0x3FB1]  }
0x2a: {  	p0 =	seq.s32 s5, $0x0;
	s5 =	sld [smem:$0x3FB2]  }
0x2b: {  	s6 =	sld [smem:$0x3FB3]  }
0x2c: {  	s7 =	sld [smem:$0x3FB4]  }
0x2d: {  	s3 =	simm.s32 $0x108;
	s8 =	sld [smem:$0x3FB5]  }
0x2e: {  	s3 =	simm.s32 @!p0 $0x1082;
	s9 =	sld [smem:$0x3FB6]  }
0x2f: {  	lr =	sadd.s32 s0, s3;
	s0 =	sld [smem:$0x3FAD]  }
0x30: {  	s3 =	sld [smem:$0x3FB0]  }
0x31: {  	[smem:$0x3FB9] =	sst s10  }
0x32: {  	s10 =	sld [smem:$0x3FB7];
	_ =	sdelay $0x3  }
0x33: {  	p0 =	seq.s32 s10, $0x1;
	s10 =	sld [smem:$0x3FB9];
	_ =	sdelay $0x3  }
0x34: {  	[smem:$0x3FB9] =	sst s10  }
0x35: {  	s10 =	sld [smem:$0x3FB8];
	_ =	sdelay $0x3  }
0x36: {  	p1 =	seq.s32 s10, $0x1;
	s10 =	sld [smem:$0x3FB9];
	_ =	sdelay $0x3  }
0x37: {  	[smem:$0x3FB9] =	sst s10  }
0x38: {  	s10 =	sld [smem:$0x3FBA]  }
0x39: {  	_ = 	snop;
	(pc) =	sbr.ind lr, $3  }
0x3a: {  	_ = 	snop  }
0x3b: {  	_ = 	snop  }
0x3c: {  	p2 =	seq.s32 s10, $0x1;
	s10 =	sld [smem:$0x3FB9]  }
0x3d: {  	_ =	shalt  }
0x3e: {  	_ =	shalt  }
0x3f: {  	_ =	shalt  }
0x40: {  	_ =	shalt  }
0x41: {  	_ =	shalt  }
0x42: {  	_ =	shalt  }
0x43: {  	_ =	shalt  }
0x44: {  	_ =	shalt  }
0x45: {  	_ =	shalt  }
0x46: {  	_ =	shalt  }
0x47: {  	_ =	shalt  }
0x48: {  	_ =	shalt  }
0x49: {  	_ =	shalt  }
0x4a: {  	_ =	shalt  }
0x4b: {  	_ =	shalt  }
0x4c: {  	_ =	shalt  }
0x4d: {  	_ =	shalt  }
0x4e: {  	_ =	shalt  }
0x4f: {  	_ =	shalt  }
0x50: {  	_ =	shalt  }
0x51: {  	_ =	shalt  }
0x52: {  	_ =	shalt  }
0x53: {  	_ =	shalt  }
0x54: {  	_ =	shalt  }
0x55: {  	_ =	shalt  }
0x56: {  	_ =	shalt  }
0x57: {  	_ =	shalt  }
0x58: {  	_ =	shalt  }
0x59: {  	_ =	shalt  }
0x5a: {  	_ =	shalt  }
0x5b: {  	_ =	shalt  }
0x5c: {  	_ =	shalt  }
0x5d: {  	_ =	shalt  }
0x5e: {  	_ =	shalt  }
0x5f: {  	_ =	shalt  }
0x60: {  	_ =	shalt  }
0x61: {  	_ =	shalt  }
0x62: {  	_ =	shalt  }
0x63: {  	_ =	shalt  }
0x64: {  	_ =	shalt  }
0x65: {  	_ =	shalt  }
0x66: {  	_ =	shalt  }
0x67: {  	_ =	shalt  }
0x68: {  	_ =	shalt  }
0x69: {  	_ =	shalt  }
0x6a: {  	_ =	shalt  }
0x6b: {  	_ =	shalt  }
0x6c: {  	_ =	shalt  }
0x6d: {  	_ =	shalt  }
0x6e: {  	_ =	shalt  }
0x6f: {  	_ =	shalt  }
0x70: {  	_ =	shalt  }
0x71: {  	_ =	shalt  }
0x72: {  	_ =	shalt  }
0x73: {  	_ =	shalt  }
0x74: {  	_ =	shalt  }
0x75: {  	_ =	shalt  }
0x76: {  	_ =	shalt  }
0x77: {  	_ =	shalt  }
0x78: {  	_ =	shalt  }
0x79: {  	_ =	shalt  }
0x7a: {  	_ =	shalt  }
0x7b: {  	_ =	shalt  }
0x7c: {  	_ =	shalt  }
0x7d: {  	_ =	shalt  }
0x7e: {  	_ =	shalt  }
0x7f: {  	_ =	shalt  }
0x80: {  	_ =	shalt  }
0x81: {  	_ =	shalt  }
0x82: {  	_ =	shalt  }
0x83: {  	_ =	shalt  }
0x84: {  	_ =	shalt  }
0x85: {  	_ =	shalt  }
0x86: {  	_ =	shalt  }
0x87: {  	_ =	shalt  }
.Lfunc_end0:
.L_simem_size_0:
called_computation_lowered:
.L_overlay_start_0:
0x88: {  	s2 =	sld [smem:$0x3FD9]  }
0x89: {  	s3 =	sld [smem:$0x3FFE];
	_ =	sdelay $0x1  }
0x8a: {  	s1 =	srdreg.scid  }
0x8b: {  	s0 =	sand.u32 $0x1, s1  }
0x8c: {  	s17 =	sshll.u32 s0, $0xA;
	s2 =	sadd.s32 s3, s2  }
0x8d: {  	s2 =	sadd.s32 s2, s17  }
0x8e: {  	[smem:$0x3FC5] =	sst s2  }
0x8f: {  	_ = 	snop  }
0x90: {  	s2 =	sld [smem:$0x3FC9]  }
0x91: {  	s18 =	sld [smem:$0x3FD0];
	(tm) =	ssettm $0x1  }
0x92: {  	s4 =	sld [smem:$0x3FFB];
	_ =	sdelay $0x3  }
0x93: {  	_ =	strace s4  }
0x94: {  	s4 =	sld [smem:$0x3FFC];
	_ =	sdelay $0x3  }
0x95: {  	_ =	strace s4  }
0x96: {  	s4 =	sld [smem:$0x3FFD];
	_ =	sdelay $0x3  }
0x97: {  	_ =	strace s4  }
0x98: {  	_ =	strace $0x8FFFFFFF  }
0x99: {  	s19 =	sld [smem:$0x3FDB];
	_ =	sdelay $0x1  }
0x9a: {  	s5 =	simm.s32 $_scs_section_size  }
0x9b: {  	s6 =	simm.s32 $_size__tile_overlayer_lowered;
	s7 =	simm.s32 $_tile_overlayer_lowered  }
0x9c: {  	s22 =	simm.s32 $0x1BFF;
	s21 =	sshll.u32 s7, $0x1;
	s4 =	sadd.s32 s5, s19  }
0x9d: {  	s8 =	simm.s32 $0x0;
	s20 =	sshll.u32 s6, $0x1;
	s6 =	sadd.s32 s21, s4  }
0x9e: {  	[timem:s8], [sflag:s22] =	dma.local [hbm:s6], s20  }
0x9f: {  	_ =	swait.ge [sflag:s22], s20  }
0xa0: {  	s5 =	ssub.s32 $0x0, s20;
	[sflag:s22] =	ssyncset.done $0x0  }
0xa1: {  	[sflag:s22] =	ssyncadd.s32 s5;
	_ =	sdelay $0x1  }
0xa2: {  	s23 =	simm.s32 $0x1B8B  }
0xa3: {  	_ =	swait.ge [sflag:s23], $0x1  }
0xa4: {  	[sflag:s23] =	ssyncset.done $0x0  }
0xa5: {  	s25 =	simm.s32 $0x1B8E;
	s24 =	sld [smem:$0x3FFE];
	[sflag:s23] =	ssyncadd.s32 $0xFFFFFFFF  }
0xa6: {  	s26 =	simm.s32 $execute0_lowered;
	[smem:$0x3FD2] =	sst s25  }
0xa7: {  	s6 =	sshll.u32 s26, $0x1;
	_ =	strace $0x80000046;
	[dreg:$0x1] =	wrdreg $0xFFFFFFFF  }
0xa8: {  	s28 =	simm.s32 $_size_execute0_lowered;
	s4 =	sadd.s32 s4, s6;
	[dreg:$0x0] =	wrdreg $0x0  }
0xa9: {  	s6 =	sshll.u32 s28, $0x1;
	[dreg:$0x2] =	wrdreg s4  }
0xaa: {  	[dreg:$0x3] =	wrdreg s6  }
0xab: {  	[dreg:$0x4] =	wrdreg $0xC0  }
0xac: {  	_ =	task [dreg:s8], $0x5FFFF  }
0xad: {  	[dreg:$0x1] =	wrdreg $0xFFFFFFFF  }
0xae: {  	[dreg:$0x0] =	wrdreg $0x60  }
0xaf: {  	[dreg:$0x2] =	wrdreg s2  }
0xb0: {  	[dreg:$0x3] =	wrdreg s18  }
0xb1: {  	[dreg:$0x4] =	wrdreg s24  }
0xb2: {  	[dreg:$0x5] =	wrdreg $0x9  }
0xb3: {  	_ =	task.clear_ibuf [dreg:s8], $0x6FFFF;
	_ =	strace $0x90000046  }
0xb4: {  	s29 =	simm.s32 $0x9;
	_ =	strace $0x80000048  }
0xb5: {  	_ =	swait.ge [sflag:s29], $0x1  }
0xb6: {  	[sflag:s29] =	ssyncadd.s32 $0xFFFFFFFF  }
0xb7: {  	_ =	strace $0x90000048  }
0xb8: {  	_ =	sfence  }
0xb9: {  	s30 =	sld [smem:$0x0];
	_ =	sdelay $0x2  }
0xba: {  	s31 =	sshll.u32 s1, $0xD;
	s1 =	sshrl.u32 s1, $0x2  }
0xbb: {  	s3 =	sand.u32 $0x4000, s31;
	s1 =	sadd.s32 s1, s30  }
0xbc: {  	s0 =	sor.u32 s3, s0;
	s1 =	sshll.u32 s1, $0x11  }
0xbd: {  	s0 =	sor.u32 s1, s0  }
0xbe: {  	s0 =	sadd.s32 $0x8F2B, s0  }
0xbf: {  	[sflag:s0] =	ssyncadd.remote.s32 $0x1  }
0xc0: {  	_ =	sfence.sel $0xFFFF  }
0xc1: {  	[dreg:$0x0] =	wrdreg $0xFFFFFFFF;
	(pc) =	sbr.abs _section_cstart, $3  }
0xc2: {  	[dreg:$0x1] =	wrdreg $0xFFFFFFFF  }
0xc3: {  	_ =	task.clear_ibuf [dreg:s8], $0x2FFFF;
	_ =	strace $0x9FFFFFFF  }
0xc4: {  	(tm) =	ssettm $0x7FFFFFFF  }
0xc5: {  	_ =	shalt  }
tec
execute0_lowered:
.L_overlay_start_1:
0x0: {  	(tag) =	ssettag $0x1  }
0x1: {  	s1 =	rddreg [dreg:$0x0]  }
0x2: {  	s0 =	rddreg [dreg:$0x1]  }
0x3: {  	s2 =	srdreg.scid;
	s3 =	stileid.u32  }
0x4: {  	s4 =	rddreg [dreg:$0x2];
	s17 =	simm.s32 $0x8000;
	s18 =	simm.s32 $0xA800  }
0x5: {  	s19 =	simm.s32 $0xB000;
	s20 =	simm.s32 $0xB800;
	s21 =	simm.s32 $0xC000  }
0x6: {  	s22 =	simm.s32 $0xE800;
	s23 =	simm.s32 $0xF000;
	s24 =	simm.s32 $0xF800  }
0x7: {  	s25 =	simm.s32 $0x10000;
	s2 =	sand.u32 $0x1, s2;
	s5 =	sshll.u32 s3, $0x1  }
0x8: {  	s26 =	simm.s32 $0x1;
	s3 =	simm.s32 $0x0;
	s5 =	sor.u32 s2, s5  }
0x9: {  	[smem:$0x7FF] =	sst s3;
	s2 =	ssub.s32 $0x2, s2;
	s6 =	sshll.u32 s5, $0xC  }
0xa: {  	_ =	strace $0x80000047;
	s7 =	sshrl.u32 s2, $0x1;
	s8 =	sshll.u32 s5, $0xA  }
.Ltmp0:
0xb: {  	s5 =	sshll.u32 s5, $0x8;
	s0 =	sadd.s32 s0, s8;
	(pc) =	sbr.rel .LBB2_1-.Ltmp0, $4  }
0xc: {  	s6 =	sadd.s32 s6, s4;
	s29 =	sadd.s32 s4, s5;
	[dreg:$0x4] =	wrdreg s0  }
0xd: {  	v2 =	vlaneseq.u32;
	s2 =	ssub.s32 s2, s7;
	[dreg:$0x5] =	wrdreg s29;
	s30 =	sadd.s32 $0x2000, s6  }
0xe: {  	vm0 =	vmmov $0xffff;
	s28 =	simm.s32 $0x2;
	v1 =	vshrl.u32 v2, $0x3;
	s31 =	smax.u32 s2, $0x1;
	[dreg:$0x6] =	wrdreg s30  }
0xf: {  	v0 =	vand.u32 $0x7, v2;
	v2 =	vor.u32 $0x8, v2;
	v1 =	vmul.u32 $0x8, v1;
	s4 =	simm.s32 $0x0;
	s2 =	simm.s32 $0x3;
	[dreg:$0x7] =	wrdreg s31  }
.LBB2_49:
0x10: {  	s0 =	rddreg [dreg:$0x6];
	s2 =	simm.s32 $0x12800  }
0x11: {  	[hbm4b:s0+s3] =	stream.linear.scatter [tilespmem:s2], [sflag:$0x3], $0x8000, $0x38;
	[tilespmem:$0x1A800] =	vst v63  }
0x12: {  	s2 =	simm.s32 $0x3  }
0x13: {  	_ =	swait.ge [sflag:s2], $0x8000  }
0x14: {  	s4 =	rddreg [dreg:$0x8]  }
0x15: {  	s31 =	rddreg [dreg:$0x7];
	s4 =	sadd.s32 $0x1, s4  }
0x16: {  	p0 =	sne.s32 s4, s31  }
.Ltmp1:
0x17: {  	_ = 	snop;
	(pc) =	sbr.rel @!p0 .LBB2_50-.Ltmp1, $3  }
0x18: {  	_ =	sdelay $0x1  }
0x19: {  	[sflag:s2] =	ssyncset.done $0x0  }
0x1a: {  	[sflag:s2] =	ssyncadd.s32 $0xFFFF8000  }
.LBB2_1:
0x1b: {  	[dreg:$0x8] =	wrdreg s4  }
0x1c: {  	s0 =	rddreg [dreg:$0x4]  }
0x1d: {  	[tilespmem:s3], [sflag:$0x3] =	stream.linear.gather [hbm4b:s0+s3], $0x2000, $0x38;
	[tilespmem:$0x1A800] =	vst v63  }
0x1e: {  	_ =	swait.ge [sflag:s2], $0x2000  }
0x1f: {  	[sflag:s2] =	ssyncset.done $0x0  }
0x20: {  	s9 =	simm.s32 $0x2000;
	s8 =	rddreg [dreg:$0x5];
	[sflag:s2] =	ssyncadd.s32 $0xFFFFE000  }
0x21: {  	[tilespmem:s9], [sflag:$0x3] =	stream.linear.gather [hbm4b:s8+s3], $0x800, $0x38;
	[tilespmem:$0x1A800] =	vst v63  }
0x22: {  	_ =	swait.ge [sflag:s2], $0x800  }
0x23: {  	[sflag:s2] =	ssyncset.done $0x0  }
0x24: {  	[sflag:s2] =	ssyncadd.s32 $0xFFFFF800  }
0x25: {  	v3 =	vld [tilespmem:$0x0];
	_ =	sdelay $0x4  }
0x26: {  	v4 =	vshll.u32 v3, $0x1  }
0x27: {  	v3 =	vand.u32 $0x7, v3;
	v4 =	vand.u32 $0xFFFFFFF0, v4  }
0x28: {  	v3 =	vor.u32 v3, v4  }
0x29: {  	v4 =	vperm.xlane v3, v0;
	_ =	sdelay $0x1  }
0x2a: {  	v3 =	vperm.xlane v3, v2;
	v4 =	vadd.s32 v1, v4;
	_ =	sdelay $0x1  }
0x2b: {  	v5 =	vld [tilespmem:$0x2000];
	v3 =	vadd.s32 v1, v3;
	_ =	sdelay $0x1  }
0x2c: {  	s10 =	simm.s32 $0x2800  }
0x2d: {  	[tilespmem:s10], [sflag:$0x1] =	stream.indirect_vreg.gather [hbm4b:s1+s3], $0x80, v4, vm0, $0xb8;
	[tilespmem:$0x1A800] =	vst v63  }
0x2e: {  	s11 =	simm.s32 $0x3000  }
0x2f: {  	(v2sf) =	vpush v5, $0x0;
	[tilespmem:s11], [sflag:$0x1] =	stream.indirect_vreg.gather [hbm4b:s1+s3], $0x80, v3, vm0, $0xb8;
	[tilespmem:$0x1A800] =	vst v63  }
0x30: {  	v3 =	vld [tilespmem:$0x10];
	_ =	sdelay $0x4  }
0x31: {  	v60 =	vshll.u32 v3, $0x1  }
0x32: {  	v3 =	vand.u32 $0x7, v3;
	v4 =	vand.u32 $0xFFFFFFF0, v60  }
0x33: {  	v3 =	vor.u32 v3, v4  }
0x34: {  	v4 =	vperm.xlane v3, v0;
	_ =	sdelay $0x1  }
0x35: {  	v3 =	vperm.xlane v3, v2;
	v4 =	vadd.s32 v1, v4;
	_ =	sdelay $0x1  }
0x36: {  	v3 =	vadd.s32 v1, v3;
	_ =	sdelay $0x1  }
0x37: {  	s12 =	simm.s32 $0x3800;
	s13 =	spop (v2sf)  }
0x38: {  	[tilespmem:s12], [sflag:$0x1] =	stream.indirect_vreg.gather [hbm4b:s1+s3], $0x80, v4, vm0, $0xb8;
	[tilespmem:$0x1A800] =	vst v63  }
0x39: {  	s14 =	simm.s32 $0x4000;
	p0 =	slt.s32 s13, $0x21  }
0x3a: {  	[tilespmem:s14], [sflag:$0x1] =	stream.indirect_vreg.gather [hbm4b:s1+s3], $0x80, v3, vm0, $0xb8;
	[tilespmem:$0x1A800] =	vst v63  }
0x3b: {  	v3 =	vld @!p0 [tilespmem:$0x20];
	_ =	sdelay $0x4  }
0x3c: {  	v4 =	vshll.u32 @!p0 v3, $0x1  }
0x3d: {  	v5 =	vlaneseq.u32 @!p0;
	v3 =	vand.u32 @!p0 $0x7, v3;
	v4 =	vand.u32 @!p0 $0xFFFFFFF0, v4  }
0x3e: {  	v6 =	vshrl.u32 @!p0 v5, $0x3;
	v3 =	vor.u32 @!p0 v3, v4;
	v4 =	vand.u32 @!p0 $0x7, v5  }
0x3f: {  	v6 =	vmul.u32 @!p0 $0x8, v6;
	v7 =	vperm.xlane @!p0 v3, v4  }
0x40: {  	v5 =	vor.u32 @!p0 $0x8, v5  }
0x41: {  	v3 =	vperm.xlane @!p0 v3, v5;
	v7 =	vadd.s32 @!p0 v6, v7;
	_ =	sdelay $0x1  }
0x42: {  	v3 =	vadd.s32 @!p0 v6, v3;
	_ =	sdelay $0x1  }
0x43: {  	vm1 =	vmmov @!p0 $0xffff;
	s0 =	simm.s32 @!p0 $0x0;
	s2 =	simm.s32 @!p0 $0x4800  }
0x44: {  	[tilespmem:s2], [sflag:$0x1] =	stream.indirect_vreg.gather @!p0 [hbm4b:s1+s0], $0x80, v7, vm1, $0xb8;
	[tilespmem:$0x1A800] =	vst v63  }
0x45: {  	s2 =	simm.s32 @!p0 $0x5000  }
0x46: {  	[tilespmem:s2], [sflag:$0x1] =	stream.indirect_vreg.gather @!p0 [hbm4b:s1+s0], $0x80, v3, vm1, $0xb8;
	[tilespmem:$0x1A800] =	vst v63  }
0x47: {  	v3 =	vld @!p0 [tilespmem:$0x30];
	_ =	sdelay $0x4  }
0x48: {  	v7 =	vshll.u32 @!p0 v3, $0x1  }
0x49: {  	v3 =	vand.u32 @!p0 $0x7, v3;
	v7 =	vand.u32 @!p0 $0xFFFFFFF0, v7  }
0x4a: {  	v3 =	vor.u32 @!p0 v3, v7  }
0x4b: {  	v4 =	vperm.xlane @!p0 v3, v4;
	_ =	sdelay $0x1  }
0x4c: {  	v3 =	vperm.xlane @!p0 v3, v5;
	v4 =	vadd.s32 @!p0 v6, v4;
	_ =	sdelay $0x1  }
0x4d: {  	v3 =	vadd.s32 @!p0 v6, v3;
	_ =	sdelay $0x1  }
0x4e: {  	s2 =	simm.s32 @!p0 $0x5800  }
0x4f: {  	[tilespmem:s2], [sflag:$0x1] =	stream.indirect_vreg.gather @!p0 [hbm4b:s1+s0], $0x80, v4, vm1, $0xb8;
	[tilespmem:$0x1A800] =	vst v63  }
0x50: {  	s2 =	simm.s32 @!p0 $0x6000  }
0x51: {  	[tilespmem:s2], [sflag:$0x1] =	stream.indirect_vreg.gather @!p0 [hbm4b:s1+s0], $0x80, v3, vm1, $0xb8;
	[tilespmem:$0x1A800] =	vst v63  }
0x52: {  	v3 =	vld [tilespmem:$0x40];
	_ =	sdelay $0x4  }
0x53: {  	v61 =	vshll.u32 v3, $0x1  }
0x54: {  	v3 =	vand.u32 $0x7, v3;
	v4 =	vand.u32 $0xFFFFFFF0, v61  }
0x55: {  	v3 =	vor.u32 v3, v4  }
0x56: {  	v4 =	vperm.xlane v3, v0;
	_ =	sdelay $0x1  }
0x57: {  	v3 =	vperm.xlane v3, v2;
	v4 =	vadd.s32 v1, v4;
	_ =	sdelay $0x1  }
0x58: {  	v62 =	vld [tilespmem:$0x2010];
	v3 =	vadd.s32 v1, v3;
	_ =	sdelay $0x1  }
0x59: {  	s15 =	simm.s32 $0x6800  }
0x5a: {  	[tilespmem:s15], [sflag:$0x1] =	stream.indirect_vreg.gather [hbm4b:s1+s3], $0x80, v4, vm0, $0xb8;
	[tilespmem:$0x1A800] =	vst v63  }
0x5b: {  	s16 =	simm.s32 $0x7000  }
0x5c: {  	(v2sf) =	vpush v62, $0x0;
	[tilespmem:s16], [sflag:$0x1] =	stream.indirect_vreg.gather [hbm4b:s1+s3], $0x80, v3, vm0, $0xb8;
	[tilespmem:$0x1A800] =	vst v63  }
0x5d: {  	v3 =	vld [tilespmem:$0x50];
	_ =	sdelay $0x4  }
0x5e: {  	v63 =	vshll.u32 v3, $0x1  }
0x5f: {  	v3 =	vand.u32 $0x7, v3;
	v4 =	vand.u32 $0xFFFFFFF0, v63  }
0x60: {  	v3 =	vor.u32 v3, v4  }
0x61: {  	v4 =	vperm.xlane v3, v0;
	_ =	sdelay $0x1  }
0x62: {  	v3 =	vperm.xlane v3, v2;
	v4 =	vadd.s32 v1, v4;
	_ =	sdelay $0x1  }
0x63: {  	v3 =	vadd.s32 v1, v3;
	_ =	sdelay $0x1  }
0x64: {  	s29 =	simm.s32 $0x7800;
	s30 =	spop (v2sf)  }
0x65: {  	[tilespmem:s29], [sflag:$0x1] =	stream.indirect_vreg.gather [hbm4b:s1+s3], $0x80, v4, vm0, $0xb8;
	[tilespmem:$0x1A800] =	vst v63  }
0x66: {  	p0 =	slt.s32 s30, $0x21  }
0x67: {  	[tilespmem:s17], [sflag:$0x1] =	stream.indirect_vreg.gather [hbm4b:s1+s3], $0x80, v3, vm0, $0xb8;
	[tilespmem:$0x1A800] =	vst v63  }
0x68: {  	v3 =	vld @!p0 [tilespmem:$0x60];
	_ =	sdelay $0x4  }
0x69: {  	v4 =	vshll.u32 @!p0 v3, $0x1  }
0x6a: {  	v5 =	vlaneseq.u32 @!p0;
	v3 =	vand.u32 @!p0 $0x7, v3;
	v4 =	vand.u32 @!p0 $0xFFFFFFF0, v4  }
0x6b: {  	v6 =	vshrl.u32 @!p0 v5, $0x3;
	v3 =	vor.u32 @!p0 v3, v4;
	v4 =	vand.u32 @!p0 $0x7, v5  }
0x6c: {  	v6 =	vmul.u32 @!p0 $0x8, v6;
	v7 =	vperm.xlane @!p0 v3, v4  }
0x6d: {  	v5 =	vor.u32 @!p0 $0x8, v5  }
0x6e: {  	v3 =	vperm.xlane @!p0 v3, v5;
	v7 =	vadd.s32 @!p0 v6, v7;
	_ =	sdelay $0x1  }
0x6f: {  	v3 =	vadd.s32 @!p0 v6, v3;
	_ =	sdelay $0x1  }
0x70: {  	vm1 =	vmmov @!p0 $0xffff;
	s0 =	simm.s32 @!p0 $0x0;
	s2 =	simm.s32 @!p0 $0x8800  }
0x71: {  	[tilespmem:s2], [sflag:$0x1] =	stream.indirect_vreg.gather @!p0 [hbm4b:s1+s0], $0x80, v7, vm1, $0xb8;
	[tilespmem:$0x1A800] =	vst v63  }
0x72: {  	s2 =	simm.s32 @!p0 $0x9000  }
0x73: {  	[tilespmem:s2], [sflag:$0x1] =	stream.indirect_vreg.gather @!p0 [hbm4b:s1+s0], $0x80, v3, vm1, $0xb8;
	[tilespmem:$0x1A800] =	vst v63  }
0x74: {  	v3 =	vld @!p0 [tilespmem:$0x70];
	_ =	sdelay $0x4  }
0x75: {  	v7 =	vshll.u32 @!p0 v3, $0x1  }
0x76: {  	v3 =	vand.u32 @!p0 $0x7, v3;
	v7 =	vand.u32 @!p0 $0xFFFFFFF0, v7  }
0x77: {  	v3 =	vor.u32 @!p0 v3, v7  }
0x78: {  	v4 =	vperm.xlane @!p0 v3, v4;
	_ =	sdelay $0x1  }
0x79: {  	v3 =	vperm.xlane @!p0 v3, v5;
	v4 =	vadd.s32 @!p0 v6, v4;
	_ =	sdelay $0x1  }
0x7a: {  	v3 =	vadd.s32 @!p0 v6, v3  }
.Ltmp2:
0x7b: {  	_ = 	snop;
	(pc) =	sbr.rel .LBB2_2-.Ltmp2, $4  }
0x7c: {  	s2 =	simm.s32 @!p0 $0x9800  }
0x7d: {  	[tilespmem:s2], [sflag:$0x1] =	stream.indirect_vreg.gather @!p0 [hbm4b:s1+s0], $0x80, v4, vm1, $0xb8;
	[tilespmem:$0x1A800] =	vst v63  }
0x7e: {  	s31 =	simm.s32 $0x0;
	s2 =	simm.s32 @!p0 $0xA000  }
0x7f: {  	[tilespmem:s2], [sflag:$0x1] =	stream.indirect_vreg.gather @!p0 [hbm4b:s1+s0], $0x80, v3, vm1, $0xb8;
	[tilespmem:$0x1A800] =	vst v63  }
.LBB2_43:
0x80: {  	v19 =	vmov v12  }
0x81: {  	v20 =	vmovc v11;
	v21 =	vmovc v15;
	v22 =	vmov v13;
	v23 =	vmov v16;
	v24 =	vmov v14  }
.LBB2_47:
0x82: {  	s4 =	sor.u32 s8, s7;
	v30 =	vld @p0 [tilespmem:s0+$0xEC60]  }
0x83: {  	v31 =	vld [tilespmem:s4+$0xEC70]  }
0x84: {  	v32 =	vld [tilespmem:s4+$0xE800]  }
0x85: {  	v33 =	vld [tilespmem:s4+$0xE810]  }
0x86: {  	v34 =	vld [tilespmem:s4+$0xE820]  }
0x87: {  	v35 =	vld [tilespmem:s4+$0xE830]  }
0x88: {  	v36 =	vld [tilespmem:s4+$0xE840]  }
0x89: {  	v37 =	vld [tilespmem:s4+$0xE850]  }
0x8a: {  	v38 =	vld [tilespmem:s4+$0xE860]  }
0x8b: {  	v39 =	vld [tilespmem:s4+$0xE870]  }
0x8c: {  	v57 =	vld [tilespmem:s4+$0xEC00]  }
0x8d: {  	v19 =	vadd.f32 @p0 v25, v19;
	v20 =	vadd.f32 @p0 v26, v20;
	v58 =	vld [tilespmem:s4+$0xEC10]  }
0x8e: {  	v21 =	vadd.f32 @p0 v27, v21;
	v22 =	vadd.f32 @p0 v28, v22;
	v59 =	vld [tilespmem:s4+$0xEC20]  }
0x8f: {  	v23 =	vadd.f32 @p0 v29, v23;
	v60 =	vld [tilespmem:s4+$0xEC30];
	v24 =	vadd.f32 @p0 v30, v24  }
0x90: {  	v61 =	vld [tilespmem:s4+$0xEC40];
	v10 =	vadd.f32 v31, v10;
	v3 =	vadd.f32 v32, v3  }
0x91: {  	v62 =	vld [tilespmem:s4+$0xEC50];
	v12 =	vpsel p0, v19, v12;
	v4 =	vadd.f32 v33, v4;
	v5 =	vadd.f32 v34, v5  }
0x92: {  	v63 =	vld [tilespmem:s4+$0xEC60];
	v11 =	vpsel p0, v20, v11;
	v6 =	vadd.f32 v35, v6;
	v7 =	vadd.f32 v36, v7  }
0x93: {  	v15 =	vpsel p0, v21, v15;
	v8 =	vadd.f32 v37, v8;
	v17 =	vadd.f32 v38, v17  }
0x94: {  	v13 =	vpsel p0, v22, v13;
	v18 =	vadd.f32 v39, v18;
	v9 =	vadd.f32 v57, v9  }
0x95: {  	v16 =	vpsel p0, v23, v16;
	v12 =	vadd.f32 v58, v12;
	v11 =	vadd.f32 v59, v11  }
0x96: {  	v15 =	vadd.f32 v60, v15;
	v13 =	vadd.f32 v61, v13;
	v14 =	vpsel p0, v24, v14  }
0x97: {  	v16 =	vadd.f32 v62, v16;
	v14 =	vadd.f32 v63, v14  }
.LBB2_48:
0x98: {  	s0 =	sshll.u32 s2, $0x8  }
0x99: {  	s0 =	sand.u32 $0x3FFFFF00, s0  }
0x9a: {  	[tilespmem:s0+$0x12800] =	vst v3  }
0x9b: {  	[tilespmem:s0+$0x12810] =	vst v4  }
0x9c: {  	[tilespmem:s0+$0x12820] =	vst v5  }
0x9d: {  	[tilespmem:s0+$0x12830] =	vst v6  }
0x9e: {  	[tilespmem:s0+$0x12840] =	vst v7  }
0x9f: {  	[tilespmem:s0+$0x12850] =	vst v8  }
0xa0: {  	[tilespmem:s0+$0x12860] =	vst v17  }
0xa1: {  	[tilespmem:s0+$0x12870] =	vst v18  }
0xa2: {  	[tilespmem:s0+$0x12880] =	vst v9  }
0xa3: {  	s31 =	sadd.s32 $0x1, s31;
	[tilespmem:s0+$0x12890] =	vst v12  }
0xa4: {  	p0 =	sne.s32 s31, $0x20;
	[tilespmem:s0+$0x128A0] =	vst v11  }
.Ltmp3:
0xa5: {  	[tilespmem:s0+$0x128B0] =	vst v15;
	(pc) =	sbr.rel @!p0 .LBB2_49-.Ltmp3, $4  }
0xa6: {  	[tilespmem:s0+$0x128C0] =	vst v13  }
0xa7: {  	[tilespmem:s0+$0x128D0] =	vst v16  }
0xa8: {  	[tilespmem:s0+$0x128E0] =	vst v14  }
0xa9: {  	[tilespmem:s0+$0x128F0] =	vst v10  }
.LBB2_2:
0xaa: {  	s0 =	sshllo.u32 s31, $0x1  }
0xab: {  	s2 =	sshll.u32 s0, $0x7  }
0xac: {  	v3 =	vld [tilespmem:s2+$0x0];
	_ =	sdelay $0x4  }
0xad: {  	v4 =	vshll.u32 v3, $0x1  }
0xae: {  	v3 =	vand.u32 $0x7, v3;
	v4 =	vand.u32 $0xFFFFFFF0, v4  }
0xaf: {  	v3 =	vor.u32 v3, v4  }
0xb0: {  	v4 =	vperm.xlane v3, v0;
	_ =	sdelay $0x1  }
0xb1: {  	v3 =	vperm.xlane v3, v2;
	v4 =	vadd.s32 v1, v4  }
0xb2: {  	s29 =	sshrl.u32 s2, $0x2  }
0xb3: {  	v5 =	vld [tilespmem:s29+$0x2000];
	v3 =	vadd.s32 v1, v3;
	_ =	sdelay $0x2  }
0xb4: {  	[tilespmem:s18], [sflag:$0x2] =	stream.indirect_vreg.gather [hbm4b:s1+s3], $0x80, v4, vm0, $0xb8;
	[tilespmem:$0x1A800] =	vst v63  }
0xb5: {  	_ = 	snop  }
0xb6: {  	(v2sf) =	vpush v5, $0x0;
	[tilespmem:s19], [sflag:$0x2] =	stream.indirect_vreg.gather [hbm4b:s1+s3], $0x80, v3, vm0, $0xb8;
	[tilespmem:$0x1A800] =	vst v63  }
0xb7: {  	v3 =	vld [tilespmem:s2+$0x10];
	_ =	sdelay $0x4  }
0xb8: {  	v4 =	vshll.u32 v3, $0x1  }
0xb9: {  	v3 =	vand.u32 $0x7, v3;
	v4 =	vand.u32 $0xFFFFFFF0, v4  }
0xba: {  	v3 =	vor.u32 v3, v4  }
0xbb: {  	v4 =	vperm.xlane v3, v0;
	_ =	sdelay $0x1  }
0xbc: {  	v3 =	vperm.xlane v3, v2;
	v4 =	vadd.s32 v1, v4;
	_ =	sdelay $0x1  }
0xbd: {  	v3 =	vadd.s32 v1, v3;
	_ =	sdelay $0x1  }
0xbe: {  	s4 =	spop (v2sf)  }
0xbf: {  	[tilespmem:s20], [sflag:$0x2] =	stream.indirect_vreg.gather [hbm4b:s1+s3], $0x80, v4, vm0, $0xb8;
	[tilespmem:$0x1A800] =	vst v63  }
0xc0: {  	p0 =	slt.s32 s4, $0x21  }
0xc1: {  	[tilespmem:s21], [sflag:$0x2] =	stream.indirect_vreg.gather [hbm4b:s1+s3], $0x80, v3, vm0, $0xb8;
	[tilespmem:$0x1A800] =	vst v63  }
0xc2: {  	v3 =	vld @!p0 [tilespmem:s2+$0x20];
	_ =	sdelay $0x4  }
0xc3: {  	v4 =	vshll.u32 @!p0 v3, $0x1  }
0xc4: {  	v5 =	vlaneseq.u32 @!p0;
	v3 =	vand.u32 @!p0 $0x7, v3;
	v4 =	vand.u32 @!p0 $0xFFFFFFF0, v4  }
0xc5: {  	v6 =	vshrl.u32 @!p0 v5, $0x3;
	v3 =	vor.u32 @!p0 v3, v4;
	v4 =	vand.u32 @!p0 $0x7, v5  }
0xc6: {  	v6 =	vmul.u32 @!p0 $0x8, v6;
	v7 =	vperm.xlane @!p0 v3, v4  }
0xc7: {  	v5 =	vor.u32 @!p0 $0x8, v5  }
0xc8: {  	v3 =	vperm.xlane @!p0 v3, v5;
	v7 =	vadd.s32 @!p0 v6, v7;
	_ =	sdelay $0x1  }
0xc9: {  	v3 =	vadd.s32 @!p0 v6, v3;
	_ =	sdelay $0x1  }
0xca: {  	vm1 =	vmmov @!p0 $0xffff;
	s4 =	simm.s32 @!p0 $0x0;
	s5 =	simm.s32 @!p0 $0xC800  }
0xcb: {  	[tilespmem:s5], [sflag:$0x2] =	stream.indirect_vreg.gather @!p0 [hbm4b:s1+s4], $0x80, v7, vm1, $0xb8;
	[tilespmem:$0x1A800] =	vst v63  }
0xcc: {  	s5 =	simm.s32 @!p0 $0xD000  }
0xcd: {  	[tilespmem:s5], [sflag:$0x2] =	stream.indirect_vreg.gather @!p0 [hbm4b:s1+s4], $0x80, v3, vm1, $0xb8;
	[tilespmem:$0x1A800] =	vst v63  }
0xce: {  	v3 =	vld @!p0 [tilespmem:s2+$0x30];
	_ =	sdelay $0x4  }
0xcf: {  	v7 =	vshll.u32 @!p0 v3, $0x1  }
0xd0: {  	v3 =	vand.u32 @!p0 $0x7, v3;
	v7 =	vand.u32 @!p0 $0xFFFFFFF0, v7  }
0xd1: {  	v3 =	vor.u32 @!p0 v3, v7  }
0xd2: {  	v4 =	vperm.xlane @!p0 v3, v4;
	_ =	sdelay $0x1  }
0xd3: {  	v3 =	vperm.xlane @!p0 v3, v5;
	v4 =	vadd.s32 @!p0 v6, v4;
	_ =	sdelay $0x1  }
0xd4: {  	v3 =	vadd.s32 @!p0 v6, v3;
	_ =	sdelay $0x1  }
0xd5: {  	s2 =	simm.s32 @!p0 $0xD800  }
0xd6: {  	[tilespmem:s2], [sflag:$0x2] =	stream.indirect_vreg.gather @!p0 [hbm4b:s1+s4], $0x80, v4, vm1, $0xb8;
	[tilespmem:$0x1A800] =	vst v63  }
0xd7: {  	s2 =	simm.s32 @!p0 $0xE000  }
0xd8: {  	[tilespmem:s2], [sflag:$0x2] =	stream.indirect_vreg.gather @!p0 [hbm4b:s1+s4], $0x80, v3, vm1, $0xb8;
	[tilespmem:$0x1A800] =	vst v63  }
0xd9: {  	s2 =	sshllo.u32 s0, $0x1  }
0xda: {  	s4 =	sshll.u32 s2, $0x6  }
0xdb: {  	v3 =	vld [tilespmem:s4+$0x0];
	_ =	sdelay $0x4  }
0xdc: {  	v4 =	vshll.u32 v3, $0x1  }
0xdd: {  	v3 =	vand.u32 $0x7, v3;
	v4 =	vand.u32 $0xFFFFFFF0, v4  }
0xde: {  	v3 =	vor.u32 v3, v4  }
0xdf: {  	v4 =	vperm.xlane v3, v0;
	_ =	sdelay $0x1  }
0xe0: {  	v3 =	vperm.xlane v3, v2;
	v4 =	vadd.s32 v1, v4  }
0xe1: {  	s9 =	sshrl.u32 s4, $0x2  }
0xe2: {  	v5 =	vld [tilespmem:s9+$0x2000];
	v3 =	vadd.s32 v1, v3;
	_ =	sdelay $0x2  }
0xe3: {  	[tilespmem:s22], [sflag:$0x2] =	stream.indirect_vreg.gather [hbm4b:s1+s3], $0x80, v4, vm0, $0xb8;
	[tilespmem:$0x1A800] =	vst v63  }
0xe4: {  	_ = 	snop  }
0xe5: {  	(v2sf) =	vpush v5, $0x0;
	[tilespmem:s23], [sflag:$0x2] =	stream.indirect_vreg.gather [hbm4b:s1+s3], $0x80, v3, vm0, $0xb8;
	[tilespmem:$0x1A800] =	vst v63  }
0xe6: {  	v3 =	vld [tilespmem:s4+$0x10];
	_ =	sdelay $0x4  }
0xe7: {  	v4 =	vshll.u32 v3, $0x1  }
0xe8: {  	v3 =	vand.u32 $0x7, v3;
	v4 =	vand.u32 $0xFFFFFFF0, v4  }
0xe9: {  	v3 =	vor.u32 v3, v4  }
0xea: {  	v4 =	vperm.xlane v3, v0;
	_ =	sdelay $0x1  }
0xeb: {  	v3 =	vperm.xlane v3, v2;
	v4 =	vadd.s32 v1, v4;
	_ =	sdelay $0x1  }
0xec: {  	v3 =	vadd.s32 v1, v3;
	_ =	sdelay $0x1  }
0xed: {  	s12 =	spop (v2sf)  }
0xee: {  	[tilespmem:s24], [sflag:$0x2] =	stream.indirect_vreg.gather [hbm4b:s1+s3], $0x80, v4, vm0, $0xb8;
	[tilespmem:$0x1A800] =	vst v63  }
0xef: {  	p0 =	slt.s32 s12, $0x21  }
0xf0: {  	[tilespmem:s25], [sflag:$0x2] =	stream.indirect_vreg.gather [hbm4b:s1+s3], $0x80, v3, vm0, $0xb8;
	[tilespmem:$0x1A800] =	vst v63  }
0xf1: {  	v3 =	vld @!p0 [tilespmem:s4+$0x20];
	_ =	sdelay $0x4  }
0xf2: {  	v4 =	vshll.u32 @!p0 v3, $0x1  }
0xf3: {  	v5 =	vlaneseq.u32 @!p0;
	v3 =	vand.u32 @!p0 $0x7, v3;
	v4 =	vand.u32 @!p0 $0xFFFFFFF0, v4  }
0xf4: {  	v6 =	vshrl.u32 @!p0 v5, $0x3;
	v3 =	vor.u32 @!p0 v3, v4;
	v4 =	vand.u32 @!p0 $0x7, v5  }
0xf5: {  	v6 =	vmul.u32 @!p0 $0x8, v6;
	v7 =	vperm.xlane @!p0 v3, v4  }
0xf6: {  	v5 =	vor.u32 @!p0 $0x8, v5  }
0xf7: {  	v3 =	vperm.xlane @!p0 v3, v5;
	v7 =	vadd.s32 @!p0 v6, v7;
	_ =	sdelay $0x1  }
0xf8: {  	v3 =	vadd.s32 @!p0 v6, v3;
	_ =	sdelay $0x1  }
0xf9: {  	vm1 =	vmmov @!p0 $0xffff;
	s5 =	simm.s32 @!p0 $0x0;
	s6 =	simm.s32 @!p0 $0x10800  }
0xfa: {  	[tilespmem:s6], [sflag:$0x2] =	stream.indirect_vreg.gather @!p0 [hbm4b:s1+s5], $0x80, v7, vm1, $0xb8;
	[tilespmem:$0x1A800] =	vst v63  }
0xfb: {  	s6 =	simm.s32 @!p0 $0x11000  }
0xfc: {  	[tilespmem:s6], [sflag:$0x2] =	stream.indirect_vreg.gather @!p0 [hbm4b:s1+s5], $0x80, v3, vm1, $0xb8;
	[tilespmem:$0x1A800] =	vst v63  }
0xfd: {  	v3 =	vld @!p0 [tilespmem:s4+$0x30];
	_ =	sdelay $0x4  }
0xfe: {  	v7 =	vshll.u32 @!p0 v3, $0x1  }
0xff: {  	v3 =	vand.u32 @!p0 $0x7, v3;
	v7 =	vand.u32 @!p0 $0xFFFFFFF0, v7  }
0x100: {  	v3 =	vor.u32 @!p0 v3, v7  }
0x101: {  	v4 =	vperm.xlane @!p0 v3, v4;
	_ =	sdelay $0x1  }
0x102: {  	v3 =	vperm.xlane @!p0 v3, v5;
	v4 =	vadd.s32 @!p0 v6, v4;
	_ =	sdelay $0x1  }
0x103: {  	v3 =	vadd.s32 @!p0 v6, v3;
	_ =	sdelay $0x1  }
0x104: {  	s4 =	simm.s32 @!p0 $0x11800  }
0x105: {  	[tilespmem:s4], [sflag:$0x2] =	stream.indirect_vreg.gather @!p0 [hbm4b:s1+s5], $0x80, v4, vm1, $0xb8;
	[tilespmem:$0x1A800] =	vst v63  }
0x106: {  	s4 =	simm.s32 @!p0 $0x12000  }
0x107: {  	[tilespmem:s4], [sflag:$0x2] =	stream.indirect_vreg.gather @!p0 [hbm4b:s1+s5], $0x80, v3, vm1, $0xb8;
	[tilespmem:$0x1A800] =	vst v63  }
0x108: {  	s4 =	sshll.u32 s31, $0x8  }
0x109: {  	s13 =	sshrl.u32 s4, $0x2  }
0x10a: {  	v3 =	vld [tilespmem:s13+$0x2000];
	_ =	sdelay $0x4  }
0x10b: {  	(v2sf) =	vpush v3, $0x0;
	_ =	sdelay $0xe  }
0x10c: {  	s7 =	spop (v2sf)  }
0x10d: {  	_ =	swait.ge [sflag:s26], $0x2000  }
0x10e: {  	p0 =	slt.s32 s7, $0x21;
	[sflag:s26] =	ssyncset.done $0x0  }
0x10f: {  	s14 =	sshll.u32 s31, $0x2;
	s6 =	simm.s32 @!p0 $0x1;
	[sflag:s26] =	ssyncadd.s32 $0xFFFFE000  }
0x110: {  	s5 =	sor.u32 $0x1, s14;
	_ =	swait.ge @!p0 [sflag:s6], $0x2000  }
0x111: {  	s8 =	sshll.u32 s5, $0x6;
	[sflag:s6] =	ssyncset.done @!p0 $0x0  }
0x112: {  	[sflag:s6] =	ssyncadd.s32 @!p0 $0xFFFFE000;
	s6 =	sshrl.u32 s8, $0x2  }
0x113: {  	v3 =	vld [tilespmem:s6+$0x2000];
	_ =	sdelay $0x4  }
0x114: {  	(v2sf) =	vpush v3, $0x0;
	_ =	sdelay $0xe  }
0x115: {  	s15 =	spop (v2sf)  }
0x116: {  	_ =	swait.ge [sflag:s26], $0x2000  }
0x117: {  	p0 =	slt.s32 s15, $0x21;
	[sflag:s26] =	ssyncset.done $0x0  }
0x118: {  	s8 =	simm.s32 @!p0 $0x1;
	[sflag:s26] =	ssyncadd.s32 $0xFFFFE000  }
0x119: {  	_ =	swait.ge @!p0 [sflag:s8], $0x2000  }
0x11a: {  	[sflag:s8] =	ssyncset.done @!p0 $0x0  }
0x11b: {  	[sflag:s8] =	ssyncadd.s32 @!p0 $0xFFFFE000  }
0x11c: {  	v3 =	vld [tilespmem:$0x2800]  }
0x11d: {  	v4 =	vld [tilespmem:$0x2810]  }
0x11e: {  	v5 =	vld [tilespmem:$0x2820]  }
0x11f: {  	s16 =	sadd.s32 $0xFFFFFFFF, s7;
	v6 =	vld [tilespmem:$0x2830]  }
0x120: {  	s10 =	sand.u32 $0x1, s16;
	v7 =	vld [tilespmem:$0x2840]  }
0x121: {  	p6 =	slt.s32 s16, $0x1;
	p1 =	seq.s32 s10, $0x1;
	v8 =	vld [tilespmem:$0x2850]  }
0x122: {  	s30 =	sshrl.u32 s16, $0x1F;
	p0 =	por !p6, !p1;
	v17 =	vld [tilespmem:$0x2860]  }
0x123: {  	s10 =	simm.s32 $0x1;
	s8 =	sadd.s32 s30, s16;
	v18 =	vld [tilespmem:$0x2870];
	p0 =	por !p0, !p0  }
0x124: {  	v9 =	vld [tilespmem:$0x2C00];
	s8 =	sshra.s32 s8, $0x1;
	s10 =	simm.s32 @!p0 $0x0  }
0x125: {  	v10 =	vld [tilespmem:$0x2C10];
	s8 =	ssub.s32 s8, s10  }
0x126: {  	v12 =	vld [tilespmem:$0x2C20];
	p0 =	slt.s32 s8, $0x1  }
.Ltmp4:
0x127: {  	v14 =	vld [tilespmem:$0x2C30];
	(pc) =	sbr.rel @p0 .LBB2_6-.Ltmp4, $4  }
0x128: {  	v13 =	vld [tilespmem:$0x2C40]  }
0x129: {  	v16 =	vld [tilespmem:$0x2C50]  }
0x12a: {  	v15 =	vld [tilespmem:$0x2C60]  }
0x12b: {  	s12 =	simm.s32 $0x0;
	v11 =	vld [tilespmem:$0x2C70]  }
0x12c: {  	s10 =	simm.s32 $0x200;
	s11 =	simm.s32 $0x100  }
0x12d: {  	s13 =	sand.u32 $0xFFFFF800, s10;
	s30 =	sand.u32 $0x300, s11  }
0x12e: {  	s30 =	sor.u32 s30, s13  }
0x12f: {  	v27 =	vld [tilespmem:s30+$0x2800]  }
0x130: {  	v28 =	vld [tilespmem:s30+$0x2810]  }
0x131: {  	v32 =	vld [tilespmem:s30+$0x2820]  }
0x132: {  	v33 =	vld [tilespmem:s30+$0x2830]  }
0x133: {  	v34 =	vld [tilespmem:s30+$0x2840]  }
0x134: {  	v35 =	vld [tilespmem:s30+$0x2850]  }
0x135: {  	v25 =	vld [tilespmem:s30+$0x2860]  }
0x136: {  	v26 =	vld [tilespmem:s30+$0x2870]  }
0x137: {  	v23 =	vld [tilespmem:s30+$0x2C00]  }
0x138: {  	v24 =	vld [tilespmem:s30+$0x2C10]  }
0x139: {  	s15 =	sand.u32 $0xFFFFF800, s12;
	s16 =	sand.u32 $0x300, s12;
	v21 =	vld [tilespmem:s30+$0x2C20]  }
0x13a: {  	s13 =	sor.u32 s16, s15;
	v22 =	vld [tilespmem:s30+$0x2C30]  }
0x13b: {  	v29 =	vld [tilespmem:s13+$0x2880]  }
0x13c: {  	v30 =	vld [tilespmem:s13+$0x2890]  }
0x13d: {  	v31 =	vld [tilespmem:s13+$0x28A0]  }
0x13e: {  	v36 =	vld [tilespmem:s13+$0x28B0]  }
0x13f: {  	v37 =	vld [tilespmem:s13+$0x28C0]  }
0x140: {  	v38 =	vld [tilespmem:s13+$0x28D0]  }
0x141: {  	v39 =	vld [tilespmem:s13+$0x28E0]  }
0x142: {  	v40 =	vld [tilespmem:s13+$0x28F0]  }
0x143: {  	v19 =	vld [tilespmem:s30+$0x2C40]  }
0x144: {  	v20 =	vld [tilespmem:s30+$0x2C50];
	v3 =	vadd.f32 v29, v3;
	v4 =	vadd.f32 v30, v4  }
0x145: {  	p0 =	sne.s32 s8, $0x1;
	v5 =	vadd.f32 v31, v5;
	v6 =	vadd.f32 v36, v6;
	v29 =	vld [tilespmem:s13+$0x2C80]  }
.Ltmp5:
0x146: {  	v30 =	vld [tilespmem:s13+$0x2C90];
	v7 =	vadd.f32 v37, v7;
	v8 =	vadd.f32 v38, v8;
	(pc) =	sbr.rel @!p0 .LBB2_5-.Ltmp5, $4  }
0x147: {  	v31 =	vld [tilespmem:s13+$0x2CA0];
	v17 =	vadd.f32 v39, v17;
	v18 =	vadd.f32 v40, v18  }
0x148: {  	v3 =	vadd.f32 v27, v3;
	v5 =	vadd.f32 v32, v5;
	v32 =	vld [tilespmem:s13+$0x2CB0]  }
0x149: {  	v4 =	vadd.f32 v28, v4;
	v6 =	vadd.f32 v33, v6;
	v27 =	vld [tilespmem:s13+$0x2CC0]  }
0x14a: {  	s12 =	sadd.s32 $0xFFFFFFFF, s8;
	v28 =	vld [tilespmem:s13+$0x2CD0];
	v7 =	vadd.f32 v34, v7;
	v8 =	vadd.f32 v35, v8  }
.LBB2_4:
0x14b: {  	p0 =	sne.s32 s12, $0x1;
	v33 =	vld [tilespmem:s13+$0x2CE0];
	v17 =	vadd.f32 v25, v17;
	v18 =	vadd.f32 v26, v18;
	s14 =	smov.u32 s10;
	s15 =	smov.u32 s11  }
0x14c: {  	s10 =	sadd.s32 $0x200, s10;
	s11 =	sadd.s32 $0x100, s11;
	v9 =	vadd.f32 v29, v9;
	v10 =	vadd.f32 v30, v10;
	v25 =	vld [tilespmem:s13+$0x2CF0]  }
0x14d: {  	s13 =	sand.u32 $0xFFFFF800, s10;
	s16 =	sand.u32 $0x300, s11;
	v12 =	vadd.f32 v31, v12;
	v14 =	vadd.f32 v32, v14;
	v26 =	vld [tilespmem:s30+$0x2C60]  }
0x14e: {  	v9 =	vadd.f32 v23, v9;
	v10 =	vadd.f32 v24, v10;
	v23 =	vld [tilespmem:s30+$0x2C70];
	s30 =	sor.u32 s16, s13  }
0x14f: {  	v12 =	vadd.f32 v21, v12;
	v31 =	vld [tilespmem:s30+$0x2800];
	v14 =	vadd.f32 v22, v14  }
0x150: {  	v13 =	vadd.f32 v27, v13;
	v16 =	vadd.f32 v28, v16;
	v32 =	vld [tilespmem:s30+$0x2810]  }
0x151: {  	v15 =	vadd.f32 v33, v15;
	v27 =	vld [tilespmem:s30+$0x2820];
	v11 =	vadd.f32 v25, v11  }
0x152: {  	v13 =	vadd.f32 v19, v13;
	v16 =	vadd.f32 v20, v16;
	v28 =	vld [tilespmem:s30+$0x2830]  }
0x153: {  	v15 =	vadd.f32 v26, v15;
	v33 =	vld [tilespmem:s30+$0x2840];
	v11 =	vadd.f32 v23, v11  }
0x154: {  	v34 =	vld [tilespmem:s30+$0x2850]  }
0x155: {  	v25 =	vld [tilespmem:s30+$0x2860]  }
0x156: {  	v26 =	vld [tilespmem:s30+$0x2870]  }
0x157: {  	v23 =	vld [tilespmem:s30+$0x2C00]  }
0x158: {  	v24 =	vld [tilespmem:s30+$0x2C10]  }
0x159: {  	v21 =	vld [tilespmem:s30+$0x2C20]  }
0x15a: {  	v22 =	vld [tilespmem:s30+$0x2C30]  }
0x15b: {  	s13 =	sand.u32 $0xFFFFF800, s14;
	s14 =	sand.u32 $0x300, s15;
	v19 =	vld [tilespmem:s30+$0x2C40]  }
0x15c: {  	s13 =	sor.u32 s14, s13;
	v20 =	vld [tilespmem:s30+$0x2C50]  }
0x15d: {  	v29 =	vld [tilespmem:s13+$0x2880]  }
0x15e: {  	v30 =	vld [tilespmem:s13+$0x2890]  }
0x15f: {  	v35 =	vld [tilespmem:s13+$0x28A0]  }
0x160: {  	v36 =	vld [tilespmem:s13+$0x28B0]  }
0x161: {  	v37 =	vld [tilespmem:s13+$0x28C0]  }
0x162: {  	v38 =	vld [tilespmem:s13+$0x28D0]  }
0x163: {  	v39 =	vld [tilespmem:s13+$0x28E0]  }
0x164: {  	v3 =	vadd.f32 v29, v3;
	v4 =	vadd.f32 v30, v4;
	v40 =	vld [tilespmem:s13+$0x28F0]  }
0x165: {  	v5 =	vadd.f32 v35, v5;
	v6 =	vadd.f32 v36, v6;
	v29 =	vld [tilespmem:s13+$0x2C80]  }
.Ltmp6:
0x166: {  	v3 =	vadd.f32 v31, v3;
	v4 =	vadd.f32 v32, v4;
	v30 =	vld [tilespmem:s13+$0x2C90];
	(pc) =	sbr.rel @p0 .LBB2_4-.Ltmp6, $4  }
0x167: {  	v5 =	vadd.f32 v27, v5;
	v31 =	vld [tilespmem:s13+$0x2CA0];
	v6 =	vadd.f32 v28, v6  }
0x168: {  	v7 =	vadd.f32 v37, v7;
	v8 =	vadd.f32 v38, v8;
	v32 =	vld [tilespmem:s13+$0x2CB0]  }
0x169: {  	v17 =	vadd.f32 v39, v17;
	v18 =	vadd.f32 v40, v18;
	v27 =	vld [tilespmem:s13+$0x2CC0]  }
0x16a: {  	s12 =	sadd.s32 $0xFFFFFFFF, s12;
	v7 =	vadd.f32 v33, v7;
	v8 =	vadd.f32 v34, v8;
	v28 =	vld [tilespmem:s13+$0x2CD0]  }
.LBB2_5:
0x16b: {  	v33 =	vld [tilespmem:s13+$0x2CE0];
	v17 =	vadd.f32 v25, v17;
	v18 =	vadd.f32 v26, v18  }
0x16c: {  	v9 =	vadd.f32 v29, v9;
	v10 =	vadd.f32 v30, v10;
	v61 =	vld [tilespmem:s13+$0x2CF0]  }
0x16d: {  	v62 =	vld [tilespmem:s30+$0x2C60];
	v12 =	vadd.f32 v31, v12;
	v14 =	vadd.f32 v32, v14  }
0x16e: {  	v63 =	vld [tilespmem:s30+$0x2C70];
	v9 =	vadd.f32 v23, v9;
	v10 =	vadd.f32 v24, v10  }
0x16f: {  	v12 =	vadd.f32 v21, v12;
	v13 =	vadd.f32 v27, v13  }
0x170: {  	v14 =	vadd.f32 v22, v14;
	v16 =	vadd.f32 v28, v16  }
0x171: {  	v15 =	vadd.f32 v33, v15;
	v11 =	vadd.f32 v61, v11  }
0x172: {  	v13 =	vadd.f32 v19, v13;
	v16 =	vadd.f32 v20, v16  }
0x173: {  	v15 =	vadd.f32 v62, v15;
	v11 =	vadd.f32 v63, v11  }
.LBB2_6:
0x174: {  	s10 =	sshllo.u32 s8, $0x1  }
0x175: {  	p0 =	sge.s32 s10, s7  }
.Ltmp7:
0x176: {  	_ = 	snop;
	(pc) =	sbr.rel @p0 .LBB2_13-.Ltmp7, $1  }
0x177: {  	_ =	sdelay $0x3  }
0x178: {  	s10 =	sshll.u32 s8, $0x1  }
0x179: {  	s10 =	sxor.u32 $0xFFFFFFFF, s10  }
0x17a: {  	s7 =	sadd.s32 s7, s10  }
0x17b: {  	p1 =	sne.s32 s7, $0x1  }
.Ltmp8:
0x17c: {  	_ = 	snop;
	(pc) =	sbr.rel @!p1 .LBB2_8-.Ltmp8, $4  }
0x17d: {  	_ = 	snop  }
0x17e: {  	s11 =	sshll.u32 s8, $0x9;
	s30 =	sshll.u32 s8, $0x8  }
0x17f: {  	p0 =	por $0x0, $0x0;
	s8 =	sor.u32 $0x100, s11;
	s10 =	sor.u32 $0x80, s30  }
0x180: {  	s12 =	sand.u32 $0xFFFFF800, s8;
	s13 =	sand.u32 $0x380, s10;
	s11 =	sadd.s32 $0xFFFFFFFF, s7  }
0x181: {  	s7 =	sor.u32 s13, s12  }
0x182: {  	v19 =	vld [tilespmem:s7+$0x2C70]  }
0x183: {  	v20 =	vld [tilespmem:s7+$0x2800]  }
0x184: {  	v21 =	vld [tilespmem:s7+$0x2810]  }
0x185: {  	v22 =	vld [tilespmem:s7+$0x2820]  }
0x186: {  	v23 =	vld [tilespmem:s7+$0x2830]  }
0x187: {  	v24 =	vld [tilespmem:s7+$0x2840]  }
0x188: {  	v28 =	vld [tilespmem:s7+$0x2850]  }
0x189: {  	v29 =	vld [tilespmem:s7+$0x2860]  }
0x18a: {  	v30 =	vld [tilespmem:s7+$0x2870]  }
0x18b: {  	v31 =	vld [tilespmem:s7+$0x2C00]  }
0x18c: {  	p1 =	sne.s32 s11, $0x1;
	v11 =	vadd.f32 v19, v11;
	v3 =	vadd.f32 v20, v3  }
.Ltmp9:
0x18d: {  	v25 =	vld [tilespmem:s7+$0x2C10];
	v4 =	vadd.f32 v21, v4;
	v5 =	vadd.f32 v22, v5;
	(pc) =	sbr.rel @!p1 .LBB2_10-.Ltmp9, $4  }
0x18e: {  	v26 =	vld [tilespmem:s7+$0x2C20];
	v6 =	vadd.f32 v23, v6;
	v7 =	vadd.f32 v24, v7  }
0x18f: {  	v27 =	vld [tilespmem:s7+$0x2C30];
	v8 =	vadd.f32 v28, v8;
	v17 =	vadd.f32 v29, v17  }
0x190: {  	s8 =	sadd.s32 $0x100, s8;
	s10 =	sadd.s32 $0x80, s10;
	s11 =	sadd.s32 $0xFFFFFFFF, s11;
	v28 =	vld [tilespmem:s7+$0x2C40];
	v18 =	vadd.f32 v30, v18;
	v9 =	vadd.f32 v31, v9;
	v19 =	vmov v10  }
0x191: {  	p0 =	por $0x1, $0x1;
	s12 =	sand.u32 $0xFFFFF800, s8;
	s13 =	sand.u32 $0x380, s10;
	v29 =	vld [tilespmem:s7+$0x2C50];
	v20 =	vmovc v12;
	v21 =	vmovc v14;
	v22 =	vmov v13;
	v23 =	vmov v16;
	v24 =	vmov v15  }
.LBB2_11:
0x192: {  	p1 =	sne.s32 s11, $0x1;
	v19 =	vadd.f32 v25, v19;
	v25 =	vld [tilespmem:s7+$0x2C60];
	s7 =	sor.u32 s13, s12  }
0x193: {  	v30 =	vld [tilespmem:s7+$0x2C70];
	v20 =	vadd.f32 v26, v20  }
0x194: {  	v26 =	vld [tilespmem:s7+$0x2800];
	v21 =	vadd.f32 v27, v21  }
0x195: {  	v27 =	vld [tilespmem:s7+$0x2810];
	v22 =	vadd.f32 v28, v22  }
0x196: {  	v28 =	vld [tilespmem:s7+$0x2820];
	v23 =	vadd.f32 v29, v23  }
0x197: {  	v29 =	vld [tilespmem:s7+$0x2830];
	v24 =	vadd.f32 v25, v24  }
0x198: {  	v25 =	vld [tilespmem:s7+$0x2840];
	v11 =	vadd.f32 v30, v11  }
0x199: {  	v3 =	vadd.f32 v26, v3;
	v26 =	vld [tilespmem:s7+$0x2850]  }
0x19a: {  	v4 =	vadd.f32 v27, v4;
	v27 =	vld [tilespmem:s7+$0x2860]  }
0x19b: {  	v5 =	vadd.f32 v28, v5;
	v28 =	vld [tilespmem:s7+$0x2870]  }
0x19c: {  	v6 =	vadd.f32 v29, v6;
	v29 =	vld [tilespmem:s7+$0x2C00]  }
.Ltmp10:
0x19d: {  	v7 =	vadd.f32 v25, v7;
	v25 =	vld [tilespmem:s7+$0x2C10];
	(pc) =	sbr.rel @p1 .LBB2_11-.Ltmp10, $4  }
0x19e: {  	v8 =	vadd.f32 v26, v8;
	v26 =	vld [tilespmem:s7+$0x2C20]  }
0x19f: {  	v17 =	vadd.f32 v27, v17;
	v27 =	vld [tilespmem:s7+$0x2C30]  }
0x1a0: {  	s10 =	sadd.s32 $0x80, s10;
	s8 =	sadd.s32 $0x100, s8;
	v18 =	vadd.f32 v28, v18;
	v28 =	vld [tilespmem:s7+$0x2C40]  }
0x1a1: {  	s11 =	sadd.s32 $0xFFFFFFFF, s11;
	s12 =	sand.u32 $0xFFFFF800, s8;
	s13 =	sand.u32 $0x380, s10;
	v9 =	vadd.f32 v29, v9;
	v29 =	vld [tilespmem:s7+$0x2C50]  }
.LBB2_12:
0x1a2: {  	s8 =	sor.u32 s13, s12;
	v30 =	vld @p0 [tilespmem:s7+$0x2C60]  }
0x1a3: {  	v31 =	vld [tilespmem:s8+$0x2C70]  }
0x1a4: {  	v32 =	vld [tilespmem:s8+$0x2800]  }
0x1a5: {  	v33 =	vld [tilespmem:s8+$0x2810]  }
0x1a6: {  	v34 =	vld [tilespmem:s8+$0x2820]  }
0x1a7: {  	v35 =	vld [tilespmem:s8+$0x2830]  }
0x1a8: {  	v36 =	vld [tilespmem:s8+$0x2840]  }
0x1a9: {  	v37 =	vld [tilespmem:s8+$0x2850]  }
0x1aa: {  	v38 =	vld [tilespmem:s8+$0x2860]  }
0x1ab: {  	v39 =	vld [tilespmem:s8+$0x2870]  }
0x1ac: {  	v57 =	vld [tilespmem:s8+$0x2C00]  }
0x1ad: {  	v19 =	vadd.f32 @p0 v25, v19;
	v20 =	vadd.f32 @p0 v26, v20;
	v58 =	vld [tilespmem:s8+$0x2C10]  }
0x1ae: {  	v59 =	vld [tilespmem:s8+$0x2C20];
	v21 =	vadd.f32 @p0 v27, v21;
	v22 =	vadd.f32 @p0 v28, v22  }
0x1af: {  	v60 =	vld [tilespmem:s8+$0x2C30];
	v23 =	vadd.f32 @p0 v29, v23;
	v24 =	vadd.f32 @p0 v30, v24  }
0x1b0: {  	v61 =	vld [tilespmem:s8+$0x2C40];
	v11 =	vadd.f32 v31, v11;
	v3 =	vadd.f32 v32, v3  }
0x1b1: {  	v62 =	vld [tilespmem:s8+$0x2C50];
	v10 =	vpsel p0, v19, v10;
	v4 =	vadd.f32 v33, v4;
	v5 =	vadd.f32 v34, v5  }
0x1b2: {  	v63 =	vld [tilespmem:s8+$0x2C60];
	v12 =	vpsel p0, v20, v12;
	v6 =	vadd.f32 v35, v6;
	v7 =	vadd.f32 v36, v7  }
0x1b3: {  	v14 =	vpsel p0, v21, v14;
	v8 =	vadd.f32 v37, v8;
	v17 =	vadd.f32 v38, v17  }
0x1b4: {  	v13 =	vpsel p0, v22, v13;
	v18 =	vadd.f32 v39, v18;
	v9 =	vadd.f32 v57, v9  }
0x1b5: {  	v16 =	vpsel p0, v23, v16;
	v10 =	vadd.f32 v58, v10;
	v12 =	vadd.f32 v59, v12  }
0x1b6: {  	v14 =	vadd.f32 v60, v14;
	v13 =	vadd.f32 v61, v13;
	v15 =	vpsel p0, v24, v15  }
0x1b7: {  	v16 =	vadd.f32 v62, v16;
	v15 =	vadd.f32 v63, v15  }
.LBB2_13:
0x1b8: {  	s7 =	sshll.u32 s31, $0xA  }
0x1b9: {  	s7 =	sand.u32 $0x3FFFFC00, s7  }
0x1ba: {  	[tilespmem:s7+$0x12800] =	vst v3  }
0x1bb: {  	[tilespmem:s7+$0x12810] =	vst v4  }
0x1bc: {  	[tilespmem:s7+$0x12820] =	vst v5  }
0x1bd: {  	[tilespmem:s7+$0x12830] =	vst v6  }
0x1be: {  	[tilespmem:s7+$0x12840] =	vst v7  }
0x1bf: {  	[tilespmem:s7+$0x12850] =	vst v8  }
0x1c0: {  	[tilespmem:s7+$0x12860] =	vst v17  }
0x1c1: {  	[tilespmem:s7+$0x12870] =	vst v18  }
0x1c2: {  	[tilespmem:s7+$0x12880] =	vst v9  }
0x1c3: {  	[tilespmem:s7+$0x12890] =	vst v10  }
0x1c4: {  	[tilespmem:s7+$0x128A0] =	vst v12  }
0x1c5: {  	[tilespmem:s7+$0x128B0] =	vst v14  }
0x1c6: {  	[tilespmem:s7+$0x128C0] =	vst v13  }
0x1c7: {  	[tilespmem:s7+$0x128D0] =	vst v16  }
0x1c8: {  	[tilespmem:s7+$0x128E0] =	vst v15  }
0x1c9: {  	[tilespmem:s7+$0x128F0] =	vst v11  }
0x1ca: {  	v3 =	vld [tilespmem:s6+$0x2000];
	_ =	sdelay $0x4  }
0x1cb: {  	(v2sf) =	vpush v3, $0x0;
	_ =	sdelay $0xc  }
0x1cc: {  	v4 =	vld [tilespmem:$0x6810]  }
0x1cd: {  	v5 =	vld [tilespmem:$0x6820]  }
0x1ce: {  	v6 =	vld [tilespmem:$0x6830];
	s6 =	spop (v2sf)  }
0x1cf: {  	v7 =	vld [tilespmem:$0x6840];
	s16 =	sadd.s32 $0xFFFFFFFF, s6  }
0x1d0: {  	v8 =	vld [tilespmem:$0x6850];
	s8 =	sand.u32 $0x1, s16  }
0x1d1: {  	v17 =	vld [tilespmem:$0x6860];
	p0 =	slt.s32 s16, $0x1;
	p1 =	seq.s32 s8, $0x1  }
0x1d2: {  	v18 =	vld [tilespmem:$0x6870];
	s30 =	sshrl.u32 s16, $0x1F;
	p0 =	por !p0, !p1  }
0x1d3: {  	v9 =	vld [tilespmem:$0x6C00];
	s7 =	sadd.s32 s30, s16;
	s8 =	simm.s32 $0x1;
	p0 =	por !p0, !p0  }
0x1d4: {  	v12 =	vld [tilespmem:$0x6C10];
	s7 =	sshra.s32 s7, $0x1;
	s8 =	simm.s32 @!p0 $0x0  }
0x1d5: {  	v11 =	vld [tilespmem:$0x6C20];
	s7 =	ssub.s32 s7, s8  }
0x1d6: {  	v14 =	vld [tilespmem:$0x6C30];
	p0 =	slt.s32 s7, $0x1  }
.Ltmp11:
0x1d7: {  	v13 =	vld [tilespmem:$0x6C40];
	(pc) =	sbr.rel @p0 .LBB2_17-.Ltmp11, $4  }
0x1d8: {  	v16 =	vld [tilespmem:$0x6C50]  }
0x1d9: {  	v15 =	vld [tilespmem:$0x6C60]  }
0x1da: {  	v10 =	vld [tilespmem:$0x6C70]  }
0x1db: {  	v3 =	vld [tilespmem:$0x6800]  }
0x1dc: {  	s8 =	simm.s32 $0x2080;
	s30 =	simm.s32 $0x4100  }
0x1dd: {  	s10 =	sand.u32 $0xFFFFF800, s30;
	s11 =	sand.u32 $0x380, s8  }
0x1de: {  	s10 =	sor.u32 s11, s10  }
0x1df: {  	v27 =	vld [tilespmem:s10+$0x2800]  }
0x1e0: {  	v28 =	vld [tilespmem:s10+$0x2810]  }
0x1e1: {  	v29 =	vld [tilespmem:s10+$0x2820]  }
0x1e2: {  	v30 =	vld [tilespmem:s10+$0x2830]  }
0x1e3: {  	v31 =	vld [tilespmem:s10+$0x2840]  }
0x1e4: {  	v33 =	vld [tilespmem:s10+$0x2850]  }
0x1e5: {  	v34 =	vld [tilespmem:s10+$0x2860]  }
0x1e6: {  	v35 =	vld [tilespmem:s10+$0x2870]  }
0x1e7: {  	v25 =	vld [tilespmem:s10+$0x2C00]  }
0x1e8: {  	v26 =	vld [tilespmem:s10+$0x2C10]  }
0x1e9: {  	v23 =	vld [tilespmem:s10+$0x2C20]  }
0x1ea: {  	v24 =	vld [tilespmem:s10+$0x2C30]  }
0x1eb: {  	v19 =	vld [tilespmem:s10+$0x2C40]  }
0x1ec: {  	s16 =	simm.s32 $0x4200;
	s12 =	simm.s32 $0x2100;
	v20 =	vld [tilespmem:s10+$0x2C50]  }
0x1ed: {  	s12 =	sand.u32 $0x300, s12;
	s11 =	sand.u32 $0xFFFFF800, s16;
	v21 =	vld [tilespmem:s10+$0x2C60]  }
0x1ee: {  	v22 =	vld [tilespmem:s10+$0x2C70];
	s11 =	sor.u32 s12, s11  }
0x1ef: {  	v32 =	vld [tilespmem:s11+$0x2800]  }
0x1f0: {  	v36 =	vld [tilespmem:s11+$0x2810]  }
0x1f1: {  	v37 =	vld [tilespmem:s11+$0x2820]  }
0x1f2: {  	v38 =	vld [tilespmem:s11+$0x2830]  }
0x1f3: {  	v39 =	vld [tilespmem:s11+$0x2840]  }
0x1f4: {  	v40 =	vld [tilespmem:s11+$0x2850];
	v3 =	vadd.f32 v27, v3;
	v4 =	vadd.f32 v28, v4  }
0x1f5: {  	p0 =	sne.s32 s7, $0x1;
	v5 =	vadd.f32 v29, v5;
	v6 =	vadd.f32 v30, v6;
	v30 =	vld [tilespmem:s11+$0x2860]  }
.Ltmp12:
0x1f6: {  	v7 =	vadd.f32 v31, v7;
	v3 =	vadd.f32 v32, v3;
	v32 =	vld [tilespmem:s11+$0x2870];
	(pc) =	sbr.rel @!p0 .LBB2_16-.Ltmp12, $4  }
0x1f7: {  	v27 =	vld [tilespmem:s11+$0x2C00];
	v8 =	vadd.f32 v33, v8;
	v17 =	vadd.f32 v34, v17  }
0x1f8: {  	v28 =	vld [tilespmem:s11+$0x2C10];
	v18 =	vadd.f32 v35, v18;
	v4 =	vadd.f32 v36, v4  }
0x1f9: {  	v29 =	vld [tilespmem:s11+$0x2C20];
	v5 =	vadd.f32 v37, v5;
	v6 =	vadd.f32 v38, v6  }
0x1fa: {  	s10 =	sadd.s32 $0xFFFFFFFF, s7;
	v31 =	vld [tilespmem:s11+$0x2C30];
	v7 =	vadd.f32 v39, v7;
	v8 =	vadd.f32 v40, v8  }
.LBB2_15:
0x1fb: {  	p0 =	sne.s32 s10, $0x1;
	v17 =	vadd.f32 v30, v17;
	v18 =	vadd.f32 v32, v18;
	v30 =	vld [tilespmem:s11+$0x2C40]  }
0x1fc: {  	v9 =	vadd.f32 v25, v9;
	v12 =	vadd.f32 v26, v12;
	s8 =	sadd.s32 $0x100, s8;
	s30 =	sadd.s32 $0x200, s30;
	v25 =	vld [tilespmem:s11+$0x2C50]  }
0x1fd: {  	v11 =	vadd.f32 v23, v11;
	v14 =	vadd.f32 v24, v14;
	s12 =	sand.u32 $0xFFFFF800, s30;
	s13 =	sand.u32 $0x380, s8;
	v23 =	vld [tilespmem:s11+$0x2C60]  }
0x1fe: {  	s12 =	sor.u32 s13, s12;
	v9 =	vadd.f32 v27, v9;
	v12 =	vadd.f32 v28, v12;
	v24 =	vld [tilespmem:s11+$0x2C70]  }
0x1ff: {  	v11 =	vadd.f32 v29, v11;
	v27 =	vld [tilespmem:s12+$0x2800];
	v14 =	vadd.f32 v31, v14  }
0x200: {  	v13 =	vadd.f32 v19, v13;
	v16 =	vadd.f32 v20, v16;
	v28 =	vld [tilespmem:s12+$0x2810]  }
0x201: {  	v15 =	vadd.f32 v21, v15;
	v10 =	vadd.f32 v22, v10;
	v29 =	vld [tilespmem:s12+$0x2820]  }
0x202: {  	v13 =	vadd.f32 v30, v13;
	v16 =	vadd.f32 v25, v16;
	v31 =	vld [tilespmem:s12+$0x2830]  }
0x203: {  	v15 =	vadd.f32 v23, v15;
	v33 =	vld [tilespmem:s12+$0x2840];
	v10 =	vadd.f32 v24, v10  }
0x204: {  	v34 =	vld [tilespmem:s12+$0x2850]  }
0x205: {  	v35 =	vld [tilespmem:s12+$0x2860]  }
0x206: {  	v36 =	vld [tilespmem:s12+$0x2870]  }
0x207: {  	v25 =	vld [tilespmem:s12+$0x2C00]  }
0x208: {  	v26 =	vld [tilespmem:s12+$0x2C10]  }
0x209: {  	v23 =	vld [tilespmem:s12+$0x2C20]  }
0x20a: {  	v24 =	vld [tilespmem:s12+$0x2C30]  }
0x20b: {  	v19 =	vld [tilespmem:s12+$0x2C40]  }
0x20c: {  	s13 =	sadd.s32 $0x80, s8;
	s11 =	sadd.s32 $0x100, s30;
	v20 =	vld [tilespmem:s12+$0x2C50]  }
0x20d: {  	s13 =	sand.u32 $0x300, s13;
	s11 =	sand.u32 $0xFFFFF800, s11;
	v21 =	vld [tilespmem:s12+$0x2C60]  }
0x20e: {  	s11 =	sor.u32 s13, s11;
	v22 =	vld [tilespmem:s12+$0x2C70]  }
0x20f: {  	v32 =	vld [tilespmem:s11+$0x2800]  }
0x210: {  	v37 =	vld [tilespmem:s11+$0x2810]  }
0x211: {  	v38 =	vld [tilespmem:s11+$0x2820]  }
0x212: {  	v39 =	vld [tilespmem:s11+$0x2830]  }
0x213: {  	v40 =	vld [tilespmem:s11+$0x2840]  }
0x214: {  	v3 =	vadd.f32 v27, v3;
	v4 =	vadd.f32 v28, v4;
	v41 =	vld [tilespmem:s11+$0x2850]  }
0x215: {  	v5 =	vadd.f32 v29, v5;
	v6 =	vadd.f32 v31, v6;
	v30 =	vld [tilespmem:s11+$0x2860]  }
.Ltmp13:
0x216: {  	v3 =	vadd.f32 v32, v3;
	v4 =	vadd.f32 v37, v4;
	v32 =	vld [tilespmem:s11+$0x2870];
	(pc) =	sbr.rel @p0 .LBB2_15-.Ltmp13, $4  }
0x217: {  	v5 =	vadd.f32 v38, v5;
	v6 =	vadd.f32 v39, v6;
	v27 =	vld [tilespmem:s11+$0x2C00]  }
0x218: {  	v7 =	vadd.f32 v33, v7;
	v8 =	vadd.f32 v34, v8;
	v28 =	vld [tilespmem:s11+$0x2C10]  }
0x219: {  	v17 =	vadd.f32 v35, v17;
	v18 =	vadd.f32 v36, v18;
	v29 =	vld [tilespmem:s11+$0x2C20]  }
0x21a: {  	s10 =	sadd.s32 $0xFFFFFFFF, s10;
	v7 =	vadd.f32 v40, v7;
	v8 =	vadd.f32 v41, v8;
	v31 =	vld [tilespmem:s11+$0x2C30]  }
.LBB2_16:
0x21b: {  	v17 =	vadd.f32 v30, v17;
	v18 =	vadd.f32 v32, v18;
	v60 =	vld [tilespmem:s11+$0x2C40]  }
0x21c: {  	v9 =	vadd.f32 v25, v9;
	v12 =	vadd.f32 v26, v12;
	v61 =	vld [tilespmem:s11+$0x2C50]  }
0x21d: {  	v11 =	vadd.f32 v23, v11;
	v14 =	vadd.f32 v24, v14;
	v62 =	vld [tilespmem:s11+$0x2C60]  }
0x21e: {  	v63 =	vld [tilespmem:s11+$0x2C70];
	v13 =	vadd.f32 v19, v13;
	v16 =	vadd.f32 v20, v16  }
0x21f: {  	v15 =	vadd.f32 v21, v15;
	v10 =	vadd.f32 v22, v10  }
0x220: {  	v9 =	vadd.f32 v27, v9;
	v12 =	vadd.f32 v28, v12  }
0x221: {  	v11 =	vadd.f32 v29, v11;
	v14 =	vadd.f32 v31, v14  }
0x222: {  	v13 =	vadd.f32 v60, v13;
	v16 =	vadd.f32 v61, v16  }
0x223: {  	v15 =	vadd.f32 v62, v15;
	v10 =	vadd.f32 v63, v10  }
.LBB2_17:
0x224: {  	s8 =	sshllo.u32 s7, $0x1  }
0x225: {  	p0 =	sge.s32 s8, s6  }
.Ltmp14:
0x226: {  	_ = 	snop;
	(pc) =	sbr.rel @p0 .LBB2_24-.Ltmp14, $1  }
0x227: {  	_ =	sdelay $0x3  }
0x228: {  	s8 =	sshll.u32 s7, $0x1  }
0x229: {  	s8 =	sxor.u32 $0xFFFFFFFF, s8  }
0x22a: {  	s6 =	sadd.s32 s6, s8  }
0x22b: {  	p1 =	sne.s32 s6, $0x1  }
.Ltmp15:
0x22c: {  	_ = 	snop;
	(pc) =	sbr.rel @!p1 .LBB2_19-.Ltmp15, $4  }
0x22d: {  	_ = 	snop  }
0x22e: {  	s10 =	sshll.u32 s7, $0x9;
	s30 =	sshll.u32 s7, $0x8  }
0x22f: {  	p0 =	por $0x0, $0x0;
	s7 =	sor.u32 $0x100, s10;
	s8 =	sor.u32 $0x80, s30  }
0x230: {  	s11 =	sand.u32 $0xFFFFF800, s7;
	s12 =	sand.u32 $0x380, s8;
	s10 =	sadd.s32 $0xFFFFFFFF, s6  }
0x231: {  	s6 =	sor.u32 s12, s11  }
0x232: {  	v19 =	vld [tilespmem:s6+$0x6C70]  }
0x233: {  	v20 =	vld [tilespmem:s6+$0x6800]  }
0x234: {  	v21 =	vld [tilespmem:s6+$0x6810]  }
0x235: {  	v22 =	vld [tilespmem:s6+$0x6820]  }
0x236: {  	v23 =	vld [tilespmem:s6+$0x6830]  }
0x237: {  	v24 =	vld [tilespmem:s6+$0x6840]  }
0x238: {  	v28 =	vld [tilespmem:s6+$0x6850]  }
0x239: {  	v29 =	vld [tilespmem:s6+$0x6860]  }
0x23a: {  	v30 =	vld [tilespmem:s6+$0x6870]  }
0x23b: {  	v31 =	vld [tilespmem:s6+$0x6C00]  }
0x23c: {  	p1 =	sne.s32 s10, $0x1;
	v10 =	vadd.f32 v19, v10;
	v3 =	vadd.f32 v20, v3  }
.Ltmp16:
0x23d: {  	v25 =	vld [tilespmem:s6+$0x6C10];
	v4 =	vadd.f32 v21, v4;
	v5 =	vadd.f32 v22, v5;
	(pc) =	sbr.rel @!p1 .LBB2_21-.Ltmp16, $4  }
0x23e: {  	v26 =	vld [tilespmem:s6+$0x6C20];
	v6 =	vadd.f32 v23, v6;
	v7 =	vadd.f32 v24, v7  }
0x23f: {  	v27 =	vld [tilespmem:s6+$0x6C30];
	v8 =	vadd.f32 v28, v8;
	v17 =	vadd.f32 v29, v17  }
0x240: {  	s7 =	sadd.s32 $0x100, s7;
	s8 =	sadd.s32 $0x80, s8;
	s10 =	sadd.s32 $0xFFFFFFFF, s10;
	v28 =	vld [tilespmem:s6+$0x6C40];
	v18 =	vadd.f32 v30, v18;
	v9 =	vadd.f32 v31, v9;
	v19 =	vmov v12  }
0x241: {  	p0 =	por $0x1, $0x1;
	s11 =	sand.u32 $0xFFFFF800, s7;
	s12 =	sand.u32 $0x380, s8;
	v29 =	vld [tilespmem:s6+$0x6C50];
	v20 =	vmovc v11;
	v21 =	vmovc v14;
	v22 =	vmov v13;
	v23 =	vmov v16;
	v24 =	vmov v15  }
.LBB2_22:
0x242: {  	p1 =	sne.s32 s10, $0x1;
	v19 =	vadd.f32 v25, v19;
	v25 =	vld [tilespmem:s6+$0x6C60];
	s6 =	sor.u32 s12, s11  }
0x243: {  	v30 =	vld [tilespmem:s6+$0x6C70];
	v20 =	vadd.f32 v26, v20  }
0x244: {  	v26 =	vld [tilespmem:s6+$0x6800];
	v21 =	vadd.f32 v27, v21  }
0x245: {  	v27 =	vld [tilespmem:s6+$0x6810];
	v22 =	vadd.f32 v28, v22  }
0x246: {  	v28 =	vld [tilespmem:s6+$0x6820];
	v23 =	vadd.f32 v29, v23  }
0x247: {  	v29 =	vld [tilespmem:s6+$0x6830];
	v24 =	vadd.f32 v25, v24  }
0x248: {  	v25 =	vld [tilespmem:s6+$0x6840];
	v10 =	vadd.f32 v30, v10  }
0x249: {  	v3 =	vadd.f32 v26, v3;
	v26 =	vld [tilespmem:s6+$0x6850]  }
0x24a: {  	v4 =	vadd.f32 v27, v4;
	v27 =	vld [tilespmem:s6+$0x6860]  }
0x24b: {  	v5 =	vadd.f32 v28, v5;
	v28 =	vld [tilespmem:s6+$0x6870]  }
0x24c: {  	v6 =	vadd.f32 v29, v6;
	v29 =	vld [tilespmem:s6+$0x6C00]  }
.Ltmp17:
0x24d: {  	v7 =	vadd.f32 v25, v7;
	v25 =	vld [tilespmem:s6+$0x6C10];
	(pc) =	sbr.rel @p1 .LBB2_22-.Ltmp17, $4  }
0x24e: {  	v8 =	vadd.f32 v26, v8;
	v26 =	vld [tilespmem:s6+$0x6C20]  }
0x24f: {  	v17 =	vadd.f32 v27, v17;
	v27 =	vld [tilespmem:s6+$0x6C30]  }
0x250: {  	s8 =	sadd.s32 $0x80, s8;
	s7 =	sadd.s32 $0x100, s7;
	v18 =	vadd.f32 v28, v18;
	v28 =	vld [tilespmem:s6+$0x6C40]  }
0x251: {  	s10 =	sadd.s32 $0xFFFFFFFF, s10;
	s11 =	sand.u32 $0xFFFFF800, s7;
	s12 =	sand.u32 $0x380, s8;
	v9 =	vadd.f32 v29, v9;
	v29 =	vld [tilespmem:s6+$0x6C50]  }
.LBB2_23:
0x252: {  	s7 =	sor.u32 s12, s11;
	v30 =	vld @p0 [tilespmem:s6+$0x6C60]  }
0x253: {  	v31 =	vld [tilespmem:s7+$0x6C70]  }
0x254: {  	v32 =	vld [tilespmem:s7+$0x6800]  }
0x255: {  	v33 =	vld [tilespmem:s7+$0x6810]  }
0x256: {  	v34 =	vld [tilespmem:s7+$0x6820]  }
0x257: {  	v35 =	vld [tilespmem:s7+$0x6830]  }
0x258: {  	v36 =	vld [tilespmem:s7+$0x6840]  }
0x259: {  	v37 =	vld [tilespmem:s7+$0x6850]  }
0x25a: {  	v38 =	vld [tilespmem:s7+$0x6860]  }
0x25b: {  	v39 =	vld [tilespmem:s7+$0x6870]  }
0x25c: {  	v57 =	vld [tilespmem:s7+$0x6C00]  }
0x25d: {  	v19 =	vadd.f32 @p0 v25, v19;
	v20 =	vadd.f32 @p0 v26, v20;
	v58 =	vld [tilespmem:s7+$0x6C10]  }
0x25e: {  	v59 =	vld [tilespmem:s7+$0x6C20];
	v21 =	vadd.f32 @p0 v27, v21;
	v22 =	vadd.f32 @p0 v28, v22  }
0x25f: {  	v60 =	vld [tilespmem:s7+$0x6C30];
	v23 =	vadd.f32 @p0 v29, v23;
	v24 =	vadd.f32 @p0 v30, v24  }
0x260: {  	v61 =	vld [tilespmem:s7+$0x6C40];
	v10 =	vadd.f32 v31, v10;
	v3 =	vadd.f32 v32, v3  }
0x261: {  	v62 =	vld [tilespmem:s7+$0x6C50];
	v12 =	vpsel p0, v19, v12;
	v4 =	vadd.f32 v33, v4;
	v5 =	vadd.f32 v34, v5  }
0x262: {  	v63 =	vld [tilespmem:s7+$0x6C60];
	v11 =	vpsel p0, v20, v11;
	v6 =	vadd.f32 v35, v6;
	v7 =	vadd.f32 v36, v7  }
0x263: {  	v14 =	vpsel p0, v21, v14;
	v8 =	vadd.f32 v37, v8;
	v17 =	vadd.f32 v38, v17  }
0x264: {  	v13 =	vpsel p0, v22, v13;
	v18 =	vadd.f32 v39, v18;
	v9 =	vadd.f32 v57, v9  }
0x265: {  	v16 =	vpsel p0, v23, v16;
	v12 =	vadd.f32 v58, v12;
	v11 =	vadd.f32 v59, v11  }
0x266: {  	v14 =	vadd.f32 v60, v14;
	v13 =	vadd.f32 v61, v13;
	v15 =	vpsel p0, v24, v15  }
0x267: {  	v16 =	vadd.f32 v62, v16;
	v15 =	vadd.f32 v63, v15  }
.LBB2_24:
0x268: {  	s5 =	sshll.u32 s5, $0x8  }
0x269: {  	s5 =	sand.u32 $0x3FFFFF00, s5  }
0x26a: {  	[tilespmem:s5+$0x12800] =	vst v3  }
0x26b: {  	[tilespmem:s5+$0x12810] =	vst v4  }
0x26c: {  	[tilespmem:s5+$0x12820] =	vst v5  }
0x26d: {  	[tilespmem:s5+$0x12830] =	vst v6  }
0x26e: {  	[tilespmem:s5+$0x12840] =	vst v7  }
0x26f: {  	[tilespmem:s5+$0x12850] =	vst v8  }
0x270: {  	[tilespmem:s5+$0x12860] =	vst v17  }
0x271: {  	[tilespmem:s5+$0x12870] =	vst v18  }
0x272: {  	[tilespmem:s5+$0x12880] =	vst v9  }
0x273: {  	[tilespmem:s5+$0x12890] =	vst v12  }
0x274: {  	p0 =	seq.s32 s31, $0x1F;
	[tilespmem:s5+$0x128A0] =	vst v11  }
.Ltmp18:
0x275: {  	[tilespmem:s5+$0x128B0] =	vst v14;
	(pc) =	sbr.rel @p0 .LBB2_26-.Ltmp18, $4  }
0x276: {  	[tilespmem:s5+$0x128C0] =	vst v13  }
0x277: {  	[tilespmem:s5+$0x128D0] =	vst v16  }
0x278: {  	[tilespmem:s5+$0x128E0] =	vst v15  }
0x279: {  	[tilespmem:s5+$0x128F0] =	vst v10  }
0x27a: {  	v3 =	vld [tilespmem:s4+$0x100];
	_ =	sdelay $0x4  }
0x27b: {  	v4 =	vshll.u32 v3, $0x1  }
0x27c: {  	v3 =	vand.u32 $0x7, v3;
	v4 =	vand.u32 $0xFFFFFFF0, v4  }
0x27d: {  	v3 =	vor.u32 v3, v4  }
0x27e: {  	v4 =	vperm.xlane v3, v0;
	_ =	sdelay $0x1  }
0x27f: {  	s5 =	sadd.s32 $0x100, s4;
	v3 =	vperm.xlane v3, v2;
	v4 =	vadd.s32 v1, v4  }
0x280: {  	s6 =	sshra.s32 s5, $0x2  }
0x281: {  	v5 =	vld [tilespmem:s6+$0x2000];
	v3 =	vadd.s32 v1, v3;
	_ =	sdelay $0x1  }
0x282: {  	s7 =	simm.s32 $0x2800  }
0x283: {  	[tilespmem:s7], [sflag:$0x1] =	stream.indirect_vreg.gather [hbm4b:s1+s3], $0x80, v4, vm0, $0xb8;
	[tilespmem:$0x1A800] =	vst v63  }
0x284: {  	s8 =	simm.s32 $0x3000  }
0x285: {  	(v2sf) =	vpush v5, $0x0;
	[tilespmem:s8], [sflag:$0x1] =	stream.indirect_vreg.gather [hbm4b:s1+s3], $0x80, v3, vm0, $0xb8;
	[tilespmem:$0x1A800] =	vst v63  }
0x286: {  	v3 =	vld [tilespmem:s4+$0x110];
	_ =	sdelay $0x4  }
0x287: {  	v60 =	vshll.u32 v3, $0x1  }
0x288: {  	v3 =	vand.u32 $0x7, v3;
	v4 =	vand.u32 $0xFFFFFFF0, v60  }
0x289: {  	v3 =	vor.u32 v3, v4  }
0x28a: {  	v4 =	vperm.xlane v3, v0;
	_ =	sdelay $0x1  }
0x28b: {  	v3 =	vperm.xlane v3, v2;
	v4 =	vadd.s32 v1, v4;
	_ =	sdelay $0x1  }
0x28c: {  	v3 =	vadd.s32 v1, v3;
	_ =	sdelay $0x1  }
0x28d: {  	s10 =	simm.s32 $0x3800;
	s11 =	spop (v2sf)  }
0x28e: {  	[tilespmem:s10], [sflag:$0x1] =	stream.indirect_vreg.gather [hbm4b:s1+s3], $0x80, v4, vm0, $0xb8;
	[tilespmem:$0x1A800] =	vst v63  }
0x28f: {  	s12 =	simm.s32 $0x4000;
	p0 =	slt.s32 s11, $0x21  }
0x290: {  	[tilespmem:s12], [sflag:$0x1] =	stream.indirect_vreg.gather [hbm4b:s1+s3], $0x80, v3, vm0, $0xb8;
	[tilespmem:$0x1A800] =	vst v63  }
0x291: {  	v3 =	vld @!p0 [tilespmem:s5+$0x20];
	_ =	sdelay $0x4  }
0x292: {  	v4 =	vshll.u32 @!p0 v3, $0x1  }
0x293: {  	v5 =	vlaneseq.u32 @!p0;
	v3 =	vand.u32 @!p0 $0x7, v3;
	v4 =	vand.u32 @!p0 $0xFFFFFFF0, v4  }
0x294: {  	v6 =	vshrl.u32 @!p0 v5, $0x3;
	v3 =	vor.u32 @!p0 v3, v4;
	v4 =	vand.u32 @!p0 $0x7, v5  }
0x295: {  	v6 =	vmul.u32 @!p0 $0x8, v6;
	v7 =	vperm.xlane @!p0 v3, v4  }
0x296: {  	v5 =	vor.u32 @!p0 $0x8, v5  }
0x297: {  	v3 =	vperm.xlane @!p0 v3, v5;
	v7 =	vadd.s32 @!p0 v6, v7;
	_ =	sdelay $0x1  }
0x298: {  	v3 =	vadd.s32 @!p0 v6, v3;
	_ =	sdelay $0x1  }
0x299: {  	vm1 =	vmmov @!p0 $0xffff;
	s4 =	simm.s32 @!p0 $0x0;
	s6 =	simm.s32 @!p0 $0x4800  }
0x29a: {  	[tilespmem:s6], [sflag:$0x1] =	stream.indirect_vreg.gather @!p0 [hbm4b:s1+s4], $0x80, v7, vm1, $0xb8;
	[tilespmem:$0x1A800] =	vst v63  }
0x29b: {  	s6 =	simm.s32 @!p0 $0x5000  }
0x29c: {  	[tilespmem:s6], [sflag:$0x1] =	stream.indirect_vreg.gather @!p0 [hbm4b:s1+s4], $0x80, v3, vm1, $0xb8;
	[tilespmem:$0x1A800] =	vst v63  }
0x29d: {  	v3 =	vld @!p0 [tilespmem:s5+$0x30];
	_ =	sdelay $0x4  }
0x29e: {  	v7 =	vshll.u32 @!p0 v3, $0x1  }
0x29f: {  	v3 =	vand.u32 @!p0 $0x7, v3;
	v7 =	vand.u32 @!p0 $0xFFFFFFF0, v7  }
0x2a0: {  	v3 =	vor.u32 @!p0 v3, v7  }
0x2a1: {  	v4 =	vperm.xlane @!p0 v3, v4;
	_ =	sdelay $0x1  }
0x2a2: {  	v3 =	vperm.xlane @!p0 v3, v5;
	v4 =	vadd.s32 @!p0 v6, v4;
	_ =	sdelay $0x1  }
0x2a3: {  	v3 =	vadd.s32 @!p0 v6, v3;
	_ =	sdelay $0x1  }
0x2a4: {  	s6 =	simm.s32 @!p0 $0x5800  }
0x2a5: {  	[tilespmem:s6], [sflag:$0x1] =	stream.indirect_vreg.gather @!p0 [hbm4b:s1+s4], $0x80, v4, vm1, $0xb8;
	[tilespmem:$0x1A800] =	vst v63  }
0x2a6: {  	s6 =	simm.s32 @!p0 $0x6000  }
0x2a7: {  	[tilespmem:s6], [sflag:$0x1] =	stream.indirect_vreg.gather @!p0 [hbm4b:s1+s4], $0x80, v3, vm1, $0xb8;
	[tilespmem:$0x1A800] =	vst v63  }
0x2a8: {  	s4 =	sor.u32 $0x40, s5  }
0x2a9: {  	v3 =	vld [tilespmem:s4+$0x0];
	_ =	sdelay $0x4  }
0x2aa: {  	v61 =	vshll.u32 v3, $0x1  }
0x2ab: {  	v3 =	vand.u32 $0x7, v3;
	v4 =	vand.u32 $0xFFFFFFF0, v61  }
0x2ac: {  	v3 =	vor.u32 v3, v4  }
0x2ad: {  	v4 =	vperm.xlane v3, v0;
	_ =	sdelay $0x1  }
0x2ae: {  	v3 =	vperm.xlane v3, v2;
	v4 =	vadd.s32 v1, v4  }
0x2af: {  	s13 =	sshra.s32 s4, $0x2  }
0x2b0: {  	v62 =	vld [tilespmem:s13+$0x2000];
	v3 =	vadd.s32 v1, v3;
	_ =	sdelay $0x1  }
0x2b1: {  	s14 =	simm.s32 $0x6800  }
0x2b2: {  	[tilespmem:s14], [sflag:$0x1] =	stream.indirect_vreg.gather [hbm4b:s1+s3], $0x80, v4, vm0, $0xb8;
	[tilespmem:$0x1A800] =	vst v63  }
0x2b3: {  	s15 =	simm.s32 $0x7000  }
0x2b4: {  	(v2sf) =	vpush v62, $0x0;
	[tilespmem:s15], [sflag:$0x1] =	stream.indirect_vreg.gather [hbm4b:s1+s3], $0x80, v3, vm0, $0xb8;
	[tilespmem:$0x1A800] =	vst v63  }
0x2b5: {  	v3 =	vld [tilespmem:s5+$0x50];
	_ =	sdelay $0x4  }
0x2b6: {  	v63 =	vshll.u32 v3, $0x1  }
0x2b7: {  	v3 =	vand.u32 $0x7, v3;
	v4 =	vand.u32 $0xFFFFFFF0, v63  }
0x2b8: {  	v3 =	vor.u32 v3, v4  }
0x2b9: {  	v4 =	vperm.xlane v3, v0;
	_ =	sdelay $0x1  }
0x2ba: {  	v3 =	vperm.xlane v3, v2;
	v4 =	vadd.s32 v1, v4;
	_ =	sdelay $0x1  }
0x2bb: {  	v3 =	vadd.s32 v1, v3;
	_ =	sdelay $0x1  }
0x2bc: {  	s16 =	simm.s32 $0x7800;
	s30 =	spop (v2sf)  }
0x2bd: {  	[tilespmem:s16], [sflag:$0x1] =	stream.indirect_vreg.gather [hbm4b:s1+s3], $0x80, v4, vm0, $0xb8;
	[tilespmem:$0x1A800] =	vst v63  }
0x2be: {  	p0 =	slt.s32 s30, $0x21  }
0x2bf: {  	[tilespmem:s17], [sflag:$0x1] =	stream.indirect_vreg.gather [hbm4b:s1+s3], $0x80, v3, vm0, $0xb8;
	[tilespmem:$0x1A800] =	vst v63  }
0x2c0: {  	v3 =	vld @!p0 [tilespmem:s4+$0x20];
	_ =	sdelay $0x4  }
0x2c1: {  	v4 =	vshll.u32 @!p0 v3, $0x1  }
0x2c2: {  	v5 =	vlaneseq.u32 @!p0;
	v3 =	vand.u32 @!p0 $0x7, v3;
	v4 =	vand.u32 @!p0 $0xFFFFFFF0, v4  }
0x2c3: {  	v6 =	vshrl.u32 @!p0 v5, $0x3;
	v3 =	vor.u32 @!p0 v3, v4;
	v4 =	vand.u32 @!p0 $0x7, v5  }
0x2c4: {  	v6 =	vmul.u32 @!p0 $0x8, v6;
	v7 =	vperm.xlane @!p0 v3, v4  }
0x2c5: {  	v5 =	vor.u32 @!p0 $0x8, v5  }
0x2c6: {  	v3 =	vperm.xlane @!p0 v3, v5;
	v7 =	vadd.s32 @!p0 v6, v7;
	_ =	sdelay $0x1  }
0x2c7: {  	v3 =	vadd.s32 @!p0 v6, v3;
	_ =	sdelay $0x1  }
0x2c8: {  	vm1 =	vmmov @!p0 $0xffff;
	s5 =	simm.s32 @!p0 $0x0;
	s6 =	simm.s32 @!p0 $0x8800  }
0x2c9: {  	[tilespmem:s6], [sflag:$0x1] =	stream.indirect_vreg.gather @!p0 [hbm4b:s1+s5], $0x80, v7, vm1, $0xb8;
	[tilespmem:$0x1A800] =	vst v63  }
0x2ca: {  	s6 =	simm.s32 @!p0 $0x9000  }
0x2cb: {  	[tilespmem:s6], [sflag:$0x1] =	stream.indirect_vreg.gather @!p0 [hbm4b:s1+s5], $0x80, v3, vm1, $0xb8;
	[tilespmem:$0x1A800] =	vst v63  }
0x2cc: {  	v3 =	vld @!p0 [tilespmem:s4+$0x30];
	_ =	sdelay $0x4  }
0x2cd: {  	v7 =	vshll.u32 @!p0 v3, $0x1  }
0x2ce: {  	v3 =	vand.u32 @!p0 $0x7, v3;
	v7 =	vand.u32 @!p0 $0xFFFFFFF0, v7  }
0x2cf: {  	v3 =	vor.u32 @!p0 v3, v7  }
0x2d0: {  	v4 =	vperm.xlane @!p0 v3, v4;
	_ =	sdelay $0x1  }
0x2d1: {  	v3 =	vperm.xlane @!p0 v3, v5;
	v4 =	vadd.s32 @!p0 v6, v4;
	_ =	sdelay $0x1  }
0x2d2: {  	v3 =	vadd.s32 @!p0 v6, v3;
	_ =	sdelay $0x1  }
0x2d3: {  	s4 =	simm.s32 @!p0 $0x9800  }
0x2d4: {  	[tilespmem:s4], [sflag:$0x1] =	stream.indirect_vreg.gather @!p0 [hbm4b:s1+s5], $0x80, v4, vm1, $0xb8;
	[tilespmem:$0x1A800] =	vst v63  }
0x2d5: {  	s4 =	simm.s32 @!p0 $0xA000  }
0x2d6: {  	[tilespmem:s4], [sflag:$0x1] =	stream.indirect_vreg.gather @!p0 [hbm4b:s1+s5], $0x80, v3, vm1, $0xb8;
	[tilespmem:$0x1A800] =	vst v63  }
.LBB2_26:
0x2d7: {  	v3 =	vld [tilespmem:s29+$0x2000];
	_ =	sdelay $0x4  }
0x2d8: {  	(v2sf) =	vpush v3, $0x0;
	_ =	sdelay $0xe  }
0x2d9: {  	s4 =	spop (v2sf)  }
0x2da: {  	_ =	swait.ge [sflag:s28], $0x2000  }
0x2db: {  	p0 =	slt.s32 s4, $0x21;
	[sflag:s28] =	ssyncset.done $0x0  }
0x2dc: {  	s5 =	simm.s32 @!p0 $0x2;
	[sflag:s28] =	ssyncadd.s32 $0xFFFFE000  }
0x2dd: {  	_ =	swait.ge @!p0 [sflag:s5], $0x2000  }
0x2de: {  	[sflag:s5] =	ssyncset.done @!p0 $0x0  }
0x2df: {  	[sflag:s5] =	ssyncadd.s32 @!p0 $0xFFFFE000  }
0x2e0: {  	v3 =	vld [tilespmem:s9+$0x2000];
	_ =	sdelay $0x4  }
0x2e1: {  	(v2sf) =	vpush v3, $0x0;
	_ =	sdelay $0xe  }
0x2e2: {  	s16 =	spop (v2sf)  }
0x2e3: {  	_ =	swait.ge [sflag:s28], $0x2000  }
0x2e4: {  	p0 =	slt.s32 s16, $0x21;
	[sflag:s28] =	ssyncset.done $0x0  }
0x2e5: {  	s5 =	simm.s32 @!p0 $0x2;
	[sflag:s28] =	ssyncadd.s32 $0xFFFFE000  }
0x2e6: {  	_ =	swait.ge @!p0 [sflag:s5], $0x2000  }
0x2e7: {  	[sflag:s5] =	ssyncset.done @!p0 $0x0  }
0x2e8: {  	[sflag:s5] =	ssyncadd.s32 @!p0 $0xFFFFE000  }
0x2e9: {  	v3 =	vld [tilespmem:$0xA800]  }
0x2ea: {  	v4 =	vld [tilespmem:$0xA810]  }
0x2eb: {  	v5 =	vld [tilespmem:$0xA820]  }
0x2ec: {  	s29 =	sadd.s32 $0xFFFFFFFF, s4;
	v6 =	vld [tilespmem:$0xA830]  }
0x2ed: {  	s6 =	sand.u32 $0x1, s29;
	v7 =	vld [tilespmem:$0xA840]  }
0x2ee: {  	p6 =	slt.s32 s29, $0x1;
	p1 =	seq.s32 s6, $0x1;
	v8 =	vld [tilespmem:$0xA850]  }
0x2ef: {  	s30 =	sshrl.u32 s29, $0x1F;
	p0 =	por !p6, !p1;
	v17 =	vld [tilespmem:$0xA860]  }
0x2f0: {  	s6 =	simm.s32 $0x1;
	s5 =	sadd.s32 s30, s29;
	v18 =	vld [tilespmem:$0xA870];
	p0 =	por !p0, !p0  }
0x2f1: {  	v9 =	vld [tilespmem:$0xAC00];
	s5 =	sshra.s32 s5, $0x1;
	s6 =	simm.s32 @!p0 $0x0  }
0x2f2: {  	v10 =	vld [tilespmem:$0xAC10];
	s5 =	ssub.s32 s5, s6  }
0x2f3: {  	v12 =	vld [tilespmem:$0xAC20];
	p0 =	slt.s32 s5, $0x1  }
.Ltmp19:
0x2f4: {  	v14 =	vld [tilespmem:$0xAC30];
	(pc) =	sbr.rel @p0 .LBB2_30-.Ltmp19, $4  }
0x2f5: {  	v13 =	vld [tilespmem:$0xAC40]  }
0x2f6: {  	v16 =	vld [tilespmem:$0xAC50]  }
0x2f7: {  	v15 =	vld [tilespmem:$0xAC60]  }
0x2f8: {  	s10 =	simm.s32 $0x0;
	v11 =	vld [tilespmem:$0xAC70]  }
0x2f9: {  	s7 =	simm.s32 $0x200;
	s8 =	simm.s32 $0x100  }
0x2fa: {  	s6 =	sand.u32 $0xFFFFF800, s7;
	s11 =	sand.u32 $0x300, s8  }
0x2fb: {  	s6 =	sor.u32 s11, s6  }
0x2fc: {  	v27 =	vld [tilespmem:s6+$0xA800]  }
0x2fd: {  	v28 =	vld [tilespmem:s6+$0xA810]  }
0x2fe: {  	v32 =	vld [tilespmem:s6+$0xA820]  }
0x2ff: {  	v33 =	vld [tilespmem:s6+$0xA830]  }
0x300: {  	v34 =	vld [tilespmem:s6+$0xA840]  }
0x301: {  	v35 =	vld [tilespmem:s6+$0xA850]  }
0x302: {  	v25 =	vld [tilespmem:s6+$0xA860]  }
0x303: {  	v26 =	vld [tilespmem:s6+$0xA870]  }
0x304: {  	v23 =	vld [tilespmem:s6+$0xAC00]  }
0x305: {  	v24 =	vld [tilespmem:s6+$0xAC10]  }
0x306: {  	s29 =	sand.u32 $0xFFFFF800, s10;
	s30 =	sand.u32 $0x300, s10;
	v21 =	vld [tilespmem:s6+$0xAC20]  }
0x307: {  	s11 =	sor.u32 s30, s29;
	v22 =	vld [tilespmem:s6+$0xAC30]  }
0x308: {  	v29 =	vld [tilespmem:s11+$0xA880]  }
0x309: {  	v30 =	vld [tilespmem:s11+$0xA890]  }
0x30a: {  	v31 =	vld [tilespmem:s11+$0xA8A0]  }
0x30b: {  	v36 =	vld [tilespmem:s11+$0xA8B0]  }
0x30c: {  	v37 =	vld [tilespmem:s11+$0xA8C0]  }
0x30d: {  	v38 =	vld [tilespmem:s11+$0xA8D0]  }
0x30e: {  	v39 =	vld [tilespmem:s11+$0xA8E0]  }
0x30f: {  	v40 =	vld [tilespmem:s11+$0xA8F0]  }
0x310: {  	v19 =	vld [tilespmem:s6+$0xAC40]  }
0x311: {  	v20 =	vld [tilespmem:s6+$0xAC50];
	v3 =	vadd.f32 v29, v3;
	v4 =	vadd.f32 v30, v4  }
0x312: {  	p0 =	sne.s32 s5, $0x1;
	v5 =	vadd.f32 v31, v5;
	v6 =	vadd.f32 v36, v6;
	v29 =	vld [tilespmem:s11+$0xAC80]  }
.Ltmp20:
0x313: {  	v30 =	vld [tilespmem:s11+$0xAC90];
	v7 =	vadd.f32 v37, v7;
	v8 =	vadd.f32 v38, v8;
	(pc) =	sbr.rel @!p0 .LBB2_29-.Ltmp20, $4  }
0x314: {  	v31 =	vld [tilespmem:s11+$0xACA0];
	v17 =	vadd.f32 v39, v17;
	v18 =	vadd.f32 v40, v18  }
0x315: {  	v3 =	vadd.f32 v27, v3;
	v5 =	vadd.f32 v32, v5;
	v32 =	vld [tilespmem:s11+$0xACB0]  }
0x316: {  	v4 =	vadd.f32 v28, v4;
	v6 =	vadd.f32 v33, v6;
	v27 =	vld [tilespmem:s11+$0xACC0]  }
0x317: {  	s10 =	sadd.s32 $0xFFFFFFFF, s5;
	v28 =	vld [tilespmem:s11+$0xACD0];
	v7 =	vadd.f32 v34, v7;
	v8 =	vadd.f32 v35, v8  }
.LBB2_28:
0x318: {  	p0 =	sne.s32 s10, $0x1;
	v33 =	vld [tilespmem:s11+$0xACE0];
	v17 =	vadd.f32 v25, v17;
	v18 =	vadd.f32 v26, v18;
	s12 =	smov.u32 s7;
	s13 =	smov.u32 s8  }
0x319: {  	s7 =	sadd.s32 $0x200, s7;
	s8 =	sadd.s32 $0x100, s8;
	v9 =	vadd.f32 v29, v9;
	v10 =	vadd.f32 v30, v10;
	v25 =	vld [tilespmem:s11+$0xACF0]  }
0x31a: {  	s11 =	sand.u32 $0xFFFFF800, s7;
	s14 =	sand.u32 $0x300, s8;
	v12 =	vadd.f32 v31, v12;
	v14 =	vadd.f32 v32, v14;
	v26 =	vld [tilespmem:s6+$0xAC60]  }
0x31b: {  	v9 =	vadd.f32 v23, v9;
	v10 =	vadd.f32 v24, v10;
	v23 =	vld [tilespmem:s6+$0xAC70];
	s6 =	sor.u32 s14, s11  }
0x31c: {  	v12 =	vadd.f32 v21, v12;
	v31 =	vld [tilespmem:s6+$0xA800];
	v14 =	vadd.f32 v22, v14  }
0x31d: {  	v13 =	vadd.f32 v27, v13;
	v16 =	vadd.f32 v28, v16;
	v32 =	vld [tilespmem:s6+$0xA810]  }
0x31e: {  	v15 =	vadd.f32 v33, v15;
	v27 =	vld [tilespmem:s6+$0xA820];
	v11 =	vadd.f32 v25, v11  }
0x31f: {  	v13 =	vadd.f32 v19, v13;
	v16 =	vadd.f32 v20, v16;
	v28 =	vld [tilespmem:s6+$0xA830]  }
0x320: {  	v15 =	vadd.f32 v26, v15;
	v33 =	vld [tilespmem:s6+$0xA840];
	v11 =	vadd.f32 v23, v11  }
0x321: {  	v34 =	vld [tilespmem:s6+$0xA850]  }
0x322: {  	v25 =	vld [tilespmem:s6+$0xA860]  }
0x323: {  	v26 =	vld [tilespmem:s6+$0xA870]  }
0x324: {  	v23 =	vld [tilespmem:s6+$0xAC00]  }
0x325: {  	v24 =	vld [tilespmem:s6+$0xAC10]  }
0x326: {  	v21 =	vld [tilespmem:s6+$0xAC20]  }
0x327: {  	v22 =	vld [tilespmem:s6+$0xAC30]  }
0x328: {  	s11 =	sand.u32 $0xFFFFF800, s12;
	s12 =	sand.u32 $0x300, s13;
	v19 =	vld [tilespmem:s6+$0xAC40]  }
0x329: {  	s11 =	sor.u32 s12, s11;
	v20 =	vld [tilespmem:s6+$0xAC50]  }
0x32a: {  	v29 =	vld [tilespmem:s11+$0xA880]  }
0x32b: {  	v30 =	vld [tilespmem:s11+$0xA890]  }
0x32c: {  	v35 =	vld [tilespmem:s11+$0xA8A0]  }
0x32d: {  	v36 =	vld [tilespmem:s11+$0xA8B0]  }
0x32e: {  	v37 =	vld [tilespmem:s11+$0xA8C0]  }
0x32f: {  	v38 =	vld [tilespmem:s11+$0xA8D0]  }
0x330: {  	v39 =	vld [tilespmem:s11+$0xA8E0]  }
0x331: {  	v3 =	vadd.f32 v29, v3;
	v4 =	vadd.f32 v30, v4;
	v40 =	vld [tilespmem:s11+$0xA8F0]  }
0x332: {  	v5 =	vadd.f32 v35, v5;
	v6 =	vadd.f32 v36, v6;
	v29 =	vld [tilespmem:s11+$0xAC80]  }
.Ltmp21:
0x333: {  	v3 =	vadd.f32 v31, v3;
	v4 =	vadd.f32 v32, v4;
	v30 =	vld [tilespmem:s11+$0xAC90];
	(pc) =	sbr.rel @p0 .LBB2_28-.Ltmp21, $4  }
0x334: {  	v5 =	vadd.f32 v27, v5;
	v31 =	vld [tilespmem:s11+$0xACA0];
	v6 =	vadd.f32 v28, v6  }
0x335: {  	v7 =	vadd.f32 v37, v7;
	v8 =	vadd.f32 v38, v8;
	v32 =	vld [tilespmem:s11+$0xACB0]  }
0x336: {  	v17 =	vadd.f32 v39, v17;
	v18 =	vadd.f32 v40, v18;
	v27 =	vld [tilespmem:s11+$0xACC0]  }
0x337: {  	s10 =	sadd.s32 $0xFFFFFFFF, s10;
	v7 =	vadd.f32 v33, v7;
	v8 =	vadd.f32 v34, v8;
	v28 =	vld [tilespmem:s11+$0xACD0]  }
.LBB2_29:
0x338: {  	v33 =	vld [tilespmem:s11+$0xACE0];
	v17 =	vadd.f32 v25, v17;
	v18 =	vadd.f32 v26, v18  }
0x339: {  	v9 =	vadd.f32 v29, v9;
	v10 =	vadd.f32 v30, v10;
	v61 =	vld [tilespmem:s11+$0xACF0]  }
0x33a: {  	v62 =	vld [tilespmem:s6+$0xAC60];
	v12 =	vadd.f32 v31, v12;
	v14 =	vadd.f32 v32, v14  }
0x33b: {  	v63 =	vld [tilespmem:s6+$0xAC70];
	v9 =	vadd.f32 v23, v9;
	v10 =	vadd.f32 v24, v10  }
0x33c: {  	v12 =	vadd.f32 v21, v12;
	v13 =	vadd.f32 v27, v13  }
0x33d: {  	v14 =	vadd.f32 v22, v14;
	v16 =	vadd.f32 v28, v16  }
0x33e: {  	v15 =	vadd.f32 v33, v15;
	v11 =	vadd.f32 v61, v11  }
0x33f: {  	v13 =	vadd.f32 v19, v13;
	v16 =	vadd.f32 v20, v16  }
0x340: {  	v15 =	vadd.f32 v62, v15;
	v11 =	vadd.f32 v63, v11  }
.LBB2_30:
0x341: {  	s6 =	sshllo.u32 s5, $0x1  }
0x342: {  	p0 =	sge.s32 s6, s4  }
.Ltmp22:
0x343: {  	_ = 	snop;
	(pc) =	sbr.rel @p0 .LBB2_37-.Ltmp22, $1  }
0x344: {  	_ =	sdelay $0x3  }
0x345: {  	s6 =	sshll.u32 s5, $0x1  }
0x346: {  	s6 =	sxor.u32 $0xFFFFFFFF, s6  }
0x347: {  	s4 =	sadd.s32 s4, s6  }
0x348: {  	p1 =	sne.s32 s4, $0x1  }
.Ltmp23:
0x349: {  	_ = 	snop;
	(pc) =	sbr.rel @!p1 .LBB2_32-.Ltmp23, $4  }
0x34a: {  	_ = 	snop  }
0x34b: {  	s7 =	sshll.u32 s5, $0x9;
	s30 =	sshll.u32 s5, $0x8  }
0x34c: {  	p0 =	por $0x0, $0x0;
	s5 =	sor.u32 $0x100, s7;
	s6 =	sor.u32 $0x80, s30  }
0x34d: {  	s8 =	sand.u32 $0xFFFFF800, s5;
	s10 =	sand.u32 $0x380, s6;
	s7 =	sadd.s32 $0xFFFFFFFF, s4  }
0x34e: {  	s4 =	sor.u32 s10, s8  }
0x34f: {  	v19 =	vld [tilespmem:s4+$0xAC70]  }
0x350: {  	v20 =	vld [tilespmem:s4+$0xA800]  }
0x351: {  	v21 =	vld [tilespmem:s4+$0xA810]  }
0x352: {  	v22 =	vld [tilespmem:s4+$0xA820]  }
0x353: {  	v23 =	vld [tilespmem:s4+$0xA830]  }
0x354: {  	v24 =	vld [tilespmem:s4+$0xA840]  }
0x355: {  	v28 =	vld [tilespmem:s4+$0xA850]  }
0x356: {  	v29 =	vld [tilespmem:s4+$0xA860]  }
0x357: {  	v30 =	vld [tilespmem:s4+$0xA870]  }
0x358: {  	v31 =	vld [tilespmem:s4+$0xAC00]  }
0x359: {  	p1 =	sne.s32 s7, $0x1;
	v11 =	vadd.f32 v19, v11;
	v3 =	vadd.f32 v20, v3  }
.Ltmp24:
0x35a: {  	v25 =	vld [tilespmem:s4+$0xAC10];
	v4 =	vadd.f32 v21, v4;
	v5 =	vadd.f32 v22, v5;
	(pc) =	sbr.rel @!p1 .LBB2_34-.Ltmp24, $4  }
0x35b: {  	v26 =	vld [tilespmem:s4+$0xAC20];
	v6 =	vadd.f32 v23, v6;
	v7 =	vadd.f32 v24, v7  }
0x35c: {  	v27 =	vld [tilespmem:s4+$0xAC30];
	v8 =	vadd.f32 v28, v8;
	v17 =	vadd.f32 v29, v17  }
0x35d: {  	s5 =	sadd.s32 $0x100, s5;
	s6 =	sadd.s32 $0x80, s6;
	s7 =	sadd.s32 $0xFFFFFFFF, s7;
	v28 =	vld [tilespmem:s4+$0xAC40];
	v18 =	vadd.f32 v30, v18;
	v9 =	vadd.f32 v31, v9;
	v19 =	vmov v10  }
0x35e: {  	p0 =	por $0x1, $0x1;
	s8 =	sand.u32 $0xFFFFF800, s5;
	s10 =	sand.u32 $0x380, s6;
	v29 =	vld [tilespmem:s4+$0xAC50];
	v20 =	vmovc v12;
	v21 =	vmovc v14;
	v22 =	vmov v13;
	v23 =	vmov v16;
	v24 =	vmov v15  }
.LBB2_35:
0x35f: {  	p1 =	sne.s32 s7, $0x1;
	v19 =	vadd.f32 v25, v19;
	v25 =	vld [tilespmem:s4+$0xAC60];
	s4 =	sor.u32 s10, s8  }
0x360: {  	v30 =	vld [tilespmem:s4+$0xAC70];
	v20 =	vadd.f32 v26, v20  }
0x361: {  	v26 =	vld [tilespmem:s4+$0xA800];
	v21 =	vadd.f32 v27, v21  }
0x362: {  	v27 =	vld [tilespmem:s4+$0xA810];
	v22 =	vadd.f32 v28, v22  }
0x363: {  	v28 =	vld [tilespmem:s4+$0xA820];
	v23 =	vadd.f32 v29, v23  }
0x364: {  	v29 =	vld [tilespmem:s4+$0xA830];
	v24 =	vadd.f32 v25, v24  }
0x365: {  	v25 =	vld [tilespmem:s4+$0xA840];
	v11 =	vadd.f32 v30, v11  }
0x366: {  	v3 =	vadd.f32 v26, v3;
	v26 =	vld [tilespmem:s4+$0xA850]  }
0x367: {  	v4 =	vadd.f32 v27, v4;
	v27 =	vld [tilespmem:s4+$0xA860]  }
0x368: {  	v5 =	vadd.f32 v28, v5;
	v28 =	vld [tilespmem:s4+$0xA870]  }
0x369: {  	v6 =	vadd.f32 v29, v6;
	v29 =	vld [tilespmem:s4+$0xAC00]  }
.Ltmp25:
0x36a: {  	v7 =	vadd.f32 v25, v7;
	v25 =	vld [tilespmem:s4+$0xAC10];
	(pc) =	sbr.rel @p1 .LBB2_35-.Ltmp25, $4  }
0x36b: {  	v8 =	vadd.f32 v26, v8;
	v26 =	vld [tilespmem:s4+$0xAC20]  }
0x36c: {  	v17 =	vadd.f32 v27, v17;
	v27 =	vld [tilespmem:s4+$0xAC30]  }
0x36d: {  	s6 =	sadd.s32 $0x80, s6;
	s5 =	sadd.s32 $0x100, s5;
	v18 =	vadd.f32 v28, v18;
	v28 =	vld [tilespmem:s4+$0xAC40]  }
0x36e: {  	s7 =	sadd.s32 $0xFFFFFFFF, s7;
	s8 =	sand.u32 $0xFFFFF800, s5;
	s10 =	sand.u32 $0x380, s6;
	v9 =	vadd.f32 v29, v9;
	v29 =	vld [tilespmem:s4+$0xAC50]  }
.LBB2_36:
0x36f: {  	s5 =	sor.u32 s10, s8;
	v30 =	vld @p0 [tilespmem:s4+$0xAC60]  }
0x370: {  	v31 =	vld [tilespmem:s5+$0xAC70]  }
0x371: {  	v32 =	vld [tilespmem:s5+$0xA800]  }
0x372: {  	v33 =	vld [tilespmem:s5+$0xA810]  }
0x373: {  	v34 =	vld [tilespmem:s5+$0xA820]  }
0x374: {  	v35 =	vld [tilespmem:s5+$0xA830]  }
0x375: {  	v36 =	vld [tilespmem:s5+$0xA840]  }
0x376: {  	v37 =	vld [tilespmem:s5+$0xA850]  }
0x377: {  	v38 =	vld [tilespmem:s5+$0xA860]  }
0x378: {  	v39 =	vld [tilespmem:s5+$0xA870]  }
0x379: {  	v57 =	vld [tilespmem:s5+$0xAC00]  }
0x37a: {  	v19 =	vadd.f32 @p0 v25, v19;
	v20 =	vadd.f32 @p0 v26, v20;
	v58 =	vld [tilespmem:s5+$0xAC10]  }
0x37b: {  	v59 =	vld [tilespmem:s5+$0xAC20];
	v21 =	vadd.f32 @p0 v27, v21;
	v22 =	vadd.f32 @p0 v28, v22  }
0x37c: {  	v60 =	vld [tilespmem:s5+$0xAC30];
	v23 =	vadd.f32 @p0 v29, v23;
	v24 =	vadd.f32 @p0 v30, v24  }
0x37d: {  	v61 =	vld [tilespmem:s5+$0xAC40];
	v11 =	vadd.f32 v31, v11;
	v3 =	vadd.f32 v32, v3  }
0x37e: {  	v62 =	vld [tilespmem:s5+$0xAC50];
	v10 =	vpsel p0, v19, v10;
	v4 =	vadd.f32 v33, v4;
	v5 =	vadd.f32 v34, v5  }
0x37f: {  	v63 =	vld [tilespmem:s5+$0xAC60];
	v12 =	vpsel p0, v20, v12;
	v6 =	vadd.f32 v35, v6;
	v7 =	vadd.f32 v36, v7  }
0x380: {  	v14 =	vpsel p0, v21, v14;
	v8 =	vadd.f32 v37, v8;
	v17 =	vadd.f32 v38, v17  }
0x381: {  	v13 =	vpsel p0, v22, v13;
	v18 =	vadd.f32 v39, v18;
	v9 =	vadd.f32 v57, v9  }
0x382: {  	v16 =	vpsel p0, v23, v16;
	v10 =	vadd.f32 v58, v10;
	v12 =	vadd.f32 v59, v12  }
0x383: {  	v14 =	vadd.f32 v60, v14;
	v13 =	vadd.f32 v61, v13;
	v15 =	vpsel p0, v24, v15  }
0x384: {  	v16 =	vadd.f32 v62, v16;
	v15 =	vadd.f32 v63, v15  }
.LBB2_37:
0x385: {  	s0 =	sshll.u32 s0, $0x9  }
0x386: {  	s0 =	sand.u32 $0x3FFFFE00, s0  }
0x387: {  	[tilespmem:s0+$0x12800] =	vst v3  }
0x388: {  	[tilespmem:s0+$0x12810] =	vst v4  }
0x389: {  	[tilespmem:s0+$0x12820] =	vst v5  }
0x38a: {  	[tilespmem:s0+$0x12830] =	vst v6  }
0x38b: {  	[tilespmem:s0+$0x12840] =	vst v7  }
0x38c: {  	[tilespmem:s0+$0x12850] =	vst v8  }
0x38d: {  	[tilespmem:s0+$0x12860] =	vst v17  }
0x38e: {  	[tilespmem:s0+$0x12870] =	vst v18  }
0x38f: {  	[tilespmem:s0+$0x12880] =	vst v9  }
0x390: {  	[tilespmem:s0+$0x12890] =	vst v10  }
0x391: {  	[tilespmem:s0+$0x128A0] =	vst v12  }
0x392: {  	[tilespmem:s0+$0x128B0] =	vst v14  }
0x393: {  	[tilespmem:s0+$0x128C0] =	vst v13  }
0x394: {  	[tilespmem:s0+$0x128D0] =	vst v16  }
0x395: {  	[tilespmem:s0+$0x128E0] =	vst v15  }
0x396: {  	[tilespmem:s0+$0x128F0] =	vst v11  }
0x397: {  	v3 =	vld [tilespmem:s9+$0x2000];
	_ =	sdelay $0x4  }
0x398: {  	(v2sf) =	vpush v3, $0x0;
	_ =	sdelay $0xc  }
0x399: {  	v4 =	vld [tilespmem:$0xE810]  }
0x39a: {  	v5 =	vld [tilespmem:$0xE820]  }
0x39b: {  	v6 =	vld [tilespmem:$0xE830];
	s0 =	spop (v2sf)  }
0x39c: {  	v7 =	vld [tilespmem:$0xE840];
	s4 =	sadd.s32 $0xFFFFFFFF, s0  }
0x39d: {  	v8 =	vld [tilespmem:$0xE850];
	s5 =	sand.u32 $0x1, s4  }
0x39e: {  	v17 =	vld [tilespmem:$0xE860];
	p0 =	slt.s32 s4, $0x1;
	p1 =	seq.s32 s5, $0x1  }
0x39f: {  	v9 =	vld [tilespmem:$0xEC00];
	s30 =	sshrl.u32 s4, $0x1F;
	p0 =	por !p0, !p1  }
0x3a0: {  	v12 =	vld [tilespmem:$0xEC10];
	s4 =	sadd.s32 s30, s4;
	s5 =	simm.s32 $0x1;
	p0 =	por !p0, !p0  }
0x3a1: {  	v11 =	vld [tilespmem:$0xEC20];
	s4 =	sshra.s32 s4, $0x1;
	s5 =	simm.s32 @!p0 $0x0  }
0x3a2: {  	v15 =	vld [tilespmem:$0xEC30];
	s4 =	ssub.s32 s4, s5  }
0x3a3: {  	v13 =	vld [tilespmem:$0xEC40];
	p0 =	slt.s32 s4, $0x1  }
.Ltmp26:
0x3a4: {  	v16 =	vld [tilespmem:$0xEC50];
	(pc) =	sbr.rel @p0 .LBB2_41-.Ltmp26, $4  }
0x3a5: {  	v14 =	vld [tilespmem:$0xEC60]  }
0x3a6: {  	v18 =	vld [tilespmem:$0xE870]  }
0x3a7: {  	v10 =	vld [tilespmem:$0xEC70]  }
0x3a8: {  	v3 =	vld [tilespmem:$0xE800]  }
0x3a9: {  	s5 =	simm.s32 $0x2080;
	s6 =	simm.s32 $0x4100  }
0x3aa: {  	s7 =	sand.u32 $0xFFFFF800, s6;
	s8 =	sand.u32 $0x380, s5  }
0x3ab: {  	s7 =	sor.u32 s8, s7  }
0x3ac: {  	v27 =	vld [tilespmem:s7+$0xA800]  }
0x3ad: {  	v28 =	vld [tilespmem:s7+$0xA810]  }
0x3ae: {  	v29 =	vld [tilespmem:s7+$0xA820]  }
0x3af: {  	v30 =	vld [tilespmem:s7+$0xA830]  }
0x3b0: {  	v31 =	vld [tilespmem:s7+$0xA840]  }
0x3b1: {  	v33 =	vld [tilespmem:s7+$0xA850]  }
0x3b2: {  	v34 =	vld [tilespmem:s7+$0xA860]  }
0x3b3: {  	v35 =	vld [tilespmem:s7+$0xA870]  }
0x3b4: {  	v25 =	vld [tilespmem:s7+$0xAC00]  }
0x3b5: {  	v26 =	vld [tilespmem:s7+$0xAC10]  }
0x3b6: {  	v23 =	vld [tilespmem:s7+$0xAC20]  }
0x3b7: {  	v24 =	vld [tilespmem:s7+$0xAC30]  }
0x3b8: {  	v19 =	vld [tilespmem:s7+$0xAC40]  }
0x3b9: {  	s30 =	simm.s32 $0x4200;
	s9 =	simm.s32 $0x2100;
	v20 =	vld [tilespmem:s7+$0xAC50]  }
0x3ba: {  	s9 =	sand.u32 $0x300, s9;
	s8 =	sand.u32 $0xFFFFF800, s30;
	v21 =	vld [tilespmem:s7+$0xAC60]  }
0x3bb: {  	v22 =	vld [tilespmem:s7+$0xAC70];
	s8 =	sor.u32 s9, s8  }
0x3bc: {  	v32 =	vld [tilespmem:s8+$0xA800]  }
0x3bd: {  	v36 =	vld [tilespmem:s8+$0xA810]  }
0x3be: {  	v37 =	vld [tilespmem:s8+$0xA820]  }
0x3bf: {  	v38 =	vld [tilespmem:s8+$0xA830]  }
0x3c0: {  	v39 =	vld [tilespmem:s8+$0xA840]  }
0x3c1: {  	v40 =	vld [tilespmem:s8+$0xA850];
	v3 =	vadd.f32 v27, v3;
	v4 =	vadd.f32 v28, v4  }
0x3c2: {  	p0 =	sne.s32 s4, $0x1;
	v5 =	vadd.f32 v29, v5;
	v6 =	vadd.f32 v30, v6;
	v30 =	vld [tilespmem:s8+$0xA860]  }
.Ltmp27:
0x3c3: {  	v7 =	vadd.f32 v31, v7;
	v3 =	vadd.f32 v32, v3;
	v32 =	vld [tilespmem:s8+$0xA870];
	(pc) =	sbr.rel @!p0 .LBB2_40-.Ltmp27, $4  }
0x3c4: {  	v27 =	vld [tilespmem:s8+$0xAC00];
	v8 =	vadd.f32 v33, v8;
	v17 =	vadd.f32 v34, v17  }
0x3c5: {  	v28 =	vld [tilespmem:s8+$0xAC10];
	v18 =	vadd.f32 v35, v18;
	v4 =	vadd.f32 v36, v4  }
0x3c6: {  	v29 =	vld [tilespmem:s8+$0xAC20];
	v5 =	vadd.f32 v37, v5;
	v6 =	vadd.f32 v38, v6  }
0x3c7: {  	s7 =	sadd.s32 $0xFFFFFFFF, s4;
	v31 =	vld [tilespmem:s8+$0xAC30];
	v7 =	vadd.f32 v39, v7;
	v8 =	vadd.f32 v40, v8  }
.LBB2_39:
0x3c8: {  	p0 =	sne.s32 s7, $0x1;
	v17 =	vadd.f32 v30, v17;
	v18 =	vadd.f32 v32, v18;
	v30 =	vld [tilespmem:s8+$0xAC40]  }
0x3c9: {  	v9 =	vadd.f32 v25, v9;
	v12 =	vadd.f32 v26, v12;
	s5 =	sadd.s32 $0x100, s5;
	s6 =	sadd.s32 $0x200, s6;
	v25 =	vld [tilespmem:s8+$0xAC50]  }
0x3ca: {  	v11 =	vadd.f32 v23, v11;
	v15 =	vadd.f32 v24, v15;
	s9 =	sand.u32 $0xFFFFF800, s6;
	s10 =	sand.u32 $0x380, s5;
	v23 =	vld [tilespmem:s8+$0xAC60]  }
0x3cb: {  	s9 =	sor.u32 s10, s9;
	v9 =	vadd.f32 v27, v9;
	v12 =	vadd.f32 v28, v12;
	v24 =	vld [tilespmem:s8+$0xAC70]  }
0x3cc: {  	v11 =	vadd.f32 v29, v11;
	v27 =	vld [tilespmem:s9+$0xA800];
	v15 =	vadd.f32 v31, v15  }
0x3cd: {  	v13 =	vadd.f32 v19, v13;
	v16 =	vadd.f32 v20, v16;
	v28 =	vld [tilespmem:s9+$0xA810]  }
0x3ce: {  	v14 =	vadd.f32 v21, v14;
	v10 =	vadd.f32 v22, v10;
	v29 =	vld [tilespmem:s9+$0xA820]  }
0x3cf: {  	v13 =	vadd.f32 v30, v13;
	v16 =	vadd.f32 v25, v16;
	v31 =	vld [tilespmem:s9+$0xA830]  }
0x3d0: {  	v14 =	vadd.f32 v23, v14;
	v33 =	vld [tilespmem:s9+$0xA840];
	v10 =	vadd.f32 v24, v10  }
0x3d1: {  	v34 =	vld [tilespmem:s9+$0xA850]  }
0x3d2: {  	v35 =	vld [tilespmem:s9+$0xA860]  }
0x3d3: {  	v36 =	vld [tilespmem:s9+$0xA870]  }
0x3d4: {  	v25 =	vld [tilespmem:s9+$0xAC00]  }
0x3d5: {  	v26 =	vld [tilespmem:s9+$0xAC10]  }
0x3d6: {  	v23 =	vld [tilespmem:s9+$0xAC20]  }
0x3d7: {  	v24 =	vld [tilespmem:s9+$0xAC30]  }
0x3d8: {  	v19 =	vld [tilespmem:s9+$0xAC40]  }
0x3d9: {  	s10 =	sadd.s32 $0x80, s5;
	s8 =	sadd.s32 $0x100, s6;
	v20 =	vld [tilespmem:s9+$0xAC50]  }
0x3da: {  	s10 =	sand.u32 $0x300, s10;
	s8 =	sand.u32 $0xFFFFF800, s8;
	v21 =	vld [tilespmem:s9+$0xAC60]  }
0x3db: {  	s8 =	sor.u32 s10, s8;
	v22 =	vld [tilespmem:s9+$0xAC70]  }
0x3dc: {  	v32 =	vld [tilespmem:s8+$0xA800]  }
0x3dd: {  	v37 =	vld [tilespmem:s8+$0xA810]  }
0x3de: {  	v38 =	vld [tilespmem:s8+$0xA820]  }
0x3df: {  	v39 =	vld [tilespmem:s8+$0xA830]  }
0x3e0: {  	v40 =	vld [tilespmem:s8+$0xA840]  }
0x3e1: {  	v3 =	vadd.f32 v27, v3;
	v4 =	vadd.f32 v28, v4;
	v41 =	vld [tilespmem:s8+$0xA850]  }
0x3e2: {  	v5 =	vadd.f32 v29, v5;
	v6 =	vadd.f32 v31, v6;
	v30 =	vld [tilespmem:s8+$0xA860]  }
.Ltmp28:
0x3e3: {  	v3 =	vadd.f32 v32, v3;
	v4 =	vadd.f32 v37, v4;
	v32 =	vld [tilespmem:s8+$0xA870];
	(pc) =	sbr.rel @p0 .LBB2_39-.Ltmp28, $4  }
0x3e4: {  	v5 =	vadd.f32 v38, v5;
	v6 =	vadd.f32 v39, v6;
	v27 =	vld [tilespmem:s8+$0xAC00]  }
0x3e5: {  	v7 =	vadd.f32 v33, v7;
	v8 =	vadd.f32 v34, v8;
	v28 =	vld [tilespmem:s8+$0xAC10]  }
0x3e6: {  	v17 =	vadd.f32 v35, v17;
	v18 =	vadd.f32 v36, v18;
	v29 =	vld [tilespmem:s8+$0xAC20]  }
0x3e7: {  	s7 =	sadd.s32 $0xFFFFFFFF, s7;
	v7 =	vadd.f32 v40, v7;
	v8 =	vadd.f32 v41, v8;
	v31 =	vld [tilespmem:s8+$0xAC30]  }
.LBB2_40:
0x3e8: {  	v17 =	vadd.f32 v30, v17;
	v18 =	vadd.f32 v32, v18;
	v60 =	vld [tilespmem:s8+$0xAC40]  }
0x3e9: {  	v9 =	vadd.f32 v25, v9;
	v12 =	vadd.f32 v26, v12;
	v61 =	vld [tilespmem:s8+$0xAC50]  }
0x3ea: {  	v11 =	vadd.f32 v23, v11;
	v15 =	vadd.f32 v24, v15;
	v62 =	vld [tilespmem:s8+$0xAC60]  }
0x3eb: {  	v63 =	vld [tilespmem:s8+$0xAC70];
	v13 =	vadd.f32 v19, v13;
	v16 =	vadd.f32 v20, v16  }
0x3ec: {  	v14 =	vadd.f32 v21, v14;
	v10 =	vadd.f32 v22, v10  }
0x3ed: {  	v9 =	vadd.f32 v27, v9;
	v12 =	vadd.f32 v28, v12  }
0x3ee: {  	v11 =	vadd.f32 v29, v11;
	v15 =	vadd.f32 v31, v15  }
0x3ef: {  	v13 =	vadd.f32 v60, v13;
	v16 =	vadd.f32 v61, v16  }
0x3f0: {  	v14 =	vadd.f32 v62, v14;
	v10 =	vadd.f32 v63, v10  }
.LBB2_41:
0x3f1: {  	s5 =	sshllo.u32 s4, $0x1  }
0x3f2: {  	p0 =	sge.s32 s5, s0  }
.Ltmp29:
0x3f3: {  	_ = 	snop;
	(pc) =	sbr.rel @p0 .LBB2_48-.Ltmp29, $1  }
0x3f4: {  	_ =	sdelay $0x3  }
0x3f5: {  	s5 =	sshll.u32 s4, $0x1  }
0x3f6: {  	s5 =	sxor.u32 $0xFFFFFFFF, s5  }
0x3f7: {  	s0 =	sadd.s32 s0, s5  }
0x3f8: {  	p1 =	sne.s32 s0, $0x1  }
.Ltmp30:
0x3f9: {  	_ = 	snop;
	(pc) =	sbr.rel @!p1 .LBB2_43-.Ltmp30, $4  }
0x3fa: {  	_ = 	snop  }
0x3fb: {  	s6 =	sshll.u32 s4, $0x9;
	s30 =	sshll.u32 s4, $0x8  }
0x3fc: {  	p0 =	por $0x0, $0x0;
	s4 =	sor.u32 $0x100, s6;
	s5 =	sor.u32 $0x80, s30  }
0x3fd: {  	s7 =	sand.u32 $0xFFFFF800, s4;
	s8 =	sand.u32 $0x380, s5;
	s6 =	sadd.s32 $0xFFFFFFFF, s0  }
0x3fe: {  	s0 =	sor.u32 s8, s7  }
0x3ff: {  	v19 =	vld [tilespmem:s0+$0xEC70]  }
0x400: {  	v20 =	vld [tilespmem:s0+$0xE800]  }
0x401: {  	v21 =	vld [tilespmem:s0+$0xE810]  }
0x402: {  	v22 =	vld [tilespmem:s0+$0xE820]  }
0x403: {  	v23 =	vld [tilespmem:s0+$0xE830]  }
0x404: {  	v24 =	vld [tilespmem:s0+$0xE840]  }
0x405: {  	v28 =	vld [tilespmem:s0+$0xE850]  }
0x406: {  	v29 =	vld [tilespmem:s0+$0xE860]  }
0x407: {  	v30 =	vld [tilespmem:s0+$0xE870]  }
0x408: {  	v31 =	vld [tilespmem:s0+$0xEC00]  }
0x409: {  	p1 =	sne.s32 s6, $0x1;
	v10 =	vadd.f32 v19, v10;
	v3 =	vadd.f32 v20, v3  }
.Ltmp31:
0x40a: {  	v25 =	vld [tilespmem:s0+$0xEC10];
	v4 =	vadd.f32 v21, v4;
	v5 =	vadd.f32 v22, v5;
	(pc) =	sbr.rel @!p1 .LBB2_45-.Ltmp31, $4  }
0x40b: {  	v26 =	vld [tilespmem:s0+$0xEC20];
	v6 =	vadd.f32 v23, v6;
	v7 =	vadd.f32 v24, v7  }
0x40c: {  	v27 =	vld [tilespmem:s0+$0xEC30];
	v8 =	vadd.f32 v28, v8;
	v17 =	vadd.f32 v29, v17  }
0x40d: {  	s4 =	sadd.s32 $0x100, s4;
	s5 =	sadd.s32 $0x80, s5;
	s6 =	sadd.s32 $0xFFFFFFFF, s6;
	v28 =	vld [tilespmem:s0+$0xEC40];
	v18 =	vadd.f32 v30, v18;
	v9 =	vadd.f32 v31, v9;
	v19 =	vmov v12  }
0x40e: {  	p0 =	por $0x1, $0x1;
	s7 =	sand.u32 $0xFFFFF800, s4;
	s8 =	sand.u32 $0x380, s5;
	v29 =	vld [tilespmem:s0+$0xEC50];
	v20 =	vmovc v11;
	v21 =	vmovc v15;
	v22 =	vmov v13;
	v23 =	vmov v16;
	v24 =	vmov v14  }
.LBB2_46:
0x40f: {  	p1 =	sne.s32 s6, $0x1;
	v19 =	vadd.f32 v25, v19;
	v25 =	vld [tilespmem:s0+$0xEC60];
	s0 =	sor.u32 s8, s7  }
0x410: {  	v20 =	vadd.f32 v26, v20;
	v30 =	vld [tilespmem:s0+$0xEC70]  }
0x411: {  	v21 =	vadd.f32 v27, v21;
	v26 =	vld [tilespmem:s0+$0xE800]  }
0x412: {  	v22 =	vadd.f32 v28, v22;
	v27 =	vld [tilespmem:s0+$0xE810]  }
0x413: {  	v23 =	vadd.f32 v29, v23;
	v28 =	vld [tilespmem:s0+$0xE820]  }
0x414: {  	v29 =	vld [tilespmem:s0+$0xE830];
	v24 =	vadd.f32 v25, v24  }
0x415: {  	v25 =	vld [tilespmem:s0+$0xE840];
	v10 =	vadd.f32 v30, v10  }
0x416: {  	v3 =	vadd.f32 v26, v3;
	v26 =	vld [tilespmem:s0+$0xE850]  }
0x417: {  	v4 =	vadd.f32 v27, v4;
	v27 =	vld [tilespmem:s0+$0xE860]  }
0x418: {  	v5 =	vadd.f32 v28, v5;
	v28 =	vld [tilespmem:s0+$0xE870]  }
0x419: {  	v6 =	vadd.f32 v29, v6;
	v29 =	vld [tilespmem:s0+$0xEC00]  }
.Ltmp32:
0x41a: {  	v7 =	vadd.f32 v25, v7;
	v25 =	vld [tilespmem:s0+$0xEC10];
	(pc) =	sbr.rel @p1 .LBB2_46-.Ltmp32, $4  }
0x41b: {  	v8 =	vadd.f32 v26, v8;
	v26 =	vld [tilespmem:s0+$0xEC20]  }
0x41c: {  	v17 =	vadd.f32 v27, v17;
	v27 =	vld [tilespmem:s0+$0xEC30]  }
0x41d: {  	s5 =	sadd.s32 $0x80, s5;
	s4 =	sadd.s32 $0x100, s4;
	v18 =	vadd.f32 v28, v18;
	v28 =	vld [tilespmem:s0+$0xEC40]  }
0x41e: {  	s6 =	sadd.s32 $0xFFFFFFFF, s6;
	s7 =	sand.u32 $0xFFFFF800, s4;
	s8 =	sand.u32 $0x380, s5;
	v9 =	vadd.f32 v29, v9;
	v29 =	vld [tilespmem:s0+$0xEC50]  }
.Ltmp33:
0x41f: {  	_ = 	snop;
	(pc) =	sbr.rel .LBB2_47-.Ltmp33, $1  }
0x420: {  	_ =	sdelay $0x3  }
.LBB2_8:
.Ltmp34:
0x421: {  	(pc) =	sbr.rel .LBB2_12-.Ltmp34, $3  }
0x422: {  	_ =	sdelay $0x1  }
0x423: {  	v19 =	vmov v10  }
0x424: {  	v20 =	vmovc v12;
	v21 =	vmovc v14;
	v22 =	vmov v13;
	v23 =	vmov v16;
	v24 =	vmov v15  }
.LBB2_19:
.Ltmp35:
0x425: {  	(pc) =	sbr.rel .LBB2_23-.Ltmp35, $3  }
0x426: {  	_ =	sdelay $0x1  }
0x427: {  	v19 =	vmov v12  }
0x428: {  	v20 =	vmovc v11;
	v21 =	vmovc v14;
	v22 =	vmov v13;
	v23 =	vmov v16;
	v24 =	vmov v15  }
.LBB2_32:
.Ltmp36:
0x429: {  	(pc) =	sbr.rel .LBB2_36-.Ltmp36, $3  }
0x42a: {  	_ =	sdelay $0x1  }
0x42b: {  	v19 =	vmov v10  }
0x42c: {  	v20 =	vmovc v12;
	v21 =	vmovc v14;
	v22 =	vmov v13;
	v23 =	vmov v16;
	v24 =	vmov v15  }
.LBB2_10:
.Ltmp37:
0x42d: {  	(pc) =	sbr.rel .LBB2_12-.Ltmp37, $3  }
0x42e: {  	_ =	sdelay $0x1  }
0x42f: {  	v19 =	vmov v10  }
0x430: {  	v20 =	vmovc v12;
	v21 =	vmovc v14;
	v22 =	vmov v13;
	v23 =	vmov v16;
	v24 =	vmov v15  }
.LBB2_21:
.Ltmp38:
0x431: {  	(pc) =	sbr.rel .LBB2_23-.Ltmp38, $3  }
0x432: {  	_ =	sdelay $0x1  }
0x433: {  	v19 =	vmov v12  }
0x434: {  	v20 =	vmovc v11;
	v21 =	vmovc v14;
	v22 =	vmov v13;
	v23 =	vmov v16;
	v24 =	vmov v15  }
.LBB2_34:
.Ltmp39:
0x435: {  	(pc) =	sbr.rel .LBB2_36-.Ltmp39, $3  }
0x436: {  	_ =	sdelay $0x1  }
0x437: {  	v19 =	vmov v10  }
0x438: {  	v20 =	vmovc v12;
	v21 =	vmovc v14;
	v22 =	vmov v13;
	v23 =	vmov v16;
	v24 =	vmov v15  }
.LBB2_45:
.Ltmp40:
0x439: {  	(pc) =	sbr.rel .LBB2_47-.Ltmp40, $3  }
0x43a: {  	_ =	sdelay $0x1  }
0x43b: {  	v19 =	vmov v12  }
0x43c: {  	v20 =	vmovc v11;
	v21 =	vmovc v15;
	v22 =	vmov v13;
	v23 =	vmov v16;
	v24 =	vmov v14  }
.LBB2_50:
0x43d: {  	_ =	sfence.sel $0x180000  }
0x43e: {  	[bflag:$0x0] =	sbarrier.arrive $0xFFFF  }
0x43f: {  	_ =	strace $0x90000047  }
0x440: {  	s0 =	stileid.u32;
	[bflag:$0x2] =	sbarrier.arrive $0xFFFF  }
0x441: {  	p0 =	sne.s32 s0, $0x0;
	s0 =	rddreg [dreg:$0x3]  }
0x442: {  	s0 =	sadd.s32 @!p0 $0x100000, s0  }
0x443: {  	[sflag:s0] =	ssyncadd.tile.s32 @!p0 $0x1;
	_ =	shalt  }
.Lfunc_end2:
_tile_overlayer_lowered:
.L_overlay_start_2:
0x444: {  	(tag) =	ssettag $0x2  }
0x445: {  	s0 =	rddreg [dreg:$0x0];
	s2 =	stileid.u32  }
0x446: {  	s1 =	rddreg [dreg:$0x1];
	p0 =	sne.s32 s2, $0x0  }
0x447: {  	s3 =	rddreg [dreg:$0x2];
	[bflag:$0x3] =	sbarrier.arrive $0xFFFF;
	s2 =	simm.s32 @!p0 $0x1C03  }
0x448: {  	[timem:s3], [sflag:s2] =	dma.local @!p0 [hbm:s0], s1  }
0x449: {  	s0 =	simm.s32 @!p0 $0x3  }
0x44a: {  	_ =	swait.ge @!p0 [sflag:s0], s1  }
0x44b: {  	s1 =	ssub.s32 @!p0 $0x0, s1;
	[sflag:s0] =	ssyncset.done @!p0 $0x0  }
0x44c: {  	[sflag:s0] =	ssyncadd.s32 @!p0 s1  }
0x44d: {  	[bflag:$0x3] =	sbarrier.arrive $0xFFFF  }
0x44e: {  	_ =	shalt  }

</sc_bundles>
